<compile_context>
chip_gen: v7x
topology: tpu7x:2x2x1
jax: 0.10.2.dev20260603
libtpu: 0.0.44.dev20260713+nightly
codegen_flags: <defaults>
</compile_context>

<pallas_src>
import functools

import jax
import jax.numpy as jnp
from jax import lax
from jax.experimental import pallas as pl
from jax.experimental.pallas import tpu as pltpu
from jax.experimental.pallas import tpu_sc as plsc

N = 10000
E = 320000
D = 128
H = 64
S = 32
G = 16

NC = 2
NS = 16
NW = NC * NS
EPW = E // NW
BK = 80
NCK = EPW // BK
ROWS = E // BK

_f32 = jnp.float32
_bf16 = jnp.bfloat16
_i32 = jnp.int32


def _sc_mesh():
    return plsc.VectorSubcoreMesh(
        core_axis_name="c", subcore_axis_name="s",
        num_cores=NC, num_subcores=NS)


NB = 5
NRND = NCK // NB


def _edge_gather_body(tab_a, tab_b, dst2, src2, ga, gb,
                      idxd, idxs, ra, rb, *sems):
    semg_a = sems[0:NB]
    semg_b = sems[NB:2 * NB]
    semw_a = sems[2 * NB:3 * NB]
    semw_b = sems[3 * NB:4 * NB]
    w = lax.axis_index("s") * NC + lax.axis_index("c")

    def out_slice(ref, base_row, b):
        return ref.at[pl.ds((base_row + b) * BK, BK)]

    def rnd(o, carry):
        base_row = w * NCK + o * NB
        pltpu.sync_copy(dst2.at[pl.ds(base_row, NB)], idxd)
        pltpu.sync_copy(src2.at[pl.ds(base_row, NB)], idxs)
        descs = []
        for b in range(NB):
            @pl.when(o > 0)
            def _drain():
                pltpu.make_async_copy(
                    ra.at[b], out_slice(ga, base_row, b), semw_a[b]).wait()
                pltpu.make_async_copy(
                    rb.at[b], out_slice(gb, base_row, b), semw_b[b]).wait()
            da = pltpu.async_copy(tab_a.at[idxd.at[b]], ra.at[b], semg_a[b])
            db = pltpu.async_copy(tab_b.at[idxs.at[b]], rb.at[b], semg_b[b])
            descs.append((da, db))
        for b in range(NB):
            da, db = descs[b]
            da.wait()
            db.wait()
            pltpu.async_copy(ra.at[b], out_slice(ga, base_row, b), semw_a[b])
            pltpu.async_copy(rb.at[b], out_slice(gb, base_row, b), semw_b[b])
        return carry

    lax.fori_loop(0, NRND, rnd, 0)
    last_row = w * NCK + (NRND - 1) * NB
    for b in range(NB):
        pltpu.make_async_copy(
            ra.at[b], out_slice(ga, last_row, b), semw_a[b]).wait()
        pltpu.make_async_copy(
            rb.at[b], out_slice(gb, last_row, b), semw_b[b]).wait()


def _edge_gather(tab_a, tab_b, dst2, src2):
    k = pl.kernel(
        _edge_gather_body,
        out_type=[jax.ShapeDtypeStruct((E, H), _f32),
                  jax.ShapeDtypeStruct((E, H), _f32)],
        mesh=_sc_mesh(),
        scratch_types=[
            pltpu.VMEM((NB, BK), _i32), pltpu.VMEM((NB, BK), _i32),
            pltpu.VMEM((NB, BK, H), _f32), pltpu.VMEM((NB, BK, H), _f32),
        ] + [pltpu.SemaphoreType.DMA] * (4 * NB),
        compiler_params=pltpu.CompilerParams(use_tc_tiling_on_sc=False),
    )
    return k(tab_a, tab_b, dst2, src2)


def _edge_scatter_body(v, dst2, zrows, out, acc, idx, vbuf, *sems):
    semv = sems[0:NB]
    sems_sc = sems[NB:2 * NB]
    cid = lax.axis_index("c")
    sid = lax.axis_index("s")
    w = sid * NC + cid
    rpt = N // NS

    pltpu.sync_copy(zrows.at[pl.ds(sid * rpt, rpt)],
                    acc.at[pl.ds(sid * rpt, rpt)])
    plsc.subcore_barrier()

    def rnd(o, carry):
        base_row = w * NCK + o * NB
        for b in range(NB):
            @pl.when(o > 0)
            def _drain():
                pltpu.make_async_copy(
                    vbuf.at[b], acc.at[idx.at[b]], sems_sc[b]).wait()
        pltpu.sync_copy(dst2.at[pl.ds(base_row, NB)], idx)
        descs = []
        for b in range(NB):
            descs.append(pltpu.async_copy(
                v.at[pl.ds((base_row + b) * BK, BK)], vbuf.at[b], semv[b]))
        for b in range(NB):
            descs[b].wait()
            pltpu.async_copy(vbuf.at[b], acc.at[idx.at[b]], sems_sc[b],
                             add=True)
        return carry

    lax.fori_loop(0, NRND, rnd, 0)
    for b in range(NB):
        pltpu.make_async_copy(
            vbuf.at[b], acc.at[idx.at[b]], sems_sc[b]).wait()
    plsc.subcore_barrier()
    pltpu.sync_copy(acc.at[pl.ds(sid * rpt, rpt)],
                    out.at[cid, pl.ds(sid * rpt, rpt)])


def _edge_scatter(v, dst2, zrows):
    k = pl.kernel(
        _edge_scatter_body,
        out_type=jax.ShapeDtypeStruct((NC, N, H), _f32),
        mesh=_sc_mesh(),
        scratch_types=[
            pltpu.VMEM_SHARED((N, H), _f32),
            pltpu.VMEM((NB, BK), _i32),
            pltpu.VMEM((NB, BK, H), _f32),
        ] + [pltpu.SemaphoreType.DMA] * (2 * NB),
        compiler_params=pltpu.CompilerParams(use_tc_tiling_on_sc=False),
    )
    return k(v, dst2, zrows)




def _bdiag(w):
    a, b = w.shape
    z = jnp.zeros((2 * a, 2 * b), w.dtype)
    return z.at[:a, :b].set(w).at[a:, b:].set(w)


def _mm_ab(xh, wt, wb, bias):
    din = xh.shape[1]
    xp = xh.reshape(N // 2, 2 * din)
    wtd = _bdiag(wt)
    wbd = _bdiag(wb)
    bd = jnp.concatenate([bias, bias]).reshape(1, 2 * H)
    r = 1000

    def body(x_ref, wt_ref, wb_ref, b_ref, a_ref, b2_ref):
        xv = x_ref[...]
        a_ref[...] = jnp.dot(xv, wt_ref[...],
                             preferred_element_type=_f32) + b_ref[...]
        b2_ref[...] = jnp.dot(xv, wb_ref[...], preferred_element_type=_f32)

    ap, bp = pl.pallas_call(
        body,
        grid=(N // 2 // r,),
        in_specs=[pl.BlockSpec((r, 2 * din), lambda i: (i, 0)),
                  pl.BlockSpec((2 * din, 2 * H), lambda i: (0, 0)),
                  pl.BlockSpec((2 * din, 2 * H), lambda i: (0, 0)),
                  pl.BlockSpec((1, 2 * H), lambda i: (0, 0))],
        out_specs=[pl.BlockSpec((r, 2 * H), lambda i: (i, 0)),
                   pl.BlockSpec((r, 2 * H), lambda i: (i, 0))],
        out_shape=[jax.ShapeDtypeStruct((N // 2, 2 * H), _f32),
                   jax.ShapeDtypeStruct((N // 2, 2 * H), _f32)],
    )(xp, wtd, wbd, bd)
    return ap.reshape(N, H), bp.reshape(N, H)


def _edge_mlp(ga, gb, w2, b2):
    gap = ga.reshape(E // 2, 2 * H)
    gbp = gb.reshape(E // 2, 2 * H)
    w2d = _bdiag(w2).astype(_bf16)
    b2d = jnp.concatenate([b2, b2]).reshape(1, 2 * H)
    r = 4000

    def body(a_ref, b_ref, w_ref, bias_ref, o_ref):
        m = jnp.maximum(a_ref[...] + b_ref[...], 0.0)
        o_ref[...] = jnp.maximum(
            jnp.dot(m.astype(_bf16), w_ref[...],
                    preferred_element_type=_f32) + bias_ref[...], 0.0)

    vp = pl.pallas_call(
        body,
        grid=(E // 2 // r,),
        in_specs=[pl.BlockSpec((r, 2 * H), lambda i: (i, 0)),
                  pl.BlockSpec((r, 2 * H), lambda i: (i, 0)),
                  pl.BlockSpec((2 * H, 2 * H), lambda i: (0, 0)),
                  pl.BlockSpec((1, 2 * H), lambda i: (0, 0))],
        out_specs=pl.BlockSpec((r, 2 * H), lambda i: (i, 0)),
        out_shape=jax.ShapeDtypeStruct((E // 2, 2 * H), _f32),
    )(gap, gbp, w2d, b2d)
    return vp.reshape(E, H)


def _node_update(parts, w3, g, b):
    r = 2000

    def body(p_ref, w_ref, g_ref, b_ref, o_ref):
        t = p_ref[0] + p_ref[1]
        t = jnp.dot(t, w_ref[...], preferred_element_type=_f32)
        t = jnp.maximum(t, 0.0)
        mu = jnp.mean(t, axis=-1, keepdims=True)
        var = jnp.mean((t - mu) ** 2, axis=-1, keepdims=True)
        o_ref[...] = (t - mu) / jnp.sqrt(var + 1e-5) * g_ref[...] + b_ref[...]

    return pl.pallas_call(
        body,
        grid=(N // r,),
        in_specs=[pl.BlockSpec((NC, r, H), lambda i: (0, i, 0)),
                  pl.BlockSpec((H, H), lambda i: (0, 0)),
                  pl.BlockSpec((1, H), lambda i: (0, 0)),
                  pl.BlockSpec((1, H), lambda i: (0, 0))],
        out_specs=pl.BlockSpec((r, H), lambda i: (i, 0)),
        out_shape=jax.ShapeDtypeStruct((N, H), _f32),
    )(parts, w3, g.reshape(1, H), b.reshape(1, H))


def _assign_pool(h, gum, batch2, as_w1, as_b1, as_w2, as_b2,
                 out_w1, out_b1, out_w2, out_b2):
    r = 1000
    nsteps = N // r

    def body(h_ref, gum_ref, batch_ref, aw1, ab1, aw2, ab2,
             ow1, ob1, ow2, ob2, s_ref, lat_ref, loss_ref,
             pooled, misc):
        i = pl.program_id(0)

        @pl.when(i == 0)
        def _init():
            pooled[...] = jnp.zeros((G * S, H), _f32)
            misc[...] = jnp.zeros((8, 128), _f32)

        hb = h_ref[...]
        q = jnp.maximum(jnp.dot(hb, aw1[...],
                                preferred_element_type=_f32) + ab1[...], 0.0)
        logits = jnp.dot(q, aw2[...], preferred_element_type=_f32) + ab2[...]
        z = logits + gum_ref[...]
        z = z - jnp.max(z, axis=-1, keepdims=True)
        ez = jnp.exp(z)
        s = ez / jnp.sum(ez, axis=-1, keepdims=True)
        s_ref[...] = s

        misc[0:1, 0:S] = misc[0:1, 0:S] + jnp.sum(s, axis=0, keepdims=True)
        ent = jnp.sum(s * jnp.log(s + 1e-9)).reshape(1, 1)
        misc[1:2, 0:1] = misc[1:2, 0:1] + ent

        bb = batch_ref[...]
        col_g = lax.broadcasted_iota(_i32, (1, G * S), 1) // S
        sg = jnp.concatenate([s] * G, axis=1) * (bb == col_g).astype(_f32)
        pg = lax.dot_general(sg, hb, (((0,), (0,)), ((), ())),
                             preferred_element_type=_f32)
        pooled[...] = pooled[...] + pg

        @pl.when(i == nsteps - 1)
        def _fin():
            avg = misc[0:1, 0:S] / float(N)
            div = jnp.sum(avg * jnp.log(avg + 1e-9)).reshape(1, 1)
            loss_ref[...] = -(misc[1:2, 0:1]) / float(N) + div
            p = pooled[...]
            t = jnp.maximum(jnp.dot(p, ow1[...],
                                    preferred_element_type=_f32) + ob1[...],
                            0.0)
            lat_ref[...] = jnp.dot(t, ow2[...],
                                   preferred_element_type=_f32) + ob2[...]

    return pl.pallas_call(
        body,
        grid=(nsteps,),
        in_specs=[pl.BlockSpec((r, H), lambda i: (i, 0)),
                  pl.BlockSpec((r, S), lambda i: (i, 0)),
                  pl.BlockSpec((r, 1), lambda i: (i, 0)),
                  pl.BlockSpec((H, H), lambda i: (0, 0)),
                  pl.BlockSpec((1, H), lambda i: (0, 0)),
                  pl.BlockSpec((H, S), lambda i: (0, 0)),
                  pl.BlockSpec((1, S), lambda i: (0, 0)),
                  pl.BlockSpec((H, H), lambda i: (0, 0)),
                  pl.BlockSpec((1, H), lambda i: (0, 0)),
                  pl.BlockSpec((H, H), lambda i: (0, 0)),
                  pl.BlockSpec((1, H), lambda i: (0, 0))],
        out_specs=[pl.BlockSpec((r, S), lambda i: (i, 0)),
                   pl.BlockSpec((G * S, H), lambda i: (0, 0)),
                   pl.BlockSpec((1, 1), lambda i: (0, 0))],
        out_shape=[jax.ShapeDtypeStruct((N, S), _f32),
                   jax.ShapeDtypeStruct((G * S, H), _f32),
                   jax.ShapeDtypeStruct((1, 1), _f32)],
        scratch_shapes=[pltpu.VMEM((G * S, H), _f32),
                        pltpu.VMEM((8, 128), _f32)],
    )(h, gum, batch2, as_w1, as_b1.reshape(1, H), as_w2,
      as_b2.reshape(1, S), out_w1, out_b1.reshape(1, H), out_w2,
      out_b2.reshape(1, H))


_GUM_CACHE = []


def _gumbel_const():
    if not _GUM_CACHE:
        u = jax.random.uniform(jax.random.key(42), (N, S), _f32,
                               1e-6, 1.0 - 1e-6)
        _GUM_CACHE.append(-jnp.log(-jnp.log(u)))
    return _GUM_CACHE[0]


def kernel(x, edge_index, batch, g1_W1, g1_b1, g1_W2, g1_b2, g1_W3, g1_b3,
           ln1_g, ln1_b, g2_W1, g2_b1, g2_W2, g2_b2, g2_W3, g2_b3,
           ln2_g, ln2_b, as_W1, as_b1, as_W2, as_b2,
           out_W1, out_b1, out_W2, out_b2):
    dst2 = edge_index[1].reshape(ROWS, BK)
    src2 = edge_index[0].reshape(ROWS, BK)
    zrows = jnp.zeros((N, H), _f32)

    a1, b1 = _mm_ab(x, g1_W1[:D], g1_W1[D:], g1_b1)
    ga, gb = _edge_gather(a1, b1, dst2, src2)
    v = _edge_mlp(ga, gb, g1_W2, g1_b2)
    parts = _edge_scatter(v, dst2, zrows)
    h1 = _node_update(parts, g1_W3, ln1_g, ln1_b)

    a2, b2 = _mm_ab(h1, g2_W1[:H], g2_W1[H:], g2_b1)
    ga2, gb2 = _edge_gather(a2, b2, dst2, src2)
    v2 = _edge_mlp(ga2, gb2, g2_W2, g2_b2)
    parts2 = _edge_scatter(v2, dst2, zrows)
    h2 = _node_update(parts2, g2_W3, ln2_g, ln2_b)

    gum = _gumbel_const()

    s, plat, loss = _assign_pool(h2, gum, batch.reshape(N, 1),
                                 as_W1, as_b1, as_W2, as_b2,
                                 out_W1, out_b1, out_W2, out_b2)
    return plat.reshape(G, S, H), s, loss[0, 0]

# --- scband reference (transcript-rebuilt; emitter-appended) ---
"""Pipeline reference for scband-gnnencoder-68650757259334 (READ-ONLY COPY).

The authoritative reference and input builder live on the scoring server;
editing this copy changes nothing except your own understanding.
"""

import jax, jax.numpy as jnp
import numpy as np

N = 10000
E = 320000
D = 128
H = 64
L = 64
S = 32
G = 16

def layer_norm(x, g, b):
    m = jnp.mean(x, axis=-1, keepdims=True)
    v = jnp.var(x, axis=-1, keepdims=True)
    return (x - m) / jnp.sqrt(v + 1e-5) * g + b

def gnn_layer(x, edge_index, W1, b1, W2, b2, W3, b3):
    dst = edge_index[1]
    src = edge_index[0]
    tmp = jnp.concatenate([x[dst], x[src]], axis=1)
    h = jax.nn.relu(tmp @ W1 + b1)
    h = jax.nn.relu(h @ W2 + b2)
    h = h @ W3 + b3
    return jax.ops.segment_sum(h, dst, num_segments=N)

def setup_inputs(seed: int = 0):
    key = jax.random.key(seed)
    ks = jax.random.split(key, 16)
    def w(i, shape):
        return jax.random.normal(ks[i], shape, jnp.float32) * 0.05
    inp = {}
    inp['x'] = jax.random.normal(ks[0], (N, D), jnp.float32)
    inp['edge_index'] = jax.random.randint(ks[1], (2, E), 0, N)
    inp['batch'] = jnp.sort(jax.random.randint(ks[2], (N,), 0, G))
    inp['g1_W1'] = w(3, (2 * D, H)); inp['g1_b1'] = jnp.zeros((H,), jnp.float32)
    inp['g1_W2'] = w(4, (H, H)); inp['g1_b2'] = jnp.zeros((H,), jnp.float32)
    inp['g1_W3'] = w(5, (H, H)); inp['g1_b3'] = jnp.zeros((H,), jnp.float32)
    inp['ln1_g'] = jnp.ones((H,), jnp.float32); inp['ln1_b'] = jnp.zeros((H,), jnp.float32)
    inp['g2_W1'] = w(6, (2 * H, H)); inp['g2_b1'] = jnp.zeros((H,), jnp.float32)
    inp['g2_W2'] = w(7, (H, H)); inp['g2_b2'] = jnp.zeros((H,), jnp.float32)
    inp['g2_W3'] = w(8, (H, H)); inp['g2_b3'] = jnp.zeros((H,), jnp.float32)
    inp['ln2_g'] = jnp.ones((H,), jnp.float32); inp['ln2_b'] = jnp.zeros((H,), jnp.float32)
    inp['as_W1'] = w(9, (H, H)); inp['as_b1'] = jnp.zeros((H,), jnp.float32)
    inp['as_W2'] = w(10, (H, S)); inp['as_b2'] = jnp.zeros((S,), jnp.float32)
    inp['out_W1'] = w(11, (H, H)); inp['out_b1'] = jnp.zeros((H,), jnp.float32)
    inp['out_W2'] = w(12, (H, L)); inp['out_b2'] = jnp.zeros((L,), jnp.float32)
    return inp

def reference(x, edge_index, batch, g1_W1, g1_b1, g1_W2, g1_b2, g1_W3, g1_b3, ln1_g, ln1_b, g2_W1, g2_b1, g2_W2, g2_b2, g2_W3, g2_b3, ln2_g, ln2_b, as_W1, as_b1, as_W2, as_b2, out_W1, out_b1, out_W2, out_b2):
    h = layer_norm(jax.nn.relu(gnn_layer(x, edge_index, g1_W1, g1_b1, g1_W2, g1_b2, g1_W3, g1_b3)), ln1_g, ln1_b)
    h = layer_norm(jax.nn.relu(gnn_layer(h, edge_index, g2_W1, g2_b1, g2_W2, g2_b2, g2_W3, g2_b3)), ln2_g, ln2_b)
    logits = jax.nn.relu(h @ as_W1 + as_b1) @ as_W2 + as_b2
    u = jax.random.uniform(jax.random.key(42), logits.shape, jnp.float32, 1e-6, 1.0 - 1e-6)
    gum = -jnp.log(-jnp.log(u))
    s = jax.nn.softmax((logits + gum) / 1.0, axis=-1)
    entropy = -jnp.mean(jnp.sum(s * jnp.log(s + 1e-9), axis=1))
    avg_s = jnp.mean(s, axis=0)
    diversity = jnp.sum(avg_s * jnp.log(avg_s + 1e-9))
    assign_loss = entropy + diversity
    xe = h[:, None, :] * s[:, :, None]
    pooled = jax.ops.segment_sum(xe, batch, num_segments=G)
    latent = jax.nn.relu(pooled @ out_W1 + out_b1) @ out_W2 + out_b2
    return (latent, s, assign_loss)

if __name__ == "__main__":
    import jax
    _d = setup_inputs()
    print(jax.jit(kernel)(*tuple(_d.values())))

</pallas_src>

<mosaic_0001>
#map = affine_map<(d0, d1) -> (0, 0)>
module attributes {stable_mosaic.version = 14 : i64} {
  func.func @_edge_gather_body(%arg0: i32, %arg1: i32, %arg2: memref<10000x64xf32, #tpu.memory_space<hbm>>, %arg3: memref<10000x64xf32, #tpu.memory_space<hbm>>, %arg4: memref<4000x80xi32, #tpu.memory_space<hbm>>, %arg5: memref<4000x80xi32, #tpu.memory_space<hbm>>, %arg6: memref<320000x64xf32, #tpu.memory_space<hbm>>, %arg7: memref<320000x64xf32, #tpu.memory_space<hbm>>, %arg8: memref<5x80xi32, #tpu.memory_space<vmem>>, %arg9: memref<5x80xi32, #tpu.memory_space<vmem>>, %arg10: memref<5x80x64xf32, #tpu.memory_space<vmem>>, %arg11: memref<5x80x64xf32, #tpu.memory_space<vmem>>, %arg12: memref<!tpu.dma_semaphore, #tpu.memory_space<semaphore_mem>>, %arg13: memref<!tpu.dma_semaphore, #tpu.memory_space<semaphore_mem>>, %arg14: memref<!tpu.dma_semaphore, #tpu.memory_space<semaphore_mem>>, %arg15: memref<!tpu.dma_semaphore, #tpu.memory_space<semaphore_mem>>, %arg16: memref<!tpu.dma_semaphore, #tpu.memory_space<semaphore_mem>>, %arg17: memref<!tpu.dma_semaphore, #tpu.memory_space<semaphore_mem>>, %arg18: memref<!tpu.dma_semaphore, #tpu.memory_space<semaphore_mem>>, %arg19: memref<!tpu.dma_semaphore, #tpu.memory_space<semaphore_mem>>, %arg20: memref<!tpu.dma_semaphore, #tpu.memory_space<semaphore_mem>>, %arg21: memref<!tpu.dma_semaphore, #tpu.memory_space<semaphore_mem>>, %arg22: memref<!tpu.dma_semaphore, #tpu.memory_space<semaphore_mem>>, %arg23: memref<!tpu.dma_semaphore, #tpu.memory_space<semaphore_mem>>, %arg24: memref<!tpu.dma_semaphore, #tpu.memory_space<semaphore_mem>>, %arg25: memref<!tpu.dma_semaphore, #tpu.memory_space<semaphore_mem>>, %arg26: memref<!tpu.dma_semaphore, #tpu.memory_space<semaphore_mem>>, %arg27: memref<!tpu.dma_semaphore, #tpu.memory_space<semaphore_mem>>, %arg28: memref<!tpu.dma_semaphore, #tpu.memory_space<semaphore_mem>>, %arg29: memref<!tpu.dma_semaphore, #tpu.memory_space<semaphore_mem>>, %arg30: memref<!tpu.dma_semaphore, #tpu.memory_space<semaphore_mem>>, %arg31: memref<!tpu.dma_semaphore, #tpu.memory_space<semaphore_mem>>) attributes {dimension_semantics = [#tpu.dimension_semantics<core_parallel>, #tpu.dimension_semantics<subcore_parallel>], iteration_bounds = array<i64: 2, 16>, scalar_prefetch = 0 : i64, scratch_operands = 24 : i64, tpu.core_type = #tpu.core_type<sc_vector_subcore>, window_params = [{transform_indices = #map}, {transform_indices = #map}, {transform_indices = #map}, {transform_indices = #map}, {transform_indices = #map}, {transform_indices = #map}]} {
    %mul3A = arith.constant 2 : i32
    %mul3A_0 = arith.muli %arg1, %mul3A : i32
    %add3A = arith.addi %mul3A_0, %arg0 : i32
    %scan3A = arith.constant 0 : i32
    %scan3A_1 = arith.constant 0 : i32
    %scan3A_2 = arith.constant 25 : i32
    %scan3A_3 = arith.addi %scan3A_1, %scan3A_2 : i32
    %scan3A_4 = arith.constant 1 : i32
    scf.for %scan3A_179 = %scan3A_1 to %scan3A_3 step %scan3A_4  : i32 {
      %mul3A_180 = arith.constant 125 : i32
      %mul3A_181 = arith.muli %add3A, %mul3A_180 : i32
      %mul3A_182 = arith.constant 5 : i32
      %mul3A_183 = arith.muli %scan3A_179, %mul3A_182 : i32
      %add3A_184 = arith.addi %mul3A_181, %mul3A_183 : i32
      "tpu.region"() ({
        %run_scoped3A = tpu.sem_alloc : memref<!tpu.dma_semaphore, #tpu.memory_space<semaphore_mem>>
        %dma_start3A_616 = arith.constant 0 : i32
        %dma_start3A_617 = tpu.memref_slice %arg4[%add3A_184, %dma_start3A_616] : memref<4000x80xi32, #tpu.memory_space<hbm>> -> memref<5x80xi32, #tpu.memory_space<hbm>>
        %dma_start3A_618 = arith.constant 0 : i32
        %dma_start3A_619 = tpu.memref_slice %arg4[%add3A_184, %dma_start3A_618] : memref<4000x80xi32, #tpu.memory_space<hbm>> -> memref<5x80xi32, #tpu.memory_space<hbm>>
        tpu.enqueue_dma source(%dma_start3A_619 : memref<5x80xi32, #tpu.memory_space<hbm>>) target(%arg8 : memref<5x80xi32, #tpu.memory_space<vmem>>) target_semaphore(%run_scoped3A : memref<!tpu.dma_semaphore, #tpu.memory_space<semaphore_mem>>)
        %dma_wait3A_620 = arith.constant 0 : i32
        %dma_wait3A_621 = tpu.memref_slice %arg4[%add3A_184, %dma_wait3A_620] : memref<4000x80xi32, #tpu.memory_space<hbm>> -> memref<5x80xi32, #tpu.memory_space<hbm>>
        %dma_wait3A_622 = arith.constant 0 : i32
        %dma_wait3A_623 = tpu.memref_slice %arg4[%add3A_184, %dma_wait3A_622] : memref<4000x80xi32, #tpu.memory_space<hbm>> -> memref<5x80xi32, #tpu.memory_space<hbm>>
        tpu.wait_dma2 semaphore(%run_scoped3A : memref<!tpu.dma_semaphore, #tpu.memory_space<semaphore_mem>>) src(%dma_wait3A_623 : memref<5x80xi32, #tpu.memory_space<hbm>>) dst(%arg8 : memref<5x80xi32, #tpu.memory_space<vmem>>)
        tpu.yield
      }) : () -> ()
      "tpu.region"() ({
        %run_scoped3A = tpu.sem_alloc : memref<!tpu.dma_semaphore, #tpu.memory_space<semaphore_mem>>
        %dma_start3A_616 = arith.constant 0 : i32
        %dma_start3A_617 = tpu.memref_slice %arg5[%add3A_184, %dma_start3A_616] : memref<4000x80xi32, #tpu.memory_space<hbm>> -> memref<5x80xi32, #tpu.memory_space<hbm>>
        %dma_start3A_618 = arith.constant 0 : i32
        %dma_start3A_619 = tpu.memref_slice %arg5[%add3A_184, %dma_start3A_618] : memref<4000x80xi32, #tpu.memory_space<hbm>> -> memref<5x80xi32, #tpu.memory_space<hbm>>
        tpu.enqueue_dma source(%dma_start3A_619 : memref<5x80xi32, #tpu.memory_space<hbm>>) target(%arg9 : memref<5x80xi32, #tpu.memory_space<vmem>>) target_semaphore(%run_scoped3A : memref<!tpu.dma_semaphore, #tpu.memory_space<semaphore_mem>>)
        %dma_wait3A_620 = arith.constant 0 : i32
        %dma_wait3A_621 = tpu.memref_slice %arg5[%add3A_184, %dma_wait3A_620] : memref<4000x80xi32, #tpu.memory_space<hbm>> -> memref<5x80xi32, #tpu.memory_space<hbm>>
        %dma_wait3A_622 = arith.constant 0 : i32
        %dma_wait3A_623 = tpu.memref_slice %arg5[%add3A_184, %dma_wait3A_622] : memref<4000x80xi32, #tpu.memory_space<hbm>> -> memref<5x80xi32, #tpu.memory_space<hbm>>
        tpu.wait_dma2 semaphore(%run_scoped3A : memref<!tpu.dma_semaphore, #tpu.memory_space<semaphore_mem>>) src(%dma_wait3A_623 : memref<5x80xi32, #tpu.memory_space<hbm>>) dst(%arg9 : memref<5x80xi32, #tpu.memory_space<vmem>>)
        tpu.yield
      }) : () -> ()
      %gt3A = arith.constant 0 : i32
      %gt3A_185 = arith.cmpi sgt, %scan3A_179, %gt3A : i32
      %convert_element_type3A = arith.extui %gt3A_185 : i1 to i32
      %cond3A = arith.constant 0 : i32
      %cond3A_186 = arith.cmpi ne, %convert_element_type3A, %cond3A : i32
      scf.if %cond3A_186 {
        %add3A_616 = arith.constant 0 : i32
        %add3A_617 = arith.addi %add3A_184, %add3A_616 : i32
        %mul3A_618 = arith.constant 80 : i32
        %mul3A_619 = arith.muli %add3A_617, %mul3A_618 : i32
        %dma_wait3A_620 = arith.constant 0 : i32
        %dma_wait3A_621 = arith.constant 0 : i32
        %dma_wait3A_622 = arith.constant 0 : i32
        %dma_wait3A_623 = tpu.memref_slice %arg10[%dma_wait3A_620, %dma_wait3A_621, %dma_wait3A_622] : memref<5x80x64xf32, #tpu.memory_space<vmem>> -> memref<1x80x64xf32, #tpu.memory_space<vmem>>
        %dma_wait3A_624 = tpu.memref_squeeze %dma_wait3A_623 : memref<1x80x64xf32, #tpu.memory_space<vmem>> -> memref<80x64xf32, #tpu.memory_space<vmem>>
        %dma_wait3A_625 = arith.constant 0 : i32
        %dma_wait3A_626 = tpu.memref_slice %arg6[%mul3A_619, %dma_wait3A_625] : memref<320000x64xf32, #tpu.memory_space<hbm>> -> memref<80x64xf32, #tpu.memory_space<hbm>>
        %dma_wait3A_627 = arith.constant 0 : i32
        %dma_wait3A_628 = tpu.memref_slice %arg6[%mul3A_619, %dma_wait3A_627] : memref<320000x64xf32, #tpu.memory_space<hbm>> -> memref<80x64xf32, #tpu.memory_space<hbm>>
        %dma_wait3A_629 = arith.constant 0 : i32
        %dma_wait3A_630 = arith.constant 0 : i32
        %dma_wait3A_631 = tpu.memref_slice %arg10[%dma_wait3A_620, %dma_wait3A_629, %dma_wait3A_630] : memref<5x80x64xf32, #tpu.memory_space<vmem>> -> memref<1x80x64xf32, #tpu.memory_space<vmem>>
        %dma_wait3A_632 = tpu.memref_squeeze %dma_wait3A_631 : memref<1x80x64xf32, #tpu.memory_space<vmem>> -> memref<80x64xf32, #tpu.memory_space<vmem>>
        tpu.wait_dma2 semaphore(%arg22 : memref<!tpu.dma_semaphore, #tpu.memory_space<semaphore_mem>>) src(%dma_wait3A_632 : memref<80x64xf32, #tpu.memory_space<vmem>>) dst(%dma_wait3A_628 : memref<80x64xf32, #tpu.memory_space<hbm>>)
        %add3A_633 = arith.constant 0 : i32
        %add3A_634 = arith.addi %add3A_184, %add3A_633 : i32
        %mul3A_635 = arith.constant 80 : i32
        %mul3A_636 = arith.muli %add3A_634, %mul3A_635 : i32
        %dma_wait3A_637 = arith.constant 0 : i32
        %dma_wait3A_638 = arith.constant 0 : i32
        %dma_wait3A_639 = arith.constant 0 : i32
        %dma_wait3A_640 = tpu.memref_slice %arg11[%dma_wait3A_637, %dma_wait3A_638, %dma_wait3A_639] : memref<5x80x64xf32, #tpu.memory_space<vmem>> -> memref<1x80x64xf32, #tpu.memory_space<vmem>>
        %dma_wait3A_641 = tpu.memref_squeeze %dma_wait3A_640 : memref<1x80x64xf32, #tpu.memory_space<vmem>> -> memref<80x64xf32, #tpu.memory_space<vmem>>
        %dma_wait3A_642 = arith.constant 0 : i32
        %dma_wait3A_643 = tpu.memref_slice %arg7[%mul3A_636, %dma_wait3A_642] : memref<320000x64xf32, #tpu.memory_space<hbm>> -> memref<80x64xf32, #tpu.memory_space<hbm>>
        %dma_wait3A_644 = arith.constant 0 : i32
        %dma_wait3A_645 = tpu.memref_slice %arg7[%mul3A_636, %dma_wait3A_644] : memref<320000x64xf32, #tpu.memory_space<hbm>> -> memref<80x64xf32, #tpu.memory_space<hbm>>
        %dma_wait3A_646 = arith.constant 0 : i32
        %dma_wait3A_647 = arith.constant 0 : i32
        %dma_wait3A_648 = tpu.memref_slice %arg11[%dma_wait3A_637, %dma_wait3A_646, %dma_wait3A_647] : memref<5x80x64xf32, #tpu.memory_space<vmem>> -> memref<1x80x64xf32, #tpu.memory_space<vmem>>
        %dma_wait3A_649 = tpu.memref_squeeze %dma_wait3A_648 : memref<1x80x64xf32, #tpu.memory_space<vmem>> -> memref<80x64xf32, #tpu.memory_space<vmem>>
        tpu.wait_dma2 semaphore(%arg27 : memref<!tpu.dma_semaphore, #tpu.memory_space<semaphore_mem>>) src(%dma_wait3A_649 : memref<80x64xf32, #tpu.memory_space<vmem>>) dst(%dma_wait3A_645 : memref<80x64xf32, #tpu.memory_space<hbm>>)
      } else {
      }
      %dma_start3A = arith.constant 0 : i32
      %dma_start3A_187 = arith.constant 0 : i32
      %dma_start3A_188 = arith.constant 0 : i32
      %dma_start3A_189 = arith.constant 0 : i32
      %dma_start3A_190 = tpu.memref_slice %arg10[%dma_start3A_187, %dma_start3A_188, %dma_start3A_189] : memref<5x80x64xf32, #tpu.memory_space<vmem>> -> memref<1x80x64xf32, #tpu.memory_space<vmem>>
      %dma_start3A_191 = tpu.memref_squeeze %dma_start3A_190 : memref<1x80x64xf32, #tpu.memory_space<vmem>> -> memref<80x64xf32, #tpu.memory_space<vmem>>
      %dma_start3A_192 = arith.constant 0 : i32
      %dma_start3A_193 = tpu.memref_slice %arg8[%dma_start3A, %dma_start3A_192] : memref<5x80xi32, #tpu.memory_space<vmem>> -> memref<1x80xi32, #tpu.memory_space<vmem>>
      %dma_start3A_194 = tpu.memref_squeeze %dma_start3A_193 : memref<1x80xi32, #tpu.memory_space<vmem>> -> memref<80xi32, #tpu.memory_space<vmem>>
      %dma_start3A_195 = arith.constant 0 : i32
      %dma_start3A_196 = arith.constant 0 : i32
      %dma_start3A_197 = tpu.memref_slice %arg2[%dma_start3A_195, %dma_start3A_196] : memref<10000x64xf32, #tpu.memory_space<hbm>> -> memref<10000x64xf32, #tpu.memory_space<hbm>>
      tpu.enqueue_indirect_dma source(%dma_start3A_197 : memref<10000x64xf32, #tpu.memory_space<hbm>>) target(%dma_start3A_191 : memref<80x64xf32, #tpu.memory_space<vmem>>) offsets(%dma_start3A_194 : memref<80xi32, #tpu.memory_space<vmem>>) semaphore(%arg12 : memref<!tpu.dma_semaphore, #tpu.memory_space<semaphore_mem>>)
      %dma_start3A_198 = arith.constant 0 : i32
      %dma_start3A_199 = arith.constant 0 : i32
      %dma_start3A_200 = arith.constant 0 : i32
      %dma_start3A_201 = arith.constant 0 : i32
      %dma_start3A_202 = tpu.memref_slice %arg11[%dma_start3A_199, %dma_start3A_200, %dma_start3A_201] : memref<5x80x64xf32, #tpu.memory_space<vmem>> -> memref<1x80x64xf32, #tpu.memory_space<vmem>>
      %dma_start3A_203 = tpu.memref_squeeze %dma_start3A_202 : memref<1x80x64xf32, #tpu.memory_space<vmem>> -> memref<80x64xf32, #tpu.memory_space<vmem>>
      %dma_start3A_204 = arith.constant 0 : i32
      %dma_start3A_205 = tpu.memref_slice %arg9[%dma_start3A_198, %dma_start3A_204] : memref<5x80xi32, #tpu.memory_space<vmem>> -> memref<1x80xi32, #tpu.memory_space<vmem>>
      %dma_start3A_206 = tpu.memref_squeeze %dma_start3A_205 : memref<1x80xi32, #tpu.memory_space<vmem>> -> memref<80xi32, #tpu.memory_space<vmem>>
      %dma_start3A_207 = arith.constant 0 : i32
      %dma_start3A_208 = arith.constant 0 : i32
      %dma_start3A_209 = tpu.memref_slice %arg3[%dma_start3A_207, %dma_start3A_208] : memref<10000x64xf32, #tpu.memory_space<hbm>> -> memref<10000x64xf32, #tpu.memory_space<hbm>>
      tpu.enqueue_indirect_dma source(%dma_start3A_209 : memref<10000x64xf32, #tpu.memory_space<hbm>>) target(%dma_start3A_203 : memref<80x64xf32, #tpu.memory_space<vmem>>) offsets(%dma_start3A_206 : memref<80xi32, #tpu.memory_space<vmem>>) semaphore(%arg17 : memref<!tpu.dma_semaphore, #tpu.memory_space<semaphore_mem>>)
      %gt3A_210 = arith.constant 0 : i32
      %gt3A_211 = arith.cmpi sgt, %scan3A_179, %gt3A_210 : i32
      %convert_element_type3A_212 = arith.extui %gt3A_211 : i1 to i32
      %cond3A_213 = arith.constant 0 : i32
      %cond3A_214 = arith.cmpi ne, %convert_element_type3A_212, %cond3A_213 : i32
      scf.if %cond3A_214 {
        %add3A_616 = arith.constant 1 : i32
        %add3A_617 = arith.addi %add3A_184, %add3A_616 : i32
        %mul3A_618 = arith.constant 80 : i32
        %mul3A_619 = arith.muli %add3A_617, %mul3A_618 : i32
        %dma_wait3A_620 = arith.constant 1 : i32
        %dma_wait3A_621 = arith.constant 0 : i32
        %dma_wait3A_622 = arith.constant 0 : i32
        %dma_wait3A_623 = tpu.memref_slice %arg10[%dma_wait3A_620, %dma_wait3A_621, %dma_wait3A_622] : memref<5x80x64xf32, #tpu.memory_space<vmem>> -> memref<1x80x64xf32, #tpu.memory_space<vmem>>
        %dma_wait3A_624 = tpu.memref_squeeze %dma_wait3A_623 : memref<1x80x64xf32, #tpu.memory_space<vmem>> -> memref<80x64xf32, #tpu.memory_space<vmem>>
        %dma_wait3A_625 = arith.constant 0 : i32
        %dma_wait3A_626 = tpu.memref_slice %arg6[%mul3A_619, %dma_wait3A_625] : memref<320000x64xf32, #tpu.memory_space<hbm>> -> memref<80x64xf32, #tpu.memory_space<hbm>>
        %dma_wait3A_627 = arith.constant 0 : i32
        %dma_wait3A_628 = tpu.memref_slice %arg6[%mul3A_619, %dma_wait3A_627] : memref<320000x64xf32, #tpu.memory_space<hbm>> -> memref<80x64xf32, #tpu.memory_space<hbm>>
        %dma_wait3A_629 = arith.constant 0 : i32
        %dma_wait3A_630 = arith.constant 0 : i32
        %dma_wait3A_631 = tpu.memref_slice %arg10[%dma_wait3A_620, %dma_wait3A_629, %dma_wait3A_630] : memref<5x80x64xf32, #tpu.memory_space<vmem>> -> memref<1x80x64xf32, #tpu.memory_space<vmem>>
        %dma_wait3A_632 = tpu.memref_squeeze %dma_wait3A_631 : memref<1x80x64xf32, #tpu.memory_space<vmem>> -> memref<80x64xf32, #tpu.memory_space<vmem>>
        tpu.wait_dma2 semaphore(%arg23 : memref<!tpu.dma_semaphore, #tpu.memory_space<semaphore_mem>>) src(%dma_wait3A_632 : memref<80x64xf32, #tpu.memory_space<vmem>>) dst(%dma_wait3A_628 : memref<80x64xf32, #tpu.memory_space<hbm>>)
        %add3A_633 = arith.constant 1 : i32
        %add3A_634 = arith.addi %add3A_184, %add3A_633 : i32
        %mul3A_635 = arith.constant 80 : i32
        %mul3A_636 = arith.muli %add3A_634, %mul3A_635 : i32
        %dma_wait3A_637 = arith.constant 1 : i32
        %dma_wait3A_638 = arith.constant 0 : i32
        %dma_wait3A_639 = arith.constant 0 : i32
        %dma_wait3A_640 = tpu.memref_slice %arg11[%dma_wait3A_637, %dma_wait3A_638, %dma_wait3A_639] : memref<5x80x64xf32, #tpu.memory_space<vmem>> -> memref<1x80x64xf32, #tpu.memory_space<vmem>>
        %dma_wait3A_641 = tpu.memref_squeeze %dma_wait3A_640 : memref<1x80x64xf32, #tpu.memory_space<vmem>> -> memref<80x64xf32, #tpu.memory_space<vmem>>
        %dma_wait3A_642 = arith.constant 0 : i32
        %dma_wait3A_643 = tpu.memref_slice %arg7[%mul3A_636, %dma_wait3A_642] : memref<320000x64xf32, #tpu.memory_space<hbm>> -> memref<80x64xf32, #tpu.memory_space<hbm>>
        %dma_wait3A_644 = arith.constant 0 : i32
        %dma_wait3A_645 = tpu.memref_slice %arg7[%mul3A_636, %dma_wait3A_644] : memref<320000x64xf32, #tpu.memory_space<hbm>> -> memref<80x64xf32, #tpu.memory_space<hbm>>
        %dma_wait3A_646 = arith.constant 0 : i32
        %dma_wait3A_647 = arith.constant 0 : i32
        %dma_wait3A_648 = tpu.memref_slice %arg11[%dma_wait3A_637, %dma_wait3A_646, %dma_wait3A_647] : memref<5x80x64xf32, #tpu.memory_space<vmem>> -> memref<1x80x64xf32, #tpu.memory_space<vmem>>
        %dma_wait3A_649 = tpu.memref_squeeze %dma_wait3A_648 : memref<1x80x64xf32, #tpu.memory_space<vmem>> -> memref<80x64xf32, #tpu.memory_space<vmem>>
        tpu.wait_dma2 semaphore(%arg28 : memref<!tpu.dma_semaphore, #tpu.memory_space<semaphore_mem>>) src(%dma_wait3A_649 : memref<80x64xf32, #tpu.memory_space<vmem>>) dst(%dma_wait3A_645 : memref<80x64xf32, #tpu.memory_space<hbm>>)
      } else {
      }
      %dma_start3A_215 = arith.constant 1 : i32
      %dma_start3A_216 = arith.constant 1 : i32
      %dma_start3A_217 = arith.constant 0 : i32
      %dma_start3A_218 = arith.constant 0 : i32
      %dma_start3A_219 = tpu.memref_slice %arg10[%dma_start3A_216, %dma_start3A_217, %dma_start3A_218] : memref<5x80x64xf32, #tpu.memory_space<vmem>> -> memref<1x80x64xf32, #tpu.memory_space<vmem>>
      %dma_start3A_220 = tpu.memref_squeeze %dma_start3A_219 : memref<1x80x64xf32, #tpu.memory_space<vmem>> -> memref<80x64xf32, #tpu.memory_space<vmem>>
      %dma_start3A_221 = arith.constant 0 : i32
      %dma_start3A_222 = tpu.memref_slice %arg8[%dma_start3A_215, %dma_start3A_221] : memref<5x80xi32, #tpu.memory_space<vmem>> -> memref<1x80xi32, #tpu.memory_space<vmem>>
      %dma_start3A_223 = tpu.memref_squeeze %dma_start3A_222 : memref<1x80xi32, #tpu.memory_space<vmem>> -> memref<80xi32, #tpu.memory_space<vmem>>
      %dma_start3A_224 = arith.constant 0 : i32
      %dma_start3A_225 = arith.constant 0 : i32
      %dma_start3A_226 = tpu.memref_slice %arg2[%dma_start3A_224, %dma_start3A_225] : memref<10000x64xf32, #tpu.memory_space<hbm>> -> memref<10000x64xf32, #tpu.memory_space<hbm>>
      tpu.enqueue_indirect_dma source(%dma_start3A_226 : memref<10000x64xf32, #tpu.memory_space<hbm>>) target(%dma_start3A_220 : memref<80x64xf32, #tpu.memory_space<vmem>>) offsets(%dma_start3A_223 : memref<80xi32, #tpu.memory_space<vmem>>) semaphore(%arg13 : memref<!tpu.dma_semaphore, #tpu.memory_space<semaphore_mem>>)
      %dma_start3A_227 = arith.constant 1 : i32
      %dma_start3A_228 = arith.constant 1 : i32
      %dma_start3A_229 = arith.constant 0 : i32
      %dma_start3A_230 = arith.constant 0 : i32
      %dma_start3A_231 = tpu.memref_slice %arg11[%dma_start3A_228, %dma_start3A_229, %dma_start3A_230] : memref<5x80x64xf32, #tpu.memory_space<vmem>> -> memref<1x80x64xf32, #tpu.memory_space<vmem>>
      %dma_start3A_232 = tpu.memref_squeeze %dma_start3A_231 : memref<1x80x64xf32, #tpu.memory_space<vmem>> -> memref<80x64xf32, #tpu.memory_space<vmem>>
      %dma_start3A_233 = arith.constant 0 : i32
      %dma_start3A_234 = tpu.memref_slice %arg9[%dma_start3A_227, %dma_start3A_233] : memref<5x80xi32, #tpu.memory_space<vmem>> -> memref<1x80xi32, #tpu.memory_space<vmem>>
      %dma_start3A_235 = tpu.memref_squeeze %dma_start3A_234 : memref<1x80xi32, #tpu.memory_space<vmem>> -> memref<80xi32, #tpu.memory_space<vmem>>
      %dma_start3A_236 = arith.constant 0 : i32
      %dma_start3A_237 = arith.constant 0 : i32
      %dma_start3A_238 = tpu.memref_slice %arg3[%dma_start3A_236, %dma_start3A_237] : memref<10000x64xf32, #tpu.memory_space<hbm>> -> memref<10000x64xf32, #tpu.memory_space<hbm>>
      tpu.enqueue_indirect_dma source(%dma_start3A_238 : memref<10000x64xf32, #tpu.memory_space<hbm>>) target(%dma_start3A_232 : memref<80x64xf32, #tpu.memory_space<vmem>>) offsets(%dma_start3A_235 : memref<80xi32, #tpu.memory_space<vmem>>) semaphore(%arg18 : memref<!tpu.dma_semaphore, #tpu.memory_space<semaphore_mem>>)
      %gt3A_239 = arith.constant 0 : i32
      %gt3A_240 = arith.cmpi sgt, %scan3A_179, %gt3A_239 : i32
      %convert_element_type3A_241 = arith.extui %gt3A_240 : i1 to i32
      %cond3A_242 = arith.constant 0 : i32
      %cond3A_243 = arith.cmpi ne, %convert_element_type3A_241, %cond3A_242 : i32
      scf.if %cond3A_243 {
        %add3A_616 = arith.constant 2 : i32
        %add3A_617 = arith.addi %add3A_184, %add3A_616 : i32
        %mul3A_618 = arith.constant 80 : i32
        %mul3A_619 = arith.muli %add3A_617, %mul3A_618 : i32
        %dma_wait3A_620 = arith.constant 2 : i32
        %dma_wait3A_621 = arith.constant 0 : i32
        %dma_wait3A_622 = arith.constant 0 : i32
        %dma_wait3A_623 = tpu.memref_slice %arg10[%dma_wait3A_620, %dma_wait3A_621, %dma_wait3A_622] : memref<5x80x64xf32, #tpu.memory_space<vmem>> -> memref<1x80x64xf32, #tpu.memory_space<vmem>>
        %dma_wait3A_624 = tpu.memref_squeeze %dma_wait3A_623 : memref<1x80x64xf32, #tpu.memory_space<vmem>> -> memref<80x64xf32, #tpu.memory_space<vmem>>
        %dma_wait3A_625 = arith.constant 0 : i32
        %dma_wait3A_626 = tpu.memref_slice %arg6[%mul3A_619, %dma_wait3A_625] : memref<320000x64xf32, #tpu.memory_space<hbm>> -> memref<80x64xf32, #tpu.memory_space<hbm>>
        %dma_wait3A_627 = arith.constant 0 : i32
        %dma_wait3A_628 = tpu.memref_slice %arg6[%mul3A_619, %dma_wait3A_627] : memref<320000x64xf32, #tpu.memory_space<hbm>> -> memref<80x64xf32, #tpu.memory_space<hbm>>
        %dma_wait3A_629 = arith.constant 0 : i32
        %dma_wait3A_630 = arith.constant 0 : i32
        %dma_wait3A_631 = tpu.memref_slice %arg10[%dma_wait3A_620, %dma_wait3A_629, %dma_wait3A_630] : memref<5x80x64xf32, #tpu.memory_space<vmem>> -> memref<1x80x64xf32, #tpu.memory_space<vmem>>
        %dma_wait3A_632 = tpu.memref_squeeze %dma_wait3A_631 : memref<1x80x64xf32, #tpu.memory_space<vmem>> -> memref<80x64xf32, #tpu.memory_space<vmem>>
        tpu.wait_dma2 semaphore(%arg24 : memref<!tpu.dma_semaphore, #tpu.memory_space<semaphore_mem>>) src(%dma_wait3A_632 : memref<80x64xf32, #tpu.memory_space<vmem>>) dst(%dma_wait3A_628 : memref<80x64xf32, #tpu.memory_space<hbm>>)
        %add3A_633 = arith.constant 2 : i32
        %add3A_634 = arith.addi %add3A_184, %add3A_633 : i32
        %mul3A_635 = arith.constant 80 : i32
        %mul3A_636 = arith.muli %add3A_634, %mul3A_635 : i32
        %dma_wait3A_637 = arith.constant 2 : i32
        %dma_wait3A_638 = arith.constant 0 : i32
        %dma_wait3A_639 = arith.constant 0 : i32
        %dma_wait3A_640 = tpu.memref_slice %arg11[%dma_wait3A_637, %dma_wait3A_638, %dma_wait3A_639] : memref<5x80x64xf32, #tpu.memory_space<vmem>> -> memref<1x80x64xf32, #tpu.memory_space<vmem>>
        %dma_wait3A_641 = tpu.memref_squeeze %dma_wait3A_640 : memref<1x80x64xf32, #tpu.memory_space<vmem>> -> memref<80x64xf32, #tpu.memory_space<vmem>>
        %dma_wait3A_642 = arith.constant 0 : i32
        %dma_wait3A_643 = tpu.memref_slice %arg7[%mul3A_636, %dma_wait3A_642] : memref<320000x64xf32, #tpu.memory_space<hbm>> -> memref<80x64xf32, #tpu.memory_space<hbm>>
        %dma_wait3A_644 = arith.constant 0 : i32
        %dma_wait3A_645 = tpu.memref_slice %arg7[%mul3A_636, %dma_wait3A_644] : memref<320000x64xf32, #tpu.memory_space<hbm>> -> memref<80x64xf32, #tpu.memory_space<hbm>>
        %dma_wait3A_646 = arith.constant 0 : i32
        %dma_wait3A_647 = arith.constant 0 : i32
        %dma_wait3A_648 = tpu.memref_slice %arg11[%dma_wait3A_637, %dma_wait3A_646, %dma_wait3A_647] : memref<5x80x64xf32, #tpu.memory_space<vmem>> -> memref<1x80x64xf32, #tpu.memory_space<vmem>>
        %dma_wait3A_649 = tpu.memref_squeeze %dma_wait3A_648 : memref<1x80x64xf32, #tpu.memory_space<vmem>> -> memref<80x64xf32, #tpu.memory_space<vmem>>
        tpu.wait_dma2 semaphore(%arg29 : memref<!tpu.dma_semaphore, #tpu.memory_space<semaphore_mem>>) src(%dma_wait3A_649 : memref<80x64xf32, #tpu.memory_space<vmem>>) dst(%dma_wait3A_645 : memref<80x64xf32, #tpu.memory_space<hbm>>)
      } else {
      }
      %dma_start3A_244 = arith.constant 2 : i32
      %dma_start3A_245 = arith.constant 2 : i32
      %dma_start3A_246 = arith.constant 0 : i32
      %dma_start3A_247 = arith.constant 0 : i32
      %dma_start3A_248 = tpu.memref_slice %arg10[%dma_start3A_245, %dma_start3A_246, %dma_start3A_247] : memref<5x80x64xf32, #tpu.memory_space<vmem>> -> memref<1x80x64xf32, #tpu.memory_space<vmem>>
      %dma_start3A_249 = tpu.memref_squeeze %dma_start3A_248 : memref<1x80x64xf32, #tpu.memory_space<vmem>> -> memref<80x64xf32, #tpu.memory_space<vmem>>
      %dma_start3A_250 = arith.constant 0 : i32
      %dma_start3A_251 = tpu.memref_slice %arg8[%dma_start3A_244, %dma_start3A_250] : memref<5x80xi32, #tpu.memory_space<vmem>> -> memref<1x80xi32, #tpu.memory_space<vmem>>
      %dma_start3A_252 = tpu.memref_squeeze %dma_start3A_251 : memref<1x80xi32, #tpu.memory_space<vmem>> -> memref<80xi32, #tpu.memory_space<vmem>>
      %dma_start3A_253 = arith.constant 0 : i32
      %dma_start3A_254 = arith.constant 0 : i32
      %dma_start3A_255 = tpu.memref_slice %arg2[%dma_start3A_253, %dma_start3A_254] : memref<10000x64xf32, #tpu.memory_space<hbm>> -> memref<10000x64xf32, #tpu.memory_space<hbm>>
      tpu.enqueue_indirect_dma source(%dma_start3A_255 : memref<10000x64xf32, #tpu.memory_space<hbm>>) target(%dma_start3A_249 : memref<80x64xf32, #tpu.memory_space<vmem>>) offsets(%dma_start3A_252 : memref<80xi32, #tpu.memory_space<vmem>>) semaphore(%arg14 : memref<!tpu.dma_semaphore, #tpu.memory_space<semaphore_mem>>)
      %dma_start3A_256 = arith.constant 2 : i32
      %dma_start3A_257 = arith.constant 2 : i32
      %dma_start3A_258 = arith.constant 0 : i32
      %dma_start3A_259 = arith.constant 0 : i32
      %dma_start3A_260 = tpu.memref_slice %arg11[%dma_start3A_257, %dma_start3A_258, %dma_start3A_259] : memref<5x80x64xf32, #tpu.memory_space<vmem>> -> memref<1x80x64xf32, #tpu.memory_space<vmem>>
      %dma_start3A_261 = tpu.memref_squeeze %dma_start3A_260 : memref<1x80x64xf32, #tpu.memory_space<vmem>> -> memref<80x64xf32, #tpu.memory_space<vmem>>
      %dma_start3A_262 = arith.constant 0 : i32
      %dma_start3A_263 = tpu.memref_slice %arg9[%dma_start3A_256, %dma_start3A_262] : memref<5x80xi32, #tpu.memory_space<vmem>> -> memref<1x80xi32, #tpu.memory_space<vmem>>
      %dma_start3A_264 = tpu.memref_squeeze %dma_start3A_263 : memref<1x80xi32, #tpu.memory_space<vmem>> -> memref<80xi32, #tpu.memory_space<vmem>>
      %dma_start3A_265 = arith.constant 0 : i32
      %dma_start3A_266 = arith.constant 0 : i32
      %dma_start3A_267 = tpu.memref_slice %arg3[%dma_start3A_265, %dma_start3A_266] : memref<10000x64xf32, #tpu.memory_space<hbm>> -> memref<10000x64xf32, #tpu.memory_space<hbm>>
      tpu.enqueue_indirect_dma source(%dma_start3A_267 : memref<10000x64xf32, #tpu.memory_space<hbm>>) target(%dma_start3A_261 : memref<80x64xf32, #tpu.memory_space<vmem>>) offsets(%dma_start3A_264 : memref<80xi32, #tpu.memory_space<vmem>>) semaphore(%arg19 : memref<!tpu.dma_semaphore, #tpu.memory_space<semaphore_mem>>)
      %gt3A_268 = arith.constant 0 : i32
      %gt3A_269 = arith.cmpi sgt, %scan3A_179, %gt3A_268 : i32
      %convert_element_type3A_270 = arith.extui %gt3A_269 : i1 to i32
      %cond3A_271 = arith.constant 0 : i32
      %cond3A_272 = arith.cmpi ne, %convert_element_type3A_270, %cond3A_271 : i32
      scf.if %cond3A_272 {
        %add3A_616 = arith.constant 3 : i32
        %add3A_617 = arith.addi %add3A_184, %add3A_616 : i32
        %mul3A_618 = arith.constant 80 : i32
        %mul3A_619 = arith.muli %add3A_617, %mul3A_618 : i32
        %dma_wait3A_620 = arith.constant 3 : i32
        %dma_wait3A_621 = arith.constant 0 : i32
        %dma_wait3A_622 = arith.constant 0 : i32
        %dma_wait3A_623 = tpu.memref_slice %arg10[%dma_wait3A_620, %dma_wait3A_621, %dma_wait3A_622] : memref<5x80x64xf32, #tpu.memory_space<vmem>> -> memref<1x80x64xf32, #tpu.memory_space<vmem>>
        %dma_wait3A_624 = tpu.memref_squeeze %dma_wait3A_623 : memref<1x80x64xf32, #tpu.memory_space<vmem>> -> memref<80x64xf32, #tpu.memory_space<vmem>>
        %dma_wait3A_625 = arith.constant 0 : i32
        %dma_wait3A_626 = tpu.memref_slice %arg6[%mul3A_619, %dma_wait3A_625] : memref<320000x64xf32, #tpu.memory_space<hbm>> -> memref<80x64xf32, #tpu.memory_space<hbm>>
        %dma_wait3A_627 = arith.constant 0 : i32
        %dma_wait3A_628 = tpu.memref_slice %arg6[%mul3A_619, %dma_wait3A_627] : memref<320000x64xf32, #tpu.memory_space<hbm>> -> memref<80x64xf32, #tpu.memory_space<hbm>>
        %dma_wait3A_629 = arith.constant 0 : i32
        %dma_wait3A_630 = arith.constant 0 : i32
        %dma_wait3A_631 = tpu.memref_slice %arg10[%dma_wait3A_620, %dma_wait3A_629, %dma_wait3A_630] : memref<5x80x64xf32, #tpu.memory_space<vmem>> -> memref<1x80x64xf32, #tpu.memory_space<vmem>>
        %dma_wait3A_632 = tpu.memref_squeeze %dma_wait3A_631 : memref<1x80x64xf32, #tpu.memory_space<vmem>> -> memref<80x64xf32, #tpu.memory_space<vmem>>
        tpu.wait_dma2 semaphore(%arg25 : memref<!tpu.dma_semaphore, #tpu.memory_space<semaphore_mem>>) src(%dma_wait3A_632 : memref<80x64xf32, #tpu.memory_space<vmem>>) dst(%dma_wait3A_628 : memref<80x64xf32, #tpu.memory_space<hbm>>)
        %add3A_633 = arith.constant 3 : i32
        %add3A_634 = arith.addi %add3A_184, %add3A_633 : i32
        %mul3A_635 = arith.constant 80 : i32
        %mul3A_636 = arith.muli %add3A_634, %mul3A_635 : i32
        %dma_wait3A_637 = arith.constant 3 : i32
        %dma_wait3A_638 = arith.constant 0 : i32
        %dma_wait3A_639 = arith.constant 0 : i32
        %dma_wait3A_640 = tpu.memref_slice %arg11[%dma_wait3A_637, %dma_wait3A_638, %dma_wait3A_639] : memref<5x80x64xf32, #tpu.memory_space<vmem>> -> memref<1x80x64xf32, #tpu.memory_space<vmem>>
        %dma_wait3A_641 = tpu.memref_squeeze %dma_wait3A_640 : memref<1x80x64xf32, #tpu.memory_space<vmem>> -> memref<80x64xf32, #tpu.memory_space<vmem>>
        %dma_wait3A_642 = arith.constant 0 : i32
        %dma_wait3A_643 = tpu.memref_slice %arg7[%mul3A_636, %dma_wait3A_642] : memref<320000x64xf32, #tpu.memory_space<hbm>> -> memref<80x64xf32, #tpu.memory_space<hbm>>
        %dma_wait3A_644 = arith.constant 0 : i32
        %dma_wait3A_645 = tpu.memref_slice %arg7[%mul3A_636, %dma_wait3A_644] : memref<320000x64xf32, #tpu.memory_space<hbm>> -> memref<80x64xf32, #tpu.memory_space<hbm>>
        %dma_wait3A_646 = arith.constant 0 : i32
        %dma_wait3A_647 = arith.constant 0 : i32
        %dma_wait3A_648 = tpu.memref_slice %arg11[%dma_wait3A_637, %dma_wait3A_646, %dma_wait3A_647] : memref<5x80x64xf32, #tpu.memory_space<vmem>> -> memref<1x80x64xf32, #tpu.memory_space<vmem>>
        %dma_wait3A_649 = tpu.memref_squeeze %dma_wait3A_648 : memref<1x80x64xf32, #tpu.memory_space<vmem>> -> memref<80x64xf32, #tpu.memory_space<vmem>>
        tpu.wait_dma2 semaphore(%arg30 : memref<!tpu.dma_semaphore, #tpu.memory_space<semaphore_mem>>) src(%dma_wait3A_649 : memref<80x64xf32, #tpu.memory_space<vmem>>) dst(%dma_wait3A_645 : memref<80x64xf32, #tpu.memory_space<hbm>>)
      } else {
      }
      %dma_start3A_273 = arith.constant 3 : i32
      %dma_start3A_274 = arith.constant 3 : i32
      %dma_start3A_275 = arith.constant 0 : i32
      %dma_start3A_276 = arith.constant 0 : i32
      %dma_start3A_277 = tpu.memref_slice %arg10[%dma_start3A_274, %dma_start3A_275, %dma_start3A_276] : memref<5x80x64xf32, #tpu.memory_space<vmem>> -> memref<1x80x64xf32, #tpu.memory_space<vmem>>
      %dma_start3A_278 = tpu.memref_squeeze %dma_start3A_277 : memref<1x80x64xf32, #tpu.memory_space<vmem>> -> memref<80x64xf32, #tpu.memory_space<vmem>>
      %dma_start3A_279 = arith.constant 0 : i32
      %dma_start3A_280 = tpu.memref_slice %arg8[%dma_start3A_273, %dma_start3A_279] : memref<5x80xi32, #tpu.memory_space<vmem>> -> memref<1x80xi32, #tpu.memory_space<vmem>>
      %dma_start3A_281 = tpu.memref_squeeze %dma_start3A_280 : memref<1x80xi32, #tpu.memory_space<vmem>> -> memref<80xi32, #tpu.memory_space<vmem>>
      %dma_start3A_282 = arith.constant 0 : i32
      %dma_start3A_283 = arith.constant 0 : i32
      %dma_start3A_284 = tpu.memref_slice %arg2[%dma_start3A_282, %dma_start3A_283] : memref<10000x64xf32, #tpu.memory_space<hbm>> -> memref<10000x64xf32, #tpu.memory_space<hbm>>
      tpu.enqueue_indirect_dma source(%dma_start3A_284 : memref<10000x64xf32, #tpu.memory_space<hbm>>) target(%dma_start3A_278 : memref<80x64xf32, #tpu.memory_space<vmem>>) offsets(%dma_start3A_281 : memref<80xi32, #tpu.memory_space<vmem>>) semaphore(%arg15 : memref<!tpu.dma_semaphore, #tpu.memory_space<semaphore_mem>>)
      %dma_start3A_285 = arith.constant 3 : i32
      %dma_start3A_286 = arith.constant 3 : i32
      %dma_start3A_287 = arith.constant 0 : i32
      %dma_start3A_288 = arith.constant 0 : i32
      %dma_start3A_289 = tpu.memref_slice %arg11[%dma_start3A_286, %dma_start3A_287, %dma_start3A_288] : memref<5x80x64xf32, #tpu.memory_space<vmem>> -> memref<1x80x64xf32, #tpu.memory_space<vmem>>
      %dma_start3A_290 = tpu.memref_squeeze %dma_start3A_289 : memref<1x80x64xf32, #tpu.memory_space<vmem>> -> memref<80x64xf32, #tpu.memory_space<vmem>>
      %dma_start3A_291 = arith.constant 0 : i32
      %dma_start3A_292 = tpu.memref_slice %arg9[%dma_start3A_285, %dma_start3A_291] : memref<5x80xi32, #tpu.memory_space<vmem>> -> memref<1x80xi32, #tpu.memory_space<vmem>>
      %dma_start3A_293 = tpu.memref_squeeze %dma_start3A_292 : memref<1x80xi32, #tpu.memory_space<vmem>> -> memref<80xi32, #tpu.memory_space<vmem>>
      %dma_start3A_294 = arith.constant 0 : i32
      %dma_start3A_295 = arith.constant 0 : i32
      %dma_start3A_296 = tpu.memref_slice %arg3[%dma_start3A_294, %dma_start3A_295] : memref<10000x64xf32, #tpu.memory_space<hbm>> -> memref<10000x64xf32, #tpu.memory_space<hbm>>
      tpu.enqueue_indirect_dma source(%dma_start3A_296 : memref<10000x64xf32, #tpu.memory_space<hbm>>) target(%dma_start3A_290 : memref<80x64xf32, #tpu.memory_space<vmem>>) offsets(%dma_start3A_293 : memref<80xi32, #tpu.memory_space<vmem>>) semaphore(%arg20 : memref<!tpu.dma_semaphore, #tpu.memory_space<semaphore_mem>>)
      %gt3A_297 = arith.constant 0 : i32
      %gt3A_298 = arith.cmpi sgt, %scan3A_179, %gt3A_297 : i32
      %convert_element_type3A_299 = arith.extui %gt3A_298 : i1 to i32
      %cond3A_300 = arith.constant 0 : i32
      %cond3A_301 = arith.cmpi ne, %convert_element_type3A_299, %cond3A_300 : i32
      scf.if %cond3A_301 {
        %add3A_616 = arith.constant 4 : i32
        %add3A_617 = arith.addi %add3A_184, %add3A_616 : i32
        %mul3A_618 = arith.constant 80 : i32
        %mul3A_619 = arith.muli %add3A_617, %mul3A_618 : i32
        %dma_wait3A_620 = arith.constant 4 : i32
        %dma_wait3A_621 = arith.constant 0 : i32
        %dma_wait3A_622 = arith.constant 0 : i32
        %dma_wait3A_623 = tpu.memref_slice %arg10[%dma_wait3A_620, %dma_wait3A_621, %dma_wait3A_622] : memref<5x80x64xf32, #tpu.memory_space<vmem>> -> memref<1x80x64xf32, #tpu.memory_space<vmem>>
        %dma_wait3A_624 = tpu.memref_squeeze %dma_wait3A_623 : memref<1x80x64xf32, #tpu.memory_space<vmem>> -> memref<80x64xf32, #tpu.memory_space<vmem>>
        %dma_wait3A_625 = arith.constant 0 : i32
        %dma_wait3A_626 = tpu.memref_slice %arg6[%mul3A_619, %dma_wait3A_625] : memref<320000x64xf32, #tpu.memory_space<hbm>> -> memref<80x64xf32, #tpu.memory_space<hbm>>
        %dma_wait3A_627 = arith.constant 0 : i32
        %dma_wait3A_628 = tpu.memref_slice %arg6[%mul3A_619, %dma_wait3A_627] : memref<320000x64xf32, #tpu.memory_space<hbm>> -> memref<80x64xf32, #tpu.memory_space<hbm>>
        %dma_wait3A_629 = arith.constant 0 : i32
        %dma_wait3A_630 = arith.constant 0 : i32
        %dma_wait3A_631 = tpu.memref_slice %arg10[%dma_wait3A_620, %dma_wait3A_629, %dma_wait3A_630] : memref<5x80x64xf32, #tpu.memory_space<vmem>> -> memref<1x80x64xf32, #tpu.memory_space<vmem>>
        %dma_wait3A_632 = tpu.memref_squeeze %dma_wait3A_631 : memref<1x80x64xf32, #tpu.memory_space<vmem>> -> memref<80x64xf32, #tpu.memory_space<vmem>>
        tpu.wait_dma2 semaphore(%arg26 : memref<!tpu.dma_semaphore, #tpu.memory_space<semaphore_mem>>) src(%dma_wait3A_632 : memref<80x64xf32, #tpu.memory_space<vmem>>) dst(%dma_wait3A_628 : memref<80x64xf32, #tpu.memory_space<hbm>>)
        %add3A_633 = arith.constant 4 : i32
        %add3A_634 = arith.addi %add3A_184, %add3A_633 : i32
        %mul3A_635 = arith.constant 80 : i32
        %mul3A_636 = arith.muli %add3A_634, %mul3A_635 : i32
        %dma_wait3A_637 = arith.constant 4 : i32
        %dma_wait3A_638 = arith.constant 0 : i32
        %dma_wait3A_639 = arith.constant 0 : i32
        %dma_wait3A_640 = tpu.memref_slice %arg11[%dma_wait3A_637, %dma_wait3A_638, %dma_wait3A_639] : memref<5x80x64xf32, #tpu.memory_space<vmem>> -> memref<1x80x64xf32, #tpu.memory_space<vmem>>
        %dma_wait3A_641 = tpu.memref_squeeze %dma_wait3A_640 : memref<1x80x64xf32, #tpu.memory_space<vmem>> -> memref<80x64xf32, #tpu.memory_space<vmem>>
        %dma_wait3A_642 = arith.constant 0 : i32
        %dma_wait3A_643 = tpu.memref_slice %arg7[%mul3A_636, %dma_wait3A_642] : memref<320000x64xf32, #tpu.memory_space<hbm>> -> memref<80x64xf32, #tpu.memory_space<hbm>>
        %dma_wait3A_644 = arith.constant 0 : i32
        %dma_wait3A_645 = tpu.memref_slice %arg7[%mul3A_636, %dma_wait3A_644] : memref<320000x64xf32, #tpu.memory_space<hbm>> -> memref<80x64xf32, #tpu.memory_space<hbm>>
        %dma_wait3A_646 = arith.constant 0 : i32
        %dma_wait3A_647 = arith.constant 0 : i32
        %dma_wait3A_648 = tpu.memref_slice %arg11[%dma_wait3A_637, %dma_wait3A_646, %dma_wait3A_647] : memref<5x80x64xf32, #tpu.memory_space<vmem>> -> memref<1x80x64xf32, #tpu.memory_space<vmem>>
        %dma_wait3A_649 = tpu.memref_squeeze %dma_wait3A_648 : memref<1x80x64xf32, #tpu.memory_space<vmem>> -> memref<80x64xf32, #tpu.memory_space<vmem>>
        tpu.wait_dma2 semaphore(%arg31 : memref<!tpu.dma_semaphore, #tpu.memory_space<semaphore_mem>>) src(%dma_wait3A_649 : memref<80x64xf32, #tpu.memory_space<vmem>>) dst(%dma_wait3A_645 : memref<80x64xf32, #tpu.memory_space<hbm>>)
      } else {
      }
      %dma_start3A_302 = arith.constant 4 : i32
      %dma_start3A_303 = arith.constant 4 : i32
      %dma_start3A_304 = arith.constant 0 : i32
      %dma_start3A_305 = arith.constant 0 : i32
      %dma_start3A_306 = tpu.memref_slice %arg10[%dma_start3A_303, %dma_start3A_304, %dma_start3A_305] : memref<5x80x64xf32, #tpu.memory_space<vmem>> -> memref<1x80x64xf32, #tpu.memory_space<vmem>>
      %dma_start3A_307 = tpu.memref_squeeze %dma_start3A_306 : memref<1x80x64xf32, #tpu.memory_space<vmem>> -> memref<80x64xf32, #tpu.memory_space<vmem>>
      %dma_start3A_308 = arith.constant 0 : i32
      %dma_start3A_309 = tpu.memref_slice %arg8[%dma_start3A_302, %dma_start3A_308] : memref<5x80xi32, #tpu.memory_space<vmem>> -> memref<1x80xi32, #tpu.memory_space<vmem>>
      %dma_start3A_310 = tpu.memref_squeeze %dma_start3A_309 : memref<1x80xi32, #tpu.memory_space<vmem>> -> memref<80xi32, #tpu.memory_space<vmem>>
      %dma_start3A_311 = arith.constant 0 : i32
      %dma_start3A_312 = arith.constant 0 : i32
      %dma_start3A_313 = tpu.memref_slice %arg2[%dma_start3A_311, %dma_start3A_312] : memref<10000x64xf32, #tpu.memory_space<hbm>> -> memref<10000x64xf32, #tpu.memory_space<hbm>>
      tpu.enqueue_indirect_dma source(%dma_start3A_313 : memref<10000x64xf32, #tpu.memory_space<hbm>>) target(%dma_start3A_307 : memref<80x64xf32, #tpu.memory_space<vmem>>) offsets(%dma_start3A_310 : memref<80xi32, #tpu.memory_space<vmem>>) semaphore(%arg16 : memref<!tpu.dma_semaphore, #tpu.memory_space<semaphore_mem>>)
      %dma_start3A_314 = arith.constant 4 : i32
      %dma_start3A_315 = arith.constant 4 : i32
      %dma_start3A_316 = arith.constant 0 : i32
      %dma_start3A_317 = arith.constant 0 : i32
      %dma_start3A_318 = tpu.memref_slice %arg11[%dma_start3A_315, %dma_start3A_316, %dma_start3A_317] : memref<5x80x64xf32, #tpu.memory_space<vmem>> -> memref<1x80x64xf32, #tpu.memory_space<vmem>>
      %dma_start3A_319 = tpu.memref_squeeze %dma_start3A_318 : memref<1x80x64xf32, #tpu.memory_space<vmem>> -> memref<80x64xf32, #tpu.memory_space<vmem>>
      %dma_start3A_320 = arith.constant 0 : i32
      %dma_start3A_321 = tpu.memref_slice %arg9[%dma_start3A_314, %dma_start3A_320] : memref<5x80xi32, #tpu.memory_space<vmem>> -> memref<1x80xi32, #tpu.memory_space<vmem>>
      %dma_start3A_322 = tpu.memref_squeeze %dma_start3A_321 : memref<1x80xi32, #tpu.memory_space<vmem>> -> memref<80xi32, #tpu.memory_space<vmem>>
      %dma_start3A_323 = arith.constant 0 : i32
      %dma_start3A_324 = arith.constant 0 : i32
      %dma_start3A_325 = tpu.memref_slice %arg3[%dma_start3A_323, %dma_start3A_324] : memref<10000x64xf32, #tpu.memory_space<hbm>> -> memref<10000x64xf32, #tpu.memory_space<hbm>>
      tpu.enqueue_indirect_dma source(%dma_start3A_325 : memref<10000x64xf32, #tpu.memory_space<hbm>>) target(%dma_start3A_319 : memref<80x64xf32, #tpu.memory_space<vmem>>) offsets(%dma_start3A_322 : memref<80xi32, #tpu.memory_space<vmem>>) semaphore(%arg21 : memref<!tpu.dma_semaphore, #tpu.memory_space<semaphore_mem>>)
      %dma_wait3A_326 = arith.constant 0 : i32
      %dma_wait3A_327 = arith.constant 0 : i32
      %dma_wait3A_328 = arith.constant 0 : i32
      %dma_wait3A_329 = arith.constant 0 : i32
      %dma_wait3A_330 = tpu.memref_slice %arg10[%dma_wait3A_327, %dma_wait3A_328, %dma_wait3A_329] : memref<5x80x64xf32, #tpu.memory_space<vmem>> -> memref<1x80x64xf32, #tpu.memory_space<vmem>>
      %dma_wait3A_331 = tpu.memref_squeeze %dma_wait3A_330 : memref<1x80x64xf32, #tpu.memory_space<vmem>> -> memref<80x64xf32, #tpu.memory_space<vmem>>
      %dma_wait3A_332 = arith.constant 0 : i32
      %dma_wait3A_333 = tpu.memref_slice %arg8[%dma_wait3A_326, %dma_wait3A_332] : memref<5x80xi32, #tpu.memory_space<vmem>> -> memref<1x80xi32, #tpu.memory_space<vmem>>
      %dma_wait3A_334 = tpu.memref_squeeze %dma_wait3A_333 : memref<1x80xi32, #tpu.memory_space<vmem>> -> memref<80xi32, #tpu.memory_space<vmem>>
      %dma_wait3A_335 = arith.constant 0 : i32
      %dma_wait3A_336 = arith.constant 0 : i32
      %dma_wait3A_337 = tpu.memref_slice %arg2[%dma_wait3A_335, %dma_wait3A_336] : memref<10000x64xf32, #tpu.memory_space<hbm>> -> memref<10000x64xf32, #tpu.memory_space<hbm>>
      tpu.wait_indirect_dma semaphore(%arg12 : memref<!tpu.dma_semaphore, #tpu.memory_space<semaphore_mem>>) src(%dma_wait3A_337 : memref<10000x64xf32, #tpu.memory_space<hbm>>) dst(%dma_wait3A_331 : memref<80x64xf32, #tpu.memory_space<vmem>>)
      %dma_wait3A_338 = arith.constant 0 : i32
      %dma_wait3A_339 = arith.constant 0 : i32
      %dma_wait3A_340 = arith.constant 0 : i32
      %dma_wait3A_341 = arith.constant 0 : i32
      %dma_wait3A_342 = tpu.memref_slice %arg11[%dma_wait3A_339, %dma_wait3A_340, %dma_wait3A_341] : memref<5x80x64xf32, #tpu.memory_space<vmem>> -> memref<1x80x64xf32, #tpu.memory_space<vmem>>
      %dma_wait3A_343 = tpu.memref_squeeze %dma_wait3A_342 : memref<1x80x64xf32, #tpu.memory_space<vmem>> -> memref<80x64xf32, #tpu.memory_space<vmem>>
      %dma_wait3A_344 = arith.constant 0 : i32
      %dma_wait3A_345 = tpu.memref_slice %arg9[%dma_wait3A_338, %dma_wait3A_344] : memref<5x80xi32, #tpu.memory_space<vmem>> -> memref<1x80xi32, #tpu.memory_space<vmem>>
      %dma_wait3A_346 = tpu.memref_squeeze %dma_wait3A_345 : memref<1x80xi32, #tpu.memory_space<vmem>> -> memref<80xi32, #tpu.memory_space<vmem>>
      %dma_wait3A_347 = arith.constant 0 : i32
      %dma_wait3A_348 = arith.constant 0 : i32
      %dma_wait3A_349 = tpu.memref_slice %arg3[%dma_wait3A_347, %dma_wait3A_348] : memref<10000x64xf32, #tpu.memory_space<hbm>> -> memref<10000x64xf32, #tpu.memory_space<hbm>>
      tpu.wait_indirect_dma semaphore(%arg17 : memref<!tpu.dma_semaphore, #tpu.memory_space<semaphore_mem>>) src(%dma_wait3A_349 : memref<10000x64xf32, #tpu.memory_space<hbm>>) dst(%dma_wait3A_343 : memref<80x64xf32, #tpu.memory_space<vmem>>)
      %add3A_350 = arith.constant 0 : i32
      %add3A_351 = arith.addi %add3A_184, %add3A_350 : i32
      %mul3A_352 = arith.constant 80 : i32
      %mul3A_353 = arith.muli %add3A_351, %mul3A_352 : i32
      %dma_start3A_354 = arith.constant 0 : i32
      %dma_start3A_355 = arith.constant 0 : i32
      %dma_start3A_356 = arith.constant 0 : i32
      %dma_start3A_357 = tpu.memref_slice %arg10[%dma_start3A_354, %dma_start3A_355, %dma_start3A_356] : memref<5x80x64xf32, #tpu.memory_space<vmem>> -> memref<1x80x64xf32, #tpu.memory_space<vmem>>
      %dma_start3A_358 = tpu.memref_squeeze %dma_start3A_357 : memref<1x80x64xf32, #tpu.memory_space<vmem>> -> memref<80x64xf32, #tpu.memory_space<vmem>>
      %dma_start3A_359 = arith.constant 0 : i32
      %dma_start3A_360 = tpu.memref_slice %arg6[%mul3A_353, %dma_start3A_359] : memref<320000x64xf32, #tpu.memory_space<hbm>> -> memref<80x64xf32, #tpu.memory_space<hbm>>
      %dma_start3A_361 = arith.constant 0 : i32
      %dma_start3A_362 = tpu.memref_slice %arg6[%mul3A_353, %dma_start3A_361] : memref<320000x64xf32, #tpu.memory_space<hbm>> -> memref<80x64xf32, #tpu.memory_space<hbm>>
      %dma_start3A_363 = arith.constant 0 : i32
      %dma_start3A_364 = arith.constant 0 : i32
      %dma_start3A_365 = tpu.memref_slice %arg10[%dma_start3A_354, %dma_start3A_363, %dma_start3A_364] : memref<5x80x64xf32, #tpu.memory_space<vmem>> -> memref<1x80x64xf32, #tpu.memory_space<vmem>>
      %dma_start3A_366 = tpu.memref_squeeze %dma_start3A_365 : memref<1x80x64xf32, #tpu.memory_space<vmem>> -> memref<80x64xf32, #tpu.memory_space<vmem>>
      tpu.enqueue_dma source(%dma_start3A_366 : memref<80x64xf32, #tpu.memory_space<vmem>>) target(%dma_start3A_362 : memref<80x64xf32, #tpu.memory_space<hbm>>) target_semaphore(%arg22 : memref<!tpu.dma_semaphore, #tpu.memory_space<semaphore_mem>>)
      %add3A_367 = arith.constant 0 : i32
      %add3A_368 = arith.addi %add3A_184, %add3A_367 : i32
      %mul3A_369 = arith.constant 80 : i32
      %mul3A_370 = arith.muli %add3A_368, %mul3A_369 : i32
      %dma_start3A_371 = arith.constant 0 : i32
      %dma_start3A_372 = arith.constant 0 : i32
      %dma_start3A_373 = arith.constant 0 : i32
      %dma_start3A_374 = tpu.memref_slice %arg11[%dma_start3A_371, %dma_start3A_372, %dma_start3A_373] : memref<5x80x64xf32, #tpu.memory_space<vmem>> -> memref<1x80x64xf32, #tpu.memory_space<vmem>>
      %dma_start3A_375 = tpu.memref_squeeze %dma_start3A_374 : memref<1x80x64xf32, #tpu.memory_space<vmem>> -> memref<80x64xf32, #tpu.memory_space<vmem>>
      %dma_start3A_376 = arith.constant 0 : i32
      %dma_start3A_377 = tpu.memref_slice %arg7[%mul3A_370, %dma_start3A_376] : memref<320000x64xf32, #tpu.memory_space<hbm>> -> memref<80x64xf32, #tpu.memory_space<hbm>>
      %dma_start3A_378 = arith.constant 0 : i32
      %dma_start3A_379 = tpu.memref_slice %arg7[%mul3A_370, %dma_start3A_378] : memref<320000x64xf32, #tpu.memory_space<hbm>> -> memref<80x64xf32, #tpu.memory_space<hbm>>
      %dma_start3A_380 = arith.constant 0 : i32
      %dma_start3A_381 = arith.constant 0 : i32
      %dma_start3A_382 = tpu.memref_slice %arg11[%dma_start3A_371, %dma_start3A_380, %dma_start3A_381] : memref<5x80x64xf32, #tpu.memory_space<vmem>> -> memref<1x80x64xf32, #tpu.memory_space<vmem>>
      %dma_start3A_383 = tpu.memref_squeeze %dma_start3A_382 : memref<1x80x64xf32, #tpu.memory_space<vmem>> -> memref<80x64xf32, #tpu.memory_space<vmem>>
      tpu.enqueue_dma source(%dma_start3A_383 : memref<80x64xf32, #tpu.memory_space<vmem>>) target(%dma_start3A_379 : memref<80x64xf32, #tpu.memory_space<hbm>>) target_semaphore(%arg27 : memref<!tpu.dma_semaphore, #tpu.memory_space<semaphore_mem>>)
      %dma_wait3A_384 = arith.constant 1 : i32
      %dma_wait3A_385 = arith.constant 1 : i32
      %dma_wait3A_386 = arith.constant 0 : i32
      %dma_wait3A_387 = arith.constant 0 : i32
      %dma_wait3A_388 = tpu.memref_slice %arg10[%dma_wait3A_385, %dma_wait3A_386, %dma_wait3A_387] : memref<5x80x64xf32, #tpu.memory_space<vmem>> -> memref<1x80x64xf32, #tpu.memory_space<vmem>>
      %dma_wait3A_389 = tpu.memref_squeeze %dma_wait3A_388 : memref<1x80x64xf32, #tpu.memory_space<vmem>> -> memref<80x64xf32, #tpu.memory_space<vmem>>
      %dma_wait3A_390 = arith.constant 0 : i32
      %dma_wait3A_391 = tpu.memref_slice %arg8[%dma_wait3A_384, %dma_wait3A_390] : memref<5x80xi32, #tpu.memory_space<vmem>> -> memref<1x80xi32, #tpu.memory_space<vmem>>
      %dma_wait3A_392 = tpu.memref_squeeze %dma_wait3A_391 : memref<1x80xi32, #tpu.memory_space<vmem>> -> memref<80xi32, #tpu.memory_space<vmem>>
      %dma_wait3A_393 = arith.constant 0 : i32
      %dma_wait3A_394 = arith.constant 0 : i32
      %dma_wait3A_395 = tpu.memref_slice %arg2[%dma_wait3A_393, %dma_wait3A_394] : memref<10000x64xf32, #tpu.memory_space<hbm>> -> memref<10000x64xf32, #tpu.memory_space<hbm>>
      tpu.wait_indirect_dma semaphore(%arg13 : memref<!tpu.dma_semaphore, #tpu.memory_space<semaphore_mem>>) src(%dma_wait3A_395 : memref<10000x64xf32, #tpu.memory_space<hbm>>) dst(%dma_wait3A_389 : memref<80x64xf32, #tpu.memory_space<vmem>>)
      %dma_wait3A_396 = arith.constant 1 : i32
      %dma_wait3A_397 = arith.constant 1 : i32
      %dma_wait3A_398 = arith.constant 0 : i32
      %dma_wait3A_399 = arith.constant 0 : i32
      %dma_wait3A_400 = tpu.memref_slice %arg11[%dma_wait3A_397, %dma_wait3A_398, %dma_wait3A_399] : memref<5x80x64xf32, #tpu.memory_space<vmem>> -> memref<1x80x64xf32, #tpu.memory_space<vmem>>
      %dma_wait3A_401 = tpu.memref_squeeze %dma_wait3A_400 : memref<1x80x64xf32, #tpu.memory_space<vmem>> -> memref<80x64xf32, #tpu.memory_space<vmem>>
      %dma_wait3A_402 = arith.constant 0 : i32
      %dma_wait3A_403 = tpu.memref_slice %arg9[%dma_wait3A_396, %dma_wait3A_402] : memref<5x80xi32, #tpu.memory_space<vmem>> -> memref<1x80xi32, #tpu.memory_space<vmem>>
      %dma_wait3A_404 = tpu.memref_squeeze %dma_wait3A_403 : memref<1x80xi32, #tpu.memory_space<vmem>> -> memref<80xi32, #tpu.memory_space<vmem>>
      %dma_wait3A_405 = arith.constant 0 : i32
      %dma_wait3A_406 = arith.constant 0 : i32
      %dma_wait3A_407 = tpu.memref_slice %arg3[%dma_wait3A_405, %dma_wait3A_406] : memref<10000x64xf32, #tpu.memory_space<hbm>> -> memref<10000x64xf32, #tpu.memory_space<hbm>>
      tpu.wait_indirect_dma semaphore(%arg18 : memref<!tpu.dma_semaphore, #tpu.memory_space<semaphore_mem>>) src(%dma_wait3A_407 : memref<10000x64xf32, #tpu.memory_space<hbm>>) dst(%dma_wait3A_401 : memref<80x64xf32, #tpu.memory_space<vmem>>)
      %add3A_408 = arith.constant 1 : i32
      %add3A_409 = arith.addi %add3A_184, %add3A_408 : i32
      %mul3A_410 = arith.constant 80 : i32
      %mul3A_411 = arith.muli %add3A_409, %mul3A_410 : i32
      %dma_start3A_412 = arith.constant 1 : i32
      %dma_start3A_413 = arith.constant 0 : i32
      %dma_start3A_414 = arith.constant 0 : i32
      %dma_start3A_415 = tpu.memref_slice %arg10[%dma_start3A_412, %dma_start3A_413, %dma_start3A_414] : memref<5x80x64xf32, #tpu.memory_space<vmem>> -> memref<1x80x64xf32, #tpu.memory_space<vmem>>
      %dma_start3A_416 = tpu.memref_squeeze %dma_start3A_415 : memref<1x80x64xf32, #tpu.memory_space<vmem>> -> memref<80x64xf32, #tpu.memory_space<vmem>>
      %dma_start3A_417 = arith.constant 0 : i32
      %dma_start3A_418 = tpu.memref_slice %arg6[%mul3A_411, %dma_start3A_417] : memref<320000x64xf32, #tpu.memory_space<hbm>> -> memref<80x64xf32, #tpu.memory_space<hbm>>
      %dma_start3A_419 = arith.constant 0 : i32
      %dma_start3A_420 = tpu.memref_slice %arg6[%mul3A_411, %dma_start3A_419] : memref<320000x64xf32, #tpu.memory_space<hbm>> -> memref<80x64xf32, #tpu.memory_space<hbm>>
      %dma_start3A_421 = arith.constant 0 : i32
      %dma_start3A_422 = arith.constant 0 : i32
      %dma_start3A_423 = tpu.memref_slice %arg10[%dma_start3A_412, %dma_start3A_421, %dma_start3A_422] : memref<5x80x64xf32, #tpu.memory_space<vmem>> -> memref<1x80x64xf32, #tpu.memory_space<vmem>>
      %dma_start3A_424 = tpu.memref_squeeze %dma_start3A_423 : memref<1x80x64xf32, #tpu.memory_space<vmem>> -> memref<80x64xf32, #tpu.memory_space<vmem>>
      tpu.enqueue_dma source(%dma_start3A_424 : memref<80x64xf32, #tpu.memory_space<vmem>>) target(%dma_start3A_420 : memref<80x64xf32, #tpu.memory_space<hbm>>) target_semaphore(%arg23 : memref<!tpu.dma_semaphore, #tpu.memory_space<semaphore_mem>>)
      %add3A_425 = arith.constant 1 : i32
      %add3A_426 = arith.addi %add3A_184, %add3A_425 : i32
      %mul3A_427 = arith.constant 80 : i32
      %mul3A_428 = arith.muli %add3A_426, %mul3A_427 : i32
      %dma_start3A_429 = arith.constant 1 : i32
      %dma_start3A_430 = arith.constant 0 : i32
      %dma_start3A_431 = arith.constant 0 : i32
      %dma_start3A_432 = tpu.memref_slice %arg11[%dma_start3A_429, %dma_start3A_430, %dma_start3A_431] : memref<5x80x64xf32, #tpu.memory_space<vmem>> -> memref<1x80x64xf32, #tpu.memory_space<vmem>>
      %dma_start3A_433 = tpu.memref_squeeze %dma_start3A_432 : memref<1x80x64xf32, #tpu.memory_space<vmem>> -> memref<80x64xf32, #tpu.memory_space<vmem>>
      %dma_start3A_434 = arith.constant 0 : i32
      %dma_start3A_435 = tpu.memref_slice %arg7[%mul3A_428, %dma_start3A_434] : memref<320000x64xf32, #tpu.memory_space<hbm>> -> memref<80x64xf32, #tpu.memory_space<hbm>>
      %dma_start3A_436 = arith.constant 0 : i32
      %dma_start3A_437 = tpu.memref_slice %arg7[%mul3A_428, %dma_start3A_436] : memref<320000x64xf32, #tpu.memory_space<hbm>> -> memref<80x64xf32, #tpu.memory_space<hbm>>
      %dma_start3A_438 = arith.constant 0 : i32
      %dma_start3A_439 = arith.constant 0 : i32
      %dma_start3A_440 = tpu.memref_slice %arg11[%dma_start3A_429, %dma_start3A_438, %dma_start3A_439] : memref<5x80x64xf32, #tpu.memory_space<vmem>> -> memref<1x80x64xf32, #tpu.memory_space<vmem>>
      %dma_start3A_441 = tpu.memref_squeeze %dma_start3A_440 : memref<1x80x64xf32, #tpu.memory_space<vmem>> -> memref<80x64xf32, #tpu.memory_space<vmem>>
      tpu.enqueue_dma source(%dma_start3A_441 : memref<80x64xf32, #tpu.memory_space<vmem>>) target(%dma_start3A_437 : memref<80x64xf32, #tpu.memory_space<hbm>>) target_semaphore(%arg28 : memref<!tpu.dma_semaphore, #tpu.memory_space<semaphore_mem>>)
      %dma_wait3A_442 = arith.constant 2 : i32
      %dma_wait3A_443 = arith.constant 2 : i32
      %dma_wait3A_444 = arith.constant 0 : i32
      %dma_wait3A_445 = arith.constant 0 : i32
      %dma_wait3A_446 = tpu.memref_slice %arg10[%dma_wait3A_443, %dma_wait3A_444, %dma_wait3A_445] : memref<5x80x64xf32, #tpu.memory_space<vmem>> -> memref<1x80x64xf32, #tpu.memory_space<vmem>>
      %dma_wait3A_447 = tpu.memref_squeeze %dma_wait3A_446 : memref<1x80x64xf32, #tpu.memory_space<vmem>> -> memref<80x64xf32, #tpu.memory_space<vmem>>
      %dma_wait3A_448 = arith.constant 0 : i32
      %dma_wait3A_449 = tpu.memref_slice %arg8[%dma_wait3A_442, %dma_wait3A_448] : memref<5x80xi32, #tpu.memory_space<vmem>> -> memref<1x80xi32, #tpu.memory_space<vmem>>
      %dma_wait3A_450 = tpu.memref_squeeze %dma_wait3A_449 : memref<1x80xi32, #tpu.memory_space<vmem>> -> memref<80xi32, #tpu.memory_space<vmem>>
      %dma_wait3A_451 = arith.constant 0 : i32
      %dma_wait3A_452 = arith.constant 0 : i32
      %dma_wait3A_453 = tpu.memref_slice %arg2[%dma_wait3A_451, %dma_wait3A_452] : memref<10000x64xf32, #tpu.memory_space<hbm>> -> memref<10000x64xf32, #tpu.memory_space<hbm>>
      tpu.wait_indirect_dma semaphore(%arg14 : memref<!tpu.dma_semaphore, #tpu.memory_space<semaphore_mem>>) src(%dma_wait3A_453 : memref<10000x64xf32, #tpu.memory_space<hbm>>) dst(%dma_wait3A_447 : memref<80x64xf32, #tpu.memory_space<vmem>>)
      %dma_wait3A_454 = arith.constant 2 : i32
      %dma_wait3A_455 = arith.constant 2 : i32
      %dma_wait3A_456 = arith.constant 0 : i32
      %dma_wait3A_457 = arith.constant 0 : i32
      %dma_wait3A_458 = tpu.memref_slice %arg11[%dma_wait3A_455, %dma_wait3A_456, %dma_wait3A_457] : memref<5x80x64xf32, #tpu.memory_space<vmem>> -> memref<1x80x64xf32, #tpu.memory_space<vmem>>
      %dma_wait3A_459 = tpu.memref_squeeze %dma_wait3A_458 : memref<1x80x64xf32, #tpu.memory_space<vmem>> -> memref<80x64xf32, #tpu.memory_space<vmem>>
      %dma_wait3A_460 = arith.constant 0 : i32
      %dma_wait3A_461 = tpu.memref_slice %arg9[%dma_wait3A_454, %dma_wait3A_460] : memref<5x80xi32, #tpu.memory_space<vmem>> -> memref<1x80xi32, #tpu.memory_space<vmem>>
      %dma_wait3A_462 = tpu.memref_squeeze %dma_wait3A_461 : memref<1x80xi32, #tpu.memory_space<vmem>> -> memref<80xi32, #tpu.memory_space<vmem>>
      %dma_wait3A_463 = arith.constant 0 : i32
      %dma_wait3A_464 = arith.constant 0 : i32
      %dma_wait3A_465 = tpu.memref_slice %arg3[%dma_wait3A_463, %dma_wait3A_464] : memref<10000x64xf32, #tpu.memory_space<hbm>> -> memref<10000x64xf32, #tpu.memory_space<hbm>>
      tpu.wait_indirect_dma semaphore(%arg19 : memref<!tpu.dma_semaphore, #tpu.memory_space<semaphore_mem>>) src(%dma_wait3A_465 : memref<10000x64xf32, #tpu.memory_space<hbm>>) dst(%dma_wait3A_459 : memref<80x64xf32, #tpu.memory_space<vmem>>)
      %add3A_466 = arith.constant 2 : i32
      %add3A_467 = arith.addi %add3A_184, %add3A_466 : i32
      %mul3A_468 = arith.constant 80 : i32
      %mul3A_469 = arith.muli %add3A_467, %mul3A_468 : i32
      %dma_start3A_470 = arith.constant 2 : i32
      %dma_start3A_471 = arith.constant 0 : i32
      %dma_start3A_472 = arith.constant 0 : i32
      %dma_start3A_473 = tpu.memref_slice %arg10[%dma_start3A_470, %dma_start3A_471, %dma_start3A_472] : memref<5x80x64xf32, #tpu.memory_space<vmem>> -> memref<1x80x64xf32, #tpu.memory_space<vmem>>
      %dma_start3A_474 = tpu.memref_squeeze %dma_start3A_473 : memref<1x80x64xf32, #tpu.memory_space<vmem>> -> memref<80x64xf32, #tpu.memory_space<vmem>>
      %dma_start3A_475 = arith.constant 0 : i32
      %dma_start3A_476 = tpu.memref_slice %arg6[%mul3A_469, %dma_start3A_475] : memref<320000x64xf32, #tpu.memory_space<hbm>> -> memref<80x64xf32, #tpu.memory_space<hbm>>
      %dma_start3A_477 = arith.constant 0 : i32
      %dma_start3A_478 = tpu.memref_slice %arg6[%mul3A_469, %dma_start3A_477] : memref<320000x64xf32, #tpu.memory_space<hbm>> -> memref<80x64xf32, #tpu.memory_space<hbm>>
      %dma_start3A_479 = arith.constant 0 : i32
      %dma_start3A_480 = arith.constant 0 : i32
      %dma_start3A_481 = tpu.memref_slice %arg10[%dma_start3A_470, %dma_start3A_479, %dma_start3A_480] : memref<5x80x64xf32, #tpu.memory_space<vmem>> -> memref<1x80x64xf32, #tpu.memory_space<vmem>>
      %dma_start3A_482 = tpu.memref_squeeze %dma_start3A_481 : memref<1x80x64xf32, #tpu.memory_space<vmem>> -> memref<80x64xf32, #tpu.memory_space<vmem>>
      tpu.enqueue_dma source(%dma_start3A_482 : memref<80x64xf32, #tpu.memory_space<vmem>>) target(%dma_start3A_478 : memref<80x64xf32, #tpu.memory_space<hbm>>) target_semaphore(%arg24 : memref<!tpu.dma_semaphore, #tpu.memory_space<semaphore_mem>>)
      %add3A_483 = arith.constant 2 : i32
      %add3A_484 = arith.addi %add3A_184, %add3A_483 : i32
      %mul3A_485 = arith.constant 80 : i32
      %mul3A_486 = arith.muli %add3A_484, %mul3A_485 : i32
      %dma_start3A_487 = arith.constant 2 : i32
      %dma_start3A_488 = arith.constant 0 : i32
      %dma_start3A_489 = arith.constant 0 : i32
      %dma_start3A_490 = tpu.memref_slice %arg11[%dma_start3A_487, %dma_start3A_488, %dma_start3A_489] : memref<5x80x64xf32, #tpu.memory_space<vmem>> -> memref<1x80x64xf32, #tpu.memory_space<vmem>>
      %dma_start3A_491 = tpu.memref_squeeze %dma_start3A_490 : memref<1x80x64xf32, #tpu.memory_space<vmem>> -> memref<80x64xf32, #tpu.memory_space<vmem>>
      %dma_start3A_492 = arith.constant 0 : i32
      %dma_start3A_493 = tpu.memref_slice %arg7[%mul3A_486, %dma_start3A_492] : memref<320000x64xf32, #tpu.memory_space<hbm>> -> memref<80x64xf32, #tpu.memory_space<hbm>>
      %dma_start3A_494 = arith.constant 0 : i32
      %dma_start3A_495 = tpu.memref_slice %arg7[%mul3A_486, %dma_start3A_494] : memref<320000x64xf32, #tpu.memory_space<hbm>> -> memref<80x64xf32, #tpu.memory_space<hbm>>
      %dma_start3A_496 = arith.constant 0 : i32
      %dma_start3A_497 = arith.constant 0 : i32
      %dma_start3A_498 = tpu.memref_slice %arg11[%dma_start3A_487, %dma_start3A_496, %dma_start3A_497] : memref<5x80x64xf32, #tpu.memory_space<vmem>> -> memref<1x80x64xf32, #tpu.memory_space<vmem>>
      %dma_start3A_499 = tpu.memref_squeeze %dma_start3A_498 : memref<1x80x64xf32, #tpu.memory_space<vmem>> -> memref<80x64xf32, #tpu.memory_space<vmem>>
      tpu.enqueue_dma source(%dma_start3A_499 : memref<80x64xf32, #tpu.memory_space<vmem>>) target(%dma_start3A_495 : memref<80x64xf32, #tpu.memory_space<hbm>>) target_semaphore(%arg29 : memref<!tpu.dma_semaphore, #tpu.memory_space<semaphore_mem>>)
      %dma_wait3A_500 = arith.constant 3 : i32
      %dma_wait3A_501 = arith.constant 3 : i32
      %dma_wait3A_502 = arith.constant 0 : i32
      %dma_wait3A_503 = arith.constant 0 : i32
      %dma_wait3A_504 = tpu.memref_slice %arg10[%dma_wait3A_501, %dma_wait3A_502, %dma_wait3A_503] : memref<5x80x64xf32, #tpu.memory_space<vmem>> -> memref<1x80x64xf32, #tpu.memory_space<vmem>>
      %dma_wait3A_505 = tpu.memref_squeeze %dma_wait3A_504 : memref<1x80x64xf32, #tpu.memory_space<vmem>> -> memref<80x64xf32, #tpu.memory_space<vmem>>
      %dma_wait3A_506 = arith.constant 0 : i32
      %dma_wait3A_507 = tpu.memref_slice %arg8[%dma_wait3A_500, %dma_wait3A_506] : memref<5x80xi32, #tpu.memory_space<vmem>> -> memref<1x80xi32, #tpu.memory_space<vmem>>
      %dma_wait3A_508 = tpu.memref_squeeze %dma_wait3A_507 : memref<1x80xi32, #tpu.memory_space<vmem>> -> memref<80xi32, #tpu.memory_space<vmem>>
      %dma_wait3A_509 = arith.constant 0 : i32
      %dma_wait3A_510 = arith.constant 0 : i32
      %dma_wait3A_511 = tpu.memref_slice %arg2[%dma_wait3A_509, %dma_wait3A_510] : memref<10000x64xf32, #tpu.memory_space<hbm>> -> memref<10000x64xf32, #tpu.memory_space<hbm>>
      tpu.wait_indirect_dma semaphore(%arg15 : memref<!tpu.dma_semaphore, #tpu.memory_space<semaphore_mem>>) src(%dma_wait3A_511 : memref<10000x64xf32, #tpu.memory_space<hbm>>) dst(%dma_wait3A_505 : memref<80x64xf32, #tpu.memory_space<vmem>>)
      %dma_wait3A_512 = arith.constant 3 : i32
      %dma_wait3A_513 = arith.constant 3 : i32
      %dma_wait3A_514 = arith.constant 0 : i32
      %dma_wait3A_515 = arith.constant 0 : i32
      %dma_wait3A_516 = tpu.memref_slice %arg11[%dma_wait3A_513, %dma_wait3A_514, %dma_wait3A_515] : memref<5x80x64xf32, #tpu.memory_space<vmem>> -> memref<1x80x64xf32, #tpu.memory_space<vmem>>
      %dma_wait3A_517 = tpu.memref_squeeze %dma_wait3A_516 : memref<1x80x64xf32, #tpu.memory_space<vmem>> -> memref<80x64xf32, #tpu.memory_space<vmem>>
      %dma_wait3A_518 = arith.constant 0 : i32
      %dma_wait3A_519 = tpu.memref_slice %arg9[%dma_wait3A_512, %dma_wait3A_518] : memref<5x80xi32, #tpu.memory_space<vmem>> -> memref<1x80xi32, #tpu.memory_space<vmem>>
      %dma_wait3A_520 = tpu.memref_squeeze %dma_wait3A_519 : memref<1x80xi32, #tpu.memory_space<vmem>> -> memref<80xi32, #tpu.memory_space<vmem>>
      %dma_wait3A_521 = arith.constant 0 : i32
      %dma_wait3A_522 = arith.constant 0 : i32
      %dma_wait3A_523 = tpu.memref_slice %arg3[%dma_wait3A_521, %dma_wait3A_522] : memref<10000x64xf32, #tpu.memory_space<hbm>> -> memref<10000x64xf32, #tpu.memory_space<hbm>>
      tpu.wait_indirect_dma semaphore(%arg20 : memref<!tpu.dma_semaphore, #tpu.memory_space<semaphore_mem>>) src(%dma_wait3A_523 : memref<10000x64xf32, #tpu.memory_space<hbm>>) dst(%dma_wait3A_517 : memref<80x64xf32, #tpu.memory_space<vmem>>)
      %add3A_524 = arith.constant 3 : i32
      %add3A_525 = arith.addi %add3A_184, %add3A_524 : i32
      %mul3A_526 = arith.constant 80 : i32
      %mul3A_527 = arith.muli %add3A_525, %mul3A_526 : i32
      %dma_start3A_528 = arith.constant 3 : i32
      %dma_start3A_529 = arith.constant 0 : i32
      %dma_start3A_530 = arith.constant 0 : i32
      %dma_start3A_531 = tpu.memref_slice %arg10[%dma_start3A_528, %dma_start3A_529, %dma_start3A_530] : memref<5x80x64xf32, #tpu.memory_space<vmem>> -> memref<1x80x64xf32, #tpu.memory_space<vmem>>
      %dma_start3A_532 = tpu.memref_squeeze %dma_start3A_531 : memref<1x80x64xf32, #tpu.memory_space<vmem>> -> memref<80x64xf32, #tpu.memory_space<vmem>>
      %dma_start3A_533 = arith.constant 0 : i32
      %dma_start3A_534 = tpu.memref_slice %arg6[%mul3A_527, %dma_start3A_533] : memref<320000x64xf32, #tpu.memory_space<hbm>> -> memref<80x64xf32, #tpu.memory_space<hbm>>
      %dma_start3A_535 = arith.constant 0 : i32
      %dma_start3A_536 = tpu.memref_slice %arg6[%mul3A_527, %dma_start3A_535] : memref<320000x64xf32, #tpu.memory_space<hbm>> -> memref<80x64xf32, #tpu.memory_space<hbm>>
      %dma_start3A_537 = arith.constant 0 : i32
      %dma_start3A_538 = arith.constant 0 : i32
      %dma_start3A_539 = tpu.memref_slice %arg10[%dma_start3A_528, %dma_start3A_537, %dma_start3A_538] : memref<5x80x64xf32, #tpu.memory_space<vmem>> -> memref<1x80x64xf32, #tpu.memory_space<vmem>>
      %dma_start3A_540 = tpu.memref_squeeze %dma_start3A_539 : memref<1x80x64xf32, #tpu.memory_space<vmem>> -> memref<80x64xf32, #tpu.memory_space<vmem>>
      tpu.enqueue_dma source(%dma_start3A_540 : memref<80x64xf32, #tpu.memory_space<vmem>>) target(%dma_start3A_536 : memref<80x64xf32, #tpu.memory_space<hbm>>) target_semaphore(%arg25 : memref<!tpu.dma_semaphore, #tpu.memory_space<semaphore_mem>>)
      %add3A_541 = arith.constant 3 : i32
      %add3A_542 = arith.addi %add3A_184, %add3A_541 : i32
      %mul3A_543 = arith.constant 80 : i32
      %mul3A_544 = arith.muli %add3A_542, %mul3A_543 : i32
      %dma_start3A_545 = arith.constant 3 : i32
      %dma_start3A_546 = arith.constant 0 : i32
      %dma_start3A_547 = arith.constant 0 : i32
      %dma_start3A_548 = tpu.memref_slice %arg11[%dma_start3A_545, %dma_start3A_546, %dma_start3A_547] : memref<5x80x64xf32, #tpu.memory_space<vmem>> -> memref<1x80x64xf32, #tpu.memory_space<vmem>>
      %dma_start3A_549 = tpu.memref_squeeze %dma_start3A_548 : memref<1x80x64xf32, #tpu.memory_space<vmem>> -> memref<80x64xf32, #tpu.memory_space<vmem>>
      %dma_start3A_550 = arith.constant 0 : i32
      %dma_start3A_551 = tpu.memref_slice %arg7[%mul3A_544, %dma_start3A_550] : memref<320000x64xf32, #tpu.memory_space<hbm>> -> memref<80x64xf32, #tpu.memory_space<hbm>>
      %dma_start3A_552 = arith.constant 0 : i32
      %dma_start3A_553 = tpu.memref_slice %arg7[%mul3A_544, %dma_start3A_552] : memref<320000x64xf32, #tpu.memory_space<hbm>> -> memref<80x64xf32, #tpu.memory_space<hbm>>
      %dma_start3A_554 = arith.constant 0 : i32
      %dma_start3A_555 = arith.constant 0 : i32
      %dma_start3A_556 = tpu.memref_slice %arg11[%dma_start3A_545, %dma_start3A_554, %dma_start3A_555] : memref<5x80x64xf32, #tpu.memory_space<vmem>> -> memref<1x80x64xf32, #tpu.memory_space<vmem>>
      %dma_start3A_557 = tpu.memref_squeeze %dma_start3A_556 : memref<1x80x64xf32, #tpu.memory_space<vmem>> -> memref<80x64xf32, #tpu.memory_space<vmem>>
      tpu.enqueue_dma source(%dma_start3A_557 : memref<80x64xf32, #tpu.memory_space<vmem>>) target(%dma_start3A_553 : memref<80x64xf32, #tpu.memory_space<hbm>>) target_semaphore(%arg30 : memref<!tpu.dma_semaphore, #tpu.memory_space<semaphore_mem>>)
      %dma_wait3A_558 = arith.constant 4 : i32
      %dma_wait3A_559 = arith.constant 4 : i32
      %dma_wait3A_560 = arith.constant 0 : i32
      %dma_wait3A_561 = arith.constant 0 : i32
      %dma_wait3A_562 = tpu.memref_slice %arg10[%dma_wait3A_559, %dma_wait3A_560, %dma_wait3A_561] : memref<5x80x64xf32, #tpu.memory_space<vmem>> -> memref<1x80x64xf32, #tpu.memory_space<vmem>>
      %dma_wait3A_563 = tpu.memref_squeeze %dma_wait3A_562 : memref<1x80x64xf32, #tpu.memory_space<vmem>> -> memref<80x64xf32, #tpu.memory_space<vmem>>
      %dma_wait3A_564 = arith.constant 0 : i32
      %dma_wait3A_565 = tpu.memref_slice %arg8[%dma_wait3A_558, %dma_wait3A_564] : memref<5x80xi32, #tpu.memory_space<vmem>> -> memref<1x80xi32, #tpu.memory_space<vmem>>
      %dma_wait3A_566 = tpu.memref_squeeze %dma_wait3A_565 : memref<1x80xi32, #tpu.memory_space<vmem>> -> memref<80xi32, #tpu.memory_space<vmem>>
      %dma_wait3A_567 = arith.constant 0 : i32
      %dma_wait3A_568 = arith.constant 0 : i32
      %dma_wait3A_569 = tpu.memref_slice %arg2[%dma_wait3A_567, %dma_wait3A_568] : memref<10000x64xf32, #tpu.memory_space<hbm>> -> memref<10000x64xf32, #tpu.memory_space<hbm>>
      tpu.wait_indirect_dma semaphore(%arg16 : memref<!tpu.dma_semaphore, #tpu.memory_space<semaphore_mem>>) src(%dma_wait3A_569 : memref<10000x64xf32, #tpu.memory_space<hbm>>) dst(%dma_wait3A_563 : memref<80x64xf32, #tpu.memory_space<vmem>>)
      %dma_wait3A_570 = arith.constant 4 : i32
      %dma_wait3A_571 = arith.constant 4 : i32
      %dma_wait3A_572 = arith.constant 0 : i32
      %dma_wait3A_573 = arith.constant 0 : i32
      %dma_wait3A_574 = tpu.memref_slice %arg11[%dma_wait3A_571, %dma_wait3A_572, %dma_wait3A_573] : memref<5x80x64xf32, #tpu.memory_space<vmem>> -> memref<1x80x64xf32, #tpu.memory_space<vmem>>
      %dma_wait3A_575 = tpu.memref_squeeze %dma_wait3A_574 : memref<1x80x64xf32, #tpu.memory_space<vmem>> -> memref<80x64xf32, #tpu.memory_space<vmem>>
      %dma_wait3A_576 = arith.constant 0 : i32
      %dma_wait3A_577 = tpu.memref_slice %arg9[%dma_wait3A_570, %dma_wait3A_576] : memref<5x80xi32, #tpu.memory_space<vmem>> -> memref<1x80xi32, #tpu.memory_space<vmem>>
      %dma_wait3A_578 = tpu.memref_squeeze %dma_wait3A_577 : memref<1x80xi32, #tpu.memory_space<vmem>> -> memref<80xi32, #tpu.memory_space<vmem>>
      %dma_wait3A_579 = arith.constant 0 : i32
      %dma_wait3A_580 = arith.constant 0 : i32
      %dma_wait3A_581 = tpu.memref_slice %arg3[%dma_wait3A_579, %dma_wait3A_580] : memref<10000x64xf32, #tpu.memory_space<hbm>> -> memref<10000x64xf32, #tpu.memory_space<hbm>>
      tpu.wait_indirect_dma semaphore(%arg21 : memref<!tpu.dma_semaphore, #tpu.memory_space<semaphore_mem>>) src(%dma_wait3A_581 : memref<10000x64xf32, #tpu.memory_space<hbm>>) dst(%dma_wait3A_575 : memref<80x64xf32, #tpu.memory_space<vmem>>)
      %add3A_582 = arith.constant 4 : i32
      %add3A_583 = arith.addi %add3A_184, %add3A_582 : i32
      %mul3A_584 = arith.constant 80 : i32
      %mul3A_585 = arith.muli %add3A_583, %mul3A_584 : i32
      %dma_start3A_586 = arith.constant 4 : i32
      %dma_start3A_587 = arith.constant 0 : i32
      %dma_start3A_588 = arith.constant 0 : i32
      %dma_start3A_589 = tpu.memref_slice %arg10[%dma_start3A_586, %dma_start3A_587, %dma_start3A_588] : memref<5x80x64xf32, #tpu.memory_space<vmem>> -> memref<1x80x64xf32, #tpu.memory_space<vmem>>
      %dma_start3A_590 = tpu.memref_squeeze %dma_start3A_589 : memref<1x80x64xf32, #tpu.memory_space<vmem>> -> memref<80x64xf32, #tpu.memory_space<vmem>>
      %dma_start3A_591 = arith.constant 0 : i32
      %dma_start3A_592 = tpu.memref_slice %arg6[%mul3A_585, %dma_start3A_591] : memref<320000x64xf32, #tpu.memory_space<hbm>> -> memref<80x64xf32, #tpu.memory_space<hbm>>
      %dma_start3A_593 = arith.constant 0 : i32
      %dma_start3A_594 = tpu.memref_slice %arg6[%mul3A_585, %dma_start3A_593] : memref<320000x64xf32, #tpu.memory_space<hbm>> -> memref<80x64xf32, #tpu.memory_space<hbm>>
      %dma_start3A_595 = arith.constant 0 : i32
      %dma_start3A_596 = arith.constant 0 : i32
      %dma_start3A_597 = tpu.memref_slice %arg10[%dma_start3A_586, %dma_start3A_595, %dma_start3A_596] : memref<5x80x64xf32, #tpu.memory_space<vmem>> -> memref<1x80x64xf32, #tpu.memory_space<vmem>>
      %dma_start3A_598 = tpu.memref_squeeze %dma_start3A_597 : memref<1x80x64xf32, #tpu.memory_space<vmem>> -> memref<80x64xf32, #tpu.memory_space<vmem>>
      tpu.enqueue_dma source(%dma_start3A_598 : memref<80x64xf32, #tpu.memory_space<vmem>>) target(%dma_start3A_594 : memref<80x64xf32, #tpu.memory_space<hbm>>) target_semaphore(%arg26 : memref<!tpu.dma_semaphore, #tpu.memory_space<semaphore_mem>>)
      %add3A_599 = arith.constant 4 : i32
      %add3A_600 = arith.addi %add3A_184, %add3A_599 : i32
      %mul3A_601 = arith.constant 80 : i32
      %mul3A_602 = arith.muli %add3A_600, %mul3A_601 : i32
      %dma_start3A_603 = arith.constant 4 : i32
      %dma_start3A_604 = arith.constant 0 : i32
      %dma_start3A_605 = arith.constant 0 : i32
      %dma_start3A_606 = tpu.memref_slice %arg11[%dma_start3A_603, %dma_start3A_604, %dma_start3A_605] : memref<5x80x64xf32, #tpu.memory_space<vmem>> -> memref<1x80x64xf32, #tpu.memory_space<vmem>>
      %dma_start3A_607 = tpu.memref_squeeze %dma_start3A_606 : memref<1x80x64xf32, #tpu.memory_space<vmem>> -> memref<80x64xf32, #tpu.memory_space<vmem>>
      %dma_start3A_608 = arith.constant 0 : i32
      %dma_start3A_609 = tpu.memref_slice %arg7[%mul3A_602, %dma_start3A_608] : memref<320000x64xf32, #tpu.memory_space<hbm>> -> memref<80x64xf32, #tpu.memory_space<hbm>>
      %dma_start3A_610 = arith.constant 0 : i32
      %dma_start3A_611 = tpu.memref_slice %arg7[%mul3A_602, %dma_start3A_610] : memref<320000x64xf32, #tpu.memory_space<hbm>> -> memref<80x64xf32, #tpu.memory_space<hbm>>
      %dma_start3A_612 = arith.constant 0 : i32
      %dma_start3A_613 = arith.constant 0 : i32
      %dma_start3A_614 = tpu.memref_slice %arg11[%dma_start3A_603, %dma_start3A_612, %dma_start3A_613] : memref<5x80x64xf32, #tpu.memory_space<vmem>> -> memref<1x80x64xf32, #tpu.memory_space<vmem>>
      %dma_start3A_615 = tpu.memref_squeeze %dma_start3A_614 : memref<1x80x64xf32, #tpu.memory_space<vmem>> -> memref<80x64xf32, #tpu.memory_space<vmem>>
      tpu.enqueue_dma source(%dma_start3A_615 : memref<80x64xf32, #tpu.memory_space<vmem>>) target(%dma_start3A_611 : memref<80x64xf32, #tpu.memory_space<hbm>>) target_semaphore(%arg31 : memref<!tpu.dma_semaphore, #tpu.memory_space<semaphore_mem>>)
    }
    %scan3A_5 = arith.constant 25 : i32
    %mul3A_6 = arith.constant 125 : i32
    %mul3A_7 = arith.muli %add3A, %mul3A_6 : i32
    %add3A_8 = arith.constant 120 : i32
    %add3A_9 = arith.addi %mul3A_7, %add3A_8 : i32
    %add3A_10 = arith.constant 0 : i32
    %add3A_11 = arith.addi %add3A_9, %add3A_10 : i32
    %mul3A_12 = arith.constant 80 : i32
    %mul3A_13 = arith.muli %add3A_11, %mul3A_12 : i32
    %dma_wait3A = arith.constant 0 : i32
    %dma_wait3A_14 = arith.constant 0 : i32
    %dma_wait3A_15 = arith.constant 0 : i32
    %dma_wait3A_16 = tpu.memref_slice %arg10[%dma_wait3A, %dma_wait3A_14, %dma_wait3A_15] : memref<5x80x64xf32, #tpu.memory_space<vmem>> -> memref<1x80x64xf32, #tpu.memory_space<vmem>>
    %dma_wait3A_17 = tpu.memref_squeeze %dma_wait3A_16 : memref<1x80x64xf32, #tpu.memory_space<vmem>> -> memref<80x64xf32, #tpu.memory_space<vmem>>
    %dma_wait3A_18 = arith.constant 0 : i32
    %dma_wait3A_19 = tpu.memref_slice %arg6[%mul3A_13, %dma_wait3A_18] : memref<320000x64xf32, #tpu.memory_space<hbm>> -> memref<80x64xf32, #tpu.memory_space<hbm>>
    %dma_wait3A_20 = arith.constant 0 : i32
    %dma_wait3A_21 = tpu.memref_slice %arg6[%mul3A_13, %dma_wait3A_20] : memref<320000x64xf32, #tpu.memory_space<hbm>> -> memref<80x64xf32, #tpu.memory_space<hbm>>
    %dma_wait3A_22 = arith.constant 0 : i32
    %dma_wait3A_23 = arith.constant 0 : i32
    %dma_wait3A_24 = tpu.memref_slice %arg10[%dma_wait3A, %dma_wait3A_22, %dma_wait3A_23] : memref<5x80x64xf32, #tpu.memory_space<vmem>> -> memref<1x80x64xf32, #tpu.memory_space<vmem>>
    %dma_wait3A_25 = tpu.memref_squeeze %dma_wait3A_24 : memref<1x80x64xf32, #tpu.memory_space<vmem>> -> memref<80x64xf32, #tpu.memory_space<vmem>>
    tpu.wait_dma2 semaphore(%arg22 : memref<!tpu.dma_semaphore, #tpu.memory_space<semaphore_mem>>) src(%dma_wait3A_25 : memref<80x64xf32, #tpu.memory_space<vmem>>) dst(%dma_wait3A_21 : memref<80x64xf32, #tpu.memory_space<hbm>>)
    %add3A_26 = arith.constant 0 : i32
    %add3A_27 = arith.addi %add3A_9, %add3A_26 : i32
    %mul3A_28 = arith.constant 80 : i32
    %mul3A_29 = arith.muli %add3A_27, %mul3A_28 : i32
    %dma_wait3A_30 = arith.constant 0 : i32
    %dma_wait3A_31 = arith.constant 0 : i32
    %dma_wait3A_32 = arith.constant 0 : i32
    %dma_wait3A_33 = tpu.memref_slice %arg11[%dma_wait3A_30, %dma_wait3A_31, %dma_wait3A_32] : memref<5x80x64xf32, #tpu.memory_space<vmem>> -> memref<1x80x64xf32, #tpu.memory_space<vmem>>
    %dma_wait3A_34 = tpu.memref_squeeze %dma_wait3A_33 : memref<1x80x64xf32, #tpu.memory_space<vmem>> -> memref<80x64xf32, #tpu.memory_space<vmem>>
    %dma_wait3A_35 = arith.constant 0 : i32
    %dma_wait3A_36 = tpu.memref_slice %arg7[%mul3A_29, %dma_wait3A_35] : memref<320000x64xf32, #tpu.memory_space<hbm>> -> memref<80x64xf32, #tpu.memory_space<hbm>>
    %dma_wait3A_37 = arith.constant 0 : i32
    %dma_wait3A_38 = tpu.memref_slice %arg7[%mul3A_29, %dma_wait3A_37] : memref<320000x64xf32, #tpu.memory_space<hbm>> -> memref<80x64xf32, #tpu.memory_space<hbm>>
    %dma_wait3A_39 = arith.constant 0 : i32
    %dma_wait3A_40 = arith.constant 0 : i32
    %dma_wait3A_41 = tpu.memref_slice %arg11[%dma_wait3A_30, %dma_wait3A_39, %dma_wait3A_40] : memref<5x80x64xf32, #tpu.memory_space<vmem>> -> memref<1x80x64xf32, #tpu.memory_space<vmem>>
    %dma_wait3A_42 = tpu.memref_squeeze %dma_wait3A_41 : memref<1x80x64xf32, #tpu.memory_space<vmem>> -> memref<80x64xf32, #tpu.memory_space<vmem>>
    tpu.wait_dma2 semaphore(%arg27 : memref<!tpu.dma_semaphore, #tpu.memory_space<semaphore_mem>>) src(%dma_wait3A_42 : memref<80x64xf32, #tpu.memory_space<vmem>>) dst(%dma_wait3A_38 : memref<80x64xf32, #tpu.memory_space<hbm>>)
    %add3A_43 = arith.constant 1 : i32
    %add3A_44 = arith.addi %add3A_9, %add3A_43 : i32
    %mul3A_45 = arith.constant 80 : i32
    %mul3A_46 = arith.muli %add3A_44, %mul3A_45 : i32
    %dma_wait3A_47 = arith.constant 1 : i32
    %dma_wait3A_48 = arith.constant 0 : i32
    %dma_wait3A_49 = arith.constant 0 : i32
    %dma_wait3A_50 = tpu.memref_slice %arg10[%dma_wait3A_47, %dma_wait3A_48, %dma_wait3A_49] : memref<5x80x64xf32, #tpu.memory_space<vmem>> -> memref<1x80x64xf32, #tpu.memory_space<vmem>>
    %dma_wait3A_51 = tpu.memref_squeeze %dma_wait3A_50 : memref<1x80x64xf32, #tpu.memory_space<vmem>> -> memref<80x64xf32, #tpu.memory_space<vmem>>
    %dma_wait3A_52 = arith.constant 0 : i32
    %dma_wait3A_53 = tpu.memref_slice %arg6[%mul3A_46, %dma_wait3A_52] : memref<320000x64xf32, #tpu.memory_space<hbm>> -> memref<80x64xf32, #tpu.memory_space<hbm>>
    %dma_wait3A_54 = arith.constant 0 : i32
    %dma_wait3A_55 = tpu.memref_slice %arg6[%mul3A_46, %dma_wait3A_54] : memref<320000x64xf32, #tpu.memory_space<hbm>> -> memref<80x64xf32, #tpu.memory_space<hbm>>
    %dma_wait3A_56 = arith.constant 0 : i32
    %dma_wait3A_57 = arith.constant 0 : i32
    %dma_wait3A_58 = tpu.memref_slice %arg10[%dma_wait3A_47, %dma_wait3A_56, %dma_wait3A_57] : memref<5x80x64xf32, #tpu.memory_space<vmem>> -> memref<1x80x64xf32, #tpu.memory_space<vmem>>
    %dma_wait3A_59 = tpu.memref_squeeze %dma_wait3A_58 : memref<1x80x64xf32, #tpu.memory_space<vmem>> -> memref<80x64xf32, #tpu.memory_space<vmem>>
    tpu.wait_dma2 semaphore(%arg23 : memref<!tpu.dma_semaphore, #tpu.memory_space<semaphore_mem>>) src(%dma_wait3A_59 : memref<80x64xf32, #tpu.memory_space<vmem>>) dst(%dma_wait3A_55 : memref<80x64xf32, #tpu.memory_space<hbm>>)
    %add3A_60 = arith.constant 1 : i32
    %add3A_61 = arith.addi %add3A_9, %add3A_60 : i32
    %mul3A_62 = arith.constant 80 : i32
    %mul3A_63 = arith.muli %add3A_61, %mul3A_62 : i32
    %dma_wait3A_64 = arith.constant 1 : i32
    %dma_wait3A_65 = arith.constant 0 : i32
    %dma_wait3A_66 = arith.constant 0 : i32
    %dma_wait3A_67 = tpu.memref_slice %arg11[%dma_wait3A_64, %dma_wait3A_65, %dma_wait3A_66] : memref<5x80x64xf32, #tpu.memory_space<vmem>> -> memref<1x80x64xf32, #tpu.memory_space<vmem>>
    %dma_wait3A_68 = tpu.memref_squeeze %dma_wait3A_67 : memref<1x80x64xf32, #tpu.memory_space<vmem>> -> memref<80x64xf32, #tpu.memory_space<vmem>>
    %dma_wait3A_69 = arith.constant 0 : i32
    %dma_wait3A_70 = tpu.memref_slice %arg7[%mul3A_63, %dma_wait3A_69] : memref<320000x64xf32, #tpu.memory_space<hbm>> -> memref<80x64xf32, #tpu.memory_space<hbm>>
    %dma_wait3A_71 = arith.constant 0 : i32
    %dma_wait3A_72 = tpu.memref_slice %arg7[%mul3A_63, %dma_wait3A_71] : memref<320000x64xf32, #tpu.memory_space<hbm>> -> memref<80x64xf32, #tpu.memory_space<hbm>>
    %dma_wait3A_73 = arith.constant 0 : i32
    %dma_wait3A_74 = arith.constant 0 : i32
    %dma_wait3A_75 = tpu.memref_slice %arg11[%dma_wait3A_64, %dma_wait3A_73, %dma_wait3A_74] : memref<5x80x64xf32, #tpu.memory_space<vmem>> -> memref<1x80x64xf32, #tpu.memory_space<vmem>>
    %dma_wait3A_76 = tpu.memref_squeeze %dma_wait3A_75 : memref<1x80x64xf32, #tpu.memory_space<vmem>> -> memref<80x64xf32, #tpu.memory_space<vmem>>
    tpu.wait_dma2 semaphore(%arg28 : memref<!tpu.dma_semaphore, #tpu.memory_space<semaphore_mem>>) src(%dma_wait3A_76 : memref<80x64xf32, #tpu.memory_space<vmem>>) dst(%dma_wait3A_72 : memref<80x64xf32, #tpu.memory_space<hbm>>)
    %add3A_77 = arith.constant 2 : i32
    %add3A_78 = arith.addi %add3A_9, %add3A_77 : i32
    %mul3A_79 = arith.constant 80 : i32
    %mul3A_80 = arith.muli %add3A_78, %mul3A_79 : i32
    %dma_wait3A_81 = arith.constant 2 : i32
    %dma_wait3A_82 = arith.constant 0 : i32
    %dma_wait3A_83 = arith.constant 0 : i32
    %dma_wait3A_84 = tpu.memref_slice %arg10[%dma_wait3A_81, %dma_wait3A_82, %dma_wait3A_83] : memref<5x80x64xf32, #tpu.memory_space<vmem>> -> memref<1x80x64xf32, #tpu.memory_space<vmem>>
    %dma_wait3A_85 = tpu.memref_squeeze %dma_wait3A_84 : memref<1x80x64xf32, #tpu.memory_space<vmem>> -> memref<80x64xf32, #tpu.memory_space<vmem>>
    %dma_wait3A_86 = arith.constant 0 : i32
    %dma_wait3A_87 = tpu.memref_slice %arg6[%mul3A_80, %dma_wait3A_86] : memref<320000x64xf32, #tpu.memory_space<hbm>> -> memref<80x64xf32, #tpu.memory_space<hbm>>
    %dma_wait3A_88 = arith.constant 0 : i32
    %dma_wait3A_89 = tpu.memref_slice %arg6[%mul3A_80, %dma_wait3A_88] : memref<320000x64xf32, #tpu.memory_space<hbm>> -> memref<80x64xf32, #tpu.memory_space<hbm>>
    %dma_wait3A_90 = arith.constant 0 : i32
    %dma_wait3A_91 = arith.constant 0 : i32
    %dma_wait3A_92 = tpu.memref_slice %arg10[%dma_wait3A_81, %dma_wait3A_90, %dma_wait3A_91] : memref<5x80x64xf32, #tpu.memory_space<vmem>> -> memref<1x80x64xf32, #tpu.memory_space<vmem>>
    %dma_wait3A_93 = tpu.memref_squeeze %dma_wait3A_92 : memref<1x80x64xf32, #tpu.memory_space<vmem>> -> memref<80x64xf32, #tpu.memory_space<vmem>>
    tpu.wait_dma2 semaphore(%arg24 : memref<!tpu.dma_semaphore, #tpu.memory_space<semaphore_mem>>) src(%dma_wait3A_93 : memref<80x64xf32, #tpu.memory_space<vmem>>) dst(%dma_wait3A_89 : memref<80x64xf32, #tpu.memory_space<hbm>>)
    %add3A_94 = arith.constant 2 : i32
    %add3A_95 = arith.addi %add3A_9, %add3A_94 : i32
    %mul3A_96 = arith.constant 80 : i32
    %mul3A_97 = arith.muli %add3A_95, %mul3A_96 : i32
    %dma_wait3A_98 = arith.constant 2 : i32
    %dma_wait3A_99 = arith.constant 0 : i32
    %dma_wait3A_100 = arith.constant 0 : i32
    %dma_wait3A_101 = tpu.memref_slice %arg11[%dma_wait3A_98, %dma_wait3A_99, %dma_wait3A_100] : memref<5x80x64xf32, #tpu.memory_space<vmem>> -> memref<1x80x64xf32, #tpu.memory_space<vmem>>
    %dma_wait3A_102 = tpu.memref_squeeze %dma_wait3A_101 : memref<1x80x64xf32, #tpu.memory_space<vmem>> -> memref<80x64xf32, #tpu.memory_space<vmem>>
    %dma_wait3A_103 = arith.constant 0 : i32
    %dma_wait3A_104 = tpu.memref_slice %arg7[%mul3A_97, %dma_wait3A_103] : memref<320000x64xf32, #tpu.memory_space<hbm>> -> memref<80x64xf32, #tpu.memory_space<hbm>>
    %dma_wait3A_105 = arith.constant 0 : i32
    %dma_wait3A_106 = tpu.memref_slice %arg7[%mul3A_97, %dma_wait3A_105] : memref<320000x64xf32, #tpu.memory_space<hbm>> -> memref<80x64xf32, #tpu.memory_space<hbm>>
    %dma_wait3A_107 = arith.constant 0 : i32
    %dma_wait3A_108 = arith.constant 0 : i32
    %dma_wait3A_109 = tpu.memref_slice %arg11[%dma_wait3A_98, %dma_wait3A_107, %dma_wait3A_108] : memref<5x80x64xf32, #tpu.memory_space<vmem>> -> memref<1x80x64xf32, #tpu.memory_space<vmem>>
    %dma_wait3A_110 = tpu.memref_squeeze %dma_wait3A_109 : memref<1x80x64xf32, #tpu.memory_space<vmem>> -> memref<80x64xf32, #tpu.memory_space<vmem>>
    tpu.wait_dma2 semaphore(%arg29 : memref<!tpu.dma_semaphore, #tpu.memory_space<semaphore_mem>>) src(%dma_wait3A_110 : memref<80x64xf32, #tpu.memory_space<vmem>>) dst(%dma_wait3A_106 : memref<80x64xf32, #tpu.memory_space<hbm>>)
    %add3A_111 = arith.constant 3 : i32
    %add3A_112 = arith.addi %add3A_9, %add3A_111 : i32
    %mul3A_113 = arith.constant 80 : i32
    %mul3A_114 = arith.muli %add3A_112, %mul3A_113 : i32
    %dma_wait3A_115 = arith.constant 3 : i32
    %dma_wait3A_116 = arith.constant 0 : i32
    %dma_wait3A_117 = arith.constant 0 : i32
    %dma_wait3A_118 = tpu.memref_slice %arg10[%dma_wait3A_115, %dma_wait3A_116, %dma_wait3A_117] : memref<5x80x64xf32, #tpu.memory_space<vmem>> -> memref<1x80x64xf32, #tpu.memory_space<vmem>>
    %dma_wait3A_119 = tpu.memref_squeeze %dma_wait3A_118 : memref<1x80x64xf32, #tpu.memory_space<vmem>> -> memref<80x64xf32, #tpu.memory_space<vmem>>
    %dma_wait3A_120 = arith.constant 0 : i32
    %dma_wait3A_121 = tpu.memref_slice %arg6[%mul3A_114, %dma_wait3A_120] : memref<320000x64xf32, #tpu.memory_space<hbm>> -> memref<80x64xf32, #tpu.memory_space<hbm>>
    %dma_wait3A_122 = arith.constant 0 : i32
    %dma_wait3A_123 = tpu.memref_slice %arg6[%mul3A_114, %dma_wait3A_122] : memref<320000x64xf32, #tpu.memory_space<hbm>> -> memref<80x64xf32, #tpu.memory_space<hbm>>
    %dma_wait3A_124 = arith.constant 0 : i32
    %dma_wait3A_125 = arith.constant 0 : i32
    %dma_wait3A_126 = tpu.memref_slice %arg10[%dma_wait3A_115, %dma_wait3A_124, %dma_wait3A_125] : memref<5x80x64xf32, #tpu.memory_space<vmem>> -> memref<1x80x64xf32, #tpu.memory_space<vmem>>
    %dma_wait3A_127 = tpu.memref_squeeze %dma_wait3A_126 : memref<1x80x64xf32, #tpu.memory_space<vmem>> -> memref<80x64xf32, #tpu.memory_space<vmem>>
    tpu.wait_dma2 semaphore(%arg25 : memref<!tpu.dma_semaphore, #tpu.memory_space<semaphore_mem>>) src(%dma_wait3A_127 : memref<80x64xf32, #tpu.memory_space<vmem>>) dst(%dma_wait3A_123 : memref<80x64xf32, #tpu.memory_space<hbm>>)
    %add3A_128 = arith.constant 3 : i32
    %add3A_129 = arith.addi %add3A_9, %add3A_128 : i32
    %mul3A_130 = arith.constant 80 : i32
    %mul3A_131 = arith.muli %add3A_129, %mul3A_130 : i32
    %dma_wait3A_132 = arith.constant 3 : i32
    %dma_wait3A_133 = arith.constant 0 : i32
    %dma_wait3A_134 = arith.constant 0 : i32
    %dma_wait3A_135 = tpu.memref_slice %arg11[%dma_wait3A_132, %dma_wait3A_133, %dma_wait3A_134] : memref<5x80x64xf32, #tpu.memory_space<vmem>> -> memref<1x80x64xf32, #tpu.memory_space<vmem>>
    %dma_wait3A_136 = tpu.memref_squeeze %dma_wait3A_135 : memref<1x80x64xf32, #tpu.memory_space<vmem>> -> memref<80x64xf32, #tpu.memory_space<vmem>>
    %dma_wait3A_137 = arith.constant 0 : i32
    %dma_wait3A_138 = tpu.memref_slice %arg7[%mul3A_131, %dma_wait3A_137] : memref<320000x64xf32, #tpu.memory_space<hbm>> -> memref<80x64xf32, #tpu.memory_space<hbm>>
    %dma_wait3A_139 = arith.constant 0 : i32
    %dma_wait3A_140 = tpu.memref_slice %arg7[%mul3A_131, %dma_wait3A_139] : memref<320000x64xf32, #tpu.memory_space<hbm>> -> memref<80x64xf32, #tpu.memory_space<hbm>>
    %dma_wait3A_141 = arith.constant 0 : i32
    %dma_wait3A_142 = arith.constant 0 : i32
    %dma_wait3A_143 = tpu.memref_slice %arg11[%dma_wait3A_132, %dma_wait3A_141, %dma_wait3A_142] : memref<5x80x64xf32, #tpu.memory_space<vmem>> -> memref<1x80x64xf32, #tpu.memory_space<vmem>>
    %dma_wait3A_144 = tpu.memref_squeeze %dma_wait3A_143 : memref<1x80x64xf32, #tpu.memory_space<vmem>> -> memref<80x64xf32, #tpu.memory_space<vmem>>
    tpu.wait_dma2 semaphore(%arg30 : memref<!tpu.dma_semaphore, #tpu.memory_space<semaphore_mem>>) src(%dma_wait3A_144 : memref<80x64xf32, #tpu.memory_space<vmem>>) dst(%dma_wait3A_140 : memref<80x64xf32, #tpu.memory_space<hbm>>)
    %add3A_145 = arith.constant 4 : i32
    %add3A_146 = arith.addi %add3A_9, %add3A_145 : i32
    %mul3A_147 = arith.constant 80 : i32
    %mul3A_148 = arith.muli %add3A_146, %mul3A_147 : i32
    %dma_wait3A_149 = arith.constant 4 : i32
    %dma_wait3A_150 = arith.constant 0 : i32
    %dma_wait3A_151 = arith.constant 0 : i32
    %dma_wait3A_152 = tpu.memref_slice %arg10[%dma_wait3A_149, %dma_wait3A_150, %dma_wait3A_151] : memref<5x80x64xf32, #tpu.memory_space<vmem>> -> memref<1x80x64xf32, #tpu.memory_space<vmem>>
    %dma_wait3A_153 = tpu.memref_squeeze %dma_wait3A_152 : memref<1x80x64xf32, #tpu.memory_space<vmem>> -> memref<80x64xf32, #tpu.memory_space<vmem>>
    %dma_wait3A_154 = arith.constant 0 : i32
    %dma_wait3A_155 = tpu.memref_slice %arg6[%mul3A_148, %dma_wait3A_154] : memref<320000x64xf32, #tpu.memory_space<hbm>> -> memref<80x64xf32, #tpu.memory_space<hbm>>
    %dma_wait3A_156 = arith.constant 0 : i32
    %dma_wait3A_157 = tpu.memref_slice %arg6[%mul3A_148, %dma_wait3A_156] : memref<320000x64xf32, #tpu.memory_space<hbm>> -> memref<80x64xf32, #tpu.memory_space<hbm>>
    %dma_wait3A_158 = arith.constant 0 : i32
    %dma_wait3A_159 = arith.constant 0 : i32
    %dma_wait3A_160 = tpu.memref_slice %arg10[%dma_wait3A_149, %dma_wait3A_158, %dma_wait3A_159] : memref<5x80x64xf32, #tpu.memory_space<vmem>> -> memref<1x80x64xf32, #tpu.memory_space<vmem>>
    %dma_wait3A_161 = tpu.memref_squeeze %dma_wait3A_160 : memref<1x80x64xf32, #tpu.memory_space<vmem>> -> memref<80x64xf32, #tpu.memory_space<vmem>>
    tpu.wait_dma2 semaphore(%arg26 : memref<!tpu.dma_semaphore, #tpu.memory_space<semaphore_mem>>) src(%dma_wait3A_161 : memref<80x64xf32, #tpu.memory_space<vmem>>) dst(%dma_wait3A_157 : memref<80x64xf32, #tpu.memory_space<hbm>>)
    %add3A_162 = arith.constant 4 : i32
    %add3A_163 = arith.addi %add3A_9, %add3A_162 : i32
    %mul3A_164 = arith.constant 80 : i32
    %mul3A_165 = arith.muli %add3A_163, %mul3A_164 : i32
    %dma_wait3A_166 = arith.constant 4 : i32
    %dma_wait3A_167 = arith.constant 0 : i32
    %dma_wait3A_168 = arith.constant 0 : i32
    %dma_wait3A_169 = tpu.memref_slice %arg11[%dma_wait3A_166, %dma_wait3A_167, %dma_wait3A_168] : memref<5x80x64xf32, #tpu.memory_space<vmem>> -> memref<1x80x64xf32, #tpu.memory_space<vmem>>
    %dma_wait3A_170 = tpu.memref_squeeze %dma_wait3A_169 : memref<1x80x64xf32, #tpu.memory_space<vmem>> -> memref<80x64xf32, #tpu.memory_space<vmem>>
    %dma_wait3A_171 = arith.constant 0 : i32
    %dma_wait3A_172 = tpu.memref_slice %arg7[%mul3A_165, %dma_wait3A_171] : memref<320000x64xf32, #tpu.memory_space<hbm>> -> memref<80x64xf32, #tpu.memory_space<hbm>>
    %dma_wait3A_173 = arith.constant 0 : i32
    %dma_wait3A_174 = tpu.memref_slice %arg7[%mul3A_165, %dma_wait3A_173] : memref<320000x64xf32, #tpu.memory_space<hbm>> -> memref<80x64xf32, #tpu.memory_space<hbm>>
    %dma_wait3A_175 = arith.constant 0 : i32
    %dma_wait3A_176 = arith.constant 0 : i32
    %dma_wait3A_177 = tpu.memref_slice %arg11[%dma_wait3A_166, %dma_wait3A_175, %dma_wait3A_176] : memref<5x80x64xf32, #tpu.memory_space<vmem>> -> memref<1x80x64xf32, #tpu.memory_space<vmem>>
    %dma_wait3A_178 = tpu.memref_squeeze %dma_wait3A_177 : memref<1x80x64xf32, #tpu.memory_space<vmem>> -> memref<80x64xf32, #tpu.memory_space<vmem>>
    tpu.wait_dma2 semaphore(%arg31 : memref<!tpu.dma_semaphore, #tpu.memory_space<semaphore_mem>>) src(%dma_wait3A_178 : memref<80x64xf32, #tpu.memory_space<vmem>>) dst(%dma_wait3A_174 : memref<80x64xf32, #tpu.memory_space<hbm>>)
    return
  }
}

#map = affine_map<(d0, d1) -> (0, 0)>
module attributes {stable_mosaic.version = 14 : i64} {
  func.func @_edge_gather_body(%arg0: i32, %arg1: i32, %arg2: memref<10000x64xf32, #tpu.memory_space<hbm>>, %arg3: memref<10000x64xf32, #tpu.memory_space<hbm>>, %arg4: memref<4000x80xi32, #tpu.memory_space<hbm>>, %arg5: memref<4000x80xi32, #tpu.memory_space<hbm>>, %arg6: memref<320000x64xf32, #tpu.memory_space<hbm>>, %arg7: memref<320000x64xf32, #tpu.memory_space<hbm>>, %arg8: memref<5x80xi32, #tpu.memory_space<vmem>>, %arg9: memref<5x80xi32, #tpu.memory_space<vmem>>, %arg10: memref<5x80x64xf32, #tpu.memory_space<vmem>>, %arg11: memref<5x80x64xf32, #tpu.memory_space<vmem>>, %arg12: memref<!tpu.dma_semaphore, #tpu.memory_space<semaphore_mem>>, %arg13: memref<!tpu.dma_semaphore, #tpu.memory_space<semaphore_mem>>, %arg14: memref<!tpu.dma_semaphore, #tpu.memory_space<semaphore_mem>>, %arg15: memref<!tpu.dma_semaphore, #tpu.memory_space<semaphore_mem>>, %arg16: memref<!tpu.dma_semaphore, #tpu.memory_space<semaphore_mem>>, %arg17: memref<!tpu.dma_semaphore, #tpu.memory_space<semaphore_mem>>, %arg18: memref<!tpu.dma_semaphore, #tpu.memory_space<semaphore_mem>>, %arg19: memref<!tpu.dma_semaphore, #tpu.memory_space<semaphore_mem>>, %arg20: memref<!tpu.dma_semaphore, #tpu.memory_space<semaphore_mem>>, %arg21: memref<!tpu.dma_semaphore, #tpu.memory_space<semaphore_mem>>, %arg22: memref<!tpu.dma_semaphore, #tpu.memory_space<semaphore_mem>>, %arg23: memref<!tpu.dma_semaphore, #tpu.memory_space<semaphore_mem>>, %arg24: memref<!tpu.dma_semaphore, #tpu.memory_space<semaphore_mem>>, %arg25: memref<!tpu.dma_semaphore, #tpu.memory_space<semaphore_mem>>, %arg26: memref<!tpu.dma_semaphore, #tpu.memory_space<semaphore_mem>>, %arg27: memref<!tpu.dma_semaphore, #tpu.memory_space<semaphore_mem>>, %arg28: memref<!tpu.dma_semaphore, #tpu.memory_space<semaphore_mem>>, %arg29: memref<!tpu.dma_semaphore, #tpu.memory_space<semaphore_mem>>, %arg30: memref<!tpu.dma_semaphore, #tpu.memory_space<semaphore_mem>>, %arg31: memref<!tpu.dma_semaphore, #tpu.memory_space<semaphore_mem>>) attributes {dimension_semantics = [#tpu.dimension_semantics<core_parallel>, #tpu.dimension_semantics<subcore_parallel>], iteration_bounds = array<i64: 2, 16>, scalar_prefetch = 0 : i64, scratch_operands = 24 : i64, tpu.core_type = #tpu.core_type<sc_vector_subcore>, window_params = [{transform_indices = #map}, {transform_indices = #map}, {transform_indices = #map}, {transform_indices = #map}, {transform_indices = #map}, {transform_indices = #map}]} {
    %mul3A = arith.constant 2 : i32
    %mul3A_0 = arith.muli %arg1, %mul3A : i32
    %add3A = arith.addi %mul3A_0, %arg0 : i32
    %scan3A = arith.constant 0 : i32
    %scan3A_1 = arith.constant 0 : i32
    %scan3A_2 = arith.constant 25 : i32
    %scan3A_3 = arith.addi %scan3A_1, %scan3A_2 : i32
    %scan3A_4 = arith.constant 1 : i32
    scf.for %scan3A_179 = %scan3A_1 to %scan3A_3 step %scan3A_4  : i32 {
      %mul3A_180 = arith.constant 125 : i32
      %mul3A_181 = arith.muli %add3A, %mul3A_180 : i32
      %mul3A_182 = arith.constant 5 : i32
      %mul3A_183 = arith.muli %scan3A_179, %mul3A_182 : i32
      %add3A_184 = arith.addi %mul3A_181, %mul3A_183 : i32
      "tpu.region"() ({
        %run_scoped3A = tpu.sem_alloc : memref<!tpu.dma_semaphore, #tpu.memory_space<semaphore_mem>>
        %dma_start3A_616 = arith.constant 0 : i32
        %dma_start3A_617 = tpu.memref_slice %arg4[%add3A_184, %dma_start3A_616] : memref<4000x80xi32, #tpu.memory_space<hbm>> -> memref<5x80xi32, #tpu.memory_space<hbm>>
        %dma_start3A_618 = arith.constant 0 : i32
        %dma_start3A_619 = tpu.memref_slice %arg4[%add3A_184, %dma_start3A_618] : memref<4000x80xi32, #tpu.memory_space<hbm>> -> memref<5x80xi32, #tpu.memory_space<hbm>>
        tpu.enqueue_dma source(%dma_start3A_619 : memref<5x80xi32, #tpu.memory_space<hbm>>) target(%arg8 : memref<5x80xi32, #tpu.memory_space<vmem>>) target_semaphore(%run_scoped3A : memref<!tpu.dma_semaphore, #tpu.memory_space<semaphore_mem>>)
        %dma_wait3A_620 = arith.constant 0 : i32
        %dma_wait3A_621 = tpu.memref_slice %arg4[%add3A_184, %dma_wait3A_620] : memref<4000x80xi32, #tpu.memory_space<hbm>> -> memref<5x80xi32, #tpu.memory_space<hbm>>
        %dma_wait3A_622 = arith.constant 0 : i32
        %dma_wait3A_623 = tpu.memref_slice %arg4[%add3A_184, %dma_wait3A_622] : memref<4000x80xi32, #tpu.memory_space<hbm>> -> memref<5x80xi32, #tpu.memory_space<hbm>>
        tpu.wait_dma2 semaphore(%run_scoped3A : memref<!tpu.dma_semaphore, #tpu.memory_space<semaphore_mem>>) src(%dma_wait3A_623 : memref<5x80xi32, #tpu.memory_space<hbm>>) dst(%arg8 : memref<5x80xi32, #tpu.memory_space<vmem>>)
        tpu.yield
      }) : () -> ()
      "tpu.region"() ({
        %run_scoped3A = tpu.sem_alloc : memref<!tpu.dma_semaphore, #tpu.memory_space<semaphore_mem>>
        %dma_start3A_616 = arith.constant 0 : i32
        %dma_start3A_617 = tpu.memref_slice %arg5[%add3A_184, %dma_start3A_616] : memref<4000x80xi32, #tpu.memory_space<hbm>> -> memref<5x80xi32, #tpu.memory_space<hbm>>
        %dma_start3A_618 = arith.constant 0 : i32
        %dma_start3A_619 = tpu.memref_slice %arg5[%add3A_184, %dma_start3A_618] : memref<4000x80xi32, #tpu.memory_space<hbm>> -> memref<5x80xi32, #tpu.memory_space<hbm>>
        tpu.enqueue_dma source(%dma_start3A_619 : memref<5x80xi32, #tpu.memory_space<hbm>>) target(%arg9 : memref<5x80xi32, #tpu.memory_space<vmem>>) target_semaphore(%run_scoped3A : memref<!tpu.dma_semaphore, #tpu.memory_space<semaphore_mem>>)
        %dma_wait3A_620 = arith.constant 0 : i32
        %dma_wait3A_621 = tpu.memref_slice %arg5[%add3A_184, %dma_wait3A_620] : memref<4000x80xi32, #tpu.memory_space<hbm>> -> memref<5x80xi32, #tpu.memory_space<hbm>>
        %dma_wait3A_622 = arith.constant 0 : i32
        %dma_wait3A_623 = tpu.memref_slice %arg5[%add3A_184, %dma_wait3A_622] : memref<4000x80xi32, #tpu.memory_space<hbm>> -> memref<5x80xi32, #tpu.memory_space<hbm>>
        tpu.wait_dma2 semaphore(%run_scoped3A : memref<!tpu.dma_semaphore, #tpu.memory_space<semaphore_mem>>) src(%dma_wait3A_623 : memref<5x80xi32, #tpu.memory_space<hbm>>) dst(%arg9 : memref<5x80xi32, #tpu.memory_space<vmem>>)
        tpu.yield
      }) : () -> ()
      %gt3A = arith.constant 0 : i32
      %gt3A_185 = arith.cmpi sgt, %scan3A_179, %gt3A : i32
      %convert_element_type3A = arith.extui %gt3A_185 : i1 to i32
      %cond3A = arith.constant 0 : i32
      %cond3A_186 = arith.cmpi ne, %convert_element_type3A, %cond3A : i32
      scf.if %cond3A_186 {
        %add3A_616 = arith.constant 0 : i32
        %add3A_617 = arith.addi %add3A_184, %add3A_616 : i32
        %mul3A_618 = arith.constant 80 : i32
        %mul3A_619 = arith.muli %add3A_617, %mul3A_618 : i32
        %dma_wait3A_620 = arith.constant 0 : i32
        %dma_wait3A_621 = arith.constant 0 : i32
        %dma_wait3A_622 = arith.constant 0 : i32
        %dma_wait3A_623 = tpu.memref_slice %arg10[%dma_wait3A_620, %dma_wait3A_621, %dma_wait3A_622] : memref<5x80x64xf32, #tpu.memory_space<vmem>> -> memref<1x80x64xf32, #tpu.memory_space<vmem>>
        %dma_wait3A_624 = tpu.memref_squeeze %dma_wait3A_623 : memref<1x80x64xf32, #tpu.memory_space<vmem>> -> memref<80x64xf32, #tpu.memory_space<vmem>>
        %dma_wait3A_625 = arith.constant 0 : i32
        %dma_wait3A_626 = tpu.memref_slice %arg6[%mul3A_619, %dma_wait3A_625] : memref<320000x64xf32, #tpu.memory_space<hbm>> -> memref<80x64xf32, #tpu.memory_space<hbm>>
        %dma_wait3A_627 = arith.constant 0 : i32
        %dma_wait3A_628 = tpu.memref_slice %arg6[%mul3A_619, %dma_wait3A_627] : memref<320000x64xf32, #tpu.memory_space<hbm>> -> memref<80x64xf32, #tpu.memory_space<hbm>>
        %dma_wait3A_629 = arith.constant 0 : i32
        %dma_wait3A_630 = arith.constant 0 : i32
        %dma_wait3A_631 = tpu.memref_slice %arg10[%dma_wait3A_620, %dma_wait3A_629, %dma_wait3A_630] : memref<5x80x64xf32, #tpu.memory_space<vmem>> -> memref<1x80x64xf32, #tpu.memory_space<vmem>>
        %dma_wait3A_632 = tpu.memref_squeeze %dma_wait3A_631 : memref<1x80x64xf32, #tpu.memory_space<vmem>> -> memref<80x64xf32, #tpu.memory_space<vmem>>
        tpu.wait_dma2 semaphore(%arg22 : memref<!tpu.dma_semaphore, #tpu.memory_space<semaphore_mem>>) src(%dma_wait3A_632 : memref<80x64xf32, #tpu.memory_space<vmem>>) dst(%dma_wait3A_628 : memref<80x64xf32, #tpu.memory_space<hbm>>)
        %add3A_633 = arith.constant 0 : i32
        %add3A_634 = arith.addi %add3A_184, %add3A_633 : i32
        %mul3A_635 = arith.constant 80 : i32
        %mul3A_636 = arith.muli %add3A_634, %mul3A_635 : i32
        %dma_wait3A_637 = arith.constant 0 : i32
        %dma_wait3A_638 = arith.constant 0 : i32
        %dma_wait3A_639 = arith.constant 0 : i32
        %dma_wait3A_640 = tpu.memref_slice %arg11[%dma_wait3A_637, %dma_wait3A_638, %dma_wait3A_639] : memref<5x80x64xf32, #tpu.memory_space<vmem>> -> memref<1x80x64xf32, #tpu.memory_space<vmem>>
        %dma_wait3A_641 = tpu.memref_squeeze %dma_wait3A_640 : memref<1x80x64xf32, #tpu.memory_space<vmem>> -> memref<80x64xf32, #tpu.memory_space<vmem>>
        %dma_wait3A_642 = arith.constant 0 : i32
        %dma_wait3A_643 = tpu.memref_slice %arg7[%mul3A_636, %dma_wait3A_642] : memref<320000x64xf32, #tpu.memory_space<hbm>> -> memref<80x64xf32, #tpu.memory_space<hbm>>
        %dma_wait3A_644 = arith.constant 0 : i32
        %dma_wait3A_645 = tpu.memref_slice %arg7[%mul3A_636, %dma_wait3A_644] : memref<320000x64xf32, #tpu.memory_space<hbm>> -> memref<80x64xf32, #tpu.memory_space<hbm>>
        %dma_wait3A_646 = arith.constant 0 : i32
        %dma_wait3A_647 = arith.constant 0 : i32
        %dma_wait3A_648 = tpu.memref_slice %arg11[%dma_wait3A_637, %dma_wait3A_646, %dma_wait3A_647] : memref<5x80x64xf32, #tpu.memory_space<vmem>> -> memref<1x80x64xf32, #tpu.memory_space<vmem>>
        %dma_wait3A_649 = tpu.memref_squeeze %dma_wait3A_648 : memref<1x80x64xf32, #tpu.memory_space<vmem>> -> memref<80x64xf32, #tpu.memory_space<vmem>>
        tpu.wait_dma2 semaphore(%arg27 : memref<!tpu.dma_semaphore, #tpu.memory_space<semaphore_mem>>) src(%dma_wait3A_649 : memref<80x64xf32, #tpu.memory_space<vmem>>) dst(%dma_wait3A_645 : memref<80x64xf32, #tpu.memory_space<hbm>>)
      } else {
      }
      %dma_start3A = arith.constant 0 : i32
      %dma_start3A_187 = arith.constant 0 : i32
      %dma_start3A_188 = arith.constant 0 : i32
      %dma_start3A_189 = arith.constant 0 : i32
      %dma_start3A_190 = tpu.memref_slice %arg10[%dma_start3A_187, %dma_start3A_188, %dma_start3A_189] : memref<5x80x64xf32, #tpu.memory_space<vmem>> -> memref<1x80x64xf32, #tpu.memory_space<vmem>>
      %dma_start3A_191 = tpu.memref_squeeze %dma_start3A_190 : memref<1x80x64xf32, #tpu.memory_space<vmem>> -> memref<80x64xf32, #tpu.memory_space<vmem>>
      %dma_start3A_192 = arith.constant 0 : i32
      %dma_start3A_193 = tpu.memref_slice %arg8[%dma_start3A, %dma_start3A_192] : memref<5x80xi32, #tpu.memory_space<vmem>> -> memref<1x80xi32, #tpu.memory_space<vmem>>
      %dma_start3A_194 = tpu.memref_squeeze %dma_start3A_193 : memref<1x80xi32, #tpu.memory_space<vmem>> -> memref<80xi32, #tpu.memory_space<vmem>>
      %dma_start3A_195 = arith.constant 0 : i32
      %dma_start3A_196 = arith.constant 0 : i32
      %dma_start3A_197 = tpu.memref_slice %arg2[%dma_start3A_195, %dma_start3A_196] : memref<10000x64xf32, #tpu.memory_space<hbm>> -> memref<10000x64xf32, #tpu.memory_space<hbm>>
      tpu.enqueue_indirect_dma source(%dma_start3A_197 : memref<10000x64xf32, #tpu.memory_space<hbm>>) target(%dma_start3A_191 : memref<80x64xf32, #tpu.memory_space<vmem>>) offsets(%dma_start3A_194 : memref<80xi32, #tpu.memory_space<vmem>>) semaphore(%arg12 : memref<!tpu.dma_semaphore, #tpu.memory_space<semaphore_mem>>)
      %dma_start3A_198 = arith.constant 0 : i32
      %dma_start3A_199 = arith.constant 0 : i32
      %dma_start3A_200 = arith.constant 0 : i32
      %dma_start3A_201 = arith.constant 0 : i32
      %dma_start3A_202 = tpu.memref_slice %arg11[%dma_start3A_199, %dma_start3A_200, %dma_start3A_201] : memref<5x80x64xf32, #tpu.memory_space<vmem>> -> memref<1x80x64xf32, #tpu.memory_space<vmem>>
      %dma_start3A_203 = tpu.memref_squeeze %dma_start3A_202 : memref<1x80x64xf32, #tpu.memory_space<vmem>> -> memref<80x64xf32, #tpu.memory_space<vmem>>
      %dma_start3A_204 = arith.constant 0 : i32
      %dma_start3A_205 = tpu.memref_slice %arg9[%dma_start3A_198, %dma_start3A_204] : memref<5x80xi32, #tpu.memory_space<vmem>> -> memref<1x80xi32, #tpu.memory_space<vmem>>
      %dma_start3A_206 = tpu.memref_squeeze %dma_start3A_205 : memref<1x80xi32, #tpu.memory_space<vmem>> -> memref<80xi32, #tpu.memory_space<vmem>>
      %dma_start3A_207 = arith.constant 0 : i32
      %dma_start3A_208 = arith.constant 0 : i32
      %dma_start3A_209 = tpu.memref_slice %arg3[%dma_start3A_207, %dma_start3A_208] : memref<10000x64xf32, #tpu.memory_space<hbm>> -> memref<10000x64xf32, #tpu.memory_space<hbm>>
      tpu.enqueue_indirect_dma source(%dma_start3A_209 : memref<10000x64xf32, #tpu.memory_space<hbm>>) target(%dma_start3A_203 : memref<80x64xf32, #tpu.memory_space<vmem>>) offsets(%dma_start3A_206 : memref<80xi32, #tpu.memory_space<vmem>>) semaphore(%arg17 : memref<!tpu.dma_semaphore, #tpu.memory_space<semaphore_mem>>)
      %gt3A_210 = arith.constant 0 : i32
      %gt3A_211 = arith.cmpi sgt, %scan3A_179, %gt3A_210 : i32
      %convert_element_type3A_212 = arith.extui %gt3A_211 : i1 to i32
      %cond3A_213 = arith.constant 0 : i32
      %cond3A_214 = arith.cmpi ne, %convert_element_type3A_212, %cond3A_213 : i32
      scf.if %cond3A_214 {
        %add3A_616 = arith.constant 1 : i32
        %add3A_617 = arith.addi %add3A_184, %add3A_616 : i32
        %mul3A_618 = arith.constant 80 : i32
        %mul3A_619 = arith.muli %add3A_617, %mul3A_618 : i32
        %dma_wait3A_620 = arith.constant 1 : i32
        %dma_wait3A_621 = arith.constant 0 : i32
        %dma_wait3A_622 = arith.constant 0 : i32
        %dma_wait3A_623 = tpu.memref_slice %arg10[%dma_wait3A_620, %dma_wait3A_621, %dma_wait3A_622] : memref<5x80x64xf32, #tpu.memory_space<vmem>> -> memref<1x80x64xf32, #tpu.memory_space<vmem>>
        %dma_wait3A_624 = tpu.memref_squeeze %dma_wait3A_623 : memref<1x80x64xf32, #tpu.memory_space<vmem>> -> memref<80x64xf32, #tpu.memory_space<vmem>>
        %dma_wait3A_625 = arith.constant 0 : i32
        %dma_wait3A_626 = tpu.memref_slice %arg6[%mul3A_619, %dma_wait3A_625] : memref<320000x64xf32, #tpu.memory_space<hbm>> -> memref<80x64xf32, #tpu.memory_space<hbm>>
        %dma_wait3A_627 = arith.constant 0 : i32
        %dma_wait3A_628 = tpu.memref_slice %arg6[%mul3A_619, %dma_wait3A_627] : memref<320000x64xf32, #tpu.memory_space<hbm>> -> memref<80x64xf32, #tpu.memory_space<hbm>>
        %dma_wait3A_629 = arith.constant 0 : i32
        %dma_wait3A_630 = arith.constant 0 : i32
        %dma_wait3A_631 = tpu.memref_slice %arg10[%dma_wait3A_620, %dma_wait3A_629, %dma_wait3A_630] : memref<5x80x64xf32, #tpu.memory_space<vmem>> -> memref<1x80x64xf32, #tpu.memory_space<vmem>>
        %dma_wait3A_632 = tpu.memref_squeeze %dma_wait3A_631 : memref<1x80x64xf32, #tpu.memory_space<vmem>> -> memref<80x64xf32, #tpu.memory_space<vmem>>
        tpu.wait_dma2 semaphore(%arg23 : memref<!tpu.dma_semaphore, #tpu.memory_space<semaphore_mem>>) src(%dma_wait3A_632 : memref<80x64xf32, #tpu.memory_space<vmem>>) dst(%dma_wait3A_628 : memref<80x64xf32, #tpu.memory_space<hbm>>)
        %add3A_633 = arith.constant 1 : i32
        %add3A_634 = arith.addi %add3A_184, %add3A_633 : i32
        %mul3A_635 = arith.constant 80 : i32
        %mul3A_636 = arith.muli %add3A_634, %mul3A_635 : i32
        %dma_wait3A_637 = arith.constant 1 : i32
        %dma_wait3A_638 = arith.constant 0 : i32
        %dma_wait3A_639 = arith.constant 0 : i32
        %dma_wait3A_640 = tpu.memref_slice %arg11[%dma_wait3A_637, %dma_wait3A_638, %dma_wait3A_639] : memref<5x80x64xf32, #tpu.memory_space<vmem>> -> memref<1x80x64xf32, #tpu.memory_space<vmem>>
        %dma_wait3A_641 = tpu.memref_squeeze %dma_wait3A_640 : memref<1x80x64xf32, #tpu.memory_space<vmem>> -> memref<80x64xf32, #tpu.memory_space<vmem>>
        %dma_wait3A_642 = arith.constant 0 : i32
        %dma_wait3A_643 = tpu.memref_slice %arg7[%mul3A_636, %dma_wait3A_642] : memref<320000x64xf32, #tpu.memory_space<hbm>> -> memref<80x64xf32, #tpu.memory_space<hbm>>
        %dma_wait3A_644 = arith.constant 0 : i32
        %dma_wait3A_645 = tpu.memref_slice %arg7[%mul3A_636, %dma_wait3A_644] : memref<320000x64xf32, #tpu.memory_space<hbm>> -> memref<80x64xf32, #tpu.memory_space<hbm>>
        %dma_wait3A_646 = arith.constant 0 : i32
        %dma_wait3A_647 = arith.constant 0 : i32
        %dma_wait3A_648 = tpu.memref_slice %arg11[%dma_wait3A_637, %dma_wait3A_646, %dma_wait3A_647] : memref<5x80x64xf32, #tpu.memory_space<vmem>> -> memref<1x80x64xf32, #tpu.memory_space<vmem>>
        %dma_wait3A_649 = tpu.memref_squeeze %dma_wait3A_648 : memref<1x80x64xf32, #tpu.memory_space<vmem>> -> memref<80x64xf32, #tpu.memory_space<vmem>>
        tpu.wait_dma2 semaphore(%arg28 : memref<!tpu.dma_semaphore, #tpu.memory_space<semaphore_mem>>) src(%dma_wait3A_649 : memref<80x64xf32, #tpu.memory_space<vmem>>) dst(%dma_wait3A_645 : memref<80x64xf32, #tpu.memory_space<hbm>>)
      } else {
      }
      %dma_start3A_215 = arith.constant 1 : i32
      %dma_start3A_216 = arith.constant 1 : i32
      %dma_start3A_217 = arith.constant 0 : i32
      %dma_start3A_218 = arith.constant 0 : i32
      %dma_start3A_219 = tpu.memref_slice %arg10[%dma_start3A_216, %dma_start3A_217, %dma_start3A_218] : memref<5x80x64xf32, #tpu.memory_space<vmem>> -> memref<1x80x64xf32, #tpu.memory_space<vmem>>
      %dma_start3A_220 = tpu.memref_squeeze %dma_start3A_219 : memref<1x80x64xf32, #tpu.memory_space<vmem>> -> memref<80x64xf32, #tpu.memory_space<vmem>>
      %dma_start3A_221 = arith.constant 0 : i32
      %dma_start3A_222 = tpu.memref_slice %arg8[%dma_start3A_215, %dma_start3A_221] : memref<5x80xi32, #tpu.memory_space<vmem>> -> memref<1x80xi32, #tpu.memory_space<vmem>>
      %dma_start3A_223 = tpu.memref_squeeze %dma_start3A_222 : memref<1x80xi32, #tpu.memory_space<vmem>> -> memref<80xi32, #tpu.memory_space<vmem>>
      %dma_start3A_224 = arith.constant 0 : i32
      %dma_start3A_225 = arith.constant 0 : i32
      %dma_start3A_226 = tpu.memref_slice %arg2[%dma_start3A_224, %dma_start3A_225] : memref<10000x64xf32, #tpu.memory_space<hbm>> -> memref<10000x64xf32, #tpu.memory_space<hbm>>
      tpu.enqueue_indirect_dma source(%dma_start3A_226 : memref<10000x64xf32, #tpu.memory_space<hbm>>) target(%dma_start3A_220 : memref<80x64xf32, #tpu.memory_space<vmem>>) offsets(%dma_start3A_223 : memref<80xi32, #tpu.memory_space<vmem>>) semaphore(%arg13 : memref<!tpu.dma_semaphore, #tpu.memory_space<semaphore_mem>>)
      %dma_start3A_227 = arith.constant 1 : i32
      %dma_start3A_228 = arith.constant 1 : i32
      %dma_start3A_229 = arith.constant 0 : i32
      %dma_start3A_230 = arith.constant 0 : i32
      %dma_start3A_231 = tpu.memref_slice %arg11[%dma_start3A_228, %dma_start3A_229, %dma_start3A_230] : memref<5x80x64xf32, #tpu.memory_space<vmem>> -> memref<1x80x64xf32, #tpu.memory_space<vmem>>
      %dma_start3A_232 = tpu.memref_squeeze %dma_start3A_231 : memref<1x80x64xf32, #tpu.memory_space<vmem>> -> memref<80x64xf32, #tpu.memory_space<vmem>>
      %dma_start3A_233 = arith.constant 0 : i32
      %dma_start3A_234 = tpu.memref_slice %arg9[%dma_start3A_227, %dma_start3A_233] : memref<5x80xi32, #tpu.memory_space<vmem>> -> memref<1x80xi32, #tpu.memory_space<vmem>>
      %dma_start3A_235 = tpu.memref_squeeze %dma_start3A_234 : memref<1x80xi32, #tpu.memory_space<vmem>> -> memref<80xi32, #tpu.memory_space<vmem>>
      %dma_start3A_236 = arith.constant 0 : i32
      %dma_start3A_237 = arith.constant 0 : i32
      %dma_start3A_238 = tpu.memref_slice %arg3[%dma_start3A_236, %dma_start3A_237] : memref<10000x64xf32, #tpu.memory_space<hbm>> -> memref<10000x64xf32, #tpu.memory_space<hbm>>
      tpu.enqueue_indirect_dma source(%dma_start3A_238 : memref<10000x64xf32, #tpu.memory_space<hbm>>) target(%dma_start3A_232 : memref<80x64xf32, #tpu.memory_space<vmem>>) offsets(%dma_start3A_235 : memref<80xi32, #tpu.memory_space<vmem>>) semaphore(%arg18 : memref<!tpu.dma_semaphore, #tpu.memory_space<semaphore_mem>>)
      %gt3A_239 = arith.constant 0 : i32
      %gt3A_240 = arith.cmpi sgt, %scan3A_179, %gt3A_239 : i32
      %convert_element_type3A_241 = arith.extui %gt3A_240 : i1 to i32
      %cond3A_242 = arith.constant 0 : i32
      %cond3A_243 = arith.cmpi ne, %convert_element_type3A_241, %cond3A_242 : i32
      scf.if %cond3A_243 {
        %add3A_616 = arith.constant 2 : i32
        %add3A_617 = arith.addi %add3A_184, %add3A_616 : i32
        %mul3A_618 = arith.constant 80 : i32
        %mul3A_619 = arith.muli %add3A_617, %mul3A_618 : i32
        %dma_wait3A_620 = arith.constant 2 : i32
        %dma_wait3A_621 = arith.constant 0 : i32
        %dma_wait3A_622 = arith.constant 0 : i32
        %dma_wait3A_623 = tpu.memref_slice %arg10[%dma_wait3A_620, %dma_wait3A_621, %dma_wait3A_622] : memref<5x80x64xf32, #tpu.memory_space<vmem>> -> memref<1x80x64xf32, #tpu.memory_space<vmem>>
        %dma_wait3A_624 = tpu.memref_squeeze %dma_wait3A_623 : memref<1x80x64xf32, #tpu.memory_space<vmem>> -> memref<80x64xf32, #tpu.memory_space<vmem>>
        %dma_wait3A_625 = arith.constant 0 : i32
        %dma_wait3A_626 = tpu.memref_slice %arg6[%mul3A_619, %dma_wait3A_625] : memref<320000x64xf32, #tpu.memory_space<hbm>> -> memref<80x64xf32, #tpu.memory_space<hbm>>
        %dma_wait3A_627 = arith.constant 0 : i32
        %dma_wait3A_628 = tpu.memref_slice %arg6[%mul3A_619, %dma_wait3A_627] : memref<320000x64xf32, #tpu.memory_space<hbm>> -> memref<80x64xf32, #tpu.memory_space<hbm>>
        %dma_wait3A_629 = arith.constant 0 : i32
        %dma_wait3A_630 = arith.constant 0 : i32
        %dma_wait3A_631 = tpu.memref_slice %arg10[%dma_wait3A_620, %dma_wait3A_629, %dma_wait3A_630] : memref<5x80x64xf32, #tpu.memory_space<vmem>> -> memref<1x80x64xf32, #tpu.memory_space<vmem>>
        %dma_wait3A_632 = tpu.memref_squeeze %dma_wait3A_631 : memref<1x80x64xf32, #tpu.memory_space<vmem>> -> memref<80x64xf32, #tpu.memory_space<vmem>>
        tpu.wait_dma2 semaphore(%arg24 : memref<!tpu.dma_semaphore, #tpu.memory_space<semaphore_mem>>) src(%dma_wait3A_632 : memref<80x64xf32, #tpu.memory_space<vmem>>) dst(%dma_wait3A_628 : memref<80x64xf32, #tpu.memory_space<hbm>>)
        %add3A_633 = arith.constant 2 : i32
        %add3A_634 = arith.addi %add3A_184, %add3A_633 : i32
        %mul3A_635 = arith.constant 80 : i32
        %mul3A_636 = arith.muli %add3A_634, %mul3A_635 : i32
        %dma_wait3A_637 = arith.constant 2 : i32
        %dma_wait3A_638 = arith.constant 0 : i32
        %dma_wait3A_639 = arith.constant 0 : i32
        %dma_wait3A_640 = tpu.memref_slice %arg11[%dma_wait3A_637, %dma_wait3A_638, %dma_wait3A_639] : memref<5x80x64xf32, #tpu.memory_space<vmem>> -> memref<1x80x64xf32, #tpu.memory_space<vmem>>
        %dma_wait3A_641 = tpu.memref_squeeze %dma_wait3A_640 : memref<1x80x64xf32, #tpu.memory_space<vmem>> -> memref<80x64xf32, #tpu.memory_space<vmem>>
        %dma_wait3A_642 = arith.constant 0 : i32
        %dma_wait3A_643 = tpu.memref_slice %arg7[%mul3A_636, %dma_wait3A_642] : memref<320000x64xf32, #tpu.memory_space<hbm>> -> memref<80x64xf32, #tpu.memory_space<hbm>>
        %dma_wait3A_644 = arith.constant 0 : i32
        %dma_wait3A_645 = tpu.memref_slice %arg7[%mul3A_636, %dma_wait3A_644] : memref<320000x64xf32, #tpu.memory_space<hbm>> -> memref<80x64xf32, #tpu.memory_space<hbm>>
        %dma_wait3A_646 = arith.constant 0 : i32
        %dma_wait3A_647 = arith.constant 0 : i32
        %dma_wait3A_648 = tpu.memref_slice %arg11[%dma_wait3A_637, %dma_wait3A_646, %dma_wait3A_647] : memref<5x80x64xf32, #tpu.memory_space<vmem>> -> memref<1x80x64xf32, #tpu.memory_space<vmem>>
        %dma_wait3A_649 = tpu.memref_squeeze %dma_wait3A_648 : memref<1x80x64xf32, #tpu.memory_space<vmem>> -> memref<80x64xf32, #tpu.memory_space<vmem>>
        tpu.wait_dma2 semaphore(%arg29 : memref<!tpu.dma_semaphore, #tpu.memory_space<semaphore_mem>>) src(%dma_wait3A_649 : memref<80x64xf32, #tpu.memory_space<vmem>>) dst(%dma_wait3A_645 : memref<80x64xf32, #tpu.memory_space<hbm>>)
      } else {
      }
      %dma_start3A_244 = arith.constant 2 : i32
      %dma_start3A_245 = arith.constant 2 : i32
      %dma_start3A_246 = arith.constant 0 : i32
      %dma_start3A_247 = arith.constant 0 : i32
      %dma_start3A_248 = tpu.memref_slice %arg10[%dma_start3A_245, %dma_start3A_246, %dma_start3A_247] : memref<5x80x64xf32, #tpu.memory_space<vmem>> -> memref<1x80x64xf32, #tpu.memory_space<vmem>>
      %dma_start3A_249 = tpu.memref_squeeze %dma_start3A_248 : memref<1x80x64xf32, #tpu.memory_space<vmem>> -> memref<80x64xf32, #tpu.memory_space<vmem>>
      %dma_start3A_250 = arith.constant 0 : i32
      %dma_start3A_251 = tpu.memref_slice %arg8[%dma_start3A_244, %dma_start3A_250] : memref<5x80xi32, #tpu.memory_space<vmem>> -> memref<1x80xi32, #tpu.memory_space<vmem>>
      %dma_start3A_252 = tpu.memref_squeeze %dma_start3A_251 : memref<1x80xi32, #tpu.memory_space<vmem>> -> memref<80xi32, #tpu.memory_space<vmem>>
      %dma_start3A_253 = arith.constant 0 : i32
      %dma_start3A_254 = arith.constant 0 : i32
      %dma_start3A_255 = tpu.memref_slice %arg2[%dma_start3A_253, %dma_start3A_254] : memref<10000x64xf32, #tpu.memory_space<hbm>> -> memref<10000x64xf32, #tpu.memory_space<hbm>>
      tpu.enqueue_indirect_dma source(%dma_start3A_255 : memref<10000x64xf32, #tpu.memory_space<hbm>>) target(%dma_start3A_249 : memref<80x64xf32, #tpu.memory_space<vmem>>) offsets(%dma_start3A_252 : memref<80xi32, #tpu.memory_space<vmem>>) semaphore(%arg14 : memref<!tpu.dma_semaphore, #tpu.memory_space<semaphore_mem>>)
      %dma_start3A_256 = arith.constant 2 : i32
      %dma_start3A_257 = arith.constant 2 : i32
      %dma_start3A_258 = arith.constant 0 : i32
      %dma_start3A_259 = arith.constant 0 : i32
      %dma_start3A_260 = tpu.memref_slice %arg11[%dma_start3A_257, %dma_start3A_258, %dma_start3A_259] : memref<5x80x64xf32, #tpu.memory_space<vmem>> -> memref<1x80x64xf32, #tpu.memory_space<vmem>>
      %dma_start3A_261 = tpu.memref_squeeze %dma_start3A_260 : memref<1x80x64xf32, #tpu.memory_space<vmem>> -> memref<80x64xf32, #tpu.memory_space<vmem>>
      %dma_start3A_262 = arith.constant 0 : i32
      %dma_start3A_263 = tpu.memref_slice %arg9[%dma_start3A_256, %dma_start3A_262] : memref<5x80xi32, #tpu.memory_space<vmem>> -> memref<1x80xi32, #tpu.memory_space<vmem>>
      %dma_start3A_264 = tpu.memref_squeeze %dma_start3A_263 : memref<1x80xi32, #tpu.memory_space<vmem>> -> memref<80xi32, #tpu.memory_space<vmem>>
      %dma_start3A_265 = arith.constant 0 : i32
      %dma_start3A_266 = arith.constant 0 : i32
      %dma_start3A_267 = tpu.memref_slice %arg3[%dma_start3A_265, %dma_start3A_266] : memref<10000x64xf32, #tpu.memory_space<hbm>> -> memref<10000x64xf32, #tpu.memory_space<hbm>>
      tpu.enqueue_indirect_dma source(%dma_start3A_267 : memref<10000x64xf32, #tpu.memory_space<hbm>>) target(%dma_start3A_261 : memref<80x64xf32, #tpu.memory_space<vmem>>) offsets(%dma_start3A_264 : memref<80xi32, #tpu.memory_space<vmem>>) semaphore(%arg19 : memref<!tpu.dma_semaphore, #tpu.memory_space<semaphore_mem>>)
      %gt3A_268 = arith.constant 0 : i32
      %gt3A_269 = arith.cmpi sgt, %scan3A_179, %gt3A_268 : i32
      %convert_element_type3A_270 = arith.extui %gt3A_269 : i1 to i32
      %cond3A_271 = arith.constant 0 : i32
      %cond3A_272 = arith.cmpi ne, %convert_element_type3A_270, %cond3A_271 : i32
      scf.if %cond3A_272 {
        %add3A_616 = arith.constant 3 : i32
        %add3A_617 = arith.addi %add3A_184, %add3A_616 : i32
        %mul3A_618 = arith.constant 80 : i32
        %mul3A_619 = arith.muli %add3A_617, %mul3A_618 : i32
        %dma_wait3A_620 = arith.constant 3 : i32
        %dma_wait3A_621 = arith.constant 0 : i32
        %dma_wait3A_622 = arith.constant 0 : i32
        %dma_wait3A_623 = tpu.memref_slice %arg10[%dma_wait3A_620, %dma_wait3A_621, %dma_wait3A_622] : memref<5x80x64xf32, #tpu.memory_space<vmem>> -> memref<1x80x64xf32, #tpu.memory_space<vmem>>
        %dma_wait3A_624 = tpu.memref_squeeze %dma_wait3A_623 : memref<1x80x64xf32, #tpu.memory_space<vmem>> -> memref<80x64xf32, #tpu.memory_space<vmem>>
        %dma_wait3A_625 = arith.constant 0 : i32
        %dma_wait3A_626 = tpu.memref_slice %arg6[%mul3A_619, %dma_wait3A_625] : memref<320000x64xf32, #tpu.memory_space<hbm>> -> memref<80x64xf32, #tpu.memory_space<hbm>>
        %dma_wait3A_627 = arith.constant 0 : i32
        %dma_wait3A_628 = tpu.memref_slice %arg6[%mul3A_619, %dma_wait3A_627] : memref<320000x64xf32, #tpu.memory_space<hbm>> -> memref<80x64xf32, #tpu.memory_space<hbm>>
        %dma_wait3A_629 = arith.constant 0 : i32
        %dma_wait3A_630 = arith.constant 0 : i32
        %dma_wait3A_631 = tpu.memref_slice %arg10[%dma_wait3A_620, %dma_wait3A_629, %dma_wait3A_630] : memref<5x80x64xf32, #tpu.memory_space<vmem>> -> memref<1x80x64xf32, #tpu.memory_space<vmem>>
        %dma_wait3A_632 = tpu.memref_squeeze %dma_wait3A_631 : memref<1x80x64xf32, #tpu.memory_space<vmem>> -> memref<80x64xf32, #tpu.memory_space<vmem>>
        tpu.wait_dma2 semaphore(%arg25 : memref<!tpu.dma_semaphore, #tpu.memory_space<semaphore_mem>>) src(%dma_wait3A_632 : memref<80x64xf32, #tpu.memory_space<vmem>>) dst(%dma_wait3A_628 : memref<80x64xf32, #tpu.memory_space<hbm>>)
        %add3A_633 = arith.constant 3 : i32
        %add3A_634 = arith.addi %add3A_184, %add3A_633 : i32
        %mul3A_635 = arith.constant 80 : i32
        %mul3A_636 = arith.muli %add3A_634, %mul3A_635 : i32
        %dma_wait3A_637 = arith.constant 3 : i32
        %dma_wait3A_638 = arith.constant 0 : i32
        %dma_wait3A_639 = arith.constant 0 : i32
        %dma_wait3A_640 = tpu.memref_slice %arg11[%dma_wait3A_637, %dma_wait3A_638, %dma_wait3A_639] : memref<5x80x64xf32, #tpu.memory_space<vmem>> -> memref<1x80x64xf32, #tpu.memory_space<vmem>>
        %dma_wait3A_641 = tpu.memref_squeeze %dma_wait3A_640 : memref<1x80x64xf32, #tpu.memory_space<vmem>> -> memref<80x64xf32, #tpu.memory_space<vmem>>
        %dma_wait3A_642 = arith.constant 0 : i32
        %dma_wait3A_643 = tpu.memref_slice %arg7[%mul3A_636, %dma_wait3A_642] : memref<320000x64xf32, #tpu.memory_space<hbm>> -> memref<80x64xf32, #tpu.memory_space<hbm>>
        %dma_wait3A_644 = arith.constant 0 : i32
        %dma_wait3A_645 = tpu.memref_slice %arg7[%mul3A_636, %dma_wait3A_644] : memref<320000x64xf32, #tpu.memory_space<hbm>> -> memref<80x64xf32, #tpu.memory_space<hbm>>
        %dma_wait3A_646 = arith.constant 0 : i32
        %dma_wait3A_647 = arith.constant 0 : i32
        %dma_wait3A_648 = tpu.memref_slice %arg11[%dma_wait3A_637, %dma_wait3A_646, %dma_wait3A_647] : memref<5x80x64xf32, #tpu.memory_space<vmem>> -> memref<1x80x64xf32, #tpu.memory_space<vmem>>
        %dma_wait3A_649 = tpu.memref_squeeze %dma_wait3A_648 : memref<1x80x64xf32, #tpu.memory_space<vmem>> -> memref<80x64xf32, #tpu.memory_space<vmem>>
        tpu.wait_dma2 semaphore(%arg30 : memref<!tpu.dma_semaphore, #tpu.memory_space<semaphore_mem>>) src(%dma_wait3A_649 : memref<80x64xf32, #tpu.memory_space<vmem>>) dst(%dma_wait3A_645 : memref<80x64xf32, #tpu.memory_space<hbm>>)
      } else {
      }
      %dma_start3A_273 = arith.constant 3 : i32
      %dma_start3A_274 = arith.constant 3 : i32
      %dma_start3A_275 = arith.constant 0 : i32
      %dma_start3A_276 = arith.constant 0 : i32
      %dma_start3A_277 = tpu.memref_slice %arg10[%dma_start3A_274, %dma_start3A_275, %dma_start3A_276] : memref<5x80x64xf32, #tpu.memory_space<vmem>> -> memref<1x80x64xf32, #tpu.memory_space<vmem>>
      %dma_start3A_278 = tpu.memref_squeeze %dma_start3A_277 : memref<1x80x64xf32, #tpu.memory_space<vmem>> -> memref<80x64xf32, #tpu.memory_space<vmem>>
      %dma_start3A_279 = arith.constant 0 : i32
      %dma_start3A_280 = tpu.memref_slice %arg8[%dma_start3A_273, %dma_start3A_279] : memref<5x80xi32, #tpu.memory_space<vmem>> -> memref<1x80xi32, #tpu.memory_space<vmem>>
      %dma_start3A_281 = tpu.memref_squeeze %dma_start3A_280 : memref<1x80xi32, #tpu.memory_space<vmem>> -> memref<80xi32, #tpu.memory_space<vmem>>
      %dma_start3A_282 = arith.constant 0 : i32
      %dma_start3A_283 = arith.constant 0 : i32
      %dma_start3A_284 = tpu.memref_slice %arg2[%dma_start3A_282, %dma_start3A_283] : memref<10000x64xf32, #tpu.memory_space<hbm>> -> memref<10000x64xf32, #tpu.memory_space<hbm>>
      tpu.enqueue_indirect_dma source(%dma_start3A_284 : memref<10000x64xf32, #tpu.memory_space<hbm>>) target(%dma_start3A_278 : memref<80x64xf32, #tpu.memory_space<vmem>>) offsets(%dma_start3A_281 : memref<80xi32, #tpu.memory_space<vmem>>) semaphore(%arg15 : memref<!tpu.dma_semaphore, #tpu.memory_space<semaphore_mem>>)
      %dma_start3A_285 = arith.constant 3 : i32
      %dma_start3A_286 = arith.constant 3 : i32
      %dma_start3A_287 = arith.constant 0 : i32
      %dma_start3A_288 = arith.constant 0 : i32
      %dma_start3A_289 = tpu.memref_slice %arg11[%dma_start3A_286, %dma_start3A_287, %dma_start3A_288] : memref<5x80x64xf32, #tpu.memory_space<vmem>> -> memref<1x80x64xf32, #tpu.memory_space<vmem>>
      %dma_start3A_290 = tpu.memref_squeeze %dma_start3A_289 : memref<1x80x64xf32, #tpu.memory_space<vmem>> -> memref<80x64xf32, #tpu.memory_space<vmem>>
      %dma_start3A_291 = arith.constant 0 : i32
      %dma_start3A_292 = tpu.memref_slice %arg9[%dma_start3A_285, %dma_start3A_291] : memref<5x80xi32, #tpu.memory_space<vmem>> -> memref<1x80xi32, #tpu.memory_space<vmem>>
      %dma_start3A_293 = tpu.memref_squeeze %dma_start3A_292 : memref<1x80xi32, #tpu.memory_space<vmem>> -> memref<80xi32, #tpu.memory_space<vmem>>
      %dma_start3A_294 = arith.constant 0 : i32
      %dma_start3A_295 = arith.constant 0 : i32
      %dma_start3A_296 = tpu.memref_slice %arg3[%dma_start3A_294, %dma_start3A_295] : memref<10000x64xf32, #tpu.memory_space<hbm>> -> memref<10000x64xf32, #tpu.memory_space<hbm>>
      tpu.enqueue_indirect_dma source(%dma_start3A_296 : memref<10000x64xf32, #tpu.memory_space<hbm>>) target(%dma_start3A_290 : memref<80x64xf32, #tpu.memory_space<vmem>>) offsets(%dma_start3A_293 : memref<80xi32, #tpu.memory_space<vmem>>) semaphore(%arg20 : memref<!tpu.dma_semaphore, #tpu.memory_space<semaphore_mem>>)
      %gt3A_297 = arith.constant 0 : i32
      %gt3A_298 = arith.cmpi sgt, %scan3A_179, %gt3A_297 : i32
      %convert_element_type3A_299 = arith.extui %gt3A_298 : i1 to i32
      %cond3A_300 = arith.constant 0 : i32
      %cond3A_301 = arith.cmpi ne, %convert_element_type3A_299, %cond3A_300 : i32
      scf.if %cond3A_301 {
        %add3A_616 = arith.constant 4 : i32
        %add3A_617 = arith.addi %add3A_184, %add3A_616 : i32
        %mul3A_618 = arith.constant 80 : i32
        %mul3A_619 = arith.muli %add3A_617, %mul3A_618 : i32
        %dma_wait3A_620 = arith.constant 4 : i32
        %dma_wait3A_621 = arith.constant 0 : i32
        %dma_wait3A_622 = arith.constant 0 : i32
        %dma_wait3A_623 = tpu.memref_slice %arg10[%dma_wait3A_620, %dma_wait3A_621, %dma_wait3A_622] : memref<5x80x64xf32, #tpu.memory_space<vmem>> -> memref<1x80x64xf32, #tpu.memory_space<vmem>>
        %dma_wait3A_624 = tpu.memref_squeeze %dma_wait3A_623 : memref<1x80x64xf32, #tpu.memory_space<vmem>> -> memref<80x64xf32, #tpu.memory_space<vmem>>
        %dma_wait3A_625 = arith.constant 0 : i32
        %dma_wait3A_626 = tpu.memref_slice %arg6[%mul3A_619, %dma_wait3A_625] : memref<320000x64xf32, #tpu.memory_space<hbm>> -> memref<80x64xf32, #tpu.memory_space<hbm>>
        %dma_wait3A_627 = arith.constant 0 : i32
        %dma_wait3A_628 = tpu.memref_slice %arg6[%mul3A_619, %dma_wait3A_627] : memref<320000x64xf32, #tpu.memory_space<hbm>> -> memref<80x64xf32, #tpu.memory_space<hbm>>
        %dma_wait3A_629 = arith.constant 0 : i32
        %dma_wait3A_630 = arith.constant 0 : i32
        %dma_wait3A_631 = tpu.memref_slice %arg10[%dma_wait3A_620, %dma_wait3A_629, %dma_wait3A_630] : memref<5x80x64xf32, #tpu.memory_space<vmem>> -> memref<1x80x64xf32, #tpu.memory_space<vmem>>
        %dma_wait3A_632 = tpu.memref_squeeze %dma_wait3A_631 : memref<1x80x64xf32, #tpu.memory_space<vmem>> -> memref<80x64xf32, #tpu.memory_space<vmem>>
        tpu.wait_dma2 semaphore(%arg26 : memref<!tpu.dma_semaphore, #tpu.memory_space<semaphore_mem>>) src(%dma_wait3A_632 : memref<80x64xf32, #tpu.memory_space<vmem>>) dst(%dma_wait3A_628 : memref<80x64xf32, #tpu.memory_space<hbm>>)
        %add3A_633 = arith.constant 4 : i32
        %add3A_634 = arith.addi %add3A_184, %add3A_633 : i32
        %mul3A_635 = arith.constant 80 : i32
        %mul3A_636 = arith.muli %add3A_634, %mul3A_635 : i32
        %dma_wait3A_637 = arith.constant 4 : i32
        %dma_wait3A_638 = arith.constant 0 : i32
        %dma_wait3A_639 = arith.constant 0 : i32
        %dma_wait3A_640 = tpu.memref_slice %arg11[%dma_wait3A_637, %dma_wait3A_638, %dma_wait3A_639] : memref<5x80x64xf32, #tpu.memory_space<vmem>> -> memref<1x80x64xf32, #tpu.memory_space<vmem>>
        %dma_wait3A_641 = tpu.memref_squeeze %dma_wait3A_640 : memref<1x80x64xf32, #tpu.memory_space<vmem>> -> memref<80x64xf32, #tpu.memory_space<vmem>>
        %dma_wait3A_642 = arith.constant 0 : i32
        %dma_wait3A_643 = tpu.memref_slice %arg7[%mul3A_636, %dma_wait3A_642] : memref<320000x64xf32, #tpu.memory_space<hbm>> -> memref<80x64xf32, #tpu.memory_space<hbm>>
        %dma_wait3A_644 = arith.constant 0 : i32
        %dma_wait3A_645 = tpu.memref_slice %arg7[%mul3A_636, %dma_wait3A_644] : memref<320000x64xf32, #tpu.memory_space<hbm>> -> memref<80x64xf32, #tpu.memory_space<hbm>>
        %dma_wait3A_646 = arith.constant 0 : i32
        %dma_wait3A_647 = arith.constant 0 : i32
        %dma_wait3A_648 = tpu.memref_slice %arg11[%dma_wait3A_637, %dma_wait3A_646, %dma_wait3A_647] : memref<5x80x64xf32, #tpu.memory_space<vmem>> -> memref<1x80x64xf32, #tpu.memory_space<vmem>>
        %dma_wait3A_649 = tpu.memref_squeeze %dma_wait3A_648 : memref<1x80x64xf32, #tpu.memory_space<vmem>> -> memref<80x64xf32, #tpu.memory_space<vmem>>
        tpu.wait_dma2 semaphore(%arg31 : memref<!tpu.dma_semaphore, #tpu.memory_space<semaphore_mem>>) src(%dma_wait3A_649 : memref<80x64xf32, #tpu.memory_space<vmem>>) dst(%dma_wait3A_645 : memref<80x64xf32, #tpu.memory_space<hbm>>)
      } else {
      }
      %dma_start3A_302 = arith.constant 4 : i32
      %dma_start3A_303 = arith.constant 4 : i32
      %dma_start3A_304 = arith.constant 0 : i32
      %dma_start3A_305 = arith.constant 0 : i32
      %dma_start3A_306 = tpu.memref_slice %arg10[%dma_start3A_303, %dma_start3A_304, %dma_start3A_305] : memref<5x80x64xf32, #tpu.memory_space<vmem>> -> memref<1x80x64xf32, #tpu.memory_space<vmem>>
      %dma_start3A_307 = tpu.memref_squeeze %dma_start3A_306 : memref<1x80x64xf32, #tpu.memory_space<vmem>> -> memref<80x64xf32, #tpu.memory_space<vmem>>
      %dma_start3A_308 = arith.constant 0 : i32
      %dma_start3A_309 = tpu.memref_slice %arg8[%dma_start3A_302, %dma_start3A_308] : memref<5x80xi32, #tpu.memory_space<vmem>> -> memref<1x80xi32, #tpu.memory_space<vmem>>
      %dma_start3A_310 = tpu.memref_squeeze %dma_start3A_309 : memref<1x80xi32, #tpu.memory_space<vmem>> -> memref<80xi32, #tpu.memory_space<vmem>>
      %dma_start3A_311 = arith.constant 0 : i32
      %dma_start3A_312 = arith.constant 0 : i32
      %dma_start3A_313 = tpu.memref_slice %arg2[%dma_start3A_311, %dma_start3A_312] : memref<10000x64xf32, #tpu.memory_space<hbm>> -> memref<10000x64xf32, #tpu.memory_space<hbm>>
      tpu.enqueue_indirect_dma source(%dma_start3A_313 : memref<10000x64xf32, #tpu.memory_space<hbm>>) target(%dma_start3A_307 : memref<80x64xf32, #tpu.memory_space<vmem>>) offsets(%dma_start3A_310 : memref<80xi32, #tpu.memory_space<vmem>>) semaphore(%arg16 : memref<!tpu.dma_semaphore, #tpu.memory_space<semaphore_mem>>)
      %dma_start3A_314 = arith.constant 4 : i32
      %dma_start3A_315 = arith.constant 4 : i32
      %dma_start3A_316 = arith.constant 0 : i32
      %dma_start3A_317 = arith.constant 0 : i32
      %dma_start3A_318 = tpu.memref_slice %arg11[%dma_start3A_315, %dma_start3A_316, %dma_start3A_317] : memref<5x80x64xf32, #tpu.memory_space<vmem>> -> memref<1x80x64xf32, #tpu.memory_space<vmem>>
      %dma_start3A_319 = tpu.memref_squeeze %dma_start3A_318 : memref<1x80x64xf32, #tpu.memory_space<vmem>> -> memref<80x64xf32, #tpu.memory_space<vmem>>
      %dma_start3A_320 = arith.constant 0 : i32
      %dma_start3A_321 = tpu.memref_slice %arg9[%dma_start3A_314, %dma_start3A_320] : memref<5x80xi32, #tpu.memory_space<vmem>> -> memref<1x80xi32, #tpu.memory_space<vmem>>
      %dma_start3A_322 = tpu.memref_squeeze %dma_start3A_321 : memref<1x80xi32, #tpu.memory_space<vmem>> -> memref<80xi32, #tpu.memory_space<vmem>>
      %dma_start3A_323 = arith.constant 0 : i32
      %dma_start3A_324 = arith.constant 0 : i32
      %dma_start3A_325 = tpu.memref_slice %arg3[%dma_start3A_323, %dma_start3A_324] : memref<10000x64xf32, #tpu.memory_space<hbm>> -> memref<10000x64xf32, #tpu.memory_space<hbm>>
      tpu.enqueue_indirect_dma source(%dma_start3A_325 : memref<10000x64xf32, #tpu.memory_space<hbm>>) target(%dma_start3A_319 : memref<80x64xf32, #tpu.memory_space<vmem>>) offsets(%dma_start3A_322 : memref<80xi32, #tpu.memory_space<vmem>>) semaphore(%arg21 : memref<!tpu.dma_semaphore, #tpu.memory_space<semaphore_mem>>)
      %dma_wait3A_326 = arith.constant 0 : i32
      %dma_wait3A_327 = arith.constant 0 : i32
      %dma_wait3A_328 = arith.constant 0 : i32
      %dma_wait3A_329 = arith.constant 0 : i32
      %dma_wait3A_330 = tpu.memref_slice %arg10[%dma_wait3A_327, %dma_wait3A_328, %dma_wait3A_329] : memref<5x80x64xf32, #tpu.memory_space<vmem>> -> memref<1x80x64xf32, #tpu.memory_space<vmem>>
      %dma_wait3A_331 = tpu.memref_squeeze %dma_wait3A_330 : memref<1x80x64xf32, #tpu.memory_space<vmem>> -> memref<80x64xf32, #tpu.memory_space<vmem>>
      %dma_wait3A_332 = arith.constant 0 : i32
      %dma_wait3A_333 = tpu.memref_slice %arg8[%dma_wait3A_326, %dma_wait3A_332] : memref<5x80xi32, #tpu.memory_space<vmem>> -> memref<1x80xi32, #tpu.memory_space<vmem>>
      %dma_wait3A_334 = tpu.memref_squeeze %dma_wait3A_333 : memref<1x80xi32, #tpu.memory_space<vmem>> -> memref<80xi32, #tpu.memory_space<vmem>>
      %dma_wait3A_335 = arith.constant 0 : i32
      %dma_wait3A_336 = arith.constant 0 : i32
      %dma_wait3A_337 = tpu.memref_slice %arg2[%dma_wait3A_335, %dma_wait3A_336] : memref<10000x64xf32, #tpu.memory_space<hbm>> -> memref<10000x64xf32, #tpu.memory_space<hbm>>
      tpu.wait_indirect_dma semaphore(%arg12 : memref<!tpu.dma_semaphore, #tpu.memory_space<semaphore_mem>>) src(%dma_wait3A_337 : memref<10000x64xf32, #tpu.memory_space<hbm>>) dst(%dma_wait3A_331 : memref<80x64xf32, #tpu.memory_space<vmem>>)
      %dma_wait3A_338 = arith.constant 0 : i32
      %dma_wait3A_339 = arith.constant 0 : i32
      %dma_wait3A_340 = arith.constant 0 : i32
      %dma_wait3A_341 = arith.constant 0 : i32
      %dma_wait3A_342 = tpu.memref_slice %arg11[%dma_wait3A_339, %dma_wait3A_340, %dma_wait3A_341] : memref<5x80x64xf32, #tpu.memory_space<vmem>> -> memref<1x80x64xf32, #tpu.memory_space<vmem>>
      %dma_wait3A_343 = tpu.memref_squeeze %dma_wait3A_342 : memref<1x80x64xf32, #tpu.memory_space<vmem>> -> memref<80x64xf32, #tpu.memory_space<vmem>>
      %dma_wait3A_344 = arith.constant 0 : i32
      %dma_wait3A_345 = tpu.memref_slice %arg9[%dma_wait3A_338, %dma_wait3A_344] : memref<5x80xi32, #tpu.memory_space<vmem>> -> memref<1x80xi32, #tpu.memory_space<vmem>>
      %dma_wait3A_346 = tpu.memref_squeeze %dma_wait3A_345 : memref<1x80xi32, #tpu.memory_space<vmem>> -> memref<80xi32, #tpu.memory_space<vmem>>
      %dma_wait3A_347 = arith.constant 0 : i32
      %dma_wait3A_348 = arith.constant 0 : i32
      %dma_wait3A_349 = tpu.memref_slice %arg3[%dma_wait3A_347, %dma_wait3A_348] : memref<10000x64xf32, #tpu.memory_space<hbm>> -> memref<10000x64xf32, #tpu.memory_space<hbm>>
      tpu.wait_indirect_dma semaphore(%arg17 : memref<!tpu.dma_semaphore, #tpu.memory_space<semaphore_mem>>) src(%dma_wait3A_349 : memref<10000x64xf32, #tpu.memory_space<hbm>>) dst(%dma_wait3A_343 : memref<80x64xf32, #tpu.memory_space<vmem>>)
      %add3A_350 = arith.constant 0 : i32
      %add3A_351 = arith.addi %add3A_184, %add3A_350 : i32
      %mul3A_352 = arith.constant 80 : i32
      %mul3A_353 = arith.muli %add3A_351, %mul3A_352 : i32
      %dma_start3A_354 = arith.constant 0 : i32
      %dma_start3A_355 = arith.constant 0 : i32
      %dma_start3A_356 = arith.constant 0 : i32
      %dma_start3A_357 = tpu.memref_slice %arg10[%dma_start3A_354, %dma_start3A_355, %dma_start3A_356] : memref<5x80x64xf32, #tpu.memory_space<vmem>> -> memref<1x80x64xf32, #tpu.memory_space<vmem>>
      %dma_start3A_358 = tpu.memref_squeeze %dma_start3A_357 : memref<1x80x64xf32, #tpu.memory_space<vmem>> -> memref<80x64xf32, #tpu.memory_space<vmem>>
      %dma_start3A_359 = arith.constant 0 : i32
      %dma_start3A_360 = tpu.memref_slice %arg6[%mul3A_353, %dma_start3A_359] : memref<320000x64xf32, #tpu.memory_space<hbm>> -> memref<80x64xf32, #tpu.memory_space<hbm>>
      %dma_start3A_361 = arith.constant 0 : i32
      %dma_start3A_362 = tpu.memref_slice %arg6[%mul3A_353, %dma_start3A_361] : memref<320000x64xf32, #tpu.memory_space<hbm>> -> memref<80x64xf32, #tpu.memory_space<hbm>>
      %dma_start3A_363 = arith.constant 0 : i32
      %dma_start3A_364 = arith.constant 0 : i32
      %dma_start3A_365 = tpu.memref_slice %arg10[%dma_start3A_354, %dma_start3A_363, %dma_start3A_364] : memref<5x80x64xf32, #tpu.memory_space<vmem>> -> memref<1x80x64xf32, #tpu.memory_space<vmem>>
      %dma_start3A_366 = tpu.memref_squeeze %dma_start3A_365 : memref<1x80x64xf32, #tpu.memory_space<vmem>> -> memref<80x64xf32, #tpu.memory_space<vmem>>
      tpu.enqueue_dma source(%dma_start3A_366 : memref<80x64xf32, #tpu.memory_space<vmem>>) target(%dma_start3A_362 : memref<80x64xf32, #tpu.memory_space<hbm>>) target_semaphore(%arg22 : memref<!tpu.dma_semaphore, #tpu.memory_space<semaphore_mem>>)
      %add3A_367 = arith.constant 0 : i32
      %add3A_368 = arith.addi %add3A_184, %add3A_367 : i32
      %mul3A_369 = arith.constant 80 : i32
      %mul3A_370 = arith.muli %add3A_368, %mul3A_369 : i32
      %dma_start3A_371 = arith.constant 0 : i32
      %dma_start3A_372 = arith.constant 0 : i32
      %dma_start3A_373 = arith.constant 0 : i32
      %dma_start3A_374 = tpu.memref_slice %arg11[%dma_start3A_371, %dma_start3A_372, %dma_start3A_373] : memref<5x80x64xf32, #tpu.memory_space<vmem>> -> memref<1x80x64xf32, #tpu.memory_space<vmem>>
      %dma_start3A_375 = tpu.memref_squeeze %dma_start3A_374 : memref<1x80x64xf32, #tpu.memory_space<vmem>> -> memref<80x64xf32, #tpu.memory_space<vmem>>
      %dma_start3A_376 = arith.constant 0 : i32
      %dma_start3A_377 = tpu.memref_slice %arg7[%mul3A_370, %dma_start3A_376] : memref<320000x64xf32, #tpu.memory_space<hbm>> -> memref<80x64xf32, #tpu.memory_space<hbm>>
      %dma_start3A_378 = arith.constant 0 : i32
      %dma_start3A_379 = tpu.memref_slice %arg7[%mul3A_370, %dma_start3A_378] : memref<320000x64xf32, #tpu.memory_space<hbm>> -> memref<80x64xf32, #tpu.memory_space<hbm>>
      %dma_start3A_380 = arith.constant 0 : i32
      %dma_start3A_381 = arith.constant 0 : i32
      %dma_start3A_382 = tpu.memref_slice %arg11[%dma_start3A_371, %dma_start3A_380, %dma_start3A_381] : memref<5x80x64xf32, #tpu.memory_space<vmem>> -> memref<1x80x64xf32, #tpu.memory_space<vmem>>
      %dma_start3A_383 = tpu.memref_squeeze %dma_start3A_382 : memref<1x80x64xf32, #tpu.memory_space<vmem>> -> memref<80x64xf32, #tpu.memory_space<vmem>>
      tpu.enqueue_dma source(%dma_start3A_383 : memref<80x64xf32, #tpu.memory_space<vmem>>) target(%dma_start3A_379 : memref<80x64xf32, #tpu.memory_space<hbm>>) target_semaphore(%arg27 : memref<!tpu.dma_semaphore, #tpu.memory_space<semaphore_mem>>)
      %dma_wait3A_384 = arith.constant 1 : i32
      %dma_wait3A_385 = arith.constant 1 : i32
      %dma_wait3A_386 = arith.constant 0 : i32
      %dma_wait3A_387 = arith.constant 0 : i32
      %dma_wait3A_388 = tpu.memref_slice %arg10[%dma_wait3A_385, %dma_wait3A_386, %dma_wait3A_387] : memref<5x80x64xf32, #tpu.memory_space<vmem>> -> memref<1x80x64xf32, #tpu.memory_space<vmem>>
      %dma_wait3A_389 = tpu.memref_squeeze %dma_wait3A_388 : memref<1x80x64xf32, #tpu.memory_space<vmem>> -> memref<80x64xf32, #tpu.memory_space<vmem>>
      %dma_wait3A_390 = arith.constant 0 : i32
      %dma_wait3A_391 = tpu.memref_slice %arg8[%dma_wait3A_384, %dma_wait3A_390] : memref<5x80xi32, #tpu.memory_space<vmem>> -> memref<1x80xi32, #tpu.memory_space<vmem>>
      %dma_wait3A_392 = tpu.memref_squeeze %dma_wait3A_391 : memref<1x80xi32, #tpu.memory_space<vmem>> -> memref<80xi32, #tpu.memory_space<vmem>>
      %dma_wait3A_393 = arith.constant 0 : i32
      %dma_wait3A_394 = arith.constant 0 : i32
      %dma_wait3A_395 = tpu.memref_slice %arg2[%dma_wait3A_393, %dma_wait3A_394] : memref<10000x64xf32, #tpu.memory_space<hbm>> -> memref<10000x64xf32, #tpu.memory_space<hbm>>
      tpu.wait_indirect_dma semaphore(%arg13 : memref<!tpu.dma_semaphore, #tpu.memory_space<semaphore_mem>>) src(%dma_wait3A_395 : memref<10000x64xf32, #tpu.memory_space<hbm>>) dst(%dma_wait3A_389 : memref<80x64xf32, #tpu.memory_space<vmem>>)
      %dma_wait3A_396 = arith.constant 1 : i32
      %dma_wait3A_397 = arith.constant 1 : i32
      %dma_wait3A_398 = arith.constant 0 : i32
      %dma_wait3A_399 = arith.constant 0 : i32
      %dma_wait3A_400 = tpu.memref_slice %arg11[%dma_wait3A_397, %dma_wait3A_398, %dma_wait3A_399] : memref<5x80x64xf32, #tpu.memory_space<vmem>> -> memref<1x80x64xf32, #tpu.memory_space<vmem>>
      %dma_wait3A_401 = tpu.memref_squeeze %dma_wait3A_400 : memref<1x80x64xf32, #tpu.memory_space<vmem>> -> memref<80x64xf32, #tpu.memory_space<vmem>>
      %dma_wait3A_402 = arith.constant 0 : i32
      %dma_wait3A_403 = tpu.memref_slice %arg9[%dma_wait3A_396, %dma_wait3A_402] : memref<5x80xi32, #tpu.memory_space<vmem>> -> memref<1x80xi32, #tpu.memory_space<vmem>>
      %dma_wait3A_404 = tpu.memref_squeeze %dma_wait3A_403 : memref<1x80xi32, #tpu.memory_space<vmem>> -> memref<80xi32, #tpu.memory_space<vmem>>
      %dma_wait3A_405 = arith.constant 0 : i32
      %dma_wait3A_406 = arith.constant 0 : i32
      %dma_wait3A_407 = tpu.memref_slice %arg3[%dma_wait3A_405, %dma_wait3A_406] : memref<10000x64xf32, #tpu.memory_space<hbm>> -> memref<10000x64xf32, #tpu.memory_space<hbm>>
      tpu.wait_indirect_dma semaphore(%arg18 : memref<!tpu.dma_semaphore, #tpu.memory_space<semaphore_mem>>) src(%dma_wait3A_407 : memref<10000x64xf32, #tpu.memory_space<hbm>>) dst(%dma_wait3A_401 : memref<80x64xf32, #tpu.memory_space<vmem>>)
      %add3A_408 = arith.constant 1 : i32
      %add3A_409 = arith.addi %add3A_184, %add3A_408 : i32
      %mul3A_410 = arith.constant 80 : i32
      %mul3A_411 = arith.muli %add3A_409, %mul3A_410 : i32
      %dma_start3A_412 = arith.constant 1 : i32
      %dma_start3A_413 = arith.constant 0 : i32
      %dma_start3A_414 = arith.constant 0 : i32
      %dma_start3A_415 = tpu.memref_slice %arg10[%dma_start3A_412, %dma_start3A_413, %dma_start3A_414] : memref<5x80x64xf32, #tpu.memory_space<vmem>> -> memref<1x80x64xf32, #tpu.memory_space<vmem>>
      %dma_start3A_416 = tpu.memref_squeeze %dma_start3A_415 : memref<1x80x64xf32, #tpu.memory_space<vmem>> -> memref<80x64xf32, #tpu.memory_space<vmem>>
      %dma_start3A_417 = arith.constant 0 : i32
      %dma_start3A_418 = tpu.memref_slice %arg6[%mul3A_411, %dma_start3A_417] : memref<320000x64xf32, #tpu.memory_space<hbm>> -> memref<80x64xf32, #tpu.memory_space<hbm>>
      %dma_start3A_419 = arith.constant 0 : i32
      %dma_start3A_420 = tpu.memref_slice %arg6[%mul3A_411, %dma_start3A_419] : memref<320000x64xf32, #tpu.memory_space<hbm>> -> memref<80x64xf32, #tpu.memory_space<hbm>>
      %dma_start3A_421 = arith.constant 0 : i32
      %dma_start3A_422 = arith.constant 0 : i32
      %dma_start3A_423 = tpu.memref_slice %arg10[%dma_start3A_412, %dma_start3A_421, %dma_start3A_422] : memref<5x80x64xf32, #tpu.memory_space<vmem>> -> memref<1x80x64xf32, #tpu.memory_space<vmem>>
      %dma_start3A_424 = tpu.memref_squeeze %dma_start3A_423 : memref<1x80x64xf32, #tpu.memory_space<vmem>> -> memref<80x64xf32, #tpu.memory_space<vmem>>
      tpu.enqueue_dma source(%dma_start3A_424 : memref<80x64xf32, #tpu.memory_space<vmem>>) target(%dma_start3A_420 : memref<80x64xf32, #tpu.memory_space<hbm>>) target_semaphore(%arg23 : memref<!tpu.dma_semaphore, #tpu.memory_space<semaphore_mem>>)
      %add3A_425 = arith.constant 1 : i32
      %add3A_426 = arith.addi %add3A_184, %add3A_425 : i32
      %mul3A_427 = arith.constant 80 : i32
      %mul3A_428 = arith.muli %add3A_426, %mul3A_427 : i32
      %dma_start3A_429 = arith.constant 1 : i32
      %dma_start3A_430 = arith.constant 0 : i32
      %dma_start3A_431 = arith.constant 0 : i32
      %dma_start3A_432 = tpu.memref_slice %arg11[%dma_start3A_429, %dma_start3A_430, %dma_start3A_431] : memref<5x80x64xf32, #tpu.memory_space<vmem>> -> memref<1x80x64xf32, #tpu.memory_space<vmem>>
      %dma_start3A_433 = tpu.memref_squeeze %dma_start3A_432 : memref<1x80x64xf32, #tpu.memory_space<vmem>> -> memref<80x64xf32, #tpu.memory_space<vmem>>
      %dma_start3A_434 = arith.constant 0 : i32
      %dma_start3A_435 = tpu.memref_slice %arg7[%mul3A_428, %dma_start3A_434] : memref<320000x64xf32, #tpu.memory_space<hbm>> -> memref<80x64xf32, #tpu.memory_space<hbm>>
      %dma_start3A_436 = arith.constant 0 : i32
      %dma_start3A_437 = tpu.memref_slice %arg7[%mul3A_428, %dma_start3A_436] : memref<320000x64xf32, #tpu.memory_space<hbm>> -> memref<80x64xf32, #tpu.memory_space<hbm>>
      %dma_start3A_438 = arith.constant 0 : i32
      %dma_start3A_439 = arith.constant 0 : i32
      %dma_start3A_440 = tpu.memref_slice %arg11[%dma_start3A_429, %dma_start3A_438, %dma_start3A_439] : memref<5x80x64xf32, #tpu.memory_space<vmem>> -> memref<1x80x64xf32, #tpu.memory_space<vmem>>
      %dma_start3A_441 = tpu.memref_squeeze %dma_start3A_440 : memref<1x80x64xf32, #tpu.memory_space<vmem>> -> memref<80x64xf32, #tpu.memory_space<vmem>>
      tpu.enqueue_dma source(%dma_start3A_441 : memref<80x64xf32, #tpu.memory_space<vmem>>) target(%dma_start3A_437 : memref<80x64xf32, #tpu.memory_space<hbm>>) target_semaphore(%arg28 : memref<!tpu.dma_semaphore, #tpu.memory_space<semaphore_mem>>)
      %dma_wait3A_442 = arith.constant 2 : i32
      %dma_wait3A_443 = arith.constant 2 : i32
      %dma_wait3A_444 = arith.constant 0 : i32
      %dma_wait3A_445 = arith.constant 0 : i32
      %dma_wait3A_446 = tpu.memref_slice %arg10[%dma_wait3A_443, %dma_wait3A_444, %dma_wait3A_445] : memref<5x80x64xf32, #tpu.memory_space<vmem>> -> memref<1x80x64xf32, #tpu.memory_space<vmem>>
      %dma_wait3A_447 = tpu.memref_squeeze %dma_wait3A_446 : memref<1x80x64xf32, #tpu.memory_space<vmem>> -> memref<80x64xf32, #tpu.memory_space<vmem>>
      %dma_wait3A_448 = arith.constant 0 : i32
      %dma_wait3A_449 = tpu.memref_slice %arg8[%dma_wait3A_442, %dma_wait3A_448] : memref<5x80xi32, #tpu.memory_space<vmem>> -> memref<1x80xi32, #tpu.memory_space<vmem>>
      %dma_wait3A_450 = tpu.memref_squeeze %dma_wait3A_449 : memref<1x80xi32, #tpu.memory_space<vmem>> -> memref<80xi32, #tpu.memory_space<vmem>>
      %dma_wait3A_451 = arith.constant 0 : i32
      %dma_wait3A_452 = arith.constant 0 : i32
      %dma_wait3A_453 = tpu.memref_slice %arg2[%dma_wait3A_451, %dma_wait3A_452] : memref<10000x64xf32, #tpu.memory_space<hbm>> -> memref<10000x64xf32, #tpu.memory_space<hbm>>
      tpu.wait_indirect_dma semaphore(%arg14 : memref<!tpu.dma_semaphore, #tpu.memory_space<semaphore_mem>>) src(%dma_wait3A_453 : memref<10000x64xf32, #tpu.memory_space<hbm>>) dst(%dma_wait3A_447 : memref<80x64xf32, #tpu.memory_space<vmem>>)
      %dma_wait3A_454 = arith.constant 2 : i32
      %dma_wait3A_455 = arith.constant 2 : i32
      %dma_wait3A_456 = arith.constant 0 : i32
      %dma_wait3A_457 = arith.constant 0 : i32
      %dma_wait3A_458 = tpu.memref_slice %arg11[%dma_wait3A_455, %dma_wait3A_456, %dma_wait3A_457] : memref<5x80x64xf32, #tpu.memory_space<vmem>> -> memref<1x80x64xf32, #tpu.memory_space<vmem>>
      %dma_wait3A_459 = tpu.memref_squeeze %dma_wait3A_458 : memref<1x80x64xf32, #tpu.memory_space<vmem>> -> memref<80x64xf32, #tpu.memory_space<vmem>>
      %dma_wait3A_460 = arith.constant 0 : i32
      %dma_wait3A_461 = tpu.memref_slice %arg9[%dma_wait3A_454, %dma_wait3A_460] : memref<5x80xi32, #tpu.memory_space<vmem>> -> memref<1x80xi32, #tpu.memory_space<vmem>>
      %dma_wait3A_462 = tpu.memref_squeeze %dma_wait3A_461 : memref<1x80xi32, #tpu.memory_space<vmem>> -> memref<80xi32, #tpu.memory_space<vmem>>
      %dma_wait3A_463 = arith.constant 0 : i32
      %dma_wait3A_464 = arith.constant 0 : i32
      %dma_wait3A_465 = tpu.memref_slice %arg3[%dma_wait3A_463, %dma_wait3A_464] : memref<10000x64xf32, #tpu.memory_space<hbm>> -> memref<10000x64xf32, #tpu.memory_space<hbm>>
      tpu.wait_indirect_dma semaphore(%arg19 : memref<!tpu.dma_semaphore, #tpu.memory_space<semaphore_mem>>) src(%dma_wait3A_465 : memref<10000x64xf32, #tpu.memory_space<hbm>>) dst(%dma_wait3A_459 : memref<80x64xf32, #tpu.memory_space<vmem>>)
      %add3A_466 = arith.constant 2 : i32
      %add3A_467 = arith.addi %add3A_184, %add3A_466 : i32
      %mul3A_468 = arith.constant 80 : i32
      %mul3A_469 = arith.muli %add3A_467, %mul3A_468 : i32
      %dma_start3A_470 = arith.constant 2 : i32
      %dma_start3A_471 = arith.constant 0 : i32
      %dma_start3A_472 = arith.constant 0 : i32
      %dma_start3A_473 = tpu.memref_slice %arg10[%dma_start3A_470, %dma_start3A_471, %dma_start3A_472] : memref<5x80x64xf32, #tpu.memory_space<vmem>> -> memref<1x80x64xf32, #tpu.memory_space<vmem>>
      %dma_start3A_474 = tpu.memref_squeeze %dma_start3A_473 : memref<1x80x64xf32, #tpu.memory_space<vmem>> -> memref<80x64xf32, #tpu.memory_space<vmem>>
      %dma_start3A_475 = arith.constant 0 : i32
      %dma_start3A_476 = tpu.memref_slice %arg6[%mul3A_469, %dma_start3A_475] : memref<320000x64xf32, #tpu.memory_space<hbm>> -> memref<80x64xf32, #tpu.memory_space<hbm>>
      %dma_start3A_477 = arith.constant 0 : i32
      %dma_start3A_478 = tpu.memref_slice %arg6[%mul3A_469, %dma_start3A_477] : memref<320000x64xf32, #tpu.memory_space<hbm>> -> memref<80x64xf32, #tpu.memory_space<hbm>>
      %dma_start3A_479 = arith.constant 0 : i32
      %dma_start3A_480 = arith.constant 0 : i32
      %dma_start3A_481 = tpu.memref_slice %arg10[%dma_start3A_470, %dma_start3A_479, %dma_start3A_480] : memref<5x80x64xf32, #tpu.memory_space<vmem>> -> memref<1x80x64xf32, #tpu.memory_space<vmem>>
      %dma_start3A_482 = tpu.memref_squeeze %dma_start3A_481 : memref<1x80x64xf32, #tpu.memory_space<vmem>> -> memref<80x64xf32, #tpu.memory_space<vmem>>
      tpu.enqueue_dma source(%dma_start3A_482 : memref<80x64xf32, #tpu.memory_space<vmem>>) target(%dma_start3A_478 : memref<80x64xf32, #tpu.memory_space<hbm>>) target_semaphore(%arg24 : memref<!tpu.dma_semaphore, #tpu.memory_space<semaphore_mem>>)
      %add3A_483 = arith.constant 2 : i32
      %add3A_484 = arith.addi %add3A_184, %add3A_483 : i32
      %mul3A_485 = arith.constant 80 : i32
      %mul3A_486 = arith.muli %add3A_484, %mul3A_485 : i32
      %dma_start3A_487 = arith.constant 2 : i32
      %dma_start3A_488 = arith.constant 0 : i32
      %dma_start3A_489 = arith.constant 0 : i32
      %dma_start3A_490 = tpu.memref_slice %arg11[%dma_start3A_487, %dma_start3A_488, %dma_start3A_489] : memref<5x80x64xf32, #tpu.memory_space<vmem>> -> memref<1x80x64xf32, #tpu.memory_space<vmem>>
      %dma_start3A_491 = tpu.memref_squeeze %dma_start3A_490 : memref<1x80x64xf32, #tpu.memory_space<vmem>> -> memref<80x64xf32, #tpu.memory_space<vmem>>
      %dma_start3A_492 = arith.constant 0 : i32
      %dma_start3A_493 = tpu.memref_slice %arg7[%mul3A_486, %dma_start3A_492] : memref<320000x64xf32, #tpu.memory_space<hbm>> -> memref<80x64xf32, #tpu.memory_space<hbm>>
      %dma_start3A_494 = arith.constant 0 : i32
      %dma_start3A_495 = tpu.memref_slice %arg7[%mul3A_486, %dma_start3A_494] : memref<320000x64xf32, #tpu.memory_space<hbm>> -> memref<80x64xf32, #tpu.memory_space<hbm>>
      %dma_start3A_496 = arith.constant 0 : i32
      %dma_start3A_497 = arith.constant 0 : i32
      %dma_start3A_498 = tpu.memref_slice %arg11[%dma_start3A_487, %dma_start3A_496, %dma_start3A_497] : memref<5x80x64xf32, #tpu.memory_space<vmem>> -> memref<1x80x64xf32, #tpu.memory_space<vmem>>
      %dma_start3A_499 = tpu.memref_squeeze %dma_start3A_498 : memref<1x80x64xf32, #tpu.memory_space<vmem>> -> memref<80x64xf32, #tpu.memory_space<vmem>>
      tpu.enqueue_dma source(%dma_start3A_499 : memref<80x64xf32, #tpu.memory_space<vmem>>) target(%dma_start3A_495 : memref<80x64xf32, #tpu.memory_space<hbm>>) target_semaphore(%arg29 : memref<!tpu.dma_semaphore, #tpu.memory_space<semaphore_mem>>)
      %dma_wait3A_500 = arith.constant 3 : i32
      %dma_wait3A_501 = arith.constant 3 : i32
      %dma_wait3A_502 = arith.constant 0 : i32
      %dma_wait3A_503 = arith.constant 0 : i32
      %dma_wait3A_504 = tpu.memref_slice %arg10[%dma_wait3A_501, %dma_wait3A_502, %dma_wait3A_503] : memref<5x80x64xf32, #tpu.memory_space<vmem>> -> memref<1x80x64xf32, #tpu.memory_space<vmem>>
      %dma_wait3A_505 = tpu.memref_squeeze %dma_wait3A_504 : memref<1x80x64xf32, #tpu.memory_space<vmem>> -> memref<80x64xf32, #tpu.memory_space<vmem>>
      %dma_wait3A_506 = arith.constant 0 : i32
      %dma_wait3A_507 = tpu.memref_slice %arg8[%dma_wait3A_500, %dma_wait3A_506] : memref<5x80xi32, #tpu.memory_space<vmem>> -> memref<1x80xi32, #tpu.memory_space<vmem>>
      %dma_wait3A_508 = tpu.memref_squeeze %dma_wait3A_507 : memref<1x80xi32, #tpu.memory_space<vmem>> -> memref<80xi32, #tpu.memory_space<vmem>>
      %dma_wait3A_509 = arith.constant 0 : i32
      %dma_wait3A_510 = arith.constant 0 : i32
      %dma_wait3A_511 = tpu.memref_slice %arg2[%dma_wait3A_509, %dma_wait3A_510] : memref<10000x64xf32, #tpu.memory_space<hbm>> -> memref<10000x64xf32, #tpu.memory_space<hbm>>
      tpu.wait_indirect_dma semaphore(%arg15 : memref<!tpu.dma_semaphore, #tpu.memory_space<semaphore_mem>>) src(%dma_wait3A_511 : memref<10000x64xf32, #tpu.memory_space<hbm>>) dst(%dma_wait3A_505 : memref<80x64xf32, #tpu.memory_space<vmem>>)
      %dma_wait3A_512 = arith.constant 3 : i32
      %dma_wait3A_513 = arith.constant 3 : i32
      %dma_wait3A_514 = arith.constant 0 : i32
      %dma_wait3A_515 = arith.constant 0 : i32
      %dma_wait3A_516 = tpu.memref_slice %arg11[%dma_wait3A_513, %dma_wait3A_514, %dma_wait3A_515] : memref<5x80x64xf32, #tpu.memory_space<vmem>> -> memref<1x80x64xf32, #tpu.memory_space<vmem>>
      %dma_wait3A_517 = tpu.memref_squeeze %dma_wait3A_516 : memref<1x80x64xf32, #tpu.memory_space<vmem>> -> memref<80x64xf32, #tpu.memory_space<vmem>>
      %dma_wait3A_518 = arith.constant 0 : i32
      %dma_wait3A_519 = tpu.memref_slice %arg9[%dma_wait3A_512, %dma_wait3A_518] : memref<5x80xi32, #tpu.memory_space<vmem>> -> memref<1x80xi32, #tpu.memory_space<vmem>>
      %dma_wait3A_520 = tpu.memref_squeeze %dma_wait3A_519 : memref<1x80xi32, #tpu.memory_space<vmem>> -> memref<80xi32, #tpu.memory_space<vmem>>
      %dma_wait3A_521 = arith.constant 0 : i32
      %dma_wait3A_522 = arith.constant 0 : i32
      %dma_wait3A_523 = tpu.memref_slice %arg3[%dma_wait3A_521, %dma_wait3A_522] : memref<10000x64xf32, #tpu.memory_space<hbm>> -> memref<10000x64xf32, #tpu.memory_space<hbm>>
      tpu.wait_indirect_dma semaphore(%arg20 : memref<!tpu.dma_semaphore, #tpu.memory_space<semaphore_mem>>) src(%dma_wait3A_523 : memref<10000x64xf32, #tpu.memory_space<hbm>>) dst(%dma_wait3A_517 : memref<80x64xf32, #tpu.memory_space<vmem>>)
      %add3A_524 = arith.constant 3 : i32
      %add3A_525 = arith.addi %add3A_184, %add3A_524 : i32
      %mul3A_526 = arith.constant 80 : i32
      %mul3A_527 = arith.muli %add3A_525, %mul3A_526 : i32
      %dma_start3A_528 = arith.constant 3 : i32
      %dma_start3A_529 = arith.constant 0 : i32
      %dma_start3A_530 = arith.constant 0 : i32
      %dma_start3A_531 = tpu.memref_slice %arg10[%dma_start3A_528, %dma_start3A_529, %dma_start3A_530] : memref<5x80x64xf32, #tpu.memory_space<vmem>> -> memref<1x80x64xf32, #tpu.memory_space<vmem>>
      %dma_start3A_532 = tpu.memref_squeeze %dma_start3A_531 : memref<1x80x64xf32, #tpu.memory_space<vmem>> -> memref<80x64xf32, #tpu.memory_space<vmem>>
      %dma_start3A_533 = arith.constant 0 : i32
      %dma_start3A_534 = tpu.memref_slice %arg6[%mul3A_527, %dma_start3A_533] : memref<320000x64xf32, #tpu.memory_space<hbm>> -> memref<80x64xf32, #tpu.memory_space<hbm>>
      %dma_start3A_535 = arith.constant 0 : i32
      %dma_start3A_536 = tpu.memref_slice %arg6[%mul3A_527, %dma_start3A_535] : memref<320000x64xf32, #tpu.memory_space<hbm>> -> memref<80x64xf32, #tpu.memory_space<hbm>>
      %dma_start3A_537 = arith.constant 0 : i32
      %dma_start3A_538 = arith.constant 0 : i32
      %dma_start3A_539 = tpu.memref_slice %arg10[%dma_start3A_528, %dma_start3A_537, %dma_start3A_538] : memref<5x80x64xf32, #tpu.memory_space<vmem>> -> memref<1x80x64xf32, #tpu.memory_space<vmem>>
      %dma_start3A_540 = tpu.memref_squeeze %dma_start3A_539 : memref<1x80x64xf32, #tpu.memory_space<vmem>> -> memref<80x64xf32, #tpu.memory_space<vmem>>
      tpu.enqueue_dma source(%dma_start3A_540 : memref<80x64xf32, #tpu.memory_space<vmem>>) target(%dma_start3A_536 : memref<80x64xf32, #tpu.memory_space<hbm>>) target_semaphore(%arg25 : memref<!tpu.dma_semaphore, #tpu.memory_space<semaphore_mem>>)
      %add3A_541 = arith.constant 3 : i32
      %add3A_542 = arith.addi %add3A_184, %add3A_541 : i32
      %mul3A_543 = arith.constant 80 : i32
      %mul3A_544 = arith.muli %add3A_542, %mul3A_543 : i32
      %dma_start3A_545 = arith.constant 3 : i32
      %dma_start3A_546 = arith.constant 0 : i32
      %dma_start3A_547 = arith.constant 0 : i32
      %dma_start3A_548 = tpu.memref_slice %arg11[%dma_start3A_545, %dma_start3A_546, %dma_start3A_547] : memref<5x80x64xf32, #tpu.memory_space<vmem>> -> memref<1x80x64xf32, #tpu.memory_space<vmem>>
      %dma_start3A_549 = tpu.memref_squeeze %dma_start3A_548 : memref<1x80x64xf32, #tpu.memory_space<vmem>> -> memref<80x64xf32, #tpu.memory_space<vmem>>
      %dma_start3A_550 = arith.constant 0 : i32
      %dma_start3A_551 = tpu.memref_slice %arg7[%mul3A_544, %dma_start3A_550] : memref<320000x64xf32, #tpu.memory_space<hbm>> -> memref<80x64xf32, #tpu.memory_space<hbm>>
      %dma_start3A_552 = arith.constant 0 : i32
      %dma_start3A_553 = tpu.memref_slice %arg7[%mul3A_544, %dma_start3A_552] : memref<320000x64xf32, #tpu.memory_space<hbm>> -> memref<80x64xf32, #tpu.memory_space<hbm>>
      %dma_start3A_554 = arith.constant 0 : i32
      %dma_start3A_555 = arith.constant 0 : i32
      %dma_start3A_556 = tpu.memref_slice %arg11[%dma_start3A_545, %dma_start3A_554, %dma_start3A_555] : memref<5x80x64xf32, #tpu.memory_space<vmem>> -> memref<1x80x64xf32, #tpu.memory_space<vmem>>
      %dma_start3A_557 = tpu.memref_squeeze %dma_start3A_556 : memref<1x80x64xf32, #tpu.memory_space<vmem>> -> memref<80x64xf32, #tpu.memory_space<vmem>>
      tpu.enqueue_dma source(%dma_start3A_557 : memref<80x64xf32, #tpu.memory_space<vmem>>) target(%dma_start3A_553 : memref<80x64xf32, #tpu.memory_space<hbm>>) target_semaphore(%arg30 : memref<!tpu.dma_semaphore, #tpu.memory_space<semaphore_mem>>)
      %dma_wait3A_558 = arith.constant 4 : i32
      %dma_wait3A_559 = arith.constant 4 : i32
      %dma_wait3A_560 = arith.constant 0 : i32
      %dma_wait3A_561 = arith.constant 0 : i32
      %dma_wait3A_562 = tpu.memref_slice %arg10[%dma_wait3A_559, %dma_wait3A_560, %dma_wait3A_561] : memref<5x80x64xf32, #tpu.memory_space<vmem>> -> memref<1x80x64xf32, #tpu.memory_space<vmem>>
      %dma_wait3A_563 = tpu.memref_squeeze %dma_wait3A_562 : memref<1x80x64xf32, #tpu.memory_space<vmem>> -> memref<80x64xf32, #tpu.memory_space<vmem>>
      %dma_wait3A_564 = arith.constant 0 : i32
      %dma_wait3A_565 = tpu.memref_slice %arg8[%dma_wait3A_558, %dma_wait3A_564] : memref<5x80xi32, #tpu.memory_space<vmem>> -> memref<1x80xi32, #tpu.memory_space<vmem>>
      %dma_wait3A_566 = tpu.memref_squeeze %dma_wait3A_565 : memref<1x80xi32, #tpu.memory_space<vmem>> -> memref<80xi32, #tpu.memory_space<vmem>>
      %dma_wait3A_567 = arith.constant 0 : i32
      %dma_wait3A_568 = arith.constant 0 : i32
      %dma_wait3A_569 = tpu.memref_slice %arg2[%dma_wait3A_567, %dma_wait3A_568] : memref<10000x64xf32, #tpu.memory_space<hbm>> -> memref<10000x64xf32, #tpu.memory_space<hbm>>
      tpu.wait_indirect_dma semaphore(%arg16 : memref<!tpu.dma_semaphore, #tpu.memory_space<semaphore_mem>>) src(%dma_wait3A_569 : memref<10000x64xf32, #tpu.memory_space<hbm>>) dst(%dma_wait3A_563 : memref<80x64xf32, #tpu.memory_space<vmem>>)
      %dma_wait3A_570 = arith.constant 4 : i32
      %dma_wait3A_571 = arith.constant 4 : i32
      %dma_wait3A_572 = arith.constant 0 : i32
      %dma_wait3A_573 = arith.constant 0 : i32
      %dma_wait3A_574 = tpu.memref_slice %arg11[%dma_wait3A_571, %dma_wait3A_572, %dma_wait3A_573] : memref<5x80x64xf32, #tpu.memory_space<vmem>> -> memref<1x80x64xf32, #tpu.memory_space<vmem>>
      %dma_wait3A_575 = tpu.memref_squeeze %dma_wait3A_574 : memref<1x80x64xf32, #tpu.memory_space<vmem>> -> memref<80x64xf32, #tpu.memory_space<vmem>>
      %dma_wait3A_576 = arith.constant 0 : i32
      %dma_wait3A_577 = tpu.memref_slice %arg9[%dma_wait3A_570, %dma_wait3A_576] : memref<5x80xi32, #tpu.memory_space<vmem>> -> memref<1x80xi32, #tpu.memory_space<vmem>>
      %dma_wait3A_578 = tpu.memref_squeeze %dma_wait3A_577 : memref<1x80xi32, #tpu.memory_space<vmem>> -> memref<80xi32, #tpu.memory_space<vmem>>
      %dma_wait3A_579 = arith.constant 0 : i32
      %dma_wait3A_580 = arith.constant 0 : i32
      %dma_wait3A_581 = tpu.memref_slice %arg3[%dma_wait3A_579, %dma_wait3A_580] : memref<10000x64xf32, #tpu.memory_space<hbm>> -> memref<10000x64xf32, #tpu.memory_space<hbm>>
      tpu.wait_indirect_dma semaphore(%arg21 : memref<!tpu.dma_semaphore, #tpu.memory_space<semaphore_mem>>) src(%dma_wait3A_581 : memref<10000x64xf32, #tpu.memory_space<hbm>>) dst(%dma_wait3A_575 : memref<80x64xf32, #tpu.memory_space<vmem>>)
      %add3A_582 = arith.constant 4 : i32
      %add3A_583 = arith.addi %add3A_184, %add3A_582 : i32
      %mul3A_584 = arith.constant 80 : i32
      %mul3A_585 = arith.muli %add3A_583, %mul3A_584 : i32
      %dma_start3A_586 = arith.constant 4 : i32
      %dma_start3A_587 = arith.constant 0 : i32
      %dma_start3A_588 = arith.constant 0 : i32
      %dma_start3A_589 = tpu.memref_slice %arg10[%dma_start3A_586, %dma_start3A_587, %dma_start3A_588] : memref<5x80x64xf32, #tpu.memory_space<vmem>> -> memref<1x80x64xf32, #tpu.memory_space<vmem>>
      %dma_start3A_590 = tpu.memref_squeeze %dma_start3A_589 : memref<1x80x64xf32, #tpu.memory_space<vmem>> -> memref<80x64xf32, #tpu.memory_space<vmem>>
      %dma_start3A_591 = arith.constant 0 : i32
      %dma_start3A_592 = tpu.memref_slice %arg6[%mul3A_585, %dma_start3A_591] : memref<320000x64xf32, #tpu.memory_space<hbm>> -> memref<80x64xf32, #tpu.memory_space<hbm>>
      %dma_start3A_593 = arith.constant 0 : i32
      %dma_start3A_594 = tpu.memref_slice %arg6[%mul3A_585, %dma_start3A_593] : memref<320000x64xf32, #tpu.memory_space<hbm>> -> memref<80x64xf32, #tpu.memory_space<hbm>>
      %dma_start3A_595 = arith.constant 0 : i32
      %dma_start3A_596 = arith.constant 0 : i32
      %dma_start3A_597 = tpu.memref_slice %arg10[%dma_start3A_586, %dma_start3A_595, %dma_start3A_596] : memref<5x80x64xf32, #tpu.memory_space<vmem>> -> memref<1x80x64xf32, #tpu.memory_space<vmem>>
      %dma_start3A_598 = tpu.memref_squeeze %dma_start3A_597 : memref<1x80x64xf32, #tpu.memory_space<vmem>> -> memref<80x64xf32, #tpu.memory_space<vmem>>
      tpu.enqueue_dma source(%dma_start3A_598 : memref<80x64xf32, #tpu.memory_space<vmem>>) target(%dma_start3A_594 : memref<80x64xf32, #tpu.memory_space<hbm>>) target_semaphore(%arg26 : memref<!tpu.dma_semaphore, #tpu.memory_space<semaphore_mem>>)
      %add3A_599 = arith.constant 4 : i32
      %add3A_600 = arith.addi %add3A_184, %add3A_599 : i32
      %mul3A_601 = arith.constant 80 : i32
      %mul3A_602 = arith.muli %add3A_600, %mul3A_601 : i32
      %dma_start3A_603 = arith.constant 4 : i32
      %dma_start3A_604 = arith.constant 0 : i32
      %dma_start3A_605 = arith.constant 0 : i32
      %dma_start3A_606 = tpu.memref_slice %arg11[%dma_start3A_603, %dma_start3A_604, %dma_start3A_605] : memref<5x80x64xf32, #tpu.memory_space<vmem>> -> memref<1x80x64xf32, #tpu.memory_space<vmem>>
      %dma_start3A_607 = tpu.memref_squeeze %dma_start3A_606 : memref<1x80x64xf32, #tpu.memory_space<vmem>> -> memref<80x64xf32, #tpu.memory_space<vmem>>
      %dma_start3A_608 = arith.constant 0 : i32
      %dma_start3A_609 = tpu.memref_slice %arg7[%mul3A_602, %dma_start3A_608] : memref<320000x64xf32, #tpu.memory_space<hbm>> -> memref<80x64xf32, #tpu.memory_space<hbm>>
      %dma_start3A_610 = arith.constant 0 : i32
      %dma_start3A_611 = tpu.memref_slice %arg7[%mul3A_602, %dma_start3A_610] : memref<320000x64xf32, #tpu.memory_space<hbm>> -> memref<80x64xf32, #tpu.memory_space<hbm>>
      %dma_start3A_612 = arith.constant 0 : i32
      %dma_start3A_613 = arith.constant 0 : i32
      %dma_start3A_614 = tpu.memref_slice %arg11[%dma_start3A_603, %dma_start3A_612, %dma_start3A_613] : memref<5x80x64xf32, #tpu.memory_space<vmem>> -> memref<1x80x64xf32, #tpu.memory_space<vmem>>
      %dma_start3A_615 = tpu.memref_squeeze %dma_start3A_614 : memref<1x80x64xf32, #tpu.memory_space<vmem>> -> memref<80x64xf32, #tpu.memory_space<vmem>>
      tpu.enqueue_dma source(%dma_start3A_615 : memref<80x64xf32, #tpu.memory_space<vmem>>) target(%dma_start3A_611 : memref<80x64xf32, #tpu.memory_space<hbm>>) target_semaphore(%arg31 : memref<!tpu.dma_semaphore, #tpu.memory_space<semaphore_mem>>)
    }
    %scan3A_5 = arith.constant 25 : i32
    %mul3A_6 = arith.constant 125 : i32
    %mul3A_7 = arith.muli %add3A, %mul3A_6 : i32
    %add3A_8 = arith.constant 120 : i32
    %add3A_9 = arith.addi %mul3A_7, %add3A_8 : i32
    %add3A_10 = arith.constant 0 : i32
    %add3A_11 = arith.addi %add3A_9, %add3A_10 : i32
    %mul3A_12 = arith.constant 80 : i32
    %mul3A_13 = arith.muli %add3A_11, %mul3A_12 : i32
    %dma_wait3A = arith.constant 0 : i32
    %dma_wait3A_14 = arith.constant 0 : i32
    %dma_wait3A_15 = arith.constant 0 : i32
    %dma_wait3A_16 = tpu.memref_slice %arg10[%dma_wait3A, %dma_wait3A_14, %dma_wait3A_15] : memref<5x80x64xf32, #tpu.memory_space<vmem>> -> memref<1x80x64xf32, #tpu.memory_space<vmem>>
    %dma_wait3A_17 = tpu.memref_squeeze %dma_wait3A_16 : memref<1x80x64xf32, #tpu.memory_space<vmem>> -> memref<80x64xf32, #tpu.memory_space<vmem>>
    %dma_wait3A_18 = arith.constant 0 : i32
    %dma_wait3A_19 = tpu.memref_slice %arg6[%mul3A_13, %dma_wait3A_18] : memref<320000x64xf32, #tpu.memory_space<hbm>> -> memref<80x64xf32, #tpu.memory_space<hbm>>
    %dma_wait3A_20 = arith.constant 0 : i32
    %dma_wait3A_21 = tpu.memref_slice %arg6[%mul3A_13, %dma_wait3A_20] : memref<320000x64xf32, #tpu.memory_space<hbm>> -> memref<80x64xf32, #tpu.memory_space<hbm>>
    %dma_wait3A_22 = arith.constant 0 : i32
    %dma_wait3A_23 = arith.constant 0 : i32
    %dma_wait3A_24 = tpu.memref_slice %arg10[%dma_wait3A, %dma_wait3A_22, %dma_wait3A_23] : memref<5x80x64xf32, #tpu.memory_space<vmem>> -> memref<1x80x64xf32, #tpu.memory_space<vmem>>
    %dma_wait3A_25 = tpu.memref_squeeze %dma_wait3A_24 : memref<1x80x64xf32, #tpu.memory_space<vmem>> -> memref<80x64xf32, #tpu.memory_space<vmem>>
    tpu.wait_dma2 semaphore(%arg22 : memref<!tpu.dma_semaphore, #tpu.memory_space<semaphore_mem>>) src(%dma_wait3A_25 : memref<80x64xf32, #tpu.memory_space<vmem>>) dst(%dma_wait3A_21 : memref<80x64xf32, #tpu.memory_space<hbm>>)
    %add3A_26 = arith.constant 0 : i32
    %add3A_27 = arith.addi %add3A_9, %add3A_26 : i32
    %mul3A_28 = arith.constant 80 : i32
    %mul3A_29 = arith.muli %add3A_27, %mul3A_28 : i32
    %dma_wait3A_30 = arith.constant 0 : i32
    %dma_wait3A_31 = arith.constant 0 : i32
    %dma_wait3A_32 = arith.constant 0 : i32
    %dma_wait3A_33 = tpu.memref_slice %arg11[%dma_wait3A_30, %dma_wait3A_31, %dma_wait3A_32] : memref<5x80x64xf32, #tpu.memory_space<vmem>> -> memref<1x80x64xf32, #tpu.memory_space<vmem>>
    %dma_wait3A_34 = tpu.memref_squeeze %dma_wait3A_33 : memref<1x80x64xf32, #tpu.memory_space<vmem>> -> memref<80x64xf32, #tpu.memory_space<vmem>>
    %dma_wait3A_35 = arith.constant 0 : i32
    %dma_wait3A_36 = tpu.memref_slice %arg7[%mul3A_29, %dma_wait3A_35] : memref<320000x64xf32, #tpu.memory_space<hbm>> -> memref<80x64xf32, #tpu.memory_space<hbm>>
    %dma_wait3A_37 = arith.constant 0 : i32
    %dma_wait3A_38 = tpu.memref_slice %arg7[%mul3A_29, %dma_wait3A_37] : memref<320000x64xf32, #tpu.memory_space<hbm>> -> memref<80x64xf32, #tpu.memory_space<hbm>>
    %dma_wait3A_39 = arith.constant 0 : i32
    %dma_wait3A_40 = arith.constant 0 : i32
    %dma_wait3A_41 = tpu.memref_slice %arg11[%dma_wait3A_30, %dma_wait3A_39, %dma_wait3A_40] : memref<5x80x64xf32, #tpu.memory_space<vmem>> -> memref<1x80x64xf32, #tpu.memory_space<vmem>>
    %dma_wait3A_42 = tpu.memref_squeeze %dma_wait3A_41 : memref<1x80x64xf32, #tpu.memory_space<vmem>> -> memref<80x64xf32, #tpu.memory_space<vmem>>
    tpu.wait_dma2 semaphore(%arg27 : memref<!tpu.dma_semaphore, #tpu.memory_space<semaphore_mem>>) src(%dma_wait3A_42 : memref<80x64xf32, #tpu.memory_space<vmem>>) dst(%dma_wait3A_38 : memref<80x64xf32, #tpu.memory_space<hbm>>)
    %add3A_43 = arith.constant 1 : i32
    %add3A_44 = arith.addi %add3A_9, %add3A_43 : i32
    %mul3A_45 = arith.constant 80 : i32
    %mul3A_46 = arith.muli %add3A_44, %mul3A_45 : i32
    %dma_wait3A_47 = arith.constant 1 : i32
    %dma_wait3A_48 = arith.constant 0 : i32
    %dma_wait3A_49 = arith.constant 0 : i32
    %dma_wait3A_50 = tpu.memref_slice %arg10[%dma_wait3A_47, %dma_wait3A_48, %dma_wait3A_49] : memref<5x80x64xf32, #tpu.memory_space<vmem>> -> memref<1x80x64xf32, #tpu.memory_space<vmem>>
    %dma_wait3A_51 = tpu.memref_squeeze %dma_wait3A_50 : memref<1x80x64xf32, #tpu.memory_space<vmem>> -> memref<80x64xf32, #tpu.memory_space<vmem>>
    %dma_wait3A_52 = arith.constant 0 : i32
    %dma_wait3A_53 = tpu.memref_slice %arg6[%mul3A_46, %dma_wait3A_52] : memref<320000x64xf32, #tpu.memory_space<hbm>> -> memref<80x64xf32, #tpu.memory_space<hbm>>
    %dma_wait3A_54 = arith.constant 0 : i32
    %dma_wait3A_55 = tpu.memref_slice %arg6[%mul3A_46, %dma_wait3A_54] : memref<320000x64xf32, #tpu.memory_space<hbm>> -> memref<80x64xf32, #tpu.memory_space<hbm>>
    %dma_wait3A_56 = arith.constant 0 : i32
    %dma_wait3A_57 = arith.constant 0 : i32
    %dma_wait3A_58 = tpu.memref_slice %arg10[%dma_wait3A_47, %dma_wait3A_56, %dma_wait3A_57] : memref<5x80x64xf32, #tpu.memory_space<vmem>> -> memref<1x80x64xf32, #tpu.memory_space<vmem>>
    %dma_wait3A_59 = tpu.memref_squeeze %dma_wait3A_58 : memref<1x80x64xf32, #tpu.memory_space<vmem>> -> memref<80x64xf32, #tpu.memory_space<vmem>>
    tpu.wait_dma2 semaphore(%arg23 : memref<!tpu.dma_semaphore, #tpu.memory_space<semaphore_mem>>) src(%dma_wait3A_59 : memref<80x64xf32, #tpu.memory_space<vmem>>) dst(%dma_wait3A_55 : memref<80x64xf32, #tpu.memory_space<hbm>>)
    %add3A_60 = arith.constant 1 : i32
    %add3A_61 = arith.addi %add3A_9, %add3A_60 : i32
    %mul3A_62 = arith.constant 80 : i32
    %mul3A_63 = arith.muli %add3A_61, %mul3A_62 : i32
    %dma_wait3A_64 = arith.constant 1 : i32
    %dma_wait3A_65 = arith.constant 0 : i32
    %dma_wait3A_66 = arith.constant 0 : i32
    %dma_wait3A_67 = tpu.memref_slice %arg11[%dma_wait3A_64, %dma_wait3A_65, %dma_wait3A_66] : memref<5x80x64xf32, #tpu.memory_space<vmem>> -> memref<1x80x64xf32, #tpu.memory_space<vmem>>
    %dma_wait3A_68 = tpu.memref_squeeze %dma_wait3A_67 : memref<1x80x64xf32, #tpu.memory_space<vmem>> -> memref<80x64xf32, #tpu.memory_space<vmem>>
    %dma_wait3A_69 = arith.constant 0 : i32
    %dma_wait3A_70 = tpu.memref_slice %arg7[%mul3A_63, %dma_wait3A_69] : memref<320000x64xf32, #tpu.memory_space<hbm>> -> memref<80x64xf32, #tpu.memory_space<hbm>>
    %dma_wait3A_71 = arith.constant 0 : i32
    %dma_wait3A_72 = tpu.memref_slice %arg7[%mul3A_63, %dma_wait3A_71] : memref<320000x64xf32, #tpu.memory_space<hbm>> -> memref<80x64xf32, #tpu.memory_space<hbm>>
    %dma_wait3A_73 = arith.constant 0 : i32
    %dma_wait3A_74 = arith.constant 0 : i32
    %dma_wait3A_75 = tpu.memref_slice %arg11[%dma_wait3A_64, %dma_wait3A_73, %dma_wait3A_74] : memref<5x80x64xf32, #tpu.memory_space<vmem>> -> memref<1x80x64xf32, #tpu.memory_space<vmem>>
    %dma_wait3A_76 = tpu.memref_squeeze %dma_wait3A_75 : memref<1x80x64xf32, #tpu.memory_space<vmem>> -> memref<80x64xf32, #tpu.memory_space<vmem>>
    tpu.wait_dma2 semaphore(%arg28 : memref<!tpu.dma_semaphore, #tpu.memory_space<semaphore_mem>>) src(%dma_wait3A_76 : memref<80x64xf32, #tpu.memory_space<vmem>>) dst(%dma_wait3A_72 : memref<80x64xf32, #tpu.memory_space<hbm>>)
    %add3A_77 = arith.constant 2 : i32
    %add3A_78 = arith.addi %add3A_9, %add3A_77 : i32
    %mul3A_79 = arith.constant 80 : i32
    %mul3A_80 = arith.muli %add3A_78, %mul3A_79 : i32
    %dma_wait3A_81 = arith.constant 2 : i32
    %dma_wait3A_82 = arith.constant 0 : i32
    %dma_wait3A_83 = arith.constant 0 : i32
    %dma_wait3A_84 = tpu.memref_slice %arg10[%dma_wait3A_81, %dma_wait3A_82, %dma_wait3A_83] : memref<5x80x64xf32, #tpu.memory_space<vmem>> -> memref<1x80x64xf32, #tpu.memory_space<vmem>>
    %dma_wait3A_85 = tpu.memref_squeeze %dma_wait3A_84 : memref<1x80x64xf32, #tpu.memory_space<vmem>> -> memref<80x64xf32, #tpu.memory_space<vmem>>
    %dma_wait3A_86 = arith.constant 0 : i32
    %dma_wait3A_87 = tpu.memref_slice %arg6[%mul3A_80, %dma_wait3A_86] : memref<320000x64xf32, #tpu.memory_space<hbm>> -> memref<80x64xf32, #tpu.memory_space<hbm>>
    %dma_wait3A_88 = arith.constant 0 : i32
    %dma_wait3A_89 = tpu.memref_slice %arg6[%mul3A_80, %dma_wait3A_88] : memref<320000x64xf32, #tpu.memory_space<hbm>> -> memref<80x64xf32, #tpu.memory_space<hbm>>
    %dma_wait3A_90 = arith.constant 0 : i32
    %dma_wait3A_91 = arith.constant 0 : i32
    %dma_wait3A_92 = tpu.memref_slice %arg10[%dma_wait3A_81, %dma_wait3A_90, %dma_wait3A_91] : memref<5x80x64xf32, #tpu.memory_space<vmem>> -> memref<1x80x64xf32, #tpu.memory_space<vmem>>
    %dma_wait3A_93 = tpu.memref_squeeze %dma_wait3A_92 : memref<1x80x64xf32, #tpu.memory_space<vmem>> -> memref<80x64xf32, #tpu.memory_space<vmem>>
    tpu.wait_dma2 semaphore(%arg24 : memref<!tpu.dma_semaphore, #tpu.memory_space<semaphore_mem>>) src(%dma_wait3A_93 : memref<80x64xf32, #tpu.memory_space<vmem>>) dst(%dma_wait3A_89 : memref<80x64xf32, #tpu.memory_space<hbm>>)
    %add3A_94 = arith.constant 2 : i32
    %add3A_95 = arith.addi %add3A_9, %add3A_94 : i32
    %mul3A_96 = arith.constant 80 : i32
    %mul3A_97 = arith.muli %add3A_95, %mul3A_96 : i32
    %dma_wait3A_98 = arith.constant 2 : i32
    %dma_wait3A_99 = arith.constant 0 : i32
    %dma_wait3A_100 = arith.constant 0 : i32
    %dma_wait3A_101 = tpu.memref_slice %arg11[%dma_wait3A_98, %dma_wait3A_99, %dma_wait3A_100] : memref<5x80x64xf32, #tpu.memory_space<vmem>> -> memref<1x80x64xf32, #tpu.memory_space<vmem>>
    %dma_wait3A_102 = tpu.memref_squeeze %dma_wait3A_101 : memref<1x80x64xf32, #tpu.memory_space<vmem>> -> memref<80x64xf32, #tpu.memory_space<vmem>>
    %dma_wait3A_103 = arith.constant 0 : i32
    %dma_wait3A_104 = tpu.memref_slice %arg7[%mul3A_97, %dma_wait3A_103] : memref<320000x64xf32, #tpu.memory_space<hbm>> -> memref<80x64xf32, #tpu.memory_space<hbm>>
    %dma_wait3A_105 = arith.constant 0 : i32
    %dma_wait3A_106 = tpu.memref_slice %arg7[%mul3A_97, %dma_wait3A_105] : memref<320000x64xf32, #tpu.memory_space<hbm>> -> memref<80x64xf32, #tpu.memory_space<hbm>>
    %dma_wait3A_107 = arith.constant 0 : i32
    %dma_wait3A_108 = arith.constant 0 : i32
    %dma_wait3A_109 = tpu.memref_slice %arg11[%dma_wait3A_98, %dma_wait3A_107, %dma_wait3A_108] : memref<5x80x64xf32, #tpu.memory_space<vmem>> -> memref<1x80x64xf32, #tpu.memory_space<vmem>>
    %dma_wait3A_110 = tpu.memref_squeeze %dma_wait3A_109 : memref<1x80x64xf32, #tpu.memory_space<vmem>> -> memref<80x64xf32, #tpu.memory_space<vmem>>
    tpu.wait_dma2 semaphore(%arg29 : memref<!tpu.dma_semaphore, #tpu.memory_space<semaphore_mem>>) src(%dma_wait3A_110 : memref<80x64xf32, #tpu.memory_space<vmem>>) dst(%dma_wait3A_106 : memref<80x64xf32, #tpu.memory_space<hbm>>)
    %add3A_111 = arith.constant 3 : i32
    %add3A_112 = arith.addi %add3A_9, %add3A_111 : i32
    %mul3A_113 = arith.constant 80 : i32
    %mul3A_114 = arith.muli %add3A_112, %mul3A_113 : i32
    %dma_wait3A_115 = arith.constant 3 : i32
    %dma_wait3A_116 = arith.constant 0 : i32
    %dma_wait3A_117 = arith.constant 0 : i32
    %dma_wait3A_118 = tpu.memref_slice %arg10[%dma_wait3A_115, %dma_wait3A_116, %dma_wait3A_117] : memref<5x80x64xf32, #tpu.memory_space<vmem>> -> memref<1x80x64xf32, #tpu.memory_space<vmem>>
    %dma_wait3A_119 = tpu.memref_squeeze %dma_wait3A_118 : memref<1x80x64xf32, #tpu.memory_space<vmem>> -> memref<80x64xf32, #tpu.memory_space<vmem>>
    %dma_wait3A_120 = arith.constant 0 : i32
    %dma_wait3A_121 = tpu.memref_slice %arg6[%mul3A_114, %dma_wait3A_120] : memref<320000x64xf32, #tpu.memory_space<hbm>> -> memref<80x64xf32, #tpu.memory_space<hbm>>
    %dma_wait3A_122 = arith.constant 0 : i32
    %dma_wait3A_123 = tpu.memref_slice %arg6[%mul3A_114, %dma_wait3A_122] : memref<320000x64xf32, #tpu.memory_space<hbm>> -> memref<80x64xf32, #tpu.memory_space<hbm>>
    %dma_wait3A_124 = arith.constant 0 : i32
    %dma_wait3A_125 = arith.constant 0 : i32
    %dma_wait3A_126 = tpu.memref_slice %arg10[%dma_wait3A_115, %dma_wait3A_124, %dma_wait3A_125] : memref<5x80x64xf32, #tpu.memory_space<vmem>> -> memref<1x80x64xf32, #tpu.memory_space<vmem>>
    %dma_wait3A_127 = tpu.memref_squeeze %dma_wait3A_126 : memref<1x80x64xf32, #tpu.memory_space<vmem>> -> memref<80x64xf32, #tpu.memory_space<vmem>>
    tpu.wait_dma2 semaphore(%arg25 : memref<!tpu.dma_semaphore, #tpu.memory_space<semaphore_mem>>) src(%dma_wait3A_127 : memref<80x64xf32, #tpu.memory_space<vmem>>) dst(%dma_wait3A_123 : memref<80x64xf32, #tpu.memory_space<hbm>>)
    %add3A_128 = arith.constant 3 : i32
    %add3A_129 = arith.addi %add3A_9, %add3A_128 : i32
    %mul3A_130 = arith.constant 80 : i32
    %mul3A_131 = arith.muli %add3A_129, %mul3A_130 : i32
    %dma_wait3A_132 = arith.constant 3 : i32
    %dma_wait3A_133 = arith.constant 0 : i32
    %dma_wait3A_134 = arith.constant 0 : i32
    %dma_wait3A_135 = tpu.memref_slice %arg11[%dma_wait3A_132, %dma_wait3A_133, %dma_wait3A_134] : memref<5x80x64xf32, #tpu.memory_space<vmem>> -> memref<1x80x64xf32, #tpu.memory_space<vmem>>
    %dma_wait3A_136 = tpu.memref_squeeze %dma_wait3A_135 : memref<1x80x64xf32, #tpu.memory_space<vmem>> -> memref<80x64xf32, #tpu.memory_space<vmem>>
    %dma_wait3A_137 = arith.constant 0 : i32
    %dma_wait3A_138 = tpu.memref_slice %arg7[%mul3A_131, %dma_wait3A_137] : memref<320000x64xf32, #tpu.memory_space<hbm>> -> memref<80x64xf32, #tpu.memory_space<hbm>>
    %dma_wait3A_139 = arith.constant 0 : i32
    %dma_wait3A_140 = tpu.memref_slice %arg7[%mul3A_131, %dma_wait3A_139] : memref<320000x64xf32, #tpu.memory_space<hbm>> -> memref<80x64xf32, #tpu.memory_space<hbm>>
    %dma_wait3A_141 = arith.constant 0 : i32
    %dma_wait3A_142 = arith.constant 0 : i32
    %dma_wait3A_143 = tpu.memref_slice %arg11[%dma_wait3A_132, %dma_wait3A_141, %dma_wait3A_142] : memref<5x80x64xf32, #tpu.memory_space<vmem>> -> memref<1x80x64xf32, #tpu.memory_space<vmem>>
    %dma_wait3A_144 = tpu.memref_squeeze %dma_wait3A_143 : memref<1x80x64xf32, #tpu.memory_space<vmem>> -> memref<80x64xf32, #tpu.memory_space<vmem>>
    tpu.wait_dma2 semaphore(%arg30 : memref<!tpu.dma_semaphore, #tpu.memory_space<semaphore_mem>>) src(%dma_wait3A_144 : memref<80x64xf32, #tpu.memory_space<vmem>>) dst(%dma_wait3A_140 : memref<80x64xf32, #tpu.memory_space<hbm>>)
    %add3A_145 = arith.constant 4 : i32
    %add3A_146 = arith.addi %add3A_9, %add3A_145 : i32
    %mul3A_147 = arith.constant 80 : i32
    %mul3A_148 = arith.muli %add3A_146, %mul3A_147 : i32
    %dma_wait3A_149 = arith.constant 4 : i32
    %dma_wait3A_150 = arith.constant 0 : i32
    %dma_wait3A_151 = arith.constant 0 : i32
    %dma_wait3A_152 = tpu.memref_slice %arg10[%dma_wait3A_149, %dma_wait3A_150, %dma_wait3A_151] : memref<5x80x64xf32, #tpu.memory_space<vmem>> -> memref<1x80x64xf32, #tpu.memory_space<vmem>>
    %dma_wait3A_153 = tpu.memref_squeeze %dma_wait3A_152 : memref<1x80x64xf32, #tpu.memory_space<vmem>> -> memref<80x64xf32, #tpu.memory_space<vmem>>
    %dma_wait3A_154 = arith.constant 0 : i32
    %dma_wait3A_155 = tpu.memref_slice %arg6[%mul3A_148, %dma_wait3A_154] : memref<320000x64xf32, #tpu.memory_space<hbm>> -> memref<80x64xf32, #tpu.memory_space<hbm>>
    %dma_wait3A_156 = arith.constant 0 : i32
    %dma_wait3A_157 = tpu.memref_slice %arg6[%mul3A_148, %dma_wait3A_156] : memref<320000x64xf32, #tpu.memory_space<hbm>> -> memref<80x64xf32, #tpu.memory_space<hbm>>
    %dma_wait3A_158 = arith.constant 0 : i32
    %dma_wait3A_159 = arith.constant 0 : i32
    %dma_wait3A_160 = tpu.memref_slice %arg10[%dma_wait3A_149, %dma_wait3A_158, %dma_wait3A_159] : memref<5x80x64xf32, #tpu.memory_space<vmem>> -> memref<1x80x64xf32, #tpu.memory_space<vmem>>
    %dma_wait3A_161 = tpu.memref_squeeze %dma_wait3A_160 : memref<1x80x64xf32, #tpu.memory_space<vmem>> -> memref<80x64xf32, #tpu.memory_space<vmem>>
    tpu.wait_dma2 semaphore(%arg26 : memref<!tpu.dma_semaphore, #tpu.memory_space<semaphore_mem>>) src(%dma_wait3A_161 : memref<80x64xf32, #tpu.memory_space<vmem>>) dst(%dma_wait3A_157 : memref<80x64xf32, #tpu.memory_space<hbm>>)
    %add3A_162 = arith.constant 4 : i32
    %add3A_163 = arith.addi %add3A_9, %add3A_162 : i32
    %mul3A_164 = arith.constant 80 : i32
    %mul3A_165 = arith.muli %add3A_163, %mul3A_164 : i32
    %dma_wait3A_166 = arith.constant 4 : i32
    %dma_wait3A_167 = arith.constant 0 : i32
    %dma_wait3A_168 = arith.constant 0 : i32
    %dma_wait3A_169 = tpu.memref_slice %arg11[%dma_wait3A_166, %dma_wait3A_167, %dma_wait3A_168] : memref<5x80x64xf32, #tpu.memory_space<vmem>> -> memref<1x80x64xf32, #tpu.memory_space<vmem>>
    %dma_wait3A_170 = tpu.memref_squeeze %dma_wait3A_169 : memref<1x80x64xf32, #tpu.memory_space<vmem>> -> memref<80x64xf32, #tpu.memory_space<vmem>>
    %dma_wait3A_171 = arith.constant 0 : i32
    %dma_wait3A_172 = tpu.memref_slice %arg7[%mul3A_165, %dma_wait3A_171] : memref<320000x64xf32, #tpu.memory_space<hbm>> -> memref<80x64xf32, #tpu.memory_space<hbm>>
    %dma_wait3A_173 = arith.constant 0 : i32
    %dma_wait3A_174 = tpu.memref_slice %arg7[%mul3A_165, %dma_wait3A_173] : memref<320000x64xf32, #tpu.memory_space<hbm>> -> memref<80x64xf32, #tpu.memory_space<hbm>>
    %dma_wait3A_175 = arith.constant 0 : i32
    %dma_wait3A_176 = arith.constant 0 : i32
    %dma_wait3A_177 = tpu.memref_slice %arg11[%dma_wait3A_166, %dma_wait3A_175, %dma_wait3A_176] : memref<5x80x64xf32, #tpu.memory_space<vmem>> -> memref<1x80x64xf32, #tpu.memory_space<vmem>>
    %dma_wait3A_178 = tpu.memref_squeeze %dma_wait3A_177 : memref<1x80x64xf32, #tpu.memory_space<vmem>> -> memref<80x64xf32, #tpu.memory_space<vmem>>
    tpu.wait_dma2 semaphore(%arg31 : memref<!tpu.dma_semaphore, #tpu.memory_space<semaphore_mem>>) src(%dma_wait3A_178 : memref<80x64xf32, #tpu.memory_space<vmem>>) dst(%dma_wait3A_174 : memref<80x64xf32, #tpu.memory_space<hbm>>)
    return
  }
}

#map = affine_map<(d0, d1) -> (0, 0)>
#map1 = affine_map<(d0, d1) -> (0, 0, 0)>
module attributes {stable_mosaic.version = 14 : i64} {
  func.func @_edge_scatter_body(%arg0: i32, %arg1: i32, %arg2: memref<320000x64xf32, #tpu.memory_space<hbm>>, %arg3: memref<4000x80xi32, #tpu.memory_space<hbm>>, %arg4: memref<10000x64xf32, #tpu.memory_space<hbm>>, %arg5: memref<2x10000x64xf32, #tpu.memory_space<hbm>>, %arg6: memref<10000x64xf32, #tpu.memory_space<vmem_shared>>, %arg7: memref<5x80xi32, #tpu.memory_space<vmem>>, %arg8: memref<5x80x64xf32, #tpu.memory_space<vmem>>, %arg9: memref<!tpu.dma_semaphore, #tpu.memory_space<semaphore_mem>>, %arg10: memref<!tpu.dma_semaphore, #tpu.memory_space<semaphore_mem>>, %arg11: memref<!tpu.dma_semaphore, #tpu.memory_space<semaphore_mem>>, %arg12: memref<!tpu.dma_semaphore, #tpu.memory_space<semaphore_mem>>, %arg13: memref<!tpu.dma_semaphore, #tpu.memory_space<semaphore_mem>>, %arg14: memref<!tpu.dma_semaphore, #tpu.memory_space<semaphore_mem>>, %arg15: memref<!tpu.dma_semaphore, #tpu.memory_space<semaphore_mem>>, %arg16: memref<!tpu.dma_semaphore, #tpu.memory_space<semaphore_mem>>, %arg17: memref<!tpu.dma_semaphore, #tpu.memory_space<semaphore_mem>>, %arg18: memref<!tpu.dma_semaphore, #tpu.memory_space<semaphore_mem>>) attributes {dimension_semantics = [#tpu.dimension_semantics<core_parallel>, #tpu.dimension_semantics<subcore_parallel>], iteration_bounds = array<i64: 2, 16>, scalar_prefetch = 0 : i64, scratch_operands = 13 : i64, tpu.core_type = #tpu.core_type<sc_vector_subcore>, window_params = [{transform_indices = #map}, {transform_indices = #map}, {transform_indices = #map}, {transform_indices = #map1}]} {
    %mul3A = arith.constant 2 : i32
    %mul3A_0 = arith.muli %arg1, %mul3A : i32
    %add3A = arith.addi %mul3A_0, %arg0 : i32
    %mul3A_1 = arith.constant 625 : i32
    %mul3A_2 = arith.muli %arg1, %mul3A_1 : i32
    %mul3A_3 = arith.constant 625 : i32
    %mul3A_4 = arith.muli %arg1, %mul3A_3 : i32
    "tpu.region"() ({
      %run_scoped3A = tpu.sem_alloc : memref<!tpu.dma_semaphore, #tpu.memory_space<semaphore_mem>>
      %dma_start3A = arith.constant 0 : i32
      %dma_start3A_74 = tpu.memref_slice %arg6[%mul3A_4, %dma_start3A] : memref<10000x64xf32, #tpu.memory_space<vmem_shared>> -> memref<625x64xf32, #tpu.memory_space<vmem_shared>>
      %dma_start3A_75 = arith.constant 0 : i32
      %dma_start3A_76 = tpu.memref_slice %arg4[%mul3A_2, %dma_start3A_75] : memref<10000x64xf32, #tpu.memory_space<hbm>> -> memref<625x64xf32, #tpu.memory_space<hbm>>
      tpu.enqueue_dma source(%dma_start3A_76 : memref<625x64xf32, #tpu.memory_space<hbm>>) target(%dma_start3A_74 : memref<625x64xf32, #tpu.memory_space<vmem_shared>>) target_semaphore(%run_scoped3A : memref<!tpu.dma_semaphore, #tpu.memory_space<semaphore_mem>>)
      %dma_wait3A_77 = arith.constant 0 : i32
      %dma_wait3A_78 = tpu.memref_slice %arg6[%mul3A_4, %dma_wait3A_77] : memref<10000x64xf32, #tpu.memory_space<vmem_shared>> -> memref<625x64xf32, #tpu.memory_space<vmem_shared>>
      %dma_wait3A_79 = arith.constant 0 : i32
      %dma_wait3A_80 = tpu.memref_slice %arg4[%mul3A_2, %dma_wait3A_79] : memref<10000x64xf32, #tpu.memory_space<hbm>> -> memref<625x64xf32, #tpu.memory_space<hbm>>
      tpu.wait_dma2 semaphore(%run_scoped3A : memref<!tpu.dma_semaphore, #tpu.memory_space<semaphore_mem>>) src(%dma_wait3A_80 : memref<625x64xf32, #tpu.memory_space<hbm>>) dst(%dma_wait3A_78 : memref<625x64xf32, #tpu.memory_space<vmem_shared>>)
      tpu.yield
    }) : () -> ()
    %barrier3A = arith.constant 0 : index
    tpu.barrier barrier_id(%barrier3A)
    %scan3A = arith.constant 0 : i32
    %scan3A_5 = arith.constant 0 : i32
    %scan3A_6 = arith.constant 25 : i32
    %scan3A_7 = arith.addi %scan3A_5, %scan3A_6 : i32
    %scan3A_8 = arith.constant 1 : i32
    scf.for %scan3A_74 = %scan3A_5 to %scan3A_7 step %scan3A_8  : i32 {
      %mul3A_75 = arith.constant 125 : i32
      %mul3A_76 = arith.muli %add3A, %mul3A_75 : i32
      %mul3A_77 = arith.constant 5 : i32
      %mul3A_78 = arith.muli %scan3A_74, %mul3A_77 : i32
      %add3A_79 = arith.addi %mul3A_76, %mul3A_78 : i32
      %gt3A = arith.constant 0 : i32
      %gt3A_80 = arith.cmpi sgt, %scan3A_74, %gt3A : i32
      %convert_element_type3A = arith.extui %gt3A_80 : i1 to i32
      %cond3A = arith.constant 0 : i32
      %cond3A_81 = arith.cmpi ne, %convert_element_type3A, %cond3A : i32
      scf.if %cond3A_81 {
        %dma_wait3A_311 = arith.constant 0 : i32
        %dma_wait3A_312 = arith.constant 0 : i32
        %dma_wait3A_313 = arith.constant 0 : i32
        %dma_wait3A_314 = arith.constant 0 : i32
        %dma_wait3A_315 = tpu.memref_slice %arg8[%dma_wait3A_311, %dma_wait3A_313, %dma_wait3A_314] : memref<5x80x64xf32, #tpu.memory_space<vmem>> -> memref<1x80x64xf32, #tpu.memory_space<vmem>>
        %dma_wait3A_316 = tpu.memref_squeeze %dma_wait3A_315 : memref<1x80x64xf32, #tpu.memory_space<vmem>> -> memref<80x64xf32, #tpu.memory_space<vmem>>
        %dma_wait3A_317 = arith.constant 0 : i32
        %dma_wait3A_318 = tpu.memref_slice %arg7[%dma_wait3A_312, %dma_wait3A_317] : memref<5x80xi32, #tpu.memory_space<vmem>> -> memref<1x80xi32, #tpu.memory_space<vmem>>
        %dma_wait3A_319 = tpu.memref_squeeze %dma_wait3A_318 : memref<1x80xi32, #tpu.memory_space<vmem>> -> memref<80xi32, #tpu.memory_space<vmem>>
        %dma_wait3A_320 = arith.constant 0 : i32
        %dma_wait3A_321 = arith.constant 0 : i32
        %dma_wait3A_322 = tpu.memref_slice %arg6[%dma_wait3A_320, %dma_wait3A_321] : memref<10000x64xf32, #tpu.memory_space<vmem_shared>> -> memref<10000x64xf32, #tpu.memory_space<vmem_shared>>
        tpu.wait_indirect_dma semaphore(%arg14 : memref<!tpu.dma_semaphore, #tpu.memory_space<semaphore_mem>>) src(%dma_wait3A_316 : memref<80x64xf32, #tpu.memory_space<vmem>>) dst(%dma_wait3A_322 : memref<10000x64xf32, #tpu.memory_space<vmem_shared>>)
      } else {
      }
      %gt3A_82 = arith.constant 0 : i32
      %gt3A_83 = arith.cmpi sgt, %scan3A_74, %gt3A_82 : i32
      %convert_element_type3A_84 = arith.extui %gt3A_83 : i1 to i32
      %cond3A_85 = arith.constant 0 : i32
      %cond3A_86 = arith.cmpi ne, %convert_element_type3A_84, %cond3A_85 : i32
      scf.if %cond3A_86 {
        %dma_wait3A_311 = arith.constant 1 : i32
        %dma_wait3A_312 = arith.constant 1 : i32
        %dma_wait3A_313 = arith.constant 0 : i32
        %dma_wait3A_314 = arith.constant 0 : i32
        %dma_wait3A_315 = tpu.memref_slice %arg8[%dma_wait3A_311, %dma_wait3A_313, %dma_wait3A_314] : memref<5x80x64xf32, #tpu.memory_space<vmem>> -> memref<1x80x64xf32, #tpu.memory_space<vmem>>
        %dma_wait3A_316 = tpu.memref_squeeze %dma_wait3A_315 : memref<1x80x64xf32, #tpu.memory_space<vmem>> -> memref<80x64xf32, #tpu.memory_space<vmem>>
        %dma_wait3A_317 = arith.constant 0 : i32
        %dma_wait3A_318 = tpu.memref_slice %arg7[%dma_wait3A_312, %dma_wait3A_317] : memref<5x80xi32, #tpu.memory_space<vmem>> -> memref<1x80xi32, #tpu.memory_space<vmem>>
        %dma_wait3A_319 = tpu.memref_squeeze %dma_wait3A_318 : memref<1x80xi32, #tpu.memory_space<vmem>> -> memref<80xi32, #tpu.memory_space<vmem>>
        %dma_wait3A_320 = arith.constant 0 : i32
        %dma_wait3A_321 = arith.constant 0 : i32
        %dma_wait3A_322 = tpu.memref_slice %arg6[%dma_wait3A_320, %dma_wait3A_321] : memref<10000x64xf32, #tpu.memory_space<vmem_shared>> -> memref<10000x64xf32, #tpu.memory_space<vmem_shared>>
        tpu.wait_indirect_dma semaphore(%arg15 : memref<!tpu.dma_semaphore, #tpu.memory_space<semaphore_mem>>) src(%dma_wait3A_316 : memref<80x64xf32, #tpu.memory_space<vmem>>) dst(%dma_wait3A_322 : memref<10000x64xf32, #tpu.memory_space<vmem_shared>>)
      } else {
      }
      %gt3A_87 = arith.constant 0 : i32
      %gt3A_88 = arith.cmpi sgt, %scan3A_74, %gt3A_87 : i32
      %convert_element_type3A_89 = arith.extui %gt3A_88 : i1 to i32
      %cond3A_90 = arith.constant 0 : i32
      %cond3A_91 = arith.cmpi ne, %convert_element_type3A_89, %cond3A_90 : i32
      scf.if %cond3A_91 {
        %dma_wait3A_311 = arith.constant 2 : i32
        %dma_wait3A_312 = arith.constant 2 : i32
        %dma_wait3A_313 = arith.constant 0 : i32
        %dma_wait3A_314 = arith.constant 0 : i32
        %dma_wait3A_315 = tpu.memref_slice %arg8[%dma_wait3A_311, %dma_wait3A_313, %dma_wait3A_314] : memref<5x80x64xf32, #tpu.memory_space<vmem>> -> memref<1x80x64xf32, #tpu.memory_space<vmem>>
        %dma_wait3A_316 = tpu.memref_squeeze %dma_wait3A_315 : memref<1x80x64xf32, #tpu.memory_space<vmem>> -> memref<80x64xf32, #tpu.memory_space<vmem>>
        %dma_wait3A_317 = arith.constant 0 : i32
        %dma_wait3A_318 = tpu.memref_slice %arg7[%dma_wait3A_312, %dma_wait3A_317] : memref<5x80xi32, #tpu.memory_space<vmem>> -> memref<1x80xi32, #tpu.memory_space<vmem>>
        %dma_wait3A_319 = tpu.memref_squeeze %dma_wait3A_318 : memref<1x80xi32, #tpu.memory_space<vmem>> -> memref<80xi32, #tpu.memory_space<vmem>>
        %dma_wait3A_320 = arith.constant 0 : i32
        %dma_wait3A_321 = arith.constant 0 : i32
        %dma_wait3A_322 = tpu.memref_slice %arg6[%dma_wait3A_320, %dma_wait3A_321] : memref<10000x64xf32, #tpu.memory_space<vmem_shared>> -> memref<10000x64xf32, #tpu.memory_space<vmem_shared>>
        tpu.wait_indirect_dma semaphore(%arg16 : memref<!tpu.dma_semaphore, #tpu.memory_space<semaphore_mem>>) src(%dma_wait3A_316 : memref<80x64xf32, #tpu.memory_space<vmem>>) dst(%dma_wait3A_322 : memref<10000x64xf32, #tpu.memory_space<vmem_shared>>)
      } else {
      }
      %gt3A_92 = arith.constant 0 : i32
      %gt3A_93 = arith.cmpi sgt, %scan3A_74, %gt3A_92 : i32
      %convert_element_type3A_94 = arith.extui %gt3A_93 : i1 to i32
      %cond3A_95 = arith.constant 0 : i32
      %cond3A_96 = arith.cmpi ne, %convert_element_type3A_94, %cond3A_95 : i32
      scf.if %cond3A_96 {
        %dma_wait3A_311 = arith.constant 3 : i32
        %dma_wait3A_312 = arith.constant 3 : i32
        %dma_wait3A_313 = arith.constant 0 : i32
        %dma_wait3A_314 = arith.constant 0 : i32
        %dma_wait3A_315 = tpu.memref_slice %arg8[%dma_wait3A_311, %dma_wait3A_313, %dma_wait3A_314] : memref<5x80x64xf32, #tpu.memory_space<vmem>> -> memref<1x80x64xf32, #tpu.memory_space<vmem>>
        %dma_wait3A_316 = tpu.memref_squeeze %dma_wait3A_315 : memref<1x80x64xf32, #tpu.memory_space<vmem>> -> memref<80x64xf32, #tpu.memory_space<vmem>>
        %dma_wait3A_317 = arith.constant 0 : i32
        %dma_wait3A_318 = tpu.memref_slice %arg7[%dma_wait3A_312, %dma_wait3A_317] : memref<5x80xi32, #tpu.memory_space<vmem>> -> memref<1x80xi32, #tpu.memory_space<vmem>>
        %dma_wait3A_319 = tpu.memref_squeeze %dma_wait3A_318 : memref<1x80xi32, #tpu.memory_space<vmem>> -> memref<80xi32, #tpu.memory_space<vmem>>
        %dma_wait3A_320 = arith.constant 0 : i32
        %dma_wait3A_321 = arith.constant 0 : i32
        %dma_wait3A_322 = tpu.memref_slice %arg6[%dma_wait3A_320, %dma_wait3A_321] : memref<10000x64xf32, #tpu.memory_space<vmem_shared>> -> memref<10000x64xf32, #tpu.memory_space<vmem_shared>>
        tpu.wait_indirect_dma semaphore(%arg17 : memref<!tpu.dma_semaphore, #tpu.memory_space<semaphore_mem>>) src(%dma_wait3A_316 : memref<80x64xf32, #tpu.memory_space<vmem>>) dst(%dma_wait3A_322 : memref<10000x64xf32, #tpu.memory_space<vmem_shared>>)
      } else {
      }
      %gt3A_97 = arith.constant 0 : i32
      %gt3A_98 = arith.cmpi sgt, %scan3A_74, %gt3A_97 : i32
      %convert_element_type3A_99 = arith.extui %gt3A_98 : i1 to i32
      %cond3A_100 = arith.constant 0 : i32
      %cond3A_101 = arith.cmpi ne, %convert_element_type3A_99, %cond3A_100 : i32
      scf.if %cond3A_101 {
        %dma_wait3A_311 = arith.constant 4 : i32
        %dma_wait3A_312 = arith.constant 4 : i32
        %dma_wait3A_313 = arith.constant 0 : i32
        %dma_wait3A_314 = arith.constant 0 : i32
        %dma_wait3A_315 = tpu.memref_slice %arg8[%dma_wait3A_311, %dma_wait3A_313, %dma_wait3A_314] : memref<5x80x64xf32, #tpu.memory_space<vmem>> -> memref<1x80x64xf32, #tpu.memory_space<vmem>>
        %dma_wait3A_316 = tpu.memref_squeeze %dma_wait3A_315 : memref<1x80x64xf32, #tpu.memory_space<vmem>> -> memref<80x64xf32, #tpu.memory_space<vmem>>
        %dma_wait3A_317 = arith.constant 0 : i32
        %dma_wait3A_318 = tpu.memref_slice %arg7[%dma_wait3A_312, %dma_wait3A_317] : memref<5x80xi32, #tpu.memory_space<vmem>> -> memref<1x80xi32, #tpu.memory_space<vmem>>
        %dma_wait3A_319 = tpu.memref_squeeze %dma_wait3A_318 : memref<1x80xi32, #tpu.memory_space<vmem>> -> memref<80xi32, #tpu.memory_space<vmem>>
        %dma_wait3A_320 = arith.constant 0 : i32
        %dma_wait3A_321 = arith.constant 0 : i32
        %dma_wait3A_322 = tpu.memref_slice %arg6[%dma_wait3A_320, %dma_wait3A_321] : memref<10000x64xf32, #tpu.memory_space<vmem_shared>> -> memref<10000x64xf32, #tpu.memory_space<vmem_shared>>
        tpu.wait_indirect_dma semaphore(%arg18 : memref<!tpu.dma_semaphore, #tpu.memory_space<semaphore_mem>>) src(%dma_wait3A_316 : memref<80x64xf32, #tpu.memory_space<vmem>>) dst(%dma_wait3A_322 : memref<10000x64xf32, #tpu.memory_space<vmem_shared>>)
      } else {
      }
      "tpu.region"() ({
        %run_scoped3A = tpu.sem_alloc : memref<!tpu.dma_semaphore, #tpu.memory_space<semaphore_mem>>
        %dma_start3A_311 = arith.constant 0 : i32
        %dma_start3A_312 = tpu.memref_slice %arg3[%add3A_79, %dma_start3A_311] : memref<4000x80xi32, #tpu.memory_space<hbm>> -> memref<5x80xi32, #tpu.memory_space<hbm>>
        %dma_start3A_313 = arith.constant 0 : i32
        %dma_start3A_314 = tpu.memref_slice %arg3[%add3A_79, %dma_start3A_313] : memref<4000x80xi32, #tpu.memory_space<hbm>> -> memref<5x80xi32, #tpu.memory_space<hbm>>
        tpu.enqueue_dma source(%dma_start3A_314 : memref<5x80xi32, #tpu.memory_space<hbm>>) target(%arg7 : memref<5x80xi32, #tpu.memory_space<vmem>>) target_semaphore(%run_scoped3A : memref<!tpu.dma_semaphore, #tpu.memory_space<semaphore_mem>>)
        %dma_wait3A_315 = arith.constant 0 : i32
        %dma_wait3A_316 = tpu.memref_slice %arg3[%add3A_79, %dma_wait3A_315] : memref<4000x80xi32, #tpu.memory_space<hbm>> -> memref<5x80xi32, #tpu.memory_space<hbm>>
        %dma_wait3A_317 = arith.constant 0 : i32
        %dma_wait3A_318 = tpu.memref_slice %arg3[%add3A_79, %dma_wait3A_317] : memref<4000x80xi32, #tpu.memory_space<hbm>> -> memref<5x80xi32, #tpu.memory_space<hbm>>
        tpu.wait_dma2 semaphore(%run_scoped3A : memref<!tpu.dma_semaphore, #tpu.memory_space<semaphore_mem>>) src(%dma_wait3A_318 : memref<5x80xi32, #tpu.memory_space<hbm>>) dst(%arg7 : memref<5x80xi32, #tpu.memory_space<vmem>>)
        tpu.yield
      }) : () -> ()
      %add3A_102 = arith.constant 0 : i32
      %add3A_103 = arith.addi %add3A_79, %add3A_102 : i32
      %mul3A_104 = arith.constant 80 : i32
      %mul3A_105 = arith.muli %add3A_103, %mul3A_104 : i32
      %dma_start3A = arith.constant 0 : i32
      %dma_start3A_106 = arith.constant 0 : i32
      %dma_start3A_107 = arith.constant 0 : i32
      %dma_start3A_108 = tpu.memref_slice %arg8[%dma_start3A, %dma_start3A_106, %dma_start3A_107] : memref<5x80x64xf32, #tpu.memory_space<vmem>> -> memref<1x80x64xf32, #tpu.memory_space<vmem>>
      %dma_start3A_109 = tpu.memref_squeeze %dma_start3A_108 : memref<1x80x64xf32, #tpu.memory_space<vmem>> -> memref<80x64xf32, #tpu.memory_space<vmem>>
      %dma_start3A_110 = arith.constant 0 : i32
      %dma_start3A_111 = tpu.memref_slice %arg2[%mul3A_105, %dma_start3A_110] : memref<320000x64xf32, #tpu.memory_space<hbm>> -> memref<80x64xf32, #tpu.memory_space<hbm>>
      %dma_start3A_112 = arith.constant 0 : i32
      %dma_start3A_113 = arith.constant 0 : i32
      %dma_start3A_114 = tpu.memref_slice %arg8[%dma_start3A, %dma_start3A_112, %dma_start3A_113] : memref<5x80x64xf32, #tpu.memory_space<vmem>> -> memref<1x80x64xf32, #tpu.memory_space<vmem>>
      %dma_start3A_115 = tpu.memref_squeeze %dma_start3A_114 : memref<1x80x64xf32, #tpu.memory_space<vmem>> -> memref<80x64xf32, #tpu.memory_space<vmem>>
      %dma_start3A_116 = arith.constant 0 : i32
      %dma_start3A_117 = tpu.memref_slice %arg2[%mul3A_105, %dma_start3A_116] : memref<320000x64xf32, #tpu.memory_space<hbm>> -> memref<80x64xf32, #tpu.memory_space<hbm>>
      tpu.enqueue_dma source(%dma_start3A_117 : memref<80x64xf32, #tpu.memory_space<hbm>>) target(%dma_start3A_115 : memref<80x64xf32, #tpu.memory_space<vmem>>) target_semaphore(%arg9 : memref<!tpu.dma_semaphore, #tpu.memory_space<semaphore_mem>>)
      %add3A_118 = arith.constant 1 : i32
      %add3A_119 = arith.addi %add3A_79, %add3A_118 : i32
      %mul3A_120 = arith.constant 80 : i32
      %mul3A_121 = arith.muli %add3A_119, %mul3A_120 : i32
      %dma_start3A_122 = arith.constant 1 : i32
      %dma_start3A_123 = arith.constant 0 : i32
      %dma_start3A_124 = arith.constant 0 : i32
      %dma_start3A_125 = tpu.memref_slice %arg8[%dma_start3A_122, %dma_start3A_123, %dma_start3A_124] : memref<5x80x64xf32, #tpu.memory_space<vmem>> -> memref<1x80x64xf32, #tpu.memory_space<vmem>>
      %dma_start3A_126 = tpu.memref_squeeze %dma_start3A_125 : memref<1x80x64xf32, #tpu.memory_space<vmem>> -> memref<80x64xf32, #tpu.memory_space<vmem>>
      %dma_start3A_127 = arith.constant 0 : i32
      %dma_start3A_128 = tpu.memref_slice %arg2[%mul3A_121, %dma_start3A_127] : memref<320000x64xf32, #tpu.memory_space<hbm>> -> memref<80x64xf32, #tpu.memory_space<hbm>>
      %dma_start3A_129 = arith.constant 0 : i32
      %dma_start3A_130 = arith.constant 0 : i32
      %dma_start3A_131 = tpu.memref_slice %arg8[%dma_start3A_122, %dma_start3A_129, %dma_start3A_130] : memref<5x80x64xf32, #tpu.memory_space<vmem>> -> memref<1x80x64xf32, #tpu.memory_space<vmem>>
      %dma_start3A_132 = tpu.memref_squeeze %dma_start3A_131 : memref<1x80x64xf32, #tpu.memory_space<vmem>> -> memref<80x64xf32, #tpu.memory_space<vmem>>
      %dma_start3A_133 = arith.constant 0 : i32
      %dma_start3A_134 = tpu.memref_slice %arg2[%mul3A_121, %dma_start3A_133] : memref<320000x64xf32, #tpu.memory_space<hbm>> -> memref<80x64xf32, #tpu.memory_space<hbm>>
      tpu.enqueue_dma source(%dma_start3A_134 : memref<80x64xf32, #tpu.memory_space<hbm>>) target(%dma_start3A_132 : memref<80x64xf32, #tpu.memory_space<vmem>>) target_semaphore(%arg10 : memref<!tpu.dma_semaphore, #tpu.memory_space<semaphore_mem>>)
      %add3A_135 = arith.constant 2 : i32
      %add3A_136 = arith.addi %add3A_79, %add3A_135 : i32
      %mul3A_137 = arith.constant 80 : i32
      %mul3A_138 = arith.muli %add3A_136, %mul3A_137 : i32
      %dma_start3A_139 = arith.constant 2 : i32
      %dma_start3A_140 = arith.constant 0 : i32
      %dma_start3A_141 = arith.constant 0 : i32
      %dma_start3A_142 = tpu.memref_slice %arg8[%dma_start3A_139, %dma_start3A_140, %dma_start3A_141] : memref<5x80x64xf32, #tpu.memory_space<vmem>> -> memref<1x80x64xf32, #tpu.memory_space<vmem>>
      %dma_start3A_143 = tpu.memref_squeeze %dma_start3A_142 : memref<1x80x64xf32, #tpu.memory_space<vmem>> -> memref<80x64xf32, #tpu.memory_space<vmem>>
      %dma_start3A_144 = arith.constant 0 : i32
      %dma_start3A_145 = tpu.memref_slice %arg2[%mul3A_138, %dma_start3A_144] : memref<320000x64xf32, #tpu.memory_space<hbm>> -> memref<80x64xf32, #tpu.memory_space<hbm>>
      %dma_start3A_146 = arith.constant 0 : i32
      %dma_start3A_147 = arith.constant 0 : i32
      %dma_start3A_148 = tpu.memref_slice %arg8[%dma_start3A_139, %dma_start3A_146, %dma_start3A_147] : memref<5x80x64xf32, #tpu.memory_space<vmem>> -> memref<1x80x64xf32, #tpu.memory_space<vmem>>
      %dma_start3A_149 = tpu.memref_squeeze %dma_start3A_148 : memref<1x80x64xf32, #tpu.memory_space<vmem>> -> memref<80x64xf32, #tpu.memory_space<vmem>>
      %dma_start3A_150 = arith.constant 0 : i32
      %dma_start3A_151 = tpu.memref_slice %arg2[%mul3A_138, %dma_start3A_150] : memref<320000x64xf32, #tpu.memory_space<hbm>> -> memref<80x64xf32, #tpu.memory_space<hbm>>
      tpu.enqueue_dma source(%dma_start3A_151 : memref<80x64xf32, #tpu.memory_space<hbm>>) target(%dma_start3A_149 : memref<80x64xf32, #tpu.memory_space<vmem>>) target_semaphore(%arg11 : memref<!tpu.dma_semaphore, #tpu.memory_space<semaphore_mem>>)
      %add3A_152 = arith.constant 3 : i32
      %add3A_153 = arith.addi %add3A_79, %add3A_152 : i32
      %mul3A_154 = arith.constant 80 : i32
      %mul3A_155 = arith.muli %add3A_153, %mul3A_154 : i32
      %dma_start3A_156 = arith.constant 3 : i32
      %dma_start3A_157 = arith.constant 0 : i32
      %dma_start3A_158 = arith.constant 0 : i32
      %dma_start3A_159 = tpu.memref_slice %arg8[%dma_start3A_156, %dma_start3A_157, %dma_start3A_158] : memref<5x80x64xf32, #tpu.memory_space<vmem>> -> memref<1x80x64xf32, #tpu.memory_space<vmem>>
      %dma_start3A_160 = tpu.memref_squeeze %dma_start3A_159 : memref<1x80x64xf32, #tpu.memory_space<vmem>> -> memref<80x64xf32, #tpu.memory_space<vmem>>
      %dma_start3A_161 = arith.constant 0 : i32
      %dma_start3A_162 = tpu.memref_slice %arg2[%mul3A_155, %dma_start3A_161] : memref<320000x64xf32, #tpu.memory_space<hbm>> -> memref<80x64xf32, #tpu.memory_space<hbm>>
      %dma_start3A_163 = arith.constant 0 : i32
      %dma_start3A_164 = arith.constant 0 : i32
      %dma_start3A_165 = tpu.memref_slice %arg8[%dma_start3A_156, %dma_start3A_163, %dma_start3A_164] : memref<5x80x64xf32, #tpu.memory_space<vmem>> -> memref<1x80x64xf32, #tpu.memory_space<vmem>>
      %dma_start3A_166 = tpu.memref_squeeze %dma_start3A_165 : memref<1x80x64xf32, #tpu.memory_space<vmem>> -> memref<80x64xf32, #tpu.memory_space<vmem>>
      %dma_start3A_167 = arith.constant 0 : i32
      %dma_start3A_168 = tpu.memref_slice %arg2[%mul3A_155, %dma_start3A_167] : memref<320000x64xf32, #tpu.memory_space<hbm>> -> memref<80x64xf32, #tpu.memory_space<hbm>>
      tpu.enqueue_dma source(%dma_start3A_168 : memref<80x64xf32, #tpu.memory_space<hbm>>) target(%dma_start3A_166 : memref<80x64xf32, #tpu.memory_space<vmem>>) target_semaphore(%arg12 : memref<!tpu.dma_semaphore, #tpu.memory_space<semaphore_mem>>)
      %add3A_169 = arith.constant 4 : i32
      %add3A_170 = arith.addi %add3A_79, %add3A_169 : i32
      %mul3A_171 = arith.constant 80 : i32
      %mul3A_172 = arith.muli %add3A_170, %mul3A_171 : i32
      %dma_start3A_173 = arith.constant 4 : i32
      %dma_start3A_174 = arith.constant 0 : i32
      %dma_start3A_175 = arith.constant 0 : i32
      %dma_start3A_176 = tpu.memref_slice %arg8[%dma_start3A_173, %dma_start3A_174, %dma_start3A_175] : memref<5x80x64xf32, #tpu.memory_space<vmem>> -> memref<1x80x64xf32, #tpu.memory_space<vmem>>
      %dma_start3A_177 = tpu.memref_squeeze %dma_start3A_176 : memref<1x80x64xf32, #tpu.memory_space<vmem>> -> memref<80x64xf32, #tpu.memory_space<vmem>>
      %dma_start3A_178 = arith.constant 0 : i32
      %dma_start3A_179 = tpu.memref_slice %arg2[%mul3A_172, %dma_start3A_178] : memref<320000x64xf32, #tpu.memory_space<hbm>> -> memref<80x64xf32, #tpu.memory_space<hbm>>
      %dma_start3A_180 = arith.constant 0 : i32
      %dma_start3A_181 = arith.constant 0 : i32
      %dma_start3A_182 = tpu.memref_slice %arg8[%dma_start3A_173, %dma_start3A_180, %dma_start3A_181] : memref<5x80x64xf32, #tpu.memory_space<vmem>> -> memref<1x80x64xf32, #tpu.memory_space<vmem>>
      %dma_start3A_183 = tpu.memref_squeeze %dma_start3A_182 : memref<1x80x64xf32, #tpu.memory_space<vmem>> -> memref<80x64xf32, #tpu.memory_space<vmem>>
      %dma_start3A_184 = arith.constant 0 : i32
      %dma_start3A_185 = tpu.memref_slice %arg2[%mul3A_172, %dma_start3A_184] : memref<320000x64xf32, #tpu.memory_space<hbm>> -> memref<80x64xf32, #tpu.memory_space<hbm>>
      tpu.enqueue_dma source(%dma_start3A_185 : memref<80x64xf32, #tpu.memory_space<hbm>>) target(%dma_start3A_183 : memref<80x64xf32, #tpu.memory_space<vmem>>) target_semaphore(%arg13 : memref<!tpu.dma_semaphore, #tpu.memory_space<semaphore_mem>>)
      %dma_wait3A_186 = arith.constant 0 : i32
      %dma_wait3A_187 = arith.constant 0 : i32
      %dma_wait3A_188 = arith.constant 0 : i32
      %dma_wait3A_189 = tpu.memref_slice %arg8[%dma_wait3A_186, %dma_wait3A_187, %dma_wait3A_188] : memref<5x80x64xf32, #tpu.memory_space<vmem>> -> memref<1x80x64xf32, #tpu.memory_space<vmem>>
      %dma_wait3A_190 = tpu.memref_squeeze %dma_wait3A_189 : memref<1x80x64xf32, #tpu.memory_space<vmem>> -> memref<80x64xf32, #tpu.memory_space<vmem>>
      %dma_wait3A_191 = arith.constant 0 : i32
      %dma_wait3A_192 = tpu.memref_slice %arg2[%mul3A_105, %dma_wait3A_191] : memref<320000x64xf32, #tpu.memory_space<hbm>> -> memref<80x64xf32, #tpu.memory_space<hbm>>
      %dma_wait3A_193 = arith.constant 0 : i32
      %dma_wait3A_194 = arith.constant 0 : i32
      %dma_wait3A_195 = tpu.memref_slice %arg8[%dma_wait3A_186, %dma_wait3A_193, %dma_wait3A_194] : memref<5x80x64xf32, #tpu.memory_space<vmem>> -> memref<1x80x64xf32, #tpu.memory_space<vmem>>
      %dma_wait3A_196 = tpu.memref_squeeze %dma_wait3A_195 : memref<1x80x64xf32, #tpu.memory_space<vmem>> -> memref<80x64xf32, #tpu.memory_space<vmem>>
      %dma_wait3A_197 = arith.constant 0 : i32
      %dma_wait3A_198 = tpu.memref_slice %arg2[%mul3A_105, %dma_wait3A_197] : memref<320000x64xf32, #tpu.memory_space<hbm>> -> memref<80x64xf32, #tpu.memory_space<hbm>>
      tpu.wait_dma2 semaphore(%arg9 : memref<!tpu.dma_semaphore, #tpu.memory_space<semaphore_mem>>) src(%dma_wait3A_198 : memref<80x64xf32, #tpu.memory_space<hbm>>) dst(%dma_wait3A_196 : memref<80x64xf32, #tpu.memory_space<vmem>>)
      %dma_start3A_199 = arith.constant 0 : i32
      %dma_start3A_200 = arith.constant 0 : i32
      %dma_start3A_201 = arith.constant 0 : i32
      %dma_start3A_202 = arith.constant 0 : i32
      %dma_start3A_203 = tpu.memref_slice %arg8[%dma_start3A_199, %dma_start3A_201, %dma_start3A_202] : memref<5x80x64xf32, #tpu.memory_space<vmem>> -> memref<1x80x64xf32, #tpu.memory_space<vmem>>
      %dma_start3A_204 = tpu.memref_squeeze %dma_start3A_203 : memref<1x80x64xf32, #tpu.memory_space<vmem>> -> memref<80x64xf32, #tpu.memory_space<vmem>>
      %dma_start3A_205 = arith.constant 0 : i32
      %dma_start3A_206 = tpu.memref_slice %arg7[%dma_start3A_200, %dma_start3A_205] : memref<5x80xi32, #tpu.memory_space<vmem>> -> memref<1x80xi32, #tpu.memory_space<vmem>>
      %dma_start3A_207 = tpu.memref_squeeze %dma_start3A_206 : memref<1x80xi32, #tpu.memory_space<vmem>> -> memref<80xi32, #tpu.memory_space<vmem>>
      %dma_start3A_208 = arith.constant 0 : i32
      %dma_start3A_209 = arith.constant 0 : i32
      %dma_start3A_210 = tpu.memref_slice %arg6[%dma_start3A_208, %dma_start3A_209] : memref<10000x64xf32, #tpu.memory_space<vmem_shared>> -> memref<10000x64xf32, #tpu.memory_space<vmem_shared>>
      tpu.enqueue_indirect_dma source(%dma_start3A_204 : memref<80x64xf32, #tpu.memory_space<vmem>>) target(%dma_start3A_210 : memref<10000x64xf32, #tpu.memory_space<vmem_shared>>) offsets(%dma_start3A_207 : memref<80xi32, #tpu.memory_space<vmem>>) semaphore(%arg14 : memref<!tpu.dma_semaphore, #tpu.memory_space<semaphore_mem>>) {add = true}
      %dma_wait3A_211 = arith.constant 1 : i32
      %dma_wait3A_212 = arith.constant 0 : i32
      %dma_wait3A_213 = arith.constant 0 : i32
      %dma_wait3A_214 = tpu.memref_slice %arg8[%dma_wait3A_211, %dma_wait3A_212, %dma_wait3A_213] : memref<5x80x64xf32, #tpu.memory_space<vmem>> -> memref<1x80x64xf32, #tpu.memory_space<vmem>>
      %dma_wait3A_215 = tpu.memref_squeeze %dma_wait3A_214 : memref<1x80x64xf32, #tpu.memory_space<vmem>> -> memref<80x64xf32, #tpu.memory_space<vmem>>
      %dma_wait3A_216 = arith.constant 0 : i32
      %dma_wait3A_217 = tpu.memref_slice %arg2[%mul3A_121, %dma_wait3A_216] : memref<320000x64xf32, #tpu.memory_space<hbm>> -> memref<80x64xf32, #tpu.memory_space<hbm>>
      %dma_wait3A_218 = arith.constant 0 : i32
      %dma_wait3A_219 = arith.constant 0 : i32
      %dma_wait3A_220 = tpu.memref_slice %arg8[%dma_wait3A_211, %dma_wait3A_218, %dma_wait3A_219] : memref<5x80x64xf32, #tpu.memory_space<vmem>> -> memref<1x80x64xf32, #tpu.memory_space<vmem>>
      %dma_wait3A_221 = tpu.memref_squeeze %dma_wait3A_220 : memref<1x80x64xf32, #tpu.memory_space<vmem>> -> memref<80x64xf32, #tpu.memory_space<vmem>>
      %dma_wait3A_222 = arith.constant 0 : i32
      %dma_wait3A_223 = tpu.memref_slice %arg2[%mul3A_121, %dma_wait3A_222] : memref<320000x64xf32, #tpu.memory_space<hbm>> -> memref<80x64xf32, #tpu.memory_space<hbm>>
      tpu.wait_dma2 semaphore(%arg10 : memref<!tpu.dma_semaphore, #tpu.memory_space<semaphore_mem>>) src(%dma_wait3A_223 : memref<80x64xf32, #tpu.memory_space<hbm>>) dst(%dma_wait3A_221 : memref<80x64xf32, #tpu.memory_space<vmem>>)
      %dma_start3A_224 = arith.constant 1 : i32
      %dma_start3A_225 = arith.constant 1 : i32
      %dma_start3A_226 = arith.constant 0 : i32
      %dma_start3A_227 = arith.constant 0 : i32
      %dma_start3A_228 = tpu.memref_slice %arg8[%dma_start3A_224, %dma_start3A_226, %dma_start3A_227] : memref<5x80x64xf32, #tpu.memory_space<vmem>> -> memref<1x80x64xf32, #tpu.memory_space<vmem>>
      %dma_start3A_229 = tpu.memref_squeeze %dma_start3A_228 : memref<1x80x64xf32, #tpu.memory_space<vmem>> -> memref<80x64xf32, #tpu.memory_space<vmem>>
      %dma_start3A_230 = arith.constant 0 : i32
      %dma_start3A_231 = tpu.memref_slice %arg7[%dma_start3A_225, %dma_start3A_230] : memref<5x80xi32, #tpu.memory_space<vmem>> -> memref<1x80xi32, #tpu.memory_space<vmem>>
      %dma_start3A_232 = tpu.memref_squeeze %dma_start3A_231 : memref<1x80xi32, #tpu.memory_space<vmem>> -> memref<80xi32, #tpu.memory_space<vmem>>
      %dma_start3A_233 = arith.constant 0 : i32
      %dma_start3A_234 = arith.constant 0 : i32
      %dma_start3A_235 = tpu.memref_slice %arg6[%dma_start3A_233, %dma_start3A_234] : memref<10000x64xf32, #tpu.memory_space<vmem_shared>> -> memref<10000x64xf32, #tpu.memory_space<vmem_shared>>
      tpu.enqueue_indirect_dma source(%dma_start3A_229 : memref<80x64xf32, #tpu.memory_space<vmem>>) target(%dma_start3A_235 : memref<10000x64xf32, #tpu.memory_space<vmem_shared>>) offsets(%dma_start3A_232 : memref<80xi32, #tpu.memory_space<vmem>>) semaphore(%arg15 : memref<!tpu.dma_semaphore, #tpu.memory_space<semaphore_mem>>) {add = true}
      %dma_wait3A_236 = arith.constant 2 : i32
      %dma_wait3A_237 = arith.constant 0 : i32
      %dma_wait3A_238 = arith.constant 0 : i32
      %dma_wait3A_239 = tpu.memref_slice %arg8[%dma_wait3A_236, %dma_wait3A_237, %dma_wait3A_238] : memref<5x80x64xf32, #tpu.memory_space<vmem>> -> memref<1x80x64xf32, #tpu.memory_space<vmem>>
      %dma_wait3A_240 = tpu.memref_squeeze %dma_wait3A_239 : memref<1x80x64xf32, #tpu.memory_space<vmem>> -> memref<80x64xf32, #tpu.memory_space<vmem>>
      %dma_wait3A_241 = arith.constant 0 : i32
      %dma_wait3A_242 = tpu.memref_slice %arg2[%mul3A_138, %dma_wait3A_241] : memref<320000x64xf32, #tpu.memory_space<hbm>> -> memref<80x64xf32, #tpu.memory_space<hbm>>
      %dma_wait3A_243 = arith.constant 0 : i32
      %dma_wait3A_244 = arith.constant 0 : i32
      %dma_wait3A_245 = tpu.memref_slice %arg8[%dma_wait3A_236, %dma_wait3A_243, %dma_wait3A_244] : memref<5x80x64xf32, #tpu.memory_space<vmem>> -> memref<1x80x64xf32, #tpu.memory_space<vmem>>
      %dma_wait3A_246 = tpu.memref_squeeze %dma_wait3A_245 : memref<1x80x64xf32, #tpu.memory_space<vmem>> -> memref<80x64xf32, #tpu.memory_space<vmem>>
      %dma_wait3A_247 = arith.constant 0 : i32
      %dma_wait3A_248 = tpu.memref_slice %arg2[%mul3A_138, %dma_wait3A_247] : memref<320000x64xf32, #tpu.memory_space<hbm>> -> memref<80x64xf32, #tpu.memory_space<hbm>>
      tpu.wait_dma2 semaphore(%arg11 : memref<!tpu.dma_semaphore, #tpu.memory_space<semaphore_mem>>) src(%dma_wait3A_248 : memref<80x64xf32, #tpu.memory_space<hbm>>) dst(%dma_wait3A_246 : memref<80x64xf32, #tpu.memory_space<vmem>>)
      %dma_start3A_249 = arith.constant 2 : i32
      %dma_start3A_250 = arith.constant 2 : i32
      %dma_start3A_251 = arith.constant 0 : i32
      %dma_start3A_252 = arith.constant 0 : i32
      %dma_start3A_253 = tpu.memref_slice %arg8[%dma_start3A_249, %dma_start3A_251, %dma_start3A_252] : memref<5x80x64xf32, #tpu.memory_space<vmem>> -> memref<1x80x64xf32, #tpu.memory_space<vmem>>
      %dma_start3A_254 = tpu.memref_squeeze %dma_start3A_253 : memref<1x80x64xf32, #tpu.memory_space<vmem>> -> memref<80x64xf32, #tpu.memory_space<vmem>>
      %dma_start3A_255 = arith.constant 0 : i32
      %dma_start3A_256 = tpu.memref_slice %arg7[%dma_start3A_250, %dma_start3A_255] : memref<5x80xi32, #tpu.memory_space<vmem>> -> memref<1x80xi32, #tpu.memory_space<vmem>>
      %dma_start3A_257 = tpu.memref_squeeze %dma_start3A_256 : memref<1x80xi32, #tpu.memory_space<vmem>> -> memref<80xi32, #tpu.memory_space<vmem>>
      %dma_start3A_258 = arith.constant 0 : i32
      %dma_start3A_259 = arith.constant 0 : i32
      %dma_start3A_260 = tpu.memref_slice %arg6[%dma_start3A_258, %dma_start3A_259] : memref<10000x64xf32, #tpu.memory_space<vmem_shared>> -> memref<10000x64xf32, #tpu.memory_space<vmem_shared>>
      tpu.enqueue_indirect_dma source(%dma_start3A_254 : memref<80x64xf32, #tpu.memory_space<vmem>>) target(%dma_start3A_260 : memref<10000x64xf32, #tpu.memory_space<vmem_shared>>) offsets(%dma_start3A_257 : memref<80xi32, #tpu.memory_space<vmem>>) semaphore(%arg16 : memref<!tpu.dma_semaphore, #tpu.memory_space<semaphore_mem>>) {add = true}
      %dma_wait3A_261 = arith.constant 3 : i32
      %dma_wait3A_262 = arith.constant 0 : i32
      %dma_wait3A_263 = arith.constant 0 : i32
      %dma_wait3A_264 = tpu.memref_slice %arg8[%dma_wait3A_261, %dma_wait3A_262, %dma_wait3A_263] : memref<5x80x64xf32, #tpu.memory_space<vmem>> -> memref<1x80x64xf32, #tpu.memory_space<vmem>>
      %dma_wait3A_265 = tpu.memref_squeeze %dma_wait3A_264 : memref<1x80x64xf32, #tpu.memory_space<vmem>> -> memref<80x64xf32, #tpu.memory_space<vmem>>
      %dma_wait3A_266 = arith.constant 0 : i32
      %dma_wait3A_267 = tpu.memref_slice %arg2[%mul3A_155, %dma_wait3A_266] : memref<320000x64xf32, #tpu.memory_space<hbm>> -> memref<80x64xf32, #tpu.memory_space<hbm>>
      %dma_wait3A_268 = arith.constant 0 : i32
      %dma_wait3A_269 = arith.constant 0 : i32
      %dma_wait3A_270 = tpu.memref_slice %arg8[%dma_wait3A_261, %dma_wait3A_268, %dma_wait3A_269] : memref<5x80x64xf32, #tpu.memory_space<vmem>> -> memref<1x80x64xf32, #tpu.memory_space<vmem>>
      %dma_wait3A_271 = tpu.memref_squeeze %dma_wait3A_270 : memref<1x80x64xf32, #tpu.memory_space<vmem>> -> memref<80x64xf32, #tpu.memory_space<vmem>>
      %dma_wait3A_272 = arith.constant 0 : i32
      %dma_wait3A_273 = tpu.memref_slice %arg2[%mul3A_155, %dma_wait3A_272] : memref<320000x64xf32, #tpu.memory_space<hbm>> -> memref<80x64xf32, #tpu.memory_space<hbm>>
      tpu.wait_dma2 semaphore(%arg12 : memref<!tpu.dma_semaphore, #tpu.memory_space<semaphore_mem>>) src(%dma_wait3A_273 : memref<80x64xf32, #tpu.memory_space<hbm>>) dst(%dma_wait3A_271 : memref<80x64xf32, #tpu.memory_space<vmem>>)
      %dma_start3A_274 = arith.constant 3 : i32
      %dma_start3A_275 = arith.constant 3 : i32
      %dma_start3A_276 = arith.constant 0 : i32
      %dma_start3A_277 = arith.constant 0 : i32
      %dma_start3A_278 = tpu.memref_slice %arg8[%dma_start3A_274, %dma_start3A_276, %dma_start3A_277] : memref<5x80x64xf32, #tpu.memory_space<vmem>> -> memref<1x80x64xf32, #tpu.memory_space<vmem>>
      %dma_start3A_279 = tpu.memref_squeeze %dma_start3A_278 : memref<1x80x64xf32, #tpu.memory_space<vmem>> -> memref<80x64xf32, #tpu.memory_space<vmem>>
      %dma_start3A_280 = arith.constant 0 : i32
      %dma_start3A_281 = tpu.memref_slice %arg7[%dma_start3A_275, %dma_start3A_280] : memref<5x80xi32, #tpu.memory_space<vmem>> -> memref<1x80xi32, #tpu.memory_space<vmem>>
      %dma_start3A_282 = tpu.memref_squeeze %dma_start3A_281 : memref<1x80xi32, #tpu.memory_space<vmem>> -> memref<80xi32, #tpu.memory_space<vmem>>
      %dma_start3A_283 = arith.constant 0 : i32
      %dma_start3A_284 = arith.constant 0 : i32
      %dma_start3A_285 = tpu.memref_slice %arg6[%dma_start3A_283, %dma_start3A_284] : memref<10000x64xf32, #tpu.memory_space<vmem_shared>> -> memref<10000x64xf32, #tpu.memory_space<vmem_shared>>
      tpu.enqueue_indirect_dma source(%dma_start3A_279 : memref<80x64xf32, #tpu.memory_space<vmem>>) target(%dma_start3A_285 : memref<10000x64xf32, #tpu.memory_space<vmem_shared>>) offsets(%dma_start3A_282 : memref<80xi32, #tpu.memory_space<vmem>>) semaphore(%arg17 : memref<!tpu.dma_semaphore, #tpu.memory_space<semaphore_mem>>) {add = true}
      %dma_wait3A_286 = arith.constant 4 : i32
      %dma_wait3A_287 = arith.constant 0 : i32
      %dma_wait3A_288 = arith.constant 0 : i32
      %dma_wait3A_289 = tpu.memref_slice %arg8[%dma_wait3A_286, %dma_wait3A_287, %dma_wait3A_288] : memref<5x80x64xf32, #tpu.memory_space<vmem>> -> memref<1x80x64xf32, #tpu.memory_space<vmem>>
      %dma_wait3A_290 = tpu.memref_squeeze %dma_wait3A_289 : memref<1x80x64xf32, #tpu.memory_space<vmem>> -> memref<80x64xf32, #tpu.memory_space<vmem>>
      %dma_wait3A_291 = arith.constant 0 : i32
      %dma_wait3A_292 = tpu.memref_slice %arg2[%mul3A_172, %dma_wait3A_291] : memref<320000x64xf32, #tpu.memory_space<hbm>> -> memref<80x64xf32, #tpu.memory_space<hbm>>
      %dma_wait3A_293 = arith.constant 0 : i32
      %dma_wait3A_294 = arith.constant 0 : i32
      %dma_wait3A_295 = tpu.memref_slice %arg8[%dma_wait3A_286, %dma_wait3A_293, %dma_wait3A_294] : memref<5x80x64xf32, #tpu.memory_space<vmem>> -> memref<1x80x64xf32, #tpu.memory_space<vmem>>
      %dma_wait3A_296 = tpu.memref_squeeze %dma_wait3A_295 : memref<1x80x64xf32, #tpu.memory_space<vmem>> -> memref<80x64xf32, #tpu.memory_space<vmem>>
      %dma_wait3A_297 = arith.constant 0 : i32
      %dma_wait3A_298 = tpu.memref_slice %arg2[%mul3A_172, %dma_wait3A_297] : memref<320000x64xf32, #tpu.memory_space<hbm>> -> memref<80x64xf32, #tpu.memory_space<hbm>>
      tpu.wait_dma2 semaphore(%arg13 : memref<!tpu.dma_semaphore, #tpu.memory_space<semaphore_mem>>) src(%dma_wait3A_298 : memref<80x64xf32, #tpu.memory_space<hbm>>) dst(%dma_wait3A_296 : memref<80x64xf32, #tpu.memory_space<vmem>>)
      %dma_start3A_299 = arith.constant 4 : i32
      %dma_start3A_300 = arith.constant 4 : i32
      %dma_start3A_301 = arith.constant 0 : i32
      %dma_start3A_302 = arith.constant 0 : i32
      %dma_start3A_303 = tpu.memref_slice %arg8[%dma_start3A_299, %dma_start3A_301, %dma_start3A_302] : memref<5x80x64xf32, #tpu.memory_space<vmem>> -> memref<1x80x64xf32, #tpu.memory_space<vmem>>
      %dma_start3A_304 = tpu.memref_squeeze %dma_start3A_303 : memref<1x80x64xf32, #tpu.memory_space<vmem>> -> memref<80x64xf32, #tpu.memory_space<vmem>>
      %dma_start3A_305 = arith.constant 0 : i32
      %dma_start3A_306 = tpu.memref_slice %arg7[%dma_start3A_300, %dma_start3A_305] : memref<5x80xi32, #tpu.memory_space<vmem>> -> memref<1x80xi32, #tpu.memory_space<vmem>>
      %dma_start3A_307 = tpu.memref_squeeze %dma_start3A_306 : memref<1x80xi32, #tpu.memory_space<vmem>> -> memref<80xi32, #tpu.memory_space<vmem>>
      %dma_start3A_308 = arith.constant 0 : i32
      %dma_start3A_309 = arith.constant 0 : i32
      %dma_start3A_310 = tpu.memref_slice %arg6[%dma_start3A_308, %dma_start3A_309] : memref<10000x64xf32, #tpu.memory_space<vmem_shared>> -> memref<10000x64xf32, #tpu.memory_space<vmem_shared>>
      tpu.enqueue_indirect_dma source(%dma_start3A_304 : memref<80x64xf32, #tpu.memory_space<vmem>>) target(%dma_start3A_310 : memref<10000x64xf32, #tpu.memory_space<vmem_shared>>) offsets(%dma_start3A_307 : memref<80xi32, #tpu.memory_space<vmem>>) semaphore(%arg18 : memref<!tpu.dma_semaphore, #tpu.memory_space<semaphore_mem>>) {add = true}
    }
    %scan3A_9 = arith.constant 25 : i32
    %dma_wait3A = arith.constant 0 : i32
    %dma_wait3A_10 = arith.constant 0 : i32
    %dma_wait3A_11 = arith.constant 0 : i32
    %dma_wait3A_12 = arith.constant 0 : i32
    %dma_wait3A_13 = tpu.memref_slice %arg8[%dma_wait3A, %dma_wait3A_11, %dma_wait3A_12] : memref<5x80x64xf32, #tpu.memory_space<vmem>> -> memref<1x80x64xf32, #tpu.memory_space<vmem>>
    %dma_wait3A_14 = tpu.memref_squeeze %dma_wait3A_13 : memref<1x80x64xf32, #tpu.memory_space<vmem>> -> memref<80x64xf32, #tpu.memory_space<vmem>>
    %dma_wait3A_15 = arith.constant 0 : i32
    %dma_wait3A_16 = tpu.memref_slice %arg7[%dma_wait3A_10, %dma_wait3A_15] : memref<5x80xi32, #tpu.memory_space<vmem>> -> memref<1x80xi32, #tpu.memory_space<vmem>>
    %dma_wait3A_17 = tpu.memref_squeeze %dma_wait3A_16 : memref<1x80xi32, #tpu.memory_space<vmem>> -> memref<80xi32, #tpu.memory_space<vmem>>
    %dma_wait3A_18 = arith.constant 0 : i32
    %dma_wait3A_19 = arith.constant 0 : i32
    %dma_wait3A_20 = tpu.memref_slice %arg6[%dma_wait3A_18, %dma_wait3A_19] : memref<10000x64xf32, #tpu.memory_space<vmem_shared>> -> memref<10000x64xf32, #tpu.memory_space<vmem_shared>>
    tpu.wait_indirect_dma semaphore(%arg14 : memref<!tpu.dma_semaphore, #tpu.memory_space<semaphore_mem>>) src(%dma_wait3A_14 : memref<80x64xf32, #tpu.memory_space<vmem>>) dst(%dma_wait3A_20 : memref<10000x64xf32, #tpu.memory_space<vmem_shared>>)
    %dma_wait3A_21 = arith.constant 1 : i32
    %dma_wait3A_22 = arith.constant 1 : i32
    %dma_wait3A_23 = arith.constant 0 : i32
    %dma_wait3A_24 = arith.constant 0 : i32
    %dma_wait3A_25 = tpu.memref_slice %arg8[%dma_wait3A_21, %dma_wait3A_23, %dma_wait3A_24] : memref<5x80x64xf32, #tpu.memory_space<vmem>> -> memref<1x80x64xf32, #tpu.memory_space<vmem>>
    %dma_wait3A_26 = tpu.memref_squeeze %dma_wait3A_25 : memref<1x80x64xf32, #tpu.memory_space<vmem>> -> memref<80x64xf32, #tpu.memory_space<vmem>>
    %dma_wait3A_27 = arith.constant 0 : i32
    %dma_wait3A_28 = tpu.memref_slice %arg7[%dma_wait3A_22, %dma_wait3A_27] : memref<5x80xi32, #tpu.memory_space<vmem>> -> memref<1x80xi32, #tpu.memory_space<vmem>>
    %dma_wait3A_29 = tpu.memref_squeeze %dma_wait3A_28 : memref<1x80xi32, #tpu.memory_space<vmem>> -> memref<80xi32, #tpu.memory_space<vmem>>
    %dma_wait3A_30 = arith.constant 0 : i32
    %dma_wait3A_31 = arith.constant 0 : i32
    %dma_wait3A_32 = tpu.memref_slice %arg6[%dma_wait3A_30, %dma_wait3A_31] : memref<10000x64xf32, #tpu.memory_space<vmem_shared>> -> memref<10000x64xf32, #tpu.memory_space<vmem_shared>>
    tpu.wait_indirect_dma semaphore(%arg15 : memref<!tpu.dma_semaphore, #tpu.memory_space<semaphore_mem>>) src(%dma_wait3A_26 : memref<80x64xf32, #tpu.memory_space<vmem>>) dst(%dma_wait3A_32 : memref<10000x64xf32, #tpu.memory_space<vmem_shared>>)
    %dma_wait3A_33 = arith.constant 2 : i32
    %dma_wait3A_34 = arith.constant 2 : i32
    %dma_wait3A_35 = arith.constant 0 : i32
    %dma_wait3A_36 = arith.constant 0 : i32
    %dma_wait3A_37 = tpu.memref_slice %arg8[%dma_wait3A_33, %dma_wait3A_35, %dma_wait3A_36] : memref<5x80x64xf32, #tpu.memory_space<vmem>> -> memref<1x80x64xf32, #tpu.memory_space<vmem>>
    %dma_wait3A_38 = tpu.memref_squeeze %dma_wait3A_37 : memref<1x80x64xf32, #tpu.memory_space<vmem>> -> memref<80x64xf32, #tpu.memory_space<vmem>>
    %dma_wait3A_39 = arith.constant 0 : i32
    %dma_wait3A_40 = tpu.memref_slice %arg7[%dma_wait3A_34, %dma_wait3A_39] : memref<5x80xi32, #tpu.memory_space<vmem>> -> memref<1x80xi32, #tpu.memory_space<vmem>>
    %dma_wait3A_41 = tpu.memref_squeeze %dma_wait3A_40 : memref<1x80xi32, #tpu.memory_space<vmem>> -> memref<80xi32, #tpu.memory_space<vmem>>
    %dma_wait3A_42 = arith.constant 0 : i32
    %dma_wait3A_43 = arith.constant 0 : i32
    %dma_wait3A_44 = tpu.memref_slice %arg6[%dma_wait3A_42, %dma_wait3A_43] : memref<10000x64xf32, #tpu.memory_space<vmem_shared>> -> memref<10000x64xf32, #tpu.memory_space<vmem_shared>>
    tpu.wait_indirect_dma semaphore(%arg16 : memref<!tpu.dma_semaphore, #tpu.memory_space<semaphore_mem>>) src(%dma_wait3A_38 : memref<80x64xf32, #tpu.memory_space<vmem>>) dst(%dma_wait3A_44 : memref<10000x64xf32, #tpu.memory_space<vmem_shared>>)
    %dma_wait3A_45 = arith.constant 3 : i32
    %dma_wait3A_46 = arith.constant 3 : i32
    %dma_wait3A_47 = arith.constant 0 : i32
    %dma_wait3A_48 = arith.constant 0 : i32
    %dma_wait3A_49 = tpu.memref_slice %arg8[%dma_wait3A_45, %dma_wait3A_47, %dma_wait3A_48] : memref<5x80x64xf32, #tpu.memory_space<vmem>> -> memref<1x80x64xf32, #tpu.memory_space<vmem>>
    %dma_wait3A_50 = tpu.memref_squeeze %dma_wait3A_49 : memref<1x80x64xf32, #tpu.memory_space<vmem>> -> memref<80x64xf32, #tpu.memory_space<vmem>>
    %dma_wait3A_51 = arith.constant 0 : i32
    %dma_wait3A_52 = tpu.memref_slice %arg7[%dma_wait3A_46, %dma_wait3A_51] : memref<5x80xi32, #tpu.memory_space<vmem>> -> memref<1x80xi32, #tpu.memory_space<vmem>>
    %dma_wait3A_53 = tpu.memref_squeeze %dma_wait3A_52 : memref<1x80xi32, #tpu.memory_space<vmem>> -> memref<80xi32, #tpu.memory_space<vmem>>
    %dma_wait3A_54 = arith.constant 0 : i32
    %dma_wait3A_55 = arith.constant 0 : i32
    %dma_wait3A_56 = tpu.memref_slice %arg6[%dma_wait3A_54, %dma_wait3A_55] : memref<10000x64xf32, #tpu.memory_space<vmem_shared>> -> memref<10000x64xf32, #tpu.memory_space<vmem_shared>>
    tpu.wait_indirect_dma semaphore(%arg17 : memref<!tpu.dma_semaphore, #tpu.memory_space<semaphore_mem>>) src(%dma_wait3A_50 : memref<80x64xf32, #tpu.memory_space<vmem>>) dst(%dma_wait3A_56 : memref<10000x64xf32, #tpu.memory_space<vmem_shared>>)
    %dma_wait3A_57 = arith.constant 4 : i32
    %dma_wait3A_58 = arith.constant 4 : i32
    %dma_wait3A_59 = arith.constant 0 : i32
    %dma_wait3A_60 = arith.constant 0 : i32
    %dma_wait3A_61 = tpu.memref_slice %arg8[%dma_wait3A_57, %dma_wait3A_59, %dma_wait3A_60] : memref<5x80x64xf32, #tpu.memory_space<vmem>> -> memref<1x80x64xf32, #tpu.memory_space<vmem>>
    %dma_wait3A_62 = tpu.memref_squeeze %dma_wait3A_61 : memref<1x80x64xf32, #tpu.memory_space<vmem>> -> memref<80x64xf32, #tpu.memory_space<vmem>>
    %dma_wait3A_63 = arith.constant 0 : i32
    %dma_wait3A_64 = tpu.memref_slice %arg7[%dma_wait3A_58, %dma_wait3A_63] : memref<5x80xi32, #tpu.memory_space<vmem>> -> memref<1x80xi32, #tpu.memory_space<vmem>>
    %dma_wait3A_65 = tpu.memref_squeeze %dma_wait3A_64 : memref<1x80xi32, #tpu.memory_space<vmem>> -> memref<80xi32, #tpu.memory_space<vmem>>
    %dma_wait3A_66 = arith.constant 0 : i32
    %dma_wait3A_67 = arith.constant 0 : i32
    %dma_wait3A_68 = tpu.memref_slice %arg6[%dma_wait3A_66, %dma_wait3A_67] : memref<10000x64xf32, #tpu.memory_space<vmem_shared>> -> memref<10000x64xf32, #tpu.memory_space<vmem_shared>>
    tpu.wait_indirect_dma semaphore(%arg18 : memref<!tpu.dma_semaphore, #tpu.memory_space<semaphore_mem>>) src(%dma_wait3A_62 : memref<80x64xf32, #tpu.memory_space<vmem>>) dst(%dma_wait3A_68 : memref<10000x64xf32, #tpu.memory_space<vmem_shared>>)
    %barrier3A_69 = arith.constant 0 : index
    tpu.barrier barrier_id(%barrier3A_69)
    %mul3A_70 = arith.constant 625 : i32
    %mul3A_71 = arith.muli %arg1, %mul3A_70 : i32
    %mul3A_72 = arith.constant 625 : i32
    %mul3A_73 = arith.muli %arg1, %mul3A_72 : i32
    "tpu.region"() ({
      %run_scoped3A = tpu.sem_alloc : memref<!tpu.dma_semaphore, #tpu.memory_space<semaphore_mem>>
      %dma_start3A = arith.constant 0 : i32
      %dma_start3A_74 = tpu.memref_slice %arg5[%arg0, %mul3A_73, %dma_start3A] : memref<2x10000x64xf32, #tpu.memory_space<hbm>> -> memref<1x625x64xf32, #tpu.memory_space<hbm>>
      %dma_start3A_75 = tpu.memref_squeeze %dma_start3A_74 : memref<1x625x64xf32, #tpu.memory_space<hbm>> -> memref<625x64xf32, #tpu.memory_space<hbm>>
      %dma_start3A_76 = arith.constant 0 : i32
      %dma_start3A_77 = tpu.memref_slice %arg6[%mul3A_71, %dma_start3A_76] : memref<10000x64xf32, #tpu.memory_space<vmem_shared>> -> memref<625x64xf32, #tpu.memory_space<vmem_shared>>
      tpu.enqueue_dma source(%dma_start3A_77 : memref<625x64xf32, #tpu.memory_space<vmem_shared>>) target(%dma_start3A_75 : memref<625x64xf32, #tpu.memory_space<hbm>>) target_semaphore(%run_scoped3A : memref<!tpu.dma_semaphore, #tpu.memory_space<semaphore_mem>>)
      %dma_wait3A_78 = arith.constant 0 : i32
      %dma_wait3A_79 = tpu.memref_slice %arg5[%arg0, %mul3A_73, %dma_wait3A_78] : memref<2x10000x64xf32, #tpu.memory_space<hbm>> -> memref<1x625x64xf32, #tpu.memory_space<hbm>>
      %dma_wait3A_80 = tpu.memref_squeeze %dma_wait3A_79 : memref<1x625x64xf32, #tpu.memory_space<hbm>> -> memref<625x64xf32, #tpu.memory_space<hbm>>
      %dma_wait3A_81 = arith.constant 0 : i32
      %dma_wait3A_82 = tpu.memref_slice %arg6[%mul3A_71, %dma_wait3A_81] : memref<10000x64xf32, #tpu.memory_space<vmem_shared>> -> memref<625x64xf32, #tpu.memory_space<vmem_shared>>
      tpu.wait_dma2 semaphore(%run_scoped3A : memref<!tpu.dma_semaphore, #tpu.memory_space<semaphore_mem>>) src(%dma_wait3A_82 : memref<625x64xf32, #tpu.memory_space<vmem_shared>>) dst(%dma_wait3A_80 : memref<625x64xf32, #tpu.memory_space<hbm>>)
      tpu.yield
    }) : () -> ()
    return
  }
}

#map = affine_map<(d0, d1) -> (0, 0)>
#map1 = affine_map<(d0, d1) -> (0, 0, 0)>
module attributes {stable_mosaic.version = 14 : i64} {
  func.func @_edge_scatter_body(%arg0: i32, %arg1: i32, %arg2: memref<320000x64xf32, #tpu.memory_space<hbm>>, %arg3: memref<4000x80xi32, #tpu.memory_space<hbm>>, %arg4: memref<10000x64xf32, #tpu.memory_space<hbm>>, %arg5: memref<2x10000x64xf32, #tpu.memory_space<hbm>>, %arg6: memref<10000x64xf32, #tpu.memory_space<vmem_shared>>, %arg7: memref<5x80xi32, #tpu.memory_space<vmem>>, %arg8: memref<5x80x64xf32, #tpu.memory_space<vmem>>, %arg9: memref<!tpu.dma_semaphore, #tpu.memory_space<semaphore_mem>>, %arg10: memref<!tpu.dma_semaphore, #tpu.memory_space<semaphore_mem>>, %arg11: memref<!tpu.dma_semaphore, #tpu.memory_space<semaphore_mem>>, %arg12: memref<!tpu.dma_semaphore, #tpu.memory_space<semaphore_mem>>, %arg13: memref<!tpu.dma_semaphore, #tpu.memory_space<semaphore_mem>>, %arg14: memref<!tpu.dma_semaphore, #tpu.memory_space<semaphore_mem>>, %arg15: memref<!tpu.dma_semaphore, #tpu.memory_space<semaphore_mem>>, %arg16: memref<!tpu.dma_semaphore, #tpu.memory_space<semaphore_mem>>, %arg17: memref<!tpu.dma_semaphore, #tpu.memory_space<semaphore_mem>>, %arg18: memref<!tpu.dma_semaphore, #tpu.memory_space<semaphore_mem>>) attributes {dimension_semantics = [#tpu.dimension_semantics<core_parallel>, #tpu.dimension_semantics<subcore_parallel>], iteration_bounds = array<i64: 2, 16>, scalar_prefetch = 0 : i64, scratch_operands = 13 : i64, tpu.core_type = #tpu.core_type<sc_vector_subcore>, window_params = [{transform_indices = #map}, {transform_indices = #map}, {transform_indices = #map}, {transform_indices = #map1}]} {
    %mul3A = arith.constant 2 : i32
    %mul3A_0 = arith.muli %arg1, %mul3A : i32
    %add3A = arith.addi %mul3A_0, %arg0 : i32
    %mul3A_1 = arith.constant 625 : i32
    %mul3A_2 = arith.muli %arg1, %mul3A_1 : i32
    %mul3A_3 = arith.constant 625 : i32
    %mul3A_4 = arith.muli %arg1, %mul3A_3 : i32
    "tpu.region"() ({
      %run_scoped3A = tpu.sem_alloc : memref<!tpu.dma_semaphore, #tpu.memory_space<semaphore_mem>>
      %dma_start3A = arith.constant 0 : i32
      %dma_start3A_74 = tpu.memref_slice %arg6[%mul3A_4, %dma_start3A] : memref<10000x64xf32, #tpu.memory_space<vmem_shared>> -> memref<625x64xf32, #tpu.memory_space<vmem_shared>>
      %dma_start3A_75 = arith.constant 0 : i32
      %dma_start3A_76 = tpu.memref_slice %arg4[%mul3A_2, %dma_start3A_75] : memref<10000x64xf32, #tpu.memory_space<hbm>> -> memref<625x64xf32, #tpu.memory_space<hbm>>
      tpu.enqueue_dma source(%dma_start3A_76 : memref<625x64xf32, #tpu.memory_space<hbm>>) target(%dma_start3A_74 : memref<625x64xf32, #tpu.memory_space<vmem_shared>>) target_semaphore(%run_scoped3A : memref<!tpu.dma_semaphore, #tpu.memory_space<semaphore_mem>>)
      %dma_wait3A_77 = arith.constant 0 : i32
      %dma_wait3A_78 = tpu.memref_slice %arg6[%mul3A_4, %dma_wait3A_77] : memref<10000x64xf32, #tpu.memory_space<vmem_shared>> -> memref<625x64xf32, #tpu.memory_space<vmem_shared>>
      %dma_wait3A_79 = arith.constant 0 : i32
      %dma_wait3A_80 = tpu.memref_slice %arg4[%mul3A_2, %dma_wait3A_79] : memref<10000x64xf32, #tpu.memory_space<hbm>> -> memref<625x64xf32, #tpu.memory_space<hbm>>
      tpu.wait_dma2 semaphore(%run_scoped3A : memref<!tpu.dma_semaphore, #tpu.memory_space<semaphore_mem>>) src(%dma_wait3A_80 : memref<625x64xf32, #tpu.memory_space<hbm>>) dst(%dma_wait3A_78 : memref<625x64xf32, #tpu.memory_space<vmem_shared>>)
      tpu.yield
    }) : () -> ()
    %barrier3A = arith.constant 0 : index
    tpu.barrier barrier_id(%barrier3A)
    %scan3A = arith.constant 0 : i32
    %scan3A_5 = arith.constant 0 : i32
    %scan3A_6 = arith.constant 25 : i32
    %scan3A_7 = arith.addi %scan3A_5, %scan3A_6 : i32
    %scan3A_8 = arith.constant 1 : i32
    scf.for %scan3A_74 = %scan3A_5 to %scan3A_7 step %scan3A_8  : i32 {
      %mul3A_75 = arith.constant 125 : i32
      %mul3A_76 = arith.muli %add3A, %mul3A_75 : i32
      %mul3A_77 = arith.constant 5 : i32
      %mul3A_78 = arith.muli %scan3A_74, %mul3A_77 : i32
      %add3A_79 = arith.addi %mul3A_76, %mul3A_78 : i32
      %gt3A = arith.constant 0 : i32
      %gt3A_80 = arith.cmpi sgt, %scan3A_74, %gt3A : i32
      %convert_element_type3A = arith.extui %gt3A_80 : i1 to i32
      %cond3A = arith.constant 0 : i32
      %cond3A_81 = arith.cmpi ne, %convert_element_type3A, %cond3A : i32
      scf.if %cond3A_81 {
        %dma_wait3A_311 = arith.constant 0 : i32
        %dma_wait3A_312 = arith.constant 0 : i32
        %dma_wait3A_313 = arith.constant 0 : i32
        %dma_wait3A_314 = arith.constant 0 : i32
        %dma_wait3A_315 = tpu.memref_slice %arg8[%dma_wait3A_311, %dma_wait3A_313, %dma_wait3A_314] : memref<5x80x64xf32, #tpu.memory_space<vmem>> -> memref<1x80x64xf32, #tpu.memory_space<vmem>>
        %dma_wait3A_316 = tpu.memref_squeeze %dma_wait3A_315 : memref<1x80x64xf32, #tpu.memory_space<vmem>> -> memref<80x64xf32, #tpu.memory_space<vmem>>
        %dma_wait3A_317 = arith.constant 0 : i32
        %dma_wait3A_318 = tpu.memref_slice %arg7[%dma_wait3A_312, %dma_wait3A_317] : memref<5x80xi32, #tpu.memory_space<vmem>> -> memref<1x80xi32, #tpu.memory_space<vmem>>
        %dma_wait3A_319 = tpu.memref_squeeze %dma_wait3A_318 : memref<1x80xi32, #tpu.memory_space<vmem>> -> memref<80xi32, #tpu.memory_space<vmem>>
        %dma_wait3A_320 = arith.constant 0 : i32
        %dma_wait3A_321 = arith.constant 0 : i32
        %dma_wait3A_322 = tpu.memref_slice %arg6[%dma_wait3A_320, %dma_wait3A_321] : memref<10000x64xf32, #tpu.memory_space<vmem_shared>> -> memref<10000x64xf32, #tpu.memory_space<vmem_shared>>
        tpu.wait_indirect_dma semaphore(%arg14 : memref<!tpu.dma_semaphore, #tpu.memory_space<semaphore_mem>>) src(%dma_wait3A_316 : memref<80x64xf32, #tpu.memory_space<vmem>>) dst(%dma_wait3A_322 : memref<10000x64xf32, #tpu.memory_space<vmem_shared>>)
      } else {
      }
      %gt3A_82 = arith.constant 0 : i32
      %gt3A_83 = arith.cmpi sgt, %scan3A_74, %gt3A_82 : i32
      %convert_element_type3A_84 = arith.extui %gt3A_83 : i1 to i32
      %cond3A_85 = arith.constant 0 : i32
      %cond3A_86 = arith.cmpi ne, %convert_element_type3A_84, %cond3A_85 : i32
      scf.if %cond3A_86 {
        %dma_wait3A_311 = arith.constant 1 : i32
        %dma_wait3A_312 = arith.constant 1 : i32
        %dma_wait3A_313 = arith.constant 0 : i32
        %dma_wait3A_314 = arith.constant 0 : i32
        %dma_wait3A_315 = tpu.memref_slice %arg8[%dma_wait3A_311, %dma_wait3A_313, %dma_wait3A_314] : memref<5x80x64xf32, #tpu.memory_space<vmem>> -> memref<1x80x64xf32, #tpu.memory_space<vmem>>
        %dma_wait3A_316 = tpu.memref_squeeze %dma_wait3A_315 : memref<1x80x64xf32, #tpu.memory_space<vmem>> -> memref<80x64xf32, #tpu.memory_space<vmem>>
        %dma_wait3A_317 = arith.constant 0 : i32
        %dma_wait3A_318 = tpu.memref_slice %arg7[%dma_wait3A_312, %dma_wait3A_317] : memref<5x80xi32, #tpu.memory_space<vmem>> -> memref<1x80xi32, #tpu.memory_space<vmem>>
        %dma_wait3A_319 = tpu.memref_squeeze %dma_wait3A_318 : memref<1x80xi32, #tpu.memory_space<vmem>> -> memref<80xi32, #tpu.memory_space<vmem>>
        %dma_wait3A_320 = arith.constant 0 : i32
        %dma_wait3A_321 = arith.constant 0 : i32
        %dma_wait3A_322 = tpu.memref_slice %arg6[%dma_wait3A_320, %dma_wait3A_321] : memref<10000x64xf32, #tpu.memory_space<vmem_shared>> -> memref<10000x64xf32, #tpu.memory_space<vmem_shared>>
        tpu.wait_indirect_dma semaphore(%arg15 : memref<!tpu.dma_semaphore, #tpu.memory_space<semaphore_mem>>) src(%dma_wait3A_316 : memref<80x64xf32, #tpu.memory_space<vmem>>) dst(%dma_wait3A_322 : memref<10000x64xf32, #tpu.memory_space<vmem_shared>>)
      } else {
      }
      %gt3A_87 = arith.constant 0 : i32
      %gt3A_88 = arith.cmpi sgt, %scan3A_74, %gt3A_87 : i32
      %convert_element_type3A_89 = arith.extui %gt3A_88 : i1 to i32
      %cond3A_90 = arith.constant 0 : i32
      %cond3A_91 = arith.cmpi ne, %convert_element_type3A_89, %cond3A_90 : i32
      scf.if %cond3A_91 {
        %dma_wait3A_311 = arith.constant 2 : i32
        %dma_wait3A_312 = arith.constant 2 : i32
        %dma_wait3A_313 = arith.constant 0 : i32
        %dma_wait3A_314 = arith.constant 0 : i32
        %dma_wait3A_315 = tpu.memref_slice %arg8[%dma_wait3A_311, %dma_wait3A_313, %dma_wait3A_314] : memref<5x80x64xf32, #tpu.memory_space<vmem>> -> memref<1x80x64xf32, #tpu.memory_space<vmem>>
        %dma_wait3A_316 = tpu.memref_squeeze %dma_wait3A_315 : memref<1x80x64xf32, #tpu.memory_space<vmem>> -> memref<80x64xf32, #tpu.memory_space<vmem>>
        %dma_wait3A_317 = arith.constant 0 : i32
        %dma_wait3A_318 = tpu.memref_slice %arg7[%dma_wait3A_312, %dma_wait3A_317] : memref<5x80xi32, #tpu.memory_space<vmem>> -> memref<1x80xi32, #tpu.memory_space<vmem>>
        %dma_wait3A_319 = tpu.memref_squeeze %dma_wait3A_318 : memref<1x80xi32, #tpu.memory_space<vmem>> -> memref<80xi32, #tpu.memory_space<vmem>>
        %dma_wait3A_320 = arith.constant 0 : i32
        %dma_wait3A_321 = arith.constant 0 : i32
        %dma_wait3A_322 = tpu.memref_slice %arg6[%dma_wait3A_320, %dma_wait3A_321] : memref<10000x64xf32, #tpu.memory_space<vmem_shared>> -> memref<10000x64xf32, #tpu.memory_space<vmem_shared>>
        tpu.wait_indirect_dma semaphore(%arg16 : memref<!tpu.dma_semaphore, #tpu.memory_space<semaphore_mem>>) src(%dma_wait3A_316 : memref<80x64xf32, #tpu.memory_space<vmem>>) dst(%dma_wait3A_322 : memref<10000x64xf32, #tpu.memory_space<vmem_shared>>)
      } else {
      }
      %gt3A_92 = arith.constant 0 : i32
      %gt3A_93 = arith.cmpi sgt, %scan3A_74, %gt3A_92 : i32
      %convert_element_type3A_94 = arith.extui %gt3A_93 : i1 to i32
      %cond3A_95 = arith.constant 0 : i32
      %cond3A_96 = arith.cmpi ne, %convert_element_type3A_94, %cond3A_95 : i32
      scf.if %cond3A_96 {
        %dma_wait3A_311 = arith.constant 3 : i32
        %dma_wait3A_312 = arith.constant 3 : i32
        %dma_wait3A_313 = arith.constant 0 : i32
        %dma_wait3A_314 = arith.constant 0 : i32
        %dma_wait3A_315 = tpu.memref_slice %arg8[%dma_wait3A_311, %dma_wait3A_313, %dma_wait3A_314] : memref<5x80x64xf32, #tpu.memory_space<vmem>> -> memref<1x80x64xf32, #tpu.memory_space<vmem>>
        %dma_wait3A_316 = tpu.memref_squeeze %dma_wait3A_315 : memref<1x80x64xf32, #tpu.memory_space<vmem>> -> memref<80x64xf32, #tpu.memory_space<vmem>>
        %dma_wait3A_317 = arith.constant 0 : i32
        %dma_wait3A_318 = tpu.memref_slice %arg7[%dma_wait3A_312, %dma_wait3A_317] : memref<5x80xi32, #tpu.memory_space<vmem>> -> memref<1x80xi32, #tpu.memory_space<vmem>>
        %dma_wait3A_319 = tpu.memref_squeeze %dma_wait3A_318 : memref<1x80xi32, #tpu.memory_space<vmem>> -> memref<80xi32, #tpu.memory_space<vmem>>
        %dma_wait3A_320 = arith.constant 0 : i32
        %dma_wait3A_321 = arith.constant 0 : i32
        %dma_wait3A_322 = tpu.memref_slice %arg6[%dma_wait3A_320, %dma_wait3A_321] : memref<10000x64xf32, #tpu.memory_space<vmem_shared>> -> memref<10000x64xf32, #tpu.memory_space<vmem_shared>>
        tpu.wait_indirect_dma semaphore(%arg17 : memref<!tpu.dma_semaphore, #tpu.memory_space<semaphore_mem>>) src(%dma_wait3A_316 : memref<80x64xf32, #tpu.memory_space<vmem>>) dst(%dma_wait3A_322 : memref<10000x64xf32, #tpu.memory_space<vmem_shared>>)
      } else {
      }
      %gt3A_97 = arith.constant 0 : i32
      %gt3A_98 = arith.cmpi sgt, %scan3A_74, %gt3A_97 : i32
      %convert_element_type3A_99 = arith.extui %gt3A_98 : i1 to i32
      %cond3A_100 = arith.constant 0 : i32
      %cond3A_101 = arith.cmpi ne, %convert_element_type3A_99, %cond3A_100 : i32
      scf.if %cond3A_101 {
        %dma_wait3A_311 = arith.constant 4 : i32
        %dma_wait3A_312 = arith.constant 4 : i32
        %dma_wait3A_313 = arith.constant 0 : i32
        %dma_wait3A_314 = arith.constant 0 : i32
        %dma_wait3A_315 = tpu.memref_slice %arg8[%dma_wait3A_311, %dma_wait3A_313, %dma_wait3A_314] : memref<5x80x64xf32, #tpu.memory_space<vmem>> -> memref<1x80x64xf32, #tpu.memory_space<vmem>>
        %dma_wait3A_316 = tpu.memref_squeeze %dma_wait3A_315 : memref<1x80x64xf32, #tpu.memory_space<vmem>> -> memref<80x64xf32, #tpu.memory_space<vmem>>
        %dma_wait3A_317 = arith.constant 0 : i32
        %dma_wait3A_318 = tpu.memref_slice %arg7[%dma_wait3A_312, %dma_wait3A_317] : memref<5x80xi32, #tpu.memory_space<vmem>> -> memref<1x80xi32, #tpu.memory_space<vmem>>
        %dma_wait3A_319 = tpu.memref_squeeze %dma_wait3A_318 : memref<1x80xi32, #tpu.memory_space<vmem>> -> memref<80xi32, #tpu.memory_space<vmem>>
        %dma_wait3A_320 = arith.constant 0 : i32
        %dma_wait3A_321 = arith.constant 0 : i32
        %dma_wait3A_322 = tpu.memref_slice %arg6[%dma_wait3A_320, %dma_wait3A_321] : memref<10000x64xf32, #tpu.memory_space<vmem_shared>> -> memref<10000x64xf32, #tpu.memory_space<vmem_shared>>
        tpu.wait_indirect_dma semaphore(%arg18 : memref<!tpu.dma_semaphore, #tpu.memory_space<semaphore_mem>>) src(%dma_wait3A_316 : memref<80x64xf32, #tpu.memory_space<vmem>>) dst(%dma_wait3A_322 : memref<10000x64xf32, #tpu.memory_space<vmem_shared>>)
      } else {
      }
      "tpu.region"() ({
        %run_scoped3A = tpu.sem_alloc : memref<!tpu.dma_semaphore, #tpu.memory_space<semaphore_mem>>
        %dma_start3A_311 = arith.constant 0 : i32
        %dma_start3A_312 = tpu.memref_slice %arg3[%add3A_79, %dma_start3A_311] : memref<4000x80xi32, #tpu.memory_space<hbm>> -> memref<5x80xi32, #tpu.memory_space<hbm>>
        %dma_start3A_313 = arith.constant 0 : i32
        %dma_start3A_314 = tpu.memref_slice %arg3[%add3A_79, %dma_start3A_313] : memref<4000x80xi32, #tpu.memory_space<hbm>> -> memref<5x80xi32, #tpu.memory_space<hbm>>
        tpu.enqueue_dma source(%dma_start3A_314 : memref<5x80xi32, #tpu.memory_space<hbm>>) target(%arg7 : memref<5x80xi32, #tpu.memory_space<vmem>>) target_semaphore(%run_scoped3A : memref<!tpu.dma_semaphore, #tpu.memory_space<semaphore_mem>>)
        %dma_wait3A_315 = arith.constant 0 : i32
        %dma_wait3A_316 = tpu.memref_slice %arg3[%add3A_79, %dma_wait3A_315] : memref<4000x80xi32, #tpu.memory_space<hbm>> -> memref<5x80xi32, #tpu.memory_space<hbm>>
        %dma_wait3A_317 = arith.constant 0 : i32
        %dma_wait3A_318 = tpu.memref_slice %arg3[%add3A_79, %dma_wait3A_317] : memref<4000x80xi32, #tpu.memory_space<hbm>> -> memref<5x80xi32, #tpu.memory_space<hbm>>
        tpu.wait_dma2 semaphore(%run_scoped3A : memref<!tpu.dma_semaphore, #tpu.memory_space<semaphore_mem>>) src(%dma_wait3A_318 : memref<5x80xi32, #tpu.memory_space<hbm>>) dst(%arg7 : memref<5x80xi32, #tpu.memory_space<vmem>>)
        tpu.yield
      }) : () -> ()
      %add3A_102 = arith.constant 0 : i32
      %add3A_103 = arith.addi %add3A_79, %add3A_102 : i32
      %mul3A_104 = arith.constant 80 : i32
      %mul3A_105 = arith.muli %add3A_103, %mul3A_104 : i32
      %dma_start3A = arith.constant 0 : i32
      %dma_start3A_106 = arith.constant 0 : i32
      %dma_start3A_107 = arith.constant 0 : i32
      %dma_start3A_108 = tpu.memref_slice %arg8[%dma_start3A, %dma_start3A_106, %dma_start3A_107] : memref<5x80x64xf32, #tpu.memory_space<vmem>> -> memref<1x80x64xf32, #tpu.memory_space<vmem>>
      %dma_start3A_109 = tpu.memref_squeeze %dma_start3A_108 : memref<1x80x64xf32, #tpu.memory_space<vmem>> -> memref<80x64xf32, #tpu.memory_space<vmem>>
      %dma_start3A_110 = arith.constant 0 : i32
      %dma_start3A_111 = tpu.memref_slice %arg2[%mul3A_105, %dma_start3A_110] : memref<320000x64xf32, #tpu.memory_space<hbm>> -> memref<80x64xf32, #tpu.memory_space<hbm>>
      %dma_start3A_112 = arith.constant 0 : i32
      %dma_start3A_113 = arith.constant 0 : i32
      %dma_start3A_114 = tpu.memref_slice %arg8[%dma_start3A, %dma_start3A_112, %dma_start3A_113] : memref<5x80x64xf32, #tpu.memory_space<vmem>> -> memref<1x80x64xf32, #tpu.memory_space<vmem>>
      %dma_start3A_115 = tpu.memref_squeeze %dma_start3A_114 : memref<1x80x64xf32, #tpu.memory_space<vmem>> -> memref<80x64xf32, #tpu.memory_space<vmem>>
      %dma_start3A_116 = arith.constant 0 : i32
      %dma_start3A_117 = tpu.memref_slice %arg2[%mul3A_105, %dma_start3A_116] : memref<320000x64xf32, #tpu.memory_space<hbm>> -> memref<80x64xf32, #tpu.memory_space<hbm>>
      tpu.enqueue_dma source(%dma_start3A_117 : memref<80x64xf32, #tpu.memory_space<hbm>>) target(%dma_start3A_115 : memref<80x64xf32, #tpu.memory_space<vmem>>) target_semaphore(%arg9 : memref<!tpu.dma_semaphore, #tpu.memory_space<semaphore_mem>>)
      %add3A_118 = arith.constant 1 : i32
      %add3A_119 = arith.addi %add3A_79, %add3A_118 : i32
      %mul3A_120 = arith.constant 80 : i32
      %mul3A_121 = arith.muli %add3A_119, %mul3A_120 : i32
      %dma_start3A_122 = arith.constant 1 : i32
      %dma_start3A_123 = arith.constant 0 : i32
      %dma_start3A_124 = arith.constant 0 : i32
      %dma_start3A_125 = tpu.memref_slice %arg8[%dma_start3A_122, %dma_start3A_123, %dma_start3A_124] : memref<5x80x64xf32, #tpu.memory_space<vmem>> -> memref<1x80x64xf32, #tpu.memory_space<vmem>>
      %dma_start3A_126 = tpu.memref_squeeze %dma_start3A_125 : memref<1x80x64xf32, #tpu.memory_space<vmem>> -> memref<80x64xf32, #tpu.memory_space<vmem>>
      %dma_start3A_127 = arith.constant 0 : i32
      %dma_start3A_128 = tpu.memref_slice %arg2[%mul3A_121, %dma_start3A_127] : memref<320000x64xf32, #tpu.memory_space<hbm>> -> memref<80x64xf32, #tpu.memory_space<hbm>>
      %dma_start3A_129 = arith.constant 0 : i32
      %dma_start3A_130 = arith.constant 0 : i32
      %dma_start3A_131 = tpu.memref_slice %arg8[%dma_start3A_122, %dma_start3A_129, %dma_start3A_130] : memref<5x80x64xf32, #tpu.memory_space<vmem>> -> memref<1x80x64xf32, #tpu.memory_space<vmem>>
      %dma_start3A_132 = tpu.memref_squeeze %dma_start3A_131 : memref<1x80x64xf32, #tpu.memory_space<vmem>> -> memref<80x64xf32, #tpu.memory_space<vmem>>
      %dma_start3A_133 = arith.constant 0 : i32
      %dma_start3A_134 = tpu.memref_slice %arg2[%mul3A_121, %dma_start3A_133] : memref<320000x64xf32, #tpu.memory_space<hbm>> -> memref<80x64xf32, #tpu.memory_space<hbm>>
      tpu.enqueue_dma source(%dma_start3A_134 : memref<80x64xf32, #tpu.memory_space<hbm>>) target(%dma_start3A_132 : memref<80x64xf32, #tpu.memory_space<vmem>>) target_semaphore(%arg10 : memref<!tpu.dma_semaphore, #tpu.memory_space<semaphore_mem>>)
      %add3A_135 = arith.constant 2 : i32
      %add3A_136 = arith.addi %add3A_79, %add3A_135 : i32
      %mul3A_137 = arith.constant 80 : i32
      %mul3A_138 = arith.muli %add3A_136, %mul3A_137 : i32
      %dma_start3A_139 = arith.constant 2 : i32
      %dma_start3A_140 = arith.constant 0 : i32
      %dma_start3A_141 = arith.constant 0 : i32
      %dma_start3A_142 = tpu.memref_slice %arg8[%dma_start3A_139, %dma_start3A_140, %dma_start3A_141] : memref<5x80x64xf32, #tpu.memory_space<vmem>> -> memref<1x80x64xf32, #tpu.memory_space<vmem>>
      %dma_start3A_143 = tpu.memref_squeeze %dma_start3A_142 : memref<1x80x64xf32, #tpu.memory_space<vmem>> -> memref<80x64xf32, #tpu.memory_space<vmem>>
      %dma_start3A_144 = arith.constant 0 : i32
      %dma_start3A_145 = tpu.memref_slice %arg2[%mul3A_138, %dma_start3A_144] : memref<320000x64xf32, #tpu.memory_space<hbm>> -> memref<80x64xf32, #tpu.memory_space<hbm>>
      %dma_start3A_146 = arith.constant 0 : i32
      %dma_start3A_147 = arith.constant 0 : i32
      %dma_start3A_148 = tpu.memref_slice %arg8[%dma_start3A_139, %dma_start3A_146, %dma_start3A_147] : memref<5x80x64xf32, #tpu.memory_space<vmem>> -> memref<1x80x64xf32, #tpu.memory_space<vmem>>
      %dma_start3A_149 = tpu.memref_squeeze %dma_start3A_148 : memref<1x80x64xf32, #tpu.memory_space<vmem>> -> memref<80x64xf32, #tpu.memory_space<vmem>>
      %dma_start3A_150 = arith.constant 0 : i32
      %dma_start3A_151 = tpu.memref_slice %arg2[%mul3A_138, %dma_start3A_150] : memref<320000x64xf32, #tpu.memory_space<hbm>> -> memref<80x64xf32, #tpu.memory_space<hbm>>
      tpu.enqueue_dma source(%dma_start3A_151 : memref<80x64xf32, #tpu.memory_space<hbm>>) target(%dma_start3A_149 : memref<80x64xf32, #tpu.memory_space<vmem>>) target_semaphore(%arg11 : memref<!tpu.dma_semaphore, #tpu.memory_space<semaphore_mem>>)
      %add3A_152 = arith.constant 3 : i32
      %add3A_153 = arith.addi %add3A_79, %add3A_152 : i32
      %mul3A_154 = arith.constant 80 : i32
      %mul3A_155 = arith.muli %add3A_153, %mul3A_154 : i32
      %dma_start3A_156 = arith.constant 3 : i32
      %dma_start3A_157 = arith.constant 0 : i32
      %dma_start3A_158 = arith.constant 0 : i32
      %dma_start3A_159 = tpu.memref_slice %arg8[%dma_start3A_156, %dma_start3A_157, %dma_start3A_158] : memref<5x80x64xf32, #tpu.memory_space<vmem>> -> memref<1x80x64xf32, #tpu.memory_space<vmem>>
      %dma_start3A_160 = tpu.memref_squeeze %dma_start3A_159 : memref<1x80x64xf32, #tpu.memory_space<vmem>> -> memref<80x64xf32, #tpu.memory_space<vmem>>
      %dma_start3A_161 = arith.constant 0 : i32
      %dma_start3A_162 = tpu.memref_slice %arg2[%mul3A_155, %dma_start3A_161] : memref<320000x64xf32, #tpu.memory_space<hbm>> -> memref<80x64xf32, #tpu.memory_space<hbm>>
      %dma_start3A_163 = arith.constant 0 : i32
      %dma_start3A_164 = arith.constant 0 : i32
      %dma_start3A_165 = tpu.memref_slice %arg8[%dma_start3A_156, %dma_start3A_163, %dma_start3A_164] : memref<5x80x64xf32, #tpu.memory_space<vmem>> -> memref<1x80x64xf32, #tpu.memory_space<vmem>>
      %dma_start3A_166 = tpu.memref_squeeze %dma_start3A_165 : memref<1x80x64xf32, #tpu.memory_space<vmem>> -> memref<80x64xf32, #tpu.memory_space<vmem>>
      %dma_start3A_167 = arith.constant 0 : i32
      %dma_start3A_168 = tpu.memref_slice %arg2[%mul3A_155, %dma_start3A_167] : memref<320000x64xf32, #tpu.memory_space<hbm>> -> memref<80x64xf32, #tpu.memory_space<hbm>>
      tpu.enqueue_dma source(%dma_start3A_168 : memref<80x64xf32, #tpu.memory_space<hbm>>) target(%dma_start3A_166 : memref<80x64xf32, #tpu.memory_space<vmem>>) target_semaphore(%arg12 : memref<!tpu.dma_semaphore, #tpu.memory_space<semaphore_mem>>)
      %add3A_169 = arith.constant 4 : i32
      %add3A_170 = arith.addi %add3A_79, %add3A_169 : i32
      %mul3A_171 = arith.constant 80 : i32
      %mul3A_172 = arith.muli %add3A_170, %mul3A_171 : i32
      %dma_start3A_173 = arith.constant 4 : i32
      %dma_start3A_174 = arith.constant 0 : i32
      %dma_start3A_175 = arith.constant 0 : i32
      %dma_start3A_176 = tpu.memref_slice %arg8[%dma_start3A_173, %dma_start3A_174, %dma_start3A_175] : memref<5x80x64xf32, #tpu.memory_space<vmem>> -> memref<1x80x64xf32, #tpu.memory_space<vmem>>
      %dma_start3A_177 = tpu.memref_squeeze %dma_start3A_176 : memref<1x80x64xf32, #tpu.memory_space<vmem>> -> memref<80x64xf32, #tpu.memory_space<vmem>>
      %dma_start3A_178 = arith.constant 0 : i32
      %dma_start3A_179 = tpu.memref_slice %arg2[%mul3A_172, %dma_start3A_178] : memref<320000x64xf32, #tpu.memory_space<hbm>> -> memref<80x64xf32, #tpu.memory_space<hbm>>
      %dma_start3A_180 = arith.constant 0 : i32
      %dma_start3A_181 = arith.constant 0 : i32
      %dma_start3A_182 = tpu.memref_slice %arg8[%dma_start3A_173, %dma_start3A_180, %dma_start3A_181] : memref<5x80x64xf32, #tpu.memory_space<vmem>> -> memref<1x80x64xf32, #tpu.memory_space<vmem>>
      %dma_start3A_183 = tpu.memref_squeeze %dma_start3A_182 : memref<1x80x64xf32, #tpu.memory_space<vmem>> -> memref<80x64xf32, #tpu.memory_space<vmem>>
      %dma_start3A_184 = arith.constant 0 : i32
      %dma_start3A_185 = tpu.memref_slice %arg2[%mul3A_172, %dma_start3A_184] : memref<320000x64xf32, #tpu.memory_space<hbm>> -> memref<80x64xf32, #tpu.memory_space<hbm>>
      tpu.enqueue_dma source(%dma_start3A_185 : memref<80x64xf32, #tpu.memory_space<hbm>>) target(%dma_start3A_183 : memref<80x64xf32, #tpu.memory_space<vmem>>) target_semaphore(%arg13 : memref<!tpu.dma_semaphore, #tpu.memory_space<semaphore_mem>>)
      %dma_wait3A_186 = arith.constant 0 : i32
      %dma_wait3A_187 = arith.constant 0 : i32
      %dma_wait3A_188 = arith.constant 0 : i32
      %dma_wait3A_189 = tpu.memref_slice %arg8[%dma_wait3A_186, %dma_wait3A_187, %dma_wait3A_188] : memref<5x80x64xf32, #tpu.memory_space<vmem>> -> memref<1x80x64xf32, #tpu.memory_space<vmem>>
      %dma_wait3A_190 = tpu.memref_squeeze %dma_wait3A_189 : memref<1x80x64xf32, #tpu.memory_space<vmem>> -> memref<80x64xf32, #tpu.memory_space<vmem>>
      %dma_wait3A_191 = arith.constant 0 : i32
      %dma_wait3A_192 = tpu.memref_slice %arg2[%mul3A_105, %dma_wait3A_191] : memref<320000x64xf32, #tpu.memory_space<hbm>> -> memref<80x64xf32, #tpu.memory_space<hbm>>
      %dma_wait3A_193 = arith.constant 0 : i32
      %dma_wait3A_194 = arith.constant 0 : i32
      %dma_wait3A_195 = tpu.memref_slice %arg8[%dma_wait3A_186, %dma_wait3A_193, %dma_wait3A_194] : memref<5x80x64xf32, #tpu.memory_space<vmem>> -> memref<1x80x64xf32, #tpu.memory_space<vmem>>
      %dma_wait3A_196 = tpu.memref_squeeze %dma_wait3A_195 : memref<1x80x64xf32, #tpu.memory_space<vmem>> -> memref<80x64xf32, #tpu.memory_space<vmem>>
      %dma_wait3A_197 = arith.constant 0 : i32
      %dma_wait3A_198 = tpu.memref_slice %arg2[%mul3A_105, %dma_wait3A_197] : memref<320000x64xf32, #tpu.memory_space<hbm>> -> memref<80x64xf32, #tpu.memory_space<hbm>>
      tpu.wait_dma2 semaphore(%arg9 : memref<!tpu.dma_semaphore, #tpu.memory_space<semaphore_mem>>) src(%dma_wait3A_198 : memref<80x64xf32, #tpu.memory_space<hbm>>) dst(%dma_wait3A_196 : memref<80x64xf32, #tpu.memory_space<vmem>>)
      %dma_start3A_199 = arith.constant 0 : i32
      %dma_start3A_200 = arith.constant 0 : i32
      %dma_start3A_201 = arith.constant 0 : i32
      %dma_start3A_202 = arith.constant 0 : i32
      %dma_start3A_203 = tpu.memref_slice %arg8[%dma_start3A_199, %dma_start3A_201, %dma_start3A_202] : memref<5x80x64xf32, #tpu.memory_space<vmem>> -> memref<1x80x64xf32, #tpu.memory_space<vmem>>
      %dma_start3A_204 = tpu.memref_squeeze %dma_start3A_203 : memref<1x80x64xf32, #tpu.memory_space<vmem>> -> memref<80x64xf32, #tpu.memory_space<vmem>>
      %dma_start3A_205 = arith.constant 0 : i32
      %dma_start3A_206 = tpu.memref_slice %arg7[%dma_start3A_200, %dma_start3A_205] : memref<5x80xi32, #tpu.memory_space<vmem>> -> memref<1x80xi32, #tpu.memory_space<vmem>>
      %dma_start3A_207 = tpu.memref_squeeze %dma_start3A_206 : memref<1x80xi32, #tpu.memory_space<vmem>> -> memref<80xi32, #tpu.memory_space<vmem>>
      %dma_start3A_208 = arith.constant 0 : i32
      %dma_start3A_209 = arith.constant 0 : i32
      %dma_start3A_210 = tpu.memref_slice %arg6[%dma_start3A_208, %dma_start3A_209] : memref<10000x64xf32, #tpu.memory_space<vmem_shared>> -> memref<10000x64xf32, #tpu.memory_space<vmem_shared>>
      tpu.enqueue_indirect_dma source(%dma_start3A_204 : memref<80x64xf32, #tpu.memory_space<vmem>>) target(%dma_start3A_210 : memref<10000x64xf32, #tpu.memory_space<vmem_shared>>) offsets(%dma_start3A_207 : memref<80xi32, #tpu.memory_space<vmem>>) semaphore(%arg14 : memref<!tpu.dma_semaphore, #tpu.memory_space<semaphore_mem>>) {add = true}
      %dma_wait3A_211 = arith.constant 1 : i32
      %dma_wait3A_212 = arith.constant 0 : i32
      %dma_wait3A_213 = arith.constant 0 : i32
      %dma_wait3A_214 = tpu.memref_slice %arg8[%dma_wait3A_211, %dma_wait3A_212, %dma_wait3A_213] : memref<5x80x64xf32, #tpu.memory_space<vmem>> -> memref<1x80x64xf32, #tpu.memory_space<vmem>>
      %dma_wait3A_215 = tpu.memref_squeeze %dma_wait3A_214 : memref<1x80x64xf32, #tpu.memory_space<vmem>> -> memref<80x64xf32, #tpu.memory_space<vmem>>
      %dma_wait3A_216 = arith.constant 0 : i32
      %dma_wait3A_217 = tpu.memref_slice %arg2[%mul3A_121, %dma_wait3A_216] : memref<320000x64xf32, #tpu.memory_space<hbm>> -> memref<80x64xf32, #tpu.memory_space<hbm>>
      %dma_wait3A_218 = arith.constant 0 : i32
      %dma_wait3A_219 = arith.constant 0 : i32
      %dma_wait3A_220 = tpu.memref_slice %arg8[%dma_wait3A_211, %dma_wait3A_218, %dma_wait3A_219] : memref<5x80x64xf32, #tpu.memory_space<vmem>> -> memref<1x80x64xf32, #tpu.memory_space<vmem>>
      %dma_wait3A_221 = tpu.memref_squeeze %dma_wait3A_220 : memref<1x80x64xf32, #tpu.memory_space<vmem>> -> memref<80x64xf32, #tpu.memory_space<vmem>>
      %dma_wait3A_222 = arith.constant 0 : i32
      %dma_wait3A_223 = tpu.memref_slice %arg2[%mul3A_121, %dma_wait3A_222] : memref<320000x64xf32, #tpu.memory_space<hbm>> -> memref<80x64xf32, #tpu.memory_space<hbm>>
      tpu.wait_dma2 semaphore(%arg10 : memref<!tpu.dma_semaphore, #tpu.memory_space<semaphore_mem>>) src(%dma_wait3A_223 : memref<80x64xf32, #tpu.memory_space<hbm>>) dst(%dma_wait3A_221 : memref<80x64xf32, #tpu.memory_space<vmem>>)
      %dma_start3A_224 = arith.constant 1 : i32
      %dma_start3A_225 = arith.constant 1 : i32
      %dma_start3A_226 = arith.constant 0 : i32
      %dma_start3A_227 = arith.constant 0 : i32
      %dma_start3A_228 = tpu.memref_slice %arg8[%dma_start3A_224, %dma_start3A_226, %dma_start3A_227] : memref<5x80x64xf32, #tpu.memory_space<vmem>> -> memref<1x80x64xf32, #tpu.memory_space<vmem>>
      %dma_start3A_229 = tpu.memref_squeeze %dma_start3A_228 : memref<1x80x64xf32, #tpu.memory_space<vmem>> -> memref<80x64xf32, #tpu.memory_space<vmem>>
      %dma_start3A_230 = arith.constant 0 : i32
      %dma_start3A_231 = tpu.memref_slice %arg7[%dma_start3A_225, %dma_start3A_230] : memref<5x80xi32, #tpu.memory_space<vmem>> -> memref<1x80xi32, #tpu.memory_space<vmem>>
      %dma_start3A_232 = tpu.memref_squeeze %dma_start3A_231 : memref<1x80xi32, #tpu.memory_space<vmem>> -> memref<80xi32, #tpu.memory_space<vmem>>
      %dma_start3A_233 = arith.constant 0 : i32
      %dma_start3A_234 = arith.constant 0 : i32
      %dma_start3A_235 = tpu.memref_slice %arg6[%dma_start3A_233, %dma_start3A_234] : memref<10000x64xf32, #tpu.memory_space<vmem_shared>> -> memref<10000x64xf32, #tpu.memory_space<vmem_shared>>
      tpu.enqueue_indirect_dma source(%dma_start3A_229 : memref<80x64xf32, #tpu.memory_space<vmem>>) target(%dma_start3A_235 : memref<10000x64xf32, #tpu.memory_space<vmem_shared>>) offsets(%dma_start3A_232 : memref<80xi32, #tpu.memory_space<vmem>>) semaphore(%arg15 : memref<!tpu.dma_semaphore, #tpu.memory_space<semaphore_mem>>) {add = true}
      %dma_wait3A_236 = arith.constant 2 : i32
      %dma_wait3A_237 = arith.constant 0 : i32
      %dma_wait3A_238 = arith.constant 0 : i32
      %dma_wait3A_239 = tpu.memref_slice %arg8[%dma_wait3A_236, %dma_wait3A_237, %dma_wait3A_238] : memref<5x80x64xf32, #tpu.memory_space<vmem>> -> memref<1x80x64xf32, #tpu.memory_space<vmem>>
      %dma_wait3A_240 = tpu.memref_squeeze %dma_wait3A_239 : memref<1x80x64xf32, #tpu.memory_space<vmem>> -> memref<80x64xf32, #tpu.memory_space<vmem>>
      %dma_wait3A_241 = arith.constant 0 : i32
      %dma_wait3A_242 = tpu.memref_slice %arg2[%mul3A_138, %dma_wait3A_241] : memref<320000x64xf32, #tpu.memory_space<hbm>> -> memref<80x64xf32, #tpu.memory_space<hbm>>
      %dma_wait3A_243 = arith.constant 0 : i32
      %dma_wait3A_244 = arith.constant 0 : i32
      %dma_wait3A_245 = tpu.memref_slice %arg8[%dma_wait3A_236, %dma_wait3A_243, %dma_wait3A_244] : memref<5x80x64xf32, #tpu.memory_space<vmem>> -> memref<1x80x64xf32, #tpu.memory_space<vmem>>
      %dma_wait3A_246 = tpu.memref_squeeze %dma_wait3A_245 : memref<1x80x64xf32, #tpu.memory_space<vmem>> -> memref<80x64xf32, #tpu.memory_space<vmem>>
      %dma_wait3A_247 = arith.constant 0 : i32
      %dma_wait3A_248 = tpu.memref_slice %arg2[%mul3A_138, %dma_wait3A_247] : memref<320000x64xf32, #tpu.memory_space<hbm>> -> memref<80x64xf32, #tpu.memory_space<hbm>>
      tpu.wait_dma2 semaphore(%arg11 : memref<!tpu.dma_semaphore, #tpu.memory_space<semaphore_mem>>) src(%dma_wait3A_248 : memref<80x64xf32, #tpu.memory_space<hbm>>) dst(%dma_wait3A_246 : memref<80x64xf32, #tpu.memory_space<vmem>>)
      %dma_start3A_249 = arith.constant 2 : i32
      %dma_start3A_250 = arith.constant 2 : i32
      %dma_start3A_251 = arith.constant 0 : i32
      %dma_start3A_252 = arith.constant 0 : i32
      %dma_start3A_253 = tpu.memref_slice %arg8[%dma_start3A_249, %dma_start3A_251, %dma_start3A_252] : memref<5x80x64xf32, #tpu.memory_space<vmem>> -> memref<1x80x64xf32, #tpu.memory_space<vmem>>
      %dma_start3A_254 = tpu.memref_squeeze %dma_start3A_253 : memref<1x80x64xf32, #tpu.memory_space<vmem>> -> memref<80x64xf32, #tpu.memory_space<vmem>>
      %dma_start3A_255 = arith.constant 0 : i32
      %dma_start3A_256 = tpu.memref_slice %arg7[%dma_start3A_250, %dma_start3A_255] : memref<5x80xi32, #tpu.memory_space<vmem>> -> memref<1x80xi32, #tpu.memory_space<vmem>>
      %dma_start3A_257 = tpu.memref_squeeze %dma_start3A_256 : memref<1x80xi32, #tpu.memory_space<vmem>> -> memref<80xi32, #tpu.memory_space<vmem>>
      %dma_start3A_258 = arith.constant 0 : i32
      %dma_start3A_259 = arith.constant 0 : i32
      %dma_start3A_260 = tpu.memref_slice %arg6[%dma_start3A_258, %dma_start3A_259] : memref<10000x64xf32, #tpu.memory_space<vmem_shared>> -> memref<10000x64xf32, #tpu.memory_space<vmem_shared>>
      tpu.enqueue_indirect_dma source(%dma_start3A_254 : memref<80x64xf32, #tpu.memory_space<vmem>>) target(%dma_start3A_260 : memref<10000x64xf32, #tpu.memory_space<vmem_shared>>) offsets(%dma_start3A_257 : memref<80xi32, #tpu.memory_space<vmem>>) semaphore(%arg16 : memref<!tpu.dma_semaphore, #tpu.memory_space<semaphore_mem>>) {add = true}
      %dma_wait3A_261 = arith.constant 3 : i32
      %dma_wait3A_262 = arith.constant 0 : i32
      %dma_wait3A_263 = arith.constant 0 : i32
      %dma_wait3A_264 = tpu.memref_slice %arg8[%dma_wait3A_261, %dma_wait3A_262, %dma_wait3A_263] : memref<5x80x64xf32, #tpu.memory_space<vmem>> -> memref<1x80x64xf32, #tpu.memory_space<vmem>>
      %dma_wait3A_265 = tpu.memref_squeeze %dma_wait3A_264 : memref<1x80x64xf32, #tpu.memory_space<vmem>> -> memref<80x64xf32, #tpu.memory_space<vmem>>
      %dma_wait3A_266 = arith.constant 0 : i32
      %dma_wait3A_267 = tpu.memref_slice %arg2[%mul3A_155, %dma_wait3A_266] : memref<320000x64xf32, #tpu.memory_space<hbm>> -> memref<80x64xf32, #tpu.memory_space<hbm>>
      %dma_wait3A_268 = arith.constant 0 : i32
      %dma_wait3A_269 = arith.constant 0 : i32
      %dma_wait3A_270 = tpu.memref_slice %arg8[%dma_wait3A_261, %dma_wait3A_268, %dma_wait3A_269] : memref<5x80x64xf32, #tpu.memory_space<vmem>> -> memref<1x80x64xf32, #tpu.memory_space<vmem>>
      %dma_wait3A_271 = tpu.memref_squeeze %dma_wait3A_270 : memref<1x80x64xf32, #tpu.memory_space<vmem>> -> memref<80x64xf32, #tpu.memory_space<vmem>>
      %dma_wait3A_272 = arith.constant 0 : i32
      %dma_wait3A_273 = tpu.memref_slice %arg2[%mul3A_155, %dma_wait3A_272] : memref<320000x64xf32, #tpu.memory_space<hbm>> -> memref<80x64xf32, #tpu.memory_space<hbm>>
      tpu.wait_dma2 semaphore(%arg12 : memref<!tpu.dma_semaphore, #tpu.memory_space<semaphore_mem>>) src(%dma_wait3A_273 : memref<80x64xf32, #tpu.memory_space<hbm>>) dst(%dma_wait3A_271 : memref<80x64xf32, #tpu.memory_space<vmem>>)
      %dma_start3A_274 = arith.constant 3 : i32
      %dma_start3A_275 = arith.constant 3 : i32
      %dma_start3A_276 = arith.constant 0 : i32
      %dma_start3A_277 = arith.constant 0 : i32
      %dma_start3A_278 = tpu.memref_slice %arg8[%dma_start3A_274, %dma_start3A_276, %dma_start3A_277] : memref<5x80x64xf32, #tpu.memory_space<vmem>> -> memref<1x80x64xf32, #tpu.memory_space<vmem>>
      %dma_start3A_279 = tpu.memref_squeeze %dma_start3A_278 : memref<1x80x64xf32, #tpu.memory_space<vmem>> -> memref<80x64xf32, #tpu.memory_space<vmem>>
      %dma_start3A_280 = arith.constant 0 : i32
      %dma_start3A_281 = tpu.memref_slice %arg7[%dma_start3A_275, %dma_start3A_280] : memref<5x80xi32, #tpu.memory_space<vmem>> -> memref<1x80xi32, #tpu.memory_space<vmem>>
      %dma_start3A_282 = tpu.memref_squeeze %dma_start3A_281 : memref<1x80xi32, #tpu.memory_space<vmem>> -> memref<80xi32, #tpu.memory_space<vmem>>
      %dma_start3A_283 = arith.constant 0 : i32
      %dma_start3A_284 = arith.constant 0 : i32
      %dma_start3A_285 = tpu.memref_slice %arg6[%dma_start3A_283, %dma_start3A_284] : memref<10000x64xf32, #tpu.memory_space<vmem_shared>> -> memref<10000x64xf32, #tpu.memory_space<vmem_shared>>
      tpu.enqueue_indirect_dma source(%dma_start3A_279 : memref<80x64xf32, #tpu.memory_space<vmem>>) target(%dma_start3A_285 : memref<10000x64xf32, #tpu.memory_space<vmem_shared>>) offsets(%dma_start3A_282 : memref<80xi32, #tpu.memory_space<vmem>>) semaphore(%arg17 : memref<!tpu.dma_semaphore, #tpu.memory_space<semaphore_mem>>) {add = true}
      %dma_wait3A_286 = arith.constant 4 : i32
      %dma_wait3A_287 = arith.constant 0 : i32
      %dma_wait3A_288 = arith.constant 0 : i32
      %dma_wait3A_289 = tpu.memref_slice %arg8[%dma_wait3A_286, %dma_wait3A_287, %dma_wait3A_288] : memref<5x80x64xf32, #tpu.memory_space<vmem>> -> memref<1x80x64xf32, #tpu.memory_space<vmem>>
      %dma_wait3A_290 = tpu.memref_squeeze %dma_wait3A_289 : memref<1x80x64xf32, #tpu.memory_space<vmem>> -> memref<80x64xf32, #tpu.memory_space<vmem>>
      %dma_wait3A_291 = arith.constant 0 : i32
      %dma_wait3A_292 = tpu.memref_slice %arg2[%mul3A_172, %dma_wait3A_291] : memref<320000x64xf32, #tpu.memory_space<hbm>> -> memref<80x64xf32, #tpu.memory_space<hbm>>
      %dma_wait3A_293 = arith.constant 0 : i32
      %dma_wait3A_294 = arith.constant 0 : i32
      %dma_wait3A_295 = tpu.memref_slice %arg8[%dma_wait3A_286, %dma_wait3A_293, %dma_wait3A_294] : memref<5x80x64xf32, #tpu.memory_space<vmem>> -> memref<1x80x64xf32, #tpu.memory_space<vmem>>
      %dma_wait3A_296 = tpu.memref_squeeze %dma_wait3A_295 : memref<1x80x64xf32, #tpu.memory_space<vmem>> -> memref<80x64xf32, #tpu.memory_space<vmem>>
      %dma_wait3A_297 = arith.constant 0 : i32
      %dma_wait3A_298 = tpu.memref_slice %arg2[%mul3A_172, %dma_wait3A_297] : memref<320000x64xf32, #tpu.memory_space<hbm>> -> memref<80x64xf32, #tpu.memory_space<hbm>>
      tpu.wait_dma2 semaphore(%arg13 : memref<!tpu.dma_semaphore, #tpu.memory_space<semaphore_mem>>) src(%dma_wait3A_298 : memref<80x64xf32, #tpu.memory_space<hbm>>) dst(%dma_wait3A_296 : memref<80x64xf32, #tpu.memory_space<vmem>>)
      %dma_start3A_299 = arith.constant 4 : i32
      %dma_start3A_300 = arith.constant 4 : i32
      %dma_start3A_301 = arith.constant 0 : i32
      %dma_start3A_302 = arith.constant 0 : i32
      %dma_start3A_303 = tpu.memref_slice %arg8[%dma_start3A_299, %dma_start3A_301, %dma_start3A_302] : memref<5x80x64xf32, #tpu.memory_space<vmem>> -> memref<1x80x64xf32, #tpu.memory_space<vmem>>
      %dma_start3A_304 = tpu.memref_squeeze %dma_start3A_303 : memref<1x80x64xf32, #tpu.memory_space<vmem>> -> memref<80x64xf32, #tpu.memory_space<vmem>>
      %dma_start3A_305 = arith.constant 0 : i32
      %dma_start3A_306 = tpu.memref_slice %arg7[%dma_start3A_300, %dma_start3A_305] : memref<5x80xi32, #tpu.memory_space<vmem>> -> memref<1x80xi32, #tpu.memory_space<vmem>>
      %dma_start3A_307 = tpu.memref_squeeze %dma_start3A_306 : memref<1x80xi32, #tpu.memory_space<vmem>> -> memref<80xi32, #tpu.memory_space<vmem>>
      %dma_start3A_308 = arith.constant 0 : i32
      %dma_start3A_309 = arith.constant 0 : i32
      %dma_start3A_310 = tpu.memref_slice %arg6[%dma_start3A_308, %dma_start3A_309] : memref<10000x64xf32, #tpu.memory_space<vmem_shared>> -> memref<10000x64xf32, #tpu.memory_space<vmem_shared>>
      tpu.enqueue_indirect_dma source(%dma_start3A_304 : memref<80x64xf32, #tpu.memory_space<vmem>>) target(%dma_start3A_310 : memref<10000x64xf32, #tpu.memory_space<vmem_shared>>) offsets(%dma_start3A_307 : memref<80xi32, #tpu.memory_space<vmem>>) semaphore(%arg18 : memref<!tpu.dma_semaphore, #tpu.memory_space<semaphore_mem>>) {add = true}
    }
    %scan3A_9 = arith.constant 25 : i32
    %dma_wait3A = arith.constant 0 : i32
    %dma_wait3A_10 = arith.constant 0 : i32
    %dma_wait3A_11 = arith.constant 0 : i32
    %dma_wait3A_12 = arith.constant 0 : i32
    %dma_wait3A_13 = tpu.memref_slice %arg8[%dma_wait3A, %dma_wait3A_11, %dma_wait3A_12] : memref<5x80x64xf32, #tpu.memory_space<vmem>> -> memref<1x80x64xf32, #tpu.memory_space<vmem>>
    %dma_wait3A_14 = tpu.memref_squeeze %dma_wait3A_13 : memref<1x80x64xf32, #tpu.memory_space<vmem>> -> memref<80x64xf32, #tpu.memory_space<vmem>>
    %dma_wait3A_15 = arith.constant 0 : i32
    %dma_wait3A_16 = tpu.memref_slice %arg7[%dma_wait3A_10, %dma_wait3A_15] : memref<5x80xi32, #tpu.memory_space<vmem>> -> memref<1x80xi32, #tpu.memory_space<vmem>>
    %dma_wait3A_17 = tpu.memref_squeeze %dma_wait3A_16 : memref<1x80xi32, #tpu.memory_space<vmem>> -> memref<80xi32, #tpu.memory_space<vmem>>
    %dma_wait3A_18 = arith.constant 0 : i32
    %dma_wait3A_19 = arith.constant 0 : i32
    %dma_wait3A_20 = tpu.memref_slice %arg6[%dma_wait3A_18, %dma_wait3A_19] : memref<10000x64xf32, #tpu.memory_space<vmem_shared>> -> memref<10000x64xf32, #tpu.memory_space<vmem_shared>>
    tpu.wait_indirect_dma semaphore(%arg14 : memref<!tpu.dma_semaphore, #tpu.memory_space<semaphore_mem>>) src(%dma_wait3A_14 : memref<80x64xf32, #tpu.memory_space<vmem>>) dst(%dma_wait3A_20 : memref<10000x64xf32, #tpu.memory_space<vmem_shared>>)
    %dma_wait3A_21 = arith.constant 1 : i32
    %dma_wait3A_22 = arith.constant 1 : i32
    %dma_wait3A_23 = arith.constant 0 : i32
    %dma_wait3A_24 = arith.constant 0 : i32
    %dma_wait3A_25 = tpu.memref_slice %arg8[%dma_wait3A_21, %dma_wait3A_23, %dma_wait3A_24] : memref<5x80x64xf32, #tpu.memory_space<vmem>> -> memref<1x80x64xf32, #tpu.memory_space<vmem>>
    %dma_wait3A_26 = tpu.memref_squeeze %dma_wait3A_25 : memref<1x80x64xf32, #tpu.memory_space<vmem>> -> memref<80x64xf32, #tpu.memory_space<vmem>>
    %dma_wait3A_27 = arith.constant 0 : i32
    %dma_wait3A_28 = tpu.memref_slice %arg7[%dma_wait3A_22, %dma_wait3A_27] : memref<5x80xi32, #tpu.memory_space<vmem>> -> memref<1x80xi32, #tpu.memory_space<vmem>>
    %dma_wait3A_29 = tpu.memref_squeeze %dma_wait3A_28 : memref<1x80xi32, #tpu.memory_space<vmem>> -> memref<80xi32, #tpu.memory_space<vmem>>
    %dma_wait3A_30 = arith.constant 0 : i32
    %dma_wait3A_31 = arith.constant 0 : i32
    %dma_wait3A_32 = tpu.memref_slice %arg6[%dma_wait3A_30, %dma_wait3A_31] : memref<10000x64xf32, #tpu.memory_space<vmem_shared>> -> memref<10000x64xf32, #tpu.memory_space<vmem_shared>>
    tpu.wait_indirect_dma semaphore(%arg15 : memref<!tpu.dma_semaphore, #tpu.memory_space<semaphore_mem>>) src(%dma_wait3A_26 : memref<80x64xf32, #tpu.memory_space<vmem>>) dst(%dma_wait3A_32 : memref<10000x64xf32, #tpu.memory_space<vmem_shared>>)
    %dma_wait3A_33 = arith.constant 2 : i32
    %dma_wait3A_34 = arith.constant 2 : i32
    %dma_wait3A_35 = arith.constant 0 : i32
    %dma_wait3A_36 = arith.constant 0 : i32
    %dma_wait3A_37 = tpu.memref_slice %arg8[%dma_wait3A_33, %dma_wait3A_35, %dma_wait3A_36] : memref<5x80x64xf32, #tpu.memory_space<vmem>> -> memref<1x80x64xf32, #tpu.memory_space<vmem>>
    %dma_wait3A_38 = tpu.memref_squeeze %dma_wait3A_37 : memref<1x80x64xf32, #tpu.memory_space<vmem>> -> memref<80x64xf32, #tpu.memory_space<vmem>>
    %dma_wait3A_39 = arith.constant 0 : i32
    %dma_wait3A_40 = tpu.memref_slice %arg7[%dma_wait3A_34, %dma_wait3A_39] : memref<5x80xi32, #tpu.memory_space<vmem>> -> memref<1x80xi32, #tpu.memory_space<vmem>>
    %dma_wait3A_41 = tpu.memref_squeeze %dma_wait3A_40 : memref<1x80xi32, #tpu.memory_space<vmem>> -> memref<80xi32, #tpu.memory_space<vmem>>
    %dma_wait3A_42 = arith.constant 0 : i32
    %dma_wait3A_43 = arith.constant 0 : i32
    %dma_wait3A_44 = tpu.memref_slice %arg6[%dma_wait3A_42, %dma_wait3A_43] : memref<10000x64xf32, #tpu.memory_space<vmem_shared>> -> memref<10000x64xf32, #tpu.memory_space<vmem_shared>>
    tpu.wait_indirect_dma semaphore(%arg16 : memref<!tpu.dma_semaphore, #tpu.memory_space<semaphore_mem>>) src(%dma_wait3A_38 : memref<80x64xf32, #tpu.memory_space<vmem>>) dst(%dma_wait3A_44 : memref<10000x64xf32, #tpu.memory_space<vmem_shared>>)
    %dma_wait3A_45 = arith.constant 3 : i32
    %dma_wait3A_46 = arith.constant 3 : i32
    %dma_wait3A_47 = arith.constant 0 : i32
    %dma_wait3A_48 = arith.constant 0 : i32
    %dma_wait3A_49 = tpu.memref_slice %arg8[%dma_wait3A_45, %dma_wait3A_47, %dma_wait3A_48] : memref<5x80x64xf32, #tpu.memory_space<vmem>> -> memref<1x80x64xf32, #tpu.memory_space<vmem>>
    %dma_wait3A_50 = tpu.memref_squeeze %dma_wait3A_49 : memref<1x80x64xf32, #tpu.memory_space<vmem>> -> memref<80x64xf32, #tpu.memory_space<vmem>>
    %dma_wait3A_51 = arith.constant 0 : i32
    %dma_wait3A_52 = tpu.memref_slice %arg7[%dma_wait3A_46, %dma_wait3A_51] : memref<5x80xi32, #tpu.memory_space<vmem>> -> memref<1x80xi32, #tpu.memory_space<vmem>>
    %dma_wait3A_53 = tpu.memref_squeeze %dma_wait3A_52 : memref<1x80xi32, #tpu.memory_space<vmem>> -> memref<80xi32, #tpu.memory_space<vmem>>
    %dma_wait3A_54 = arith.constant 0 : i32
    %dma_wait3A_55 = arith.constant 0 : i32
    %dma_wait3A_56 = tpu.memref_slice %arg6[%dma_wait3A_54, %dma_wait3A_55] : memref<10000x64xf32, #tpu.memory_space<vmem_shared>> -> memref<10000x64xf32, #tpu.memory_space<vmem_shared>>
    tpu.wait_indirect_dma semaphore(%arg17 : memref<!tpu.dma_semaphore, #tpu.memory_space<semaphore_mem>>) src(%dma_wait3A_50 : memref<80x64xf32, #tpu.memory_space<vmem>>) dst(%dma_wait3A_56 : memref<10000x64xf32, #tpu.memory_space<vmem_shared>>)
    %dma_wait3A_57 = arith.constant 4 : i32
    %dma_wait3A_58 = arith.constant 4 : i32
    %dma_wait3A_59 = arith.constant 0 : i32
    %dma_wait3A_60 = arith.constant 0 : i32
    %dma_wait3A_61 = tpu.memref_slice %arg8[%dma_wait3A_57, %dma_wait3A_59, %dma_wait3A_60] : memref<5x80x64xf32, #tpu.memory_space<vmem>> -> memref<1x80x64xf32, #tpu.memory_space<vmem>>
    %dma_wait3A_62 = tpu.memref_squeeze %dma_wait3A_61 : memref<1x80x64xf32, #tpu.memory_space<vmem>> -> memref<80x64xf32, #tpu.memory_space<vmem>>
    %dma_wait3A_63 = arith.constant 0 : i32
    %dma_wait3A_64 = tpu.memref_slice %arg7[%dma_wait3A_58, %dma_wait3A_63] : memref<5x80xi32, #tpu.memory_space<vmem>> -> memref<1x80xi32, #tpu.memory_space<vmem>>
    %dma_wait3A_65 = tpu.memref_squeeze %dma_wait3A_64 : memref<1x80xi32, #tpu.memory_space<vmem>> -> memref<80xi32, #tpu.memory_space<vmem>>
    %dma_wait3A_66 = arith.constant 0 : i32
    %dma_wait3A_67 = arith.constant 0 : i32
    %dma_wait3A_68 = tpu.memref_slice %arg6[%dma_wait3A_66, %dma_wait3A_67] : memref<10000x64xf32, #tpu.memory_space<vmem_shared>> -> memref<10000x64xf32, #tpu.memory_space<vmem_shared>>
    tpu.wait_indirect_dma semaphore(%arg18 : memref<!tpu.dma_semaphore, #tpu.memory_space<semaphore_mem>>) src(%dma_wait3A_62 : memref<80x64xf32, #tpu.memory_space<vmem>>) dst(%dma_wait3A_68 : memref<10000x64xf32, #tpu.memory_space<vmem_shared>>)
    %barrier3A_69 = arith.constant 0 : index
    tpu.barrier barrier_id(%barrier3A_69)
    %mul3A_70 = arith.constant 625 : i32
    %mul3A_71 = arith.muli %arg1, %mul3A_70 : i32
    %mul3A_72 = arith.constant 625 : i32
    %mul3A_73 = arith.muli %arg1, %mul3A_72 : i32
    "tpu.region"() ({
      %run_scoped3A = tpu.sem_alloc : memref<!tpu.dma_semaphore, #tpu.memory_space<semaphore_mem>>
      %dma_start3A = arith.constant 0 : i32
      %dma_start3A_74 = tpu.memref_slice %arg5[%arg0, %mul3A_73, %dma_start3A] : memref<2x10000x64xf32, #tpu.memory_space<hbm>> -> memref<1x625x64xf32, #tpu.memory_space<hbm>>
      %dma_start3A_75 = tpu.memref_squeeze %dma_start3A_74 : memref<1x625x64xf32, #tpu.memory_space<hbm>> -> memref<625x64xf32, #tpu.memory_space<hbm>>
      %dma_start3A_76 = arith.constant 0 : i32
      %dma_start3A_77 = tpu.memref_slice %arg6[%mul3A_71, %dma_start3A_76] : memref<10000x64xf32, #tpu.memory_space<vmem_shared>> -> memref<625x64xf32, #tpu.memory_space<vmem_shared>>
      tpu.enqueue_dma source(%dma_start3A_77 : memref<625x64xf32, #tpu.memory_space<vmem_shared>>) target(%dma_start3A_75 : memref<625x64xf32, #tpu.memory_space<hbm>>) target_semaphore(%run_scoped3A : memref<!tpu.dma_semaphore, #tpu.memory_space<semaphore_mem>>)
      %dma_wait3A_78 = arith.constant 0 : i32
      %dma_wait3A_79 = tpu.memref_slice %arg5[%arg0, %mul3A_73, %dma_wait3A_78] : memref<2x10000x64xf32, #tpu.memory_space<hbm>> -> memref<1x625x64xf32, #tpu.memory_space<hbm>>
      %dma_wait3A_80 = tpu.memref_squeeze %dma_wait3A_79 : memref<1x625x64xf32, #tpu.memory_space<hbm>> -> memref<625x64xf32, #tpu.memory_space<hbm>>
      %dma_wait3A_81 = arith.constant 0 : i32
      %dma_wait3A_82 = tpu.memref_slice %arg6[%mul3A_71, %dma_wait3A_81] : memref<10000x64xf32, #tpu.memory_space<vmem_shared>> -> memref<625x64xf32, #tpu.memory_space<vmem_shared>>
      tpu.wait_dma2 semaphore(%run_scoped3A : memref<!tpu.dma_semaphore, #tpu.memory_space<semaphore_mem>>) src(%dma_wait3A_82 : memref<625x64xf32, #tpu.memory_space<vmem_shared>>) dst(%dma_wait3A_80 : memref<625x64xf32, #tpu.memory_space<hbm>>)
      tpu.yield
    }) : () -> ()
    return
  }
}

module attributes {stable_mosaic.version = 14 : i64} {
  func.func @body(%arg0: i32, %arg1: memref<1000x256xf32, #tpu.memory_space<vmem>>, %arg2: memref<256x128xf32, #tpu.memory_space<vmem>>, %arg3: memref<256x128xf32, #tpu.memory_space<vmem>>, %arg4: memref<1x128xf32, #tpu.memory_space<vmem>>, %arg5: memref<1000x128xf32, #tpu.memory_space<vmem>>, %arg6: memref<1000x128xf32, #tpu.memory_space<vmem>>) attributes {dimension_semantics = [#tpu.dimension_semantics<arbitrary>], iteration_bounds = array<i64: 5>, scalar_prefetch = 0 : i64, scratch_operands = 0 : i64, tpu.core_type = #tpu.core_type<tc>, window_params = [{transform_indices = @transform_0, window_bounds = array<i64: 1000, 256>}, {pipeline_mode = #tpu.pipeline_mode<synchronous>, transform_indices = @transform_1, window_bounds = array<i64: 256, 128>}, {pipeline_mode = #tpu.pipeline_mode<synchronous>, transform_indices = @transform_2, window_bounds = array<i64: 256, 128>}, {pipeline_mode = #tpu.pipeline_mode<synchronous>, transform_indices = @transform_3, window_bounds = array<i64: 1, 128>}, {transform_indices = @transform_4, window_bounds = array<i64: 1000, 128>}, {transform_indices = @transform_5, window_bounds = array<i64: 1000, 128>}]} {
    %get3A = arith.constant 0 : index
    %get3A_0 = arith.constant 0 : index
    %get3A_1 = vector.load %arg1[%get3A, %get3A_0] : memref<1000x256xf32, #tpu.memory_space<vmem>>, vector<1000x256xf32>
    %get3A_2 = arith.constant 0 : index
    %get3A_3 = arith.constant 0 : index
    %get3A_4 = vector.load %arg2[%get3A_2, %get3A_3] : memref<256x128xf32, #tpu.memory_space<vmem>>, vector<256x128xf32>
    %dot_general3A = arith.constant dense<0.000000e+00> : vector<1000x128xf32>
    %dot_general3A_5 = tpu.matmul %get3A_1, %get3A_4, %dot_general3A {dimension_numbers = #tpu.dot_dimension_numbers<[1], [0], [0], [1], [0, 0, 1, 1], [], []>, transpose_lhs_hint = false} : vector<1000x256xf32>, vector<256x128xf32>, vector<1000x128xf32> -> vector<1000x128xf32>
    %get3A_6 = arith.constant 0 : index
    %get3A_7 = arith.constant 0 : index
    %get3A_8 = vector.load %arg4[%get3A_6, %get3A_7] : memref<1x128xf32, #tpu.memory_space<vmem>>, vector<1x128xf32>
    %add3A = vector.broadcast %get3A_8 : vector<1x128xf32> to vector<1000x128xf32>
    %add3A_9 = arith.addf %dot_general3A_5, %add3A : vector<1000x128xf32>
    %swap3A = arith.constant 0 : index
    %swap3A_10 = arith.constant 0 : index
    %swap3A_11 = vector.load %arg5[%swap3A, %swap3A_10] : memref<1000x128xf32, #tpu.memory_space<vmem>>, vector<1000x128xf32>
    tpu.vector_store %arg5[%swap3A, %swap3A_10], %add3A_9 {strides = array<i32>} : memref<1000x128xf32, #tpu.memory_space<vmem>>, vector<1000x128xf32>,
    %get3A_12 = arith.constant 0 : index
    %get3A_13 = arith.constant 0 : index
    %get3A_14 = vector.load %arg3[%get3A_12, %get3A_13] : memref<256x128xf32, #tpu.memory_space<vmem>>, vector<256x128xf32>
    %dot_general3A_15 = arith.constant dense<0.000000e+00> : vector<1000x128xf32>
    %dot_general3A_16 = tpu.matmul %get3A_1, %get3A_14, %dot_general3A_15 {dimension_numbers = #tpu.dot_dimension_numbers<[1], [0], [0], [1], [0, 0, 1, 1], [], []>, transpose_lhs_hint = false} : vector<1000x256xf32>, vector<256x128xf32>, vector<1000x128xf32> -> vector<1000x128xf32>
    %swap3A_17 = arith.constant 0 : index
    %swap3A_18 = arith.constant 0 : index
    %swap3A_19 = vector.load %arg6[%swap3A_17, %swap3A_18] : memref<1000x128xf32, #tpu.memory_space<vmem>>, vector<1000x128xf32>
    tpu.vector_store %arg6[%swap3A_17, %swap3A_18], %dot_general3A_16 {strides = array<i32>} : memref<1000x128xf32, #tpu.memory_space<vmem>>, vector<1000x128xf32>,
    return
  }
  func.func @transform_0(%arg0: i32) -> (i32, i32) {
    %c0_i32 = arith.constant 0 : i32
    %c0_i32_0 = arith.constant 0 : i32
    return %arg0, %c0_i32 : i32, i32
  }
  func.func @transform_1(%arg0: i32) -> (i32, i32) {
    %c0_i32 = arith.constant 0 : i32
    %c0_i32_0 = arith.constant 0 : i32
    %c0_i32_1 = arith.constant 0 : i32
    return %c0_i32, %c0_i32_0 : i32, i32
  }
  func.func @transform_2(%arg0: i32) -> (i32, i32) {
    %c0_i32 = arith.constant 0 : i32
    %c0_i32_0 = arith.constant 0 : i32
    %c0_i32_1 = arith.constant 0 : i32
    return %c0_i32, %c0_i32_0 : i32, i32
  }
  func.func @transform_3(%arg0: i32) -> (i32, i32) {
    %c0_i32 = arith.constant 0 : i32
    %c0_i32_0 = arith.constant 0 : i32
    %c0_i32_1 = arith.constant 0 : i32
    return %c0_i32, %c0_i32_0 : i32, i32
  }
  func.func @transform_4(%arg0: i32) -> (i32, i32) {
    %c0_i32 = arith.constant 0 : i32
    %c0_i32_0 = arith.constant 0 : i32
    return %arg0, %c0_i32 : i32, i32
  }
  func.func @transform_5(%arg0: i32) -> (i32, i32) {
    %c0_i32 = arith.constant 0 : i32
    %c0_i32_0 = arith.constant 0 : i32
    return %arg0, %c0_i32 : i32, i32
  }
}

module attributes {stable_mosaic.version = 14 : i64} {
  func.func @body(%arg0: i32, %arg1: memref<4000x128xf32, #tpu.memory_space<vmem>>, %arg2: memref<4000x128xf32, #tpu.memory_space<vmem>>, %arg3: memref<128x128xbf16, #tpu.memory_space<vmem>>, %arg4: memref<1x128xf32, #tpu.memory_space<vmem>>, %arg5: memref<4000x128xf32, #tpu.memory_space<vmem>>) attributes {dimension_semantics = [#tpu.dimension_semantics<arbitrary>], iteration_bounds = array<i64: 40>, scalar_prefetch = 0 : i64, scratch_operands = 0 : i64, tpu.core_type = #tpu.core_type<tc>, window_params = [{transform_indices = @transform_0, window_bounds = array<i64: 4000, 128>}, {transform_indices = @transform_1, window_bounds = array<i64: 4000, 128>}, {pipeline_mode = #tpu.pipeline_mode<synchronous>, transform_indices = @transform_2, window_bounds = array<i64: 128, 128>}, {pipeline_mode = #tpu.pipeline_mode<synchronous>, transform_indices = @transform_3, window_bounds = array<i64: 1, 128>}, {transform_indices = @transform_4, window_bounds = array<i64: 4000, 128>}]} {
    %get3A = arith.constant 0 : index
    %get3A_0 = arith.constant 0 : index
    %get3A_1 = vector.load %arg1[%get3A, %get3A_0] : memref<4000x128xf32, #tpu.memory_space<vmem>>, vector<4000x128xf32>
    %get3A_2 = arith.constant 0 : index
    %get3A_3 = arith.constant 0 : index
    %get3A_4 = vector.load %arg2[%get3A_2, %get3A_3] : memref<4000x128xf32, #tpu.memory_space<vmem>>, vector<4000x128xf32>
    %add3A = arith.addf %get3A_1, %get3A_4 : vector<4000x128xf32>
    %max3A = arith.constant 0.000000e+00 : f32
    %max3A_5 = vector.broadcast %max3A : f32 to vector<4000x128xf32>
    %max3A_6 = arith.maximumf %add3A, %max3A_5 : vector<4000x128xf32>
    %convert_element_type3A = arith.truncf %max3A_6 : vector<4000x128xf32> to vector<4000x128xbf16>
    %get3A_7 = arith.constant 0 : index
    %get3A_8 = arith.constant 0 : index
    %get3A_9 = vector.load %arg3[%get3A_7, %get3A_8] : memref<128x128xbf16, #tpu.memory_space<vmem>>, vector<128x128xbf16>
    %dot_general3A = arith.constant dense<0.000000e+00> : vector<4000x128xf32>
    %dot_general3A_10 = tpu.matmul %convert_element_type3A, %get3A_9, %dot_general3A {dimension_numbers = #tpu.dot_dimension_numbers<[1], [0], [0], [1], [0, 0, 1, 1], [], []>, transpose_lhs_hint = false} : vector<4000x128xbf16>, vector<128x128xbf16>, vector<4000x128xf32> -> vector<4000x128xf32>
    %get3A_11 = arith.constant 0 : index
    %get3A_12 = arith.constant 0 : index
    %get3A_13 = vector.load %arg4[%get3A_11, %get3A_12] : memref<1x128xf32, #tpu.memory_space<vmem>>, vector<1x128xf32>
    %add3A_14 = vector.broadcast %get3A_13 : vector<1x128xf32> to vector<4000x128xf32>
    %add3A_15 = arith.addf %dot_general3A_10, %add3A_14 : vector<4000x128xf32>
    %max3A_16 = arith.constant 0.000000e+00 : f32
    %max3A_17 = vector.broadcast %max3A_16 : f32 to vector<4000x128xf32>
    %max3A_18 = arith.maximumf %add3A_15, %max3A_17 : vector<4000x128xf32>
    %swap3A = arith.constant 0 : index
    %swap3A_19 = arith.constant 0 : index
    %swap3A_20 = vector.load %arg5[%swap3A, %swap3A_19] : memref<4000x128xf32, #tpu.memory_space<vmem>>, vector<4000x128xf32>
    tpu.vector_store %arg5[%swap3A, %swap3A_19], %max3A_18 {strides = array<i32>} : memref<4000x128xf32, #tpu.memory_space<vmem>>, vector<4000x128xf32>,
    return
  }
  func.func @transform_0(%arg0: i32) -> (i32, i32) {
    %c0_i32 = arith.constant 0 : i32
    %c0_i32_0 = arith.constant 0 : i32
    return %arg0, %c0_i32 : i32, i32
  }
  func.func @transform_1(%arg0: i32) -> (i32, i32) {
    %c0_i32 = arith.constant 0 : i32
    %c0_i32_0 = arith.constant 0 : i32
    return %arg0, %c0_i32 : i32, i32
  }
  func.func @transform_2(%arg0: i32) -> (i32, i32) {
    %c0_i32 = arith.constant 0 : i32
    %c0_i32_0 = arith.constant 0 : i32
    %c0_i32_1 = arith.constant 0 : i32
    return %c0_i32, %c0_i32_0 : i32, i32
  }
  func.func @transform_3(%arg0: i32) -> (i32, i32) {
    %c0_i32 = arith.constant 0 : i32
    %c0_i32_0 = arith.constant 0 : i32
    %c0_i32_1 = arith.constant 0 : i32
    return %c0_i32, %c0_i32_0 : i32, i32
  }
  func.func @transform_4(%arg0: i32) -> (i32, i32) {
    %c0_i32 = arith.constant 0 : i32
    %c0_i32_0 = arith.constant 0 : i32
    return %arg0, %c0_i32 : i32, i32
  }
}

module attributes {stable_mosaic.version = 14 : i64} {
  func.func @body(%arg0: i32, %arg1: memref<2x2000x64xf32, #tpu.memory_space<vmem>>, %arg2: memref<64x64xf32, #tpu.memory_space<vmem>>, %arg3: memref<1x64xf32, #tpu.memory_space<vmem>>, %arg4: memref<1x64xf32, #tpu.memory_space<vmem>>, %arg5: memref<2000x64xf32, #tpu.memory_space<vmem>>) attributes {dimension_semantics = [#tpu.dimension_semantics<arbitrary>], iteration_bounds = array<i64: 5>, scalar_prefetch = 0 : i64, scratch_operands = 0 : i64, tpu.core_type = #tpu.core_type<tc>, window_params = [{transform_indices = @transform_0, window_bounds = array<i64: 2, 2000, 64>}, {pipeline_mode = #tpu.pipeline_mode<synchronous>, transform_indices = @transform_1, window_bounds = array<i64: 64, 64>}, {pipeline_mode = #tpu.pipeline_mode<synchronous>, transform_indices = @transform_2, window_bounds = array<i64: 1, 64>}, {pipeline_mode = #tpu.pipeline_mode<synchronous>, transform_indices = @transform_3, window_bounds = array<i64: 1, 64>}, {transform_indices = @transform_4, window_bounds = array<i64: 2000, 64>}]} {
    %get3A = arith.constant 0 : index
    %get3A_0 = arith.constant 0 : index
    %get3A_1 = arith.constant 0 : index
    %get3A_2 = vector.load %arg1[%get3A, %get3A_0, %get3A_1] : memref<2x2000x64xf32, #tpu.memory_space<vmem>>, vector<1x2000x64xf32>
    %get3A_3 = vector.shape_cast %get3A_2 : vector<1x2000x64xf32> to vector<2000x64xf32>
    %get3A_4 = arith.constant 1 : index
    %get3A_5 = arith.constant 0 : index
    %get3A_6 = arith.constant 0 : index
    %get3A_7 = vector.load %arg1[%get3A_4, %get3A_5, %get3A_6] : memref<2x2000x64xf32, #tpu.memory_space<vmem>>, vector<1x2000x64xf32>
    %get3A_8 = vector.shape_cast %get3A_7 : vector<1x2000x64xf32> to vector<2000x64xf32>
    %add3A = arith.addf %get3A_3, %get3A_8 : vector<2000x64xf32>
    %get3A_9 = arith.constant 0 : index
    %get3A_10 = arith.constant 0 : index
    %get3A_11 = vector.load %arg2[%get3A_9, %get3A_10] : memref<64x64xf32, #tpu.memory_space<vmem>>, vector<64x64xf32>
    %dot_general3A = arith.constant dense<0.000000e+00> : vector<2000x64xf32>
    %dot_general3A_12 = tpu.matmul %add3A, %get3A_11, %dot_general3A {dimension_numbers = #tpu.dot_dimension_numbers<[1], [0], [0], [1], [0, 0, 1, 1], [], []>, transpose_lhs_hint = false} : vector<2000x64xf32>, vector<64x64xf32>, vector<2000x64xf32> -> vector<2000x64xf32>
    %max3A = arith.constant 0.000000e+00 : f32
    %max3A_13 = vector.broadcast %max3A : f32 to vector<2000x64xf32>
    %max3A_14 = arith.maximumf %dot_general3A_12, %max3A_13 : vector<2000x64xf32>
    %reduce_sum3A = arith.constant dense<0.000000e+00> : vector<2000xf32>
    %reduce_sum3A_15 = vector.multi_reduction <add>, %max3A_14, %reduce_sum3A [1] : vector<2000x64xf32> to vector<2000xf32>
    %broadcast_in_dim3A = vector.shape_cast %reduce_sum3A_15 : vector<2000xf32> to vector<2000x1xf32>
    %div3A = arith.constant 6.400000e+01 : f32
    %div3A_16 = vector.broadcast %div3A : f32 to vector<2000x1xf32>
    %div3A_17 = arith.divf %broadcast_in_dim3A, %div3A_16 : vector<2000x1xf32>
    %sub3A = vector.broadcast %div3A_17 : vector<2000x1xf32> to vector<2000x64xf32>
    %sub3A_18 = arith.subf %max3A_14, %sub3A : vector<2000x64xf32>
    %integer_pow3A = arith.mulf %sub3A_18, %sub3A_18 : vector<2000x64xf32>
    %reduce_sum3A_19 = arith.constant dense<0.000000e+00> : vector<2000xf32>
    %reduce_sum3A_20 = vector.multi_reduction <add>, %integer_pow3A, %reduce_sum3A_19 [1] : vector<2000x64xf32> to vector<2000xf32>
    %broadcast_in_dim3A_21 = vector.shape_cast %reduce_sum3A_20 : vector<2000xf32> to vector<2000x1xf32>
    %div3A_22 = arith.constant 6.400000e+01 : f32
    %div3A_23 = vector.broadcast %div3A_22 : f32 to vector<2000x1xf32>
    %div3A_24 = arith.divf %broadcast_in_dim3A_21, %div3A_23 : vector<2000x1xf32>
    %sub3A_25 = vector.broadcast %div3A_17 : vector<2000x1xf32> to vector<2000x64xf32>
    %sub3A_26 = arith.subf %max3A_14, %sub3A_25 : vector<2000x64xf32>
    %add3A_27 = arith.constant 9.99999974E-6 : f32
    %add3A_28 = vector.broadcast %add3A_27 : f32 to vector<2000x1xf32>
    %add3A_29 = arith.addf %div3A_24, %add3A_28 : vector<2000x1xf32>
    %sqrt3A = math.sqrt %add3A_29 : vector<2000x1xf32>
    %div3A_30 = vector.broadcast %sqrt3A : vector<2000x1xf32> to vector<2000x64xf32>
    %div3A_31 = arith.divf %sub3A_26, %div3A_30 : vector<2000x64xf32>
    %get3A_32 = arith.constant 0 : index
    %get3A_33 = arith.constant 0 : index
    %get3A_34 = vector.load %arg3[%get3A_32, %get3A_33] : memref<1x64xf32, #tpu.memory_space<vmem>>, vector<1x64xf32>
    %mul3A = vector.broadcast %get3A_34 : vector<1x64xf32> to vector<2000x64xf32>
    %mul3A_35 = arith.mulf %div3A_31, %mul3A : vector<2000x64xf32>
    %get3A_36 = arith.constant 0 : index
    %get3A_37 = arith.constant 0 : index
    %get3A_38 = vector.load %arg4[%get3A_36, %get3A_37] : memref<1x64xf32, #tpu.memory_space<vmem>>, vector<1x64xf32>
    %add3A_39 = vector.broadcast %get3A_38 : vector<1x64xf32> to vector<2000x64xf32>
    %add3A_40 = arith.addf %mul3A_35, %add3A_39 : vector<2000x64xf32>
    %swap3A = arith.constant 0 : index
    %swap3A_41 = arith.constant 0 : index
    %swap3A_42 = vector.load %arg5[%swap3A, %swap3A_41] : memref<2000x64xf32, #tpu.memory_space<vmem>>, vector<2000x64xf32>
    tpu.vector_store %arg5[%swap3A, %swap3A_41], %add3A_40 {strides = array<i32>} : memref<2000x64xf32, #tpu.memory_space<vmem>>, vector<2000x64xf32>,
    return
  }
  func.func @transform_0(%arg0: i32) -> (i32, i32, i32) {
    %c0_i32 = arith.constant 0 : i32
    %c0_i32_0 = arith.constant 0 : i32
    %c0_i32_1 = arith.constant 0 : i32
    return %c0_i32, %arg0, %c0_i32_0 : i32, i32, i32
  }
  func.func @transform_1(%arg0: i32) -> (i32, i32) {
    %c0_i32 = arith.constant 0 : i32
    %c0_i32_0 = arith.constant 0 : i32
    %c0_i32_1 = arith.constant 0 : i32
    return %c0_i32, %c0_i32_0 : i32, i32
  }
  func.func @transform_2(%arg0: i32) -> (i32, i32) {
    %c0_i32 = arith.constant 0 : i32
    %c0_i32_0 = arith.constant 0 : i32
    %c0_i32_1 = arith.constant 0 : i32
    return %c0_i32, %c0_i32_0 : i32, i32
  }
  func.func @transform_3(%arg0: i32) -> (i32, i32) {
    %c0_i32 = arith.constant 0 : i32
    %c0_i32_0 = arith.constant 0 : i32
    %c0_i32_1 = arith.constant 0 : i32
    return %c0_i32, %c0_i32_0 : i32, i32
  }
  func.func @transform_4(%arg0: i32) -> (i32, i32) {
    %c0_i32 = arith.constant 0 : i32
    %c0_i32_0 = arith.constant 0 : i32
    return %arg0, %c0_i32 : i32, i32
  }
}

module attributes {stable_mosaic.version = 14 : i64} {
  func.func @body(%arg0: i32, %arg1: memref<1000x128xf32, #tpu.memory_space<vmem>>, %arg2: memref<128x128xf32, #tpu.memory_space<vmem>>, %arg3: memref<128x128xf32, #tpu.memory_space<vmem>>, %arg4: memref<1x128xf32, #tpu.memory_space<vmem>>, %arg5: memref<1000x128xf32, #tpu.memory_space<vmem>>, %arg6: memref<1000x128xf32, #tpu.memory_space<vmem>>) attributes {dimension_semantics = [#tpu.dimension_semantics<arbitrary>], iteration_bounds = array<i64: 5>, scalar_prefetch = 0 : i64, scratch_operands = 0 : i64, tpu.core_type = #tpu.core_type<tc>, window_params = [{transform_indices = @transform_0, window_bounds = array<i64: 1000, 128>}, {pipeline_mode = #tpu.pipeline_mode<synchronous>, transform_indices = @transform_1, window_bounds = array<i64: 128, 128>}, {pipeline_mode = #tpu.pipeline_mode<synchronous>, transform_indices = @transform_2, window_bounds = array<i64: 128, 128>}, {pipeline_mode = #tpu.pipeline_mode<synchronous>, transform_indices = @transform_3, window_bounds = array<i64: 1, 128>}, {transform_indices = @transform_4, window_bounds = array<i64: 1000, 128>}, {transform_indices = @transform_5, window_bounds = array<i64: 1000, 128>}]} {
    %get3A = arith.constant 0 : index
    %get3A_0 = arith.constant 0 : index
    %get3A_1 = vector.load %arg1[%get3A, %get3A_0] : memref<1000x128xf32, #tpu.memory_space<vmem>>, vector<1000x128xf32>
    %get3A_2 = arith.constant 0 : index
    %get3A_3 = arith.constant 0 : index
    %get3A_4 = vector.load %arg2[%get3A_2, %get3A_3] : memref<128x128xf32, #tpu.memory_space<vmem>>, vector<128x128xf32>
    %dot_general3A = arith.constant dense<0.000000e+00> : vector<1000x128xf32>
    %dot_general3A_5 = tpu.matmul %get3A_1, %get3A_4, %dot_general3A {dimension_numbers = #tpu.dot_dimension_numbers<[1], [0], [0], [1], [0, 0, 1, 1], [], []>, transpose_lhs_hint = false} : vector<1000x128xf32>, vector<128x128xf32>, vector<1000x128xf32> -> vector<1000x128xf32>
    %get3A_6 = arith.constant 0 : index
    %get3A_7 = arith.constant 0 : index
    %get3A_8 = vector.load %arg4[%get3A_6, %get3A_7] : memref<1x128xf32, #tpu.memory_space<vmem>>, vector<1x128xf32>
    %add3A = vector.broadcast %get3A_8 : vector<1x128xf32> to vector<1000x128xf32>
    %add3A_9 = arith.addf %dot_general3A_5, %add3A : vector<1000x128xf32>
    %swap3A = arith.constant 0 : index
    %swap3A_10 = arith.constant 0 : index
    %swap3A_11 = vector.load %arg5[%swap3A, %swap3A_10] : memref<1000x128xf32, #tpu.memory_space<vmem>>, vector<1000x128xf32>
    tpu.vector_store %arg5[%swap3A, %swap3A_10], %add3A_9 {strides = array<i32>} : memref<1000x128xf32, #tpu.memory_space<vmem>>, vector<1000x128xf32>,
    %get3A_12 = arith.constant 0 : index
    %get3A_13 = arith.constant 0 : index
    %get3A_14 = vector.load %arg3[%get3A_12, %get3A_13] : memref<128x128xf32, #tpu.memory_space<vmem>>, vector<128x128xf32>
    %dot_general3A_15 = arith.constant dense<0.000000e+00> : vector<1000x128xf32>
    %dot_general3A_16 = tpu.matmul %get3A_1, %get3A_14, %dot_general3A_15 {dimension_numbers = #tpu.dot_dimension_numbers<[1], [0], [0], [1], [0, 0, 1, 1], [], []>, transpose_lhs_hint = false} : vector<1000x128xf32>, vector<128x128xf32>, vector<1000x128xf32> -> vector<1000x128xf32>
    %swap3A_17 = arith.constant 0 : index
    %swap3A_18 = arith.constant 0 : index
    %swap3A_19 = vector.load %arg6[%swap3A_17, %swap3A_18] : memref<1000x128xf32, #tpu.memory_space<vmem>>, vector<1000x128xf32>
    tpu.vector_store %arg6[%swap3A_17, %swap3A_18], %dot_general3A_16 {strides = array<i32>} : memref<1000x128xf32, #tpu.memory_space<vmem>>, vector<1000x128xf32>,
    return
  }
  func.func @transform_0(%arg0: i32) -> (i32, i32) {
    %c0_i32 = arith.constant 0 : i32
    %c0_i32_0 = arith.constant 0 : i32
    return %arg0, %c0_i32 : i32, i32
  }
  func.func @transform_1(%arg0: i32) -> (i32, i32) {
    %c0_i32 = arith.constant 0 : i32
    %c0_i32_0 = arith.constant 0 : i32
    %c0_i32_1 = arith.constant 0 : i32
    return %c0_i32, %c0_i32_0 : i32, i32
  }
  func.func @transform_2(%arg0: i32) -> (i32, i32) {
    %c0_i32 = arith.constant 0 : i32
    %c0_i32_0 = arith.constant 0 : i32
    %c0_i32_1 = arith.constant 0 : i32
    return %c0_i32, %c0_i32_0 : i32, i32
  }
  func.func @transform_3(%arg0: i32) -> (i32, i32) {
    %c0_i32 = arith.constant 0 : i32
    %c0_i32_0 = arith.constant 0 : i32
    %c0_i32_1 = arith.constant 0 : i32
    return %c0_i32, %c0_i32_0 : i32, i32
  }
  func.func @transform_4(%arg0: i32) -> (i32, i32) {
    %c0_i32 = arith.constant 0 : i32
    %c0_i32_0 = arith.constant 0 : i32
    return %arg0, %c0_i32 : i32, i32
  }
  func.func @transform_5(%arg0: i32) -> (i32, i32) {
    %c0_i32 = arith.constant 0 : i32
    %c0_i32_0 = arith.constant 0 : i32
    return %arg0, %c0_i32 : i32, i32
  }
}

module attributes {stable_mosaic.version = 14 : i64} {
  func.func @body(%arg0: i32, %arg1: memref<1000x64xf32, #tpu.memory_space<vmem>>, %arg2: memref<1000x32xf32, #tpu.memory_space<vmem>>, %arg3: memref<1000x1xi32, #tpu.memory_space<vmem>>, %arg4: memref<64x64xf32, #tpu.memory_space<vmem>>, %arg5: memref<1x64xf32, #tpu.memory_space<vmem>>, %arg6: memref<64x32xf32, #tpu.memory_space<vmem>>, %arg7: memref<1x32xf32, #tpu.memory_space<vmem>>, %arg8: memref<64x64xf32, #tpu.memory_space<vmem>>, %arg9: memref<1x64xf32, #tpu.memory_space<vmem>>, %arg10: memref<64x64xf32, #tpu.memory_space<vmem>>, %arg11: memref<1x64xf32, #tpu.memory_space<vmem>>, %arg12: memref<1000x32xf32, #tpu.memory_space<vmem>>, %arg13: memref<512x64xf32, #tpu.memory_space<vmem>>, %arg14: memref<1x1xf32, #tpu.memory_space<vmem>>, %arg15: memref<512x64xf32, #tpu.memory_space<vmem>>, %arg16: memref<8x128xf32, #tpu.memory_space<vmem>>) attributes {dimension_semantics = [#tpu.dimension_semantics<arbitrary>], iteration_bounds = array<i64: 10>, scalar_prefetch = 0 : i64, scratch_operands = 2 : i64, tpu.core_type = #tpu.core_type<tc>, window_params = [{transform_indices = @transform_0, window_bounds = array<i64: 1000, 64>}, {transform_indices = @transform_1, window_bounds = array<i64: 1000, 32>}, {transform_indices = @transform_2, window_bounds = array<i64: 1000, 1>}, {pipeline_mode = #tpu.pipeline_mode<synchronous>, transform_indices = @transform_3, window_bounds = array<i64: 64, 64>}, {pipeline_mode = #tpu.pipeline_mode<synchronous>, transform_indices = @transform_4, window_bounds = array<i64: 1, 64>}, {pipeline_mode = #tpu.pipeline_mode<synchronous>, transform_indices = @transform_5, window_bounds = array<i64: 64, 32>}, {pipeline_mode = #tpu.pipeline_mode<synchronous>, transform_indices = @transform_6, window_bounds = array<i64: 1, 32>}, {pipeline_mode = #tpu.pipeline_mode<synchronous>, transform_indices = @transform_7, window_bounds = array<i64: 64, 64>}, {pipeline_mode = #tpu.pipeline_mode<synchronous>, transform_indices = @transform_8, window_bounds = array<i64: 1, 64>}, {pipeline_mode = #tpu.pipeline_mode<synchronous>, transform_indices = @transform_9, window_bounds = array<i64: 64, 64>}, {pipeline_mode = #tpu.pipeline_mode<synchronous>, transform_indices = @transform_10, window_bounds = array<i64: 1, 64>}, {transform_indices = @transform_11, window_bounds = array<i64: 1000, 32>}, {pipeline_mode = #tpu.pipeline_mode<synchronous>, transform_indices = @transform_12, window_bounds = array<i64: 512, 64>}, {pipeline_mode = #tpu.pipeline_mode<synchronous>, transform_indices = @transform_13, window_bounds = array<i64: 1, 1>}]} {
    %eq3A = arith.constant 0 : i32
    %eq3A_0 = arith.cmpi eq, %arg0, %eq3A : i32
    %convert_element_type3A = arith.extui %eq3A_0 : i1 to i32
    %cond3A = arith.constant 0 : i32
    %cond3A_1 = arith.cmpi ne, %convert_element_type3A, %cond3A : i32
    scf.if %cond3A_1 {
      %broadcast_in_dim3A_108 = arith.constant 0.000000e+00 : f32
      %broadcast_in_dim3A_109 = vector.broadcast %broadcast_in_dim3A_108 : f32 to vector<512x64xf32>
      %swap3A_110 = arith.constant 0 : index
      %swap3A_111 = arith.constant 0 : index
      %swap3A_112 = vector.load %arg15[%swap3A_110, %swap3A_111] : memref<512x64xf32, #tpu.memory_space<vmem>>, vector<512x64xf32>
      tpu.vector_store %arg15[%swap3A_110, %swap3A_111], %broadcast_in_dim3A_109 {strides = array<i32>} : memref<512x64xf32, #tpu.memory_space<vmem>>, vector<512x64xf32>,
      %broadcast_in_dim3A_113 = arith.constant 0.000000e+00 : f32
      %broadcast_in_dim3A_114 = vector.broadcast %broadcast_in_dim3A_113 : f32 to vector<8x128xf32>
      %swap3A_115 = arith.constant 0 : index
      %swap3A_116 = arith.constant 0 : index
      %swap3A_117 = vector.load %arg16[%swap3A_115, %swap3A_116] : memref<8x128xf32, #tpu.memory_space<vmem>>, vector<8x128xf32>
      tpu.vector_store %arg16[%swap3A_115, %swap3A_116], %broadcast_in_dim3A_114 {strides = array<i32>} : memref<8x128xf32, #tpu.memory_space<vmem>>, vector<8x128xf32>,
    } else {
    }
    %get3A = arith.constant 0 : index
    %get3A_2 = arith.constant 0 : index
    %get3A_3 = vector.load %arg1[%get3A, %get3A_2] : memref<1000x64xf32, #tpu.memory_space<vmem>>, vector<1000x64xf32>
    %get3A_4 = arith.constant 0 : index
    %get3A_5 = arith.constant 0 : index
    %get3A_6 = vector.load %arg4[%get3A_4, %get3A_5] : memref<64x64xf32, #tpu.memory_space<vmem>>, vector<64x64xf32>
    %dot_general3A = arith.constant dense<0.000000e+00> : vector<1000x64xf32>
    %dot_general3A_7 = tpu.matmul %get3A_3, %get3A_6, %dot_general3A {dimension_numbers = #tpu.dot_dimension_numbers<[1], [0], [0], [1], [0, 0, 1, 1], [], []>, transpose_lhs_hint = false} : vector<1000x64xf32>, vector<64x64xf32>, vector<1000x64xf32> -> vector<1000x64xf32>
    %get3A_8 = arith.constant 0 : index
    %get3A_9 = arith.constant 0 : index
    %get3A_10 = vector.load %arg5[%get3A_8, %get3A_9] : memref<1x64xf32, #tpu.memory_space<vmem>>, vector<1x64xf32>
    %add3A = vector.broadcast %get3A_10 : vector<1x64xf32> to vector<1000x64xf32>
    %add3A_11 = arith.addf %dot_general3A_7, %add3A : vector<1000x64xf32>
    %max3A = arith.constant 0.000000e+00 : f32
    %max3A_12 = vector.broadcast %max3A : f32 to vector<1000x64xf32>
    %max3A_13 = arith.maximumf %add3A_11, %max3A_12 : vector<1000x64xf32>
    %get3A_14 = arith.constant 0 : index
    %get3A_15 = arith.constant 0 : index
    %get3A_16 = vector.load %arg6[%get3A_14, %get3A_15] : memref<64x32xf32, #tpu.memory_space<vmem>>, vector<64x32xf32>
    %dot_general3A_17 = arith.constant dense<0.000000e+00> : vector<1000x32xf32>
    %dot_general3A_18 = tpu.matmul %max3A_13, %get3A_16, %dot_general3A_17 {dimension_numbers = #tpu.dot_dimension_numbers<[1], [0], [0], [1], [0, 0, 1, 1], [], []>, transpose_lhs_hint = false} : vector<1000x64xf32>, vector<64x32xf32>, vector<1000x32xf32> -> vector<1000x32xf32>
    %get3A_19 = arith.constant 0 : index
    %get3A_20 = arith.constant 0 : index
    %get3A_21 = vector.load %arg7[%get3A_19, %get3A_20] : memref<1x32xf32, #tpu.memory_space<vmem>>, vector<1x32xf32>
    %add3A_22 = vector.broadcast %get3A_21 : vector<1x32xf32> to vector<1000x32xf32>
    %add3A_23 = arith.addf %dot_general3A_18, %add3A_22 : vector<1000x32xf32>
    %get3A_24 = arith.constant 0 : index
    %get3A_25 = arith.constant 0 : index
    %get3A_26 = vector.load %arg2[%get3A_24, %get3A_25] : memref<1000x32xf32, #tpu.memory_space<vmem>>, vector<1000x32xf32>
    %add3A_27 = arith.addf %add3A_23, %get3A_26 : vector<1000x32xf32>
    %reduce_max3A = arith.constant dense<0xFF800000> : vector<1000xf32>
    %reduce_max3A_28 = vector.multi_reduction <maximumf>, %add3A_27, %reduce_max3A [1] : vector<1000x32xf32> to vector<1000xf32>
    %broadcast_in_dim3A = vector.shape_cast %reduce_max3A_28 : vector<1000xf32> to vector<1000x1xf32>
    %sub3A = vector.broadcast %broadcast_in_dim3A : vector<1000x1xf32> to vector<1000x32xf32>
    %sub3A_29 = arith.subf %add3A_27, %sub3A : vector<1000x32xf32>
    %exp3A = math.exp %sub3A_29 : vector<1000x32xf32>
    %reduce_sum3A = arith.constant dense<0.000000e+00> : vector<1000xf32>
    %reduce_sum3A_30 = vector.multi_reduction <add>, %exp3A, %reduce_sum3A [1] : vector<1000x32xf32> to vector<1000xf32>
    %broadcast_in_dim3A_31 = vector.shape_cast %reduce_sum3A_30 : vector<1000xf32> to vector<1000x1xf32>
    %div3A = vector.broadcast %broadcast_in_dim3A_31 : vector<1000x1xf32> to vector<1000x32xf32>
    %div3A_32 = arith.divf %exp3A, %div3A : vector<1000x32xf32>
    %swap3A = arith.constant 0 : index
    %swap3A_33 = arith.constant 0 : index
    %swap3A_34 = vector.load %arg12[%swap3A, %swap3A_33] : memref<1000x32xf32, #tpu.memory_space<vmem>>, vector<1000x32xf32>
    tpu.vector_store %arg12[%swap3A, %swap3A_33], %div3A_32 {strides = array<i32>} : memref<1000x32xf32, #tpu.memory_space<vmem>>, vector<1000x32xf32>,
    %get3A_35 = arith.constant 0 : index
    %get3A_36 = arith.constant 0 : index
    %get3A_37 = vector.load %arg16[%get3A_35, %get3A_36] : memref<8x128xf32, #tpu.memory_space<vmem>>, vector<1x32xf32>
    %reduce_sum3A_38 = arith.constant dense<0.000000e+00> : vector<32xf32>
    %reduce_sum3A_39 = vector.multi_reduction <add>, %div3A_32, %reduce_sum3A_38 [0] : vector<1000x32xf32> to vector<32xf32>
    %broadcast_in_dim3A_40 = vector.shape_cast %reduce_sum3A_39 : vector<32xf32> to vector<1x32xf32>
    %add3A_41 = arith.addf %get3A_37, %broadcast_in_dim3A_40 : vector<1x32xf32>
    %swap3A_42 = arith.constant 0 : index
    %swap3A_43 = arith.constant 0 : index
    %swap3A_44 = vector.load %arg16[%swap3A_42, %swap3A_43] : memref<8x128xf32, #tpu.memory_space<vmem>>, vector<1x32xf32>
    tpu.vector_store %arg16[%swap3A_42, %swap3A_43], %add3A_41 {strides = array<i32>} : memref<8x128xf32, #tpu.memory_space<vmem>>, vector<1x32xf32>,
    %add3A_45 = arith.constant 9.99999971E-10 : f32
    %add3A_46 = vector.broadcast %add3A_45 : f32 to vector<1000x32xf32>
    %add3A_47 = arith.addf %div3A_32, %add3A_46 : vector<1000x32xf32>
    %log3A = math.log %add3A_47 : vector<1000x32xf32>
    %mul3A = arith.mulf %div3A_32, %log3A : vector<1000x32xf32>
    %reduce_sum3A_48 = vector.shape_cast %mul3A : vector<1000x32xf32> to vector<1x1000x32xf32>
    %reduce_sum3A_49 = arith.constant dense<0.000000e+00> : vector<1xf32>
    %reduce_sum3A_50 = vector.multi_reduction <add>, %reduce_sum3A_48, %reduce_sum3A_49 [1, 2] : vector<1x1000x32xf32> to vector<1xf32>
    %reduce_sum3A_51 = vector.shape_cast %reduce_sum3A_50 : vector<1xf32> to vector<1x1x1xf32>
    %reduce_sum3A_52 = vector.extract %reduce_sum3A_51[0, 0, 0] : f32 from vector<1x1x1xf32>
    %reshape3A = vector.broadcast %reduce_sum3A_52 : f32 to vector<1x1xf32>
    %get3A_53 = arith.constant 1 : index
    %get3A_54 = arith.constant 0 : index
    %get3A_55 = vector.load %arg16[%get3A_53, %get3A_54] : memref<8x128xf32, #tpu.memory_space<vmem>>, vector<1x1xf32>
    %add3A_56 = arith.addf %get3A_55, %reshape3A : vector<1x1xf32>
    %swap3A_57 = arith.constant 1 : index
    %swap3A_58 = arith.constant 0 : index
    %swap3A_59 = vector.load %arg16[%swap3A_57, %swap3A_58] : memref<8x128xf32, #tpu.memory_space<vmem>>, vector<1x1xf32>
    tpu.vector_store %arg16[%swap3A_57, %swap3A_58], %add3A_56 {strides = array<i32>} : memref<8x128xf32, #tpu.memory_space<vmem>>, vector<1x1xf32>,
    %get3A_60 = arith.constant 0 : index
    %get3A_61 = arith.constant 0 : index
    %get3A_62 = vector.load %arg3[%get3A_60, %get3A_61] : memref<1000x1xi32, #tpu.memory_space<vmem>>, vector<1000x1xi32>
    %iota3A = tpu.iota {dimensions = array<i32: 1>} : vector<1x512xi32>
    %jit3A = arith.constant 32 : i32
    %div3A_63 = vector.broadcast %jit3A : i32 to vector<1x512xi32>
    %div3A_64 = arith.divsi %iota3A, %div3A_63 : vector<1x512xi32>
    %sign3A = arith.constant 0 : i32
    %sign3A_65 = vector.broadcast %sign3A : i32 to vector<1x512xi32>
    %sign3A_66 = arith.cmpi sgt, %iota3A, %sign3A_65 : vector<1x512xi32>
    %sign3A_67 = arith.extui %sign3A_66 : vector<1x512xi1> to vector<1x512xi32>
    %sign3A_68 = arith.constant 0 : i32
    %sign3A_69 = vector.broadcast %sign3A_68 : i32 to vector<1x512xi32>
    %sign3A_70 = arith.cmpi slt, %iota3A, %sign3A_69 : vector<1x512xi32>
    %sign3A_71 = arith.extui %sign3A_70 : vector<1x512xi1> to vector<1x512xi32>
    %sign3A_72 = arith.subi %sign3A_67, %sign3A_71 : vector<1x512xi32>
    %sign3A_73 = arith.constant 0 : i32
    %sign3A_74 = arith.cmpi sgt, %jit3A, %sign3A_73 : i32
    %sign3A_75 = arith.extui %sign3A_74 : i1 to i32
    %sign3A_76 = arith.constant 0 : i32
    %sign3A_77 = arith.cmpi slt, %jit3A, %sign3A_76 : i32
    %sign3A_78 = arith.extui %sign3A_77 : i1 to i32
    %sign3A_79 = arith.subi %sign3A_75, %sign3A_78 : i32
    %ne3A = vector.broadcast %sign3A_79 : i32 to vector<1x512xi32>
    %ne3A_80 = arith.cmpi ne, %sign3A_72, %ne3A : vector<1x512xi32>
    %rem3A = vector.broadcast %jit3A : i32 to vector<1x512xi32>
    %rem3A_81 = arith.remsi %iota3A, %rem3A : vector<1x512xi32>
    %ne3A_82 = arith.constant 0 : i32
    %ne3A_83 = vector.broadcast %ne3A_82 : i32 to vector<1x512xi32>
    %ne3A_84 = arith.cmpi ne, %rem3A_81, %ne3A_83 : vector<1x512xi32>
    %and3A = arith.andi %ne3A_80, %ne3A_84 : vector<1x512xi1>
    %sub3A_85 = arith.constant 1 : i32
    %sub3A_86 = vector.broadcast %sub3A_85 : i32 to vector<1x512xi32>
    %sub3A_87 = arith.subi %div3A_64, %sub3A_86 : vector<1x512xi32>
    %select_n3A = arith.select %and3A, %sub3A_87, %div3A_64 : vector<1x512xi1>, vector<1x512xi32>
    %concatenate3A = tpu.concatenate %div3A_32, %div3A_32, %div3A_32, %div3A_32, %div3A_32, %div3A_32, %div3A_32, %div3A_32, %div3A_32, %div3A_32, %div3A_32, %div3A_32, %div3A_32, %div3A_32, %div3A_32, %div3A_32 in 1 : vector<1000x32xf32>, vector<1000x32xf32>, vector<1000x32xf32>, vector<1000x32xf32>, vector<1000x32xf32>, vector<1000x32xf32>, vector<1000x32xf32>, vector<1000x32xf32>, vector<1000x32xf32>, vector<1000x32xf32>, vector<1000x32xf32>, vector<1000x32xf32>, vector<1000x32xf32>, vector<1000x32xf32>, vector<1000x32xf32>, vector<1000x32xf32> -> vector<1000x512xf32>
    %eq3A_88 = vector.broadcast %get3A_62 : vector<1000x1xi32> to vector<1000x512xi32>
    %eq3A_89 = vector.broadcast %select_n3A : vector<1x512xi32> to vector<1000x512xi32>
    %eq3A_90 = arith.cmpi eq, %eq3A_88, %eq3A_89 : vector<1000x512xi32>
    %convert_element_type3A_91 = arith.extui %eq3A_90 : vector<1000x512xi1> to vector<1000x512xi32>
    %convert_element_type3A_92 = arith.sitofp %convert_element_type3A_91 : vector<1000x512xi32> to vector<1000x512xf32>
    %mul3A_93 = arith.mulf %concatenate3A, %convert_element_type3A_92 : vector<1000x512xf32>
    %dot_general3A_94 = arith.constant dense<0.000000e+00> : vector<512x64xf32>
    %dot_general3A_95 = tpu.matmul %mul3A_93, %get3A_3, %dot_general3A_94 {dimension_numbers = #tpu.dot_dimension_numbers<[0], [0], [1], [1], [0, 1, 1, 1], [], []>, transpose_lhs_hint = false} : vector<1000x512xf32>, vector<1000x64xf32>, vector<512x64xf32> -> vector<512x64xf32>
    %get3A_96 = arith.constant 0 : index
    %get3A_97 = arith.constant 0 : index
    %get3A_98 = vector.load %arg15[%get3A_96, %get3A_97] : memref<512x64xf32, #tpu.memory_space<vmem>>, vector<512x64xf32>
    %add3A_99 = arith.addf %get3A_98, %dot_general3A_95 : vector<512x64xf32>
    %swap3A_100 = arith.constant 0 : index
    %swap3A_101 = arith.constant 0 : index
    %swap3A_102 = vector.load %arg15[%swap3A_100, %swap3A_101] : memref<512x64xf32, #tpu.memory_space<vmem>>, vector<512x64xf32>
    tpu.vector_store %arg15[%swap3A_100, %swap3A_101], %add3A_99 {strides = array<i32>} : memref<512x64xf32, #tpu.memory_space<vmem>>, vector<512x64xf32>,
    %eq3A_103 = arith.constant 9 : i32
    %eq3A_104 = arith.cmpi eq, %arg0, %eq3A_103 : i32
    %convert_element_type3A_105 = arith.extui %eq3A_104 : i1 to i32
    %cond3A_106 = arith.constant 0 : i32
    %cond3A_107 = arith.cmpi ne, %convert_element_type3A_105, %cond3A_106 : i32
    scf.if %cond3A_107 {
      %get3A_108 = arith.constant 0 : index
      %get3A_109 = arith.constant 0 : index
      %get3A_110 = vector.load %arg16[%get3A_108, %get3A_109] : memref<8x128xf32, #tpu.memory_space<vmem>>, vector<1x32xf32>
      %div3A_111 = arith.constant 1.000000e+04 : f32
      %div3A_112 = vector.broadcast %div3A_111 : f32 to vector<1x32xf32>
      %div3A_113 = arith.divf %get3A_110, %div3A_112 : vector<1x32xf32>
      %add3A_114 = arith.constant 9.99999971E-10 : f32
      %add3A_115 = vector.broadcast %add3A_114 : f32 to vector<1x32xf32>
      %add3A_116 = arith.addf %div3A_113, %add3A_115 : vector<1x32xf32>
      %log3A_117 = math.log %add3A_116 : vector<1x32xf32>
      %mul3A_118 = arith.mulf %div3A_113, %log3A_117 : vector<1x32xf32>
      %reduce_sum3A_119 = vector.shape_cast %mul3A_118 : vector<1x32xf32> to vector<1x1x32xf32>
      %reduce_sum3A_120 = arith.constant dense<0.000000e+00> : vector<1xf32>
      %reduce_sum3A_121 = vector.multi_reduction <add>, %reduce_sum3A_119, %reduce_sum3A_120 [1, 2] : vector<1x1x32xf32> to vector<1xf32>
      %reduce_sum3A_122 = vector.shape_cast %reduce_sum3A_121 : vector<1xf32> to vector<1x1x1xf32>
      %reduce_sum3A_123 = vector.extract %reduce_sum3A_122[0, 0, 0] : f32 from vector<1x1x1xf32>
      %reshape3A_124 = vector.broadcast %reduce_sum3A_123 : f32 to vector<1x1xf32>
      %get3A_125 = arith.constant 1 : index
      %get3A_126 = arith.constant 0 : index
      %get3A_127 = vector.load %arg16[%get3A_125, %get3A_126] : memref<8x128xf32, #tpu.memory_space<vmem>>, vector<1x1xf32>
      %neg3A = arith.constant 0.000000e+00 : f32
      %neg3A_128 = vector.broadcast %neg3A : f32 to vector<1x1xf32>
      %neg3A_129 = arith.subf %neg3A_128, %get3A_127 : vector<1x1xf32>
      %div3A_130 = arith.constant 1.000000e+04 : f32
      %div3A_131 = vector.broadcast %div3A_130 : f32 to vector<1x1xf32>
      %div3A_132 = arith.divf %neg3A_129, %div3A_131 : vector<1x1xf32>
      %add3A_133 = arith.addf %div3A_132, %reshape3A_124 : vector<1x1xf32>
      %swap3A_134 = arith.constant 0 : index
      %swap3A_135 = arith.constant 0 : index
      %swap3A_136 = vector.load %arg14[%swap3A_134, %swap3A_135] : memref<1x1xf32, #tpu.memory_space<vmem>>, vector<1x1xf32>
      tpu.vector_store %arg14[%swap3A_134, %swap3A_135], %add3A_133 {strides = array<i32>} : memref<1x1xf32, #tpu.memory_space<vmem>>, vector<1x1xf32>,
      %get3A_137 = arith.constant 0 : index
      %get3A_138 = arith.constant 0 : index
      %get3A_139 = vector.load %arg15[%get3A_137, %get3A_138] : memref<512x64xf32, #tpu.memory_space<vmem>>, vector<512x64xf32>
      %get3A_140 = arith.constant 0 : index
      %get3A_141 = arith.constant 0 : index
      %get3A_142 = vector.load %arg8[%get3A_140, %get3A_141] : memref<64x64xf32, #tpu.memory_space<vmem>>, vector<64x64xf32>
      %dot_general3A_143 = arith.constant dense<0.000000e+00> : vector<512x64xf32>
      %dot_general3A_144 = tpu.matmul %get3A_139, %get3A_142, %dot_general3A_143 {dimension_numbers = #tpu.dot_dimension_numbers<[1], [0], [0], [1], [0, 0, 1, 1], [], []>, transpose_lhs_hint = false} : vector<512x64xf32>, vector<64x64xf32>, vector<512x64xf32> -> vector<512x64xf32>
      %get3A_145 = arith.constant 0 : index
      %get3A_146 = arith.constant 0 : index
      %get3A_147 = vector.load %arg9[%get3A_145, %get3A_146] : memref<1x64xf32, #tpu.memory_space<vmem>>, vector<1x64xf32>
      %add3A_148 = vector.broadcast %get3A_147 : vector<1x64xf32> to vector<512x64xf32>
      %add3A_149 = arith.addf %dot_general3A_144, %add3A_148 : vector<512x64xf32>
      %max3A_150 = arith.constant 0.000000e+00 : f32
      %max3A_151 = vector.broadcast %max3A_150 : f32 to vector<512x64xf32>
      %max3A_152 = arith.maximumf %add3A_149, %max3A_151 : vector<512x64xf32>
      %get3A_153 = arith.constant 0 : index
      %get3A_154 = arith.constant 0 : index
      %get3A_155 = vector.load %arg10[%get3A_153, %get3A_154] : memref<64x64xf32, #tpu.memory_space<vmem>>, vector<64x64xf32>
      %dot_general3A_156 = arith.constant dense<0.000000e+00> : vector<512x64xf32>
      %dot_general3A_157 = tpu.matmul %max3A_152, %get3A_155, %dot_general3A_156 {dimension_numbers = #tpu.dot_dimension_numbers<[1], [0], [0], [1], [0, 0, 1, 1], [], []>, transpose_lhs_hint = false} : vector<512x64xf32>, vector<64x64xf32>, vector<512x64xf32> -> vector<512x64xf32>
      %get3A_158 = arith.constant 0 : index
      %get3A_159 = arith.constant 0 : index
      %get3A_160 = vector.load %arg11[%get3A_158, %get3A_159] : memref<1x64xf32, #tpu.memory_space<vmem>>, vector<1x64xf32>
      %add3A_161 = vector.broadcast %get3A_160 : vector<1x64xf32> to vector<512x64xf32>
      %add3A_162 = arith.addf %dot_general3A_157, %add3A_161 : vector<512x64xf32>
      %swap3A_163 = arith.constant 0 : index
      %swap3A_164 = arith.constant 0 : index
      %swap3A_165 = vector.load %arg13[%swap3A_163, %swap3A_164] : memref<512x64xf32, #tpu.memory_space<vmem>>, vector<512x64xf32>
      tpu.vector_store %arg13[%swap3A_163, %swap3A_164], %add3A_162 {strides = array<i32>} : memref<512x64xf32, #tpu.memory_space<vmem>>, vector<512x64xf32>,
    } else {
    }
    return
  }
  func.func @transform_0(%arg0: i32) -> (i32, i32) {
    %c0_i32 = arith.constant 0 : i32
    %c0_i32_0 = arith.constant 0 : i32
    return %arg0, %c0_i32 : i32, i32
  }
  func.func @transform_1(%arg0: i32) -> (i32, i32) {
    %c0_i32 = arith.constant 0 : i32
    %c0_i32_0 = arith.constant 0 : i32
    return %arg0, %c0_i32 : i32, i32
  }
  func.func @transform_2(%arg0: i32) -> (i32, i32) {
    %c0_i32 = arith.constant 0 : i32
    %c0_i32_0 = arith.constant 0 : i32
    return %arg0, %c0_i32 : i32, i32
  }
  func.func @transform_3(%arg0: i32) -> (i32, i32) {
    %c0_i32 = arith.constant 0 : i32
    %c0_i32_0 = arith.constant 0 : i32
    %c0_i32_1 = arith.constant 0 : i32
    return %c0_i32, %c0_i32_0 : i32, i32
  }
  func.func @transform_4(%arg0: i32) -> (i32, i32) {
    %c0_i32 = arith.constant 0 : i32
    %c0_i32_0 = arith.constant 0 : i32
    %c0_i32_1 = arith.constant 0 : i32
    return %c0_i32, %c0_i32_0 : i32, i32
  }
  func.func @transform_5(%arg0: i32) -> (i32, i32) {
    %c0_i32 = arith.constant 0 : i32
    %c0_i32_0 = arith.constant 0 : i32
    %c0_i32_1 = arith.constant 0 : i32
    return %c0_i32, %c0_i32_0 : i32, i32
  }
  func.func @transform_6(%arg0: i32) -> (i32, i32) {
    %c0_i32 = arith.constant 0 : i32
    %c0_i32_0 = arith.constant 0 : i32
    %c0_i32_1 = arith.constant 0 : i32
    return %c0_i32, %c0_i32_0 : i32, i32
  }
  func.func @transform_7(%arg0: i32) -> (i32, i32) {
    %c0_i32 = arith.constant 0 : i32
    %c0_i32_0 = arith.constant 0 : i32
    %c0_i32_1 = arith.constant 0 : i32
    return %c0_i32, %c0_i32_0 : i32, i32
  }
  func.func @transform_8(%arg0: i32) -> (i32, i32) {
    %c0_i32 = arith.constant 0 : i32
    %c0_i32_0 = arith.constant 0 : i32
    %c0_i32_1 = arith.constant 0 : i32
    return %c0_i32, %c0_i32_0 : i32, i32
  }
  func.func @transform_9(%arg0: i32) -> (i32, i32) {
    %c0_i32 = arith.constant 0 : i32
    %c0_i32_0 = arith.constant 0 : i32
    %c0_i32_1 = arith.constant 0 : i32
    return %c0_i32, %c0_i32_0 : i32, i32
  }
  func.func @transform_10(%arg0: i32) -> (i32, i32) {
    %c0_i32 = arith.constant 0 : i32
    %c0_i32_0 = arith.constant 0 : i32
    %c0_i32_1 = arith.constant 0 : i32
    return %c0_i32, %c0_i32_0 : i32, i32
  }
  func.func @transform_11(%arg0: i32) -> (i32, i32) {
    %c0_i32 = arith.constant 0 : i32
    %c0_i32_0 = arith.constant 0 : i32
    return %arg0, %c0_i32 : i32, i32
  }
  func.func @transform_12(%arg0: i32) -> (i32, i32) {
    %c0_i32 = arith.constant 0 : i32
    %c0_i32_0 = arith.constant 0 : i32
    %c0_i32_1 = arith.constant 0 : i32
    return %c0_i32, %c0_i32_0 : i32, i32
  }
  func.func @transform_13(%arg0: i32) -> (i32, i32) {
    %c0_i32 = arith.constant 0 : i32
    %c0_i32_0 = arith.constant 0 : i32
    %c0_i32_1 = arith.constant 0 : i32
    return %c0_i32, %c0_i32_0 : i32, i32
  }
}

</mosaic_0001>

<sc_bundles>
// kernel: kernel.13.cloned.1.call-start
scs
__scs_entry_jumppad:
0x0: {  	(pc) =	sbr.rel $0x88, $3  }
0x1: {  	(tag) =	ssettag $0x0;
	lr =	simm.s32 $0x1  }
0x2: {  	[smem:$0x3F88] =	sst lr;
	_ =	strace $0xD0000000  }
0x3: {  	_ = 	snop  }
0x4: {  	_ = 	snop  }
0x5: {  	_ = 	snop  }
0x6: {  	_ = 	snop  }
0x7: {  	_ = 	snop  }
__scs_overlays_trampoline_lowered:
0x8: {  	[smem:$0x3F97] =	sst s0  }
0x9: {  	[smem:$0x3F98] =	sst s1  }
0xa: {  	[smem:$0x3F99] =	sst s2  }
0xb: {  	[smem:$0x3F9A] =	sst s3  }
0xc: {  	[smem:$0x3F9B] =	sst s4  }
0xd: {  	[smem:$0x3F9C] =	sst s5  }
0xe: {  	[smem:$0x3F9D] =	sst s6  }
0xf: {  	[smem:$0x3F9E] =	sst s7  }
0x10: {  	[smem:$0x3F9F] =	sst s8  }
0x11: {  	[smem:$0x3FA0] =	sst s9;
	s0 =	simm.s32 @!p0 $0x0  }
0x12: {  	s1 =	sld [smem:$0x3F86];
	s0 =	simm.s32 @p0 $0x1  }
0x13: {  	[smem:$0x3FA1] =	sst s0;
	s0 =	simm.s32 @!p1 $0x0  }
0x14: {  	s2 =	sld [smem:$0x3F85];
	s0 =	simm.s32 @p1 $0x1  }
0x15: {  	[smem:$0x3FA2] =	sst s0;
	s0 =	simm.s32 @!p2 $0x0  }
0x16: {  	s3 =	sld [smem:$0x3FDB];
	s0 =	simm.s32 @p2 $0x1  }
0x17: {  	s4 =	simm.s32 $0x1BF5;
	[smem:$0x3FA4] =	sst s0  }
0x18: {  	s0 =	sld [smem:$0x3F87];
	_ =	swait.ge [sflag:s4], $0x0  }
0x19: {  	s7 =	sld [smem:$0x3F88]  }
0x1a: {  	s8 =	sadd.s32 $0xFFFFE003, lr  }
0x1b: {  	s9 =	sadd.s32 $0xFFFFFEF7, lr;
	s5 =	simm.s32 $0xFFFFFFFF;
	p2 =	slt.u32 s8, $0xFFFFF086  }
0x1c: {  	p1 =	slt.u32 s9, $0xF7A;
	s5 =	simm.s32 @!p2 $0x0  }
0x1d: {  	s5 =	simm.s32 @p1 $0x1;
	p0 =	seq.s32 s7, s2  }
0x1e: {  	s7 =	smul.u32 @!p0 $0xF7A, s2;
	p2 =	seq.s32 @!p0 s5, $0x0  }
0x1f: {  	s9 =	smul.u32 $0xF7A, s1;
	s8 =	simm.s32 @!p0 $0x1BF5;
	p2 =	por !p2, p0  }
0x20: {  	[sflag:s8] =	ssyncset.s32 @!p0 $0xFFFFF086;
	s6 =	sadd.s32 @!p0 s3, s7;
	s7 =	simm.s32 @!p0 $0x108  }
0x21: {  	s3 =	sadd.s32 s3, s9;
	s6 =	sadd.s32 @!p0 $0x88, s6;
	s7 =	simm.s32 @p2 $0x1082  }
0x22: {  	[simem:s7], [sflag:s8] =	dma.local @!p0 [hbm:s6], $0xF7A  }
0x23: {  	s9 =	sor.u32 $0xD0000000, s2;
	s6 =	simm.s32 $0x108;
	_ =	swait.ge @!p0 [sflag:s8], $0x0  }
0x24: {  	s3 =	sadd.s32 $0x88, s3;
	s6 =	simm.s32 @!p1 $0x1082;
	[sflag:s4] =	ssyncset.s32 $0xFFFFF086  }
0x25: {  	[simem:s6], [sflag:s4] =	dma.local [hbm:s3], $0xF7A  }
0x26: {  	[smem:$0x3F88] =	sst s1;
	(tag) =	ssettag s2;
	_ =	strace s9  }
0x27: {  	s1 =	sld [smem:$0x3F98]  }
0x28: {  	s2 =	sld [smem:$0x3F99]  }
0x29: {  	s4 =	sld [smem:$0x3F9B]  }
0x2a: {  	p0 =	seq.s32 s5, $0x0;
	s5 =	sld [smem:$0x3F9C]  }
0x2b: {  	s6 =	sld [smem:$0x3F9D]  }
0x2c: {  	s7 =	sld [smem:$0x3F9E]  }
0x2d: {  	s3 =	simm.s32 $0x108;
	s8 =	sld [smem:$0x3F9F]  }
0x2e: {  	s3 =	simm.s32 @!p0 $0x1082;
	s9 =	sld [smem:$0x3FA0]  }
0x2f: {  	lr =	sadd.s32 s0, s3;
	s0 =	sld [smem:$0x3F97]  }
0x30: {  	s3 =	sld [smem:$0x3F9A]  }
0x31: {  	[smem:$0x3FA3] =	sst s10  }
0x32: {  	s10 =	sld [smem:$0x3FA1];
	_ =	sdelay $0x3  }
0x33: {  	p0 =	seq.s32 s10, $0x1;
	s10 =	sld [smem:$0x3FA3];
	_ =	sdelay $0x3  }
0x34: {  	[smem:$0x3FA3] =	sst s10  }
0x35: {  	s10 =	sld [smem:$0x3FA2];
	_ =	sdelay $0x3  }
0x36: {  	p1 =	seq.s32 s10, $0x1;
	s10 =	sld [smem:$0x3FA3];
	_ =	sdelay $0x3  }
0x37: {  	[smem:$0x3FA3] =	sst s10  }
0x38: {  	s10 =	sld [smem:$0x3FA4]  }
0x39: {  	_ = 	snop;
	(pc) =	sbr.ind lr, $3  }
0x3a: {  	_ = 	snop  }
0x3b: {  	_ = 	snop  }
0x3c: {  	p2 =	seq.s32 s10, $0x1;
	s10 =	sld [smem:$0x3FA3]  }
0x3d: {  	_ =	shalt  }
0x3e: {  	_ =	shalt  }
0x3f: {  	_ =	shalt  }
0x40: {  	_ =	shalt  }
0x41: {  	_ =	shalt  }
0x42: {  	_ =	shalt  }
0x43: {  	_ =	shalt  }
0x44: {  	_ =	shalt  }
0x45: {  	_ =	shalt  }
0x46: {  	_ =	shalt  }
0x47: {  	_ =	shalt  }
0x48: {  	_ =	shalt  }
0x49: {  	_ =	shalt  }
0x4a: {  	_ =	shalt  }
0x4b: {  	_ =	shalt  }
0x4c: {  	_ =	shalt  }
0x4d: {  	_ =	shalt  }
0x4e: {  	_ =	shalt  }
0x4f: {  	_ =	shalt  }
0x50: {  	_ =	shalt  }
0x51: {  	_ =	shalt  }
0x52: {  	_ =	shalt  }
0x53: {  	_ =	shalt  }
0x54: {  	_ =	shalt  }
0x55: {  	_ =	shalt  }
0x56: {  	_ =	shalt  }
0x57: {  	_ =	shalt  }
0x58: {  	_ =	shalt  }
0x59: {  	_ =	shalt  }
0x5a: {  	_ =	shalt  }
0x5b: {  	_ =	shalt  }
0x5c: {  	_ =	shalt  }
0x5d: {  	_ =	shalt  }
0x5e: {  	_ =	shalt  }
0x5f: {  	_ =	shalt  }
0x60: {  	_ =	shalt  }
0x61: {  	_ =	shalt  }
0x62: {  	_ =	shalt  }
0x63: {  	_ =	shalt  }
0x64: {  	_ =	shalt  }
0x65: {  	_ =	shalt  }
0x66: {  	_ =	shalt  }
0x67: {  	_ =	shalt  }
0x68: {  	_ =	shalt  }
0x69: {  	_ =	shalt  }
0x6a: {  	_ =	shalt  }
0x6b: {  	_ =	shalt  }
0x6c: {  	_ =	shalt  }
0x6d: {  	_ =	shalt  }
0x6e: {  	_ =	shalt  }
0x6f: {  	_ =	shalt  }
0x70: {  	_ =	shalt  }
0x71: {  	_ =	shalt  }
0x72: {  	_ =	shalt  }
0x73: {  	_ =	shalt  }
0x74: {  	_ =	shalt  }
0x75: {  	_ =	shalt  }
0x76: {  	_ =	shalt  }
0x77: {  	_ =	shalt  }
0x78: {  	_ =	shalt  }
0x79: {  	_ =	shalt  }
0x7a: {  	_ =	shalt  }
0x7b: {  	_ =	shalt  }
0x7c: {  	_ =	shalt  }
0x7d: {  	_ =	shalt  }
0x7e: {  	_ =	shalt  }
0x7f: {  	_ =	shalt  }
0x80: {  	_ =	shalt  }
0x81: {  	_ =	shalt  }
0x82: {  	_ =	shalt  }
0x83: {  	_ =	shalt  }
0x84: {  	_ =	shalt  }
0x85: {  	_ =	shalt  }
0x86: {  	_ =	shalt  }
0x87: {  	_ =	shalt  }
.Lfunc_end0:
.L_simem_size_0:
called_computation_lowered:
.L_overlay_start_0:
0x88: {  	s2 =	sld [smem:$0x3FD9]  }
0x89: {  	s3 =	sld [smem:$0x3FFE];
	_ =	sdelay $0x1  }
0x8a: {  	s1 =	srdreg.scid  }
0x8b: {  	s0 =	sand.u32 $0x1, s1  }
0x8c: {  	s14 =	sshll.u32 s0, $0xA;
	s2 =	sadd.s32 s3, s2  }
0x8d: {  	s2 =	sadd.s32 s2, s14  }
0x8e: {  	[smem:$0x3FAF] =	sst s2  }
0x8f: {  	_ = 	snop  }
0x90: {  	s2 =	sld [smem:$0x3FD0];
	_ =	sdelay $0x2  }
0x91: {  	s15 =	simm.s32 $0xA;
	s4 =	simm.s32 $0x10  }
0x92: {  	[smem:s4], [sflag:s15] =	dma.local [hbm:s2], $0x1  }
0x93: {  	_ =	swait.eq [sflag:s15], $0x1  }
0x94: {  	[sflag:s15] =	ssyncset.done $0x0  }
0x95: {  	[sflag:s15] =	ssyncadd.s32 $0xFFFFFFFF  }
0x96: {  	s16 =	sld [smem:$0x11];
	(tm) =	ssettm $0x1  }
0x97: {  	s17 =	sld [smem:$0x3FFB];
	_ =	sdelay $0x3  }
0x98: {  	_ =	strace s17  }
0x99: {  	s3 =	sld [smem:$0x3FFC];
	_ =	sdelay $0x3  }
0x9a: {  	_ =	strace s3  }
0x9b: {  	s3 =	sld [smem:$0x3FFD];
	_ =	sdelay $0x3  }
0x9c: {  	_ =	strace s3  }
0x9d: {  	_ =	strace $0x8FFFFFFF  }
0x9e: {  	s18 =	sld [smem:$0x3FDB];
	_ =	sdelay $0x1  }
0x9f: {  	s19 =	simm.s32 $_scs_section_size  }
0xa0: {  	s5 =	simm.s32 $_size__tile_overlayer_lowered;
	s6 =	simm.s32 $_tile_overlayer_lowered  }
0xa1: {  	s22 =	simm.s32 $0x1BFF;
	s21 =	sshll.u32 s6, $0x1;
	s3 =	sadd.s32 s19, s18  }
0xa2: {  	s7 =	simm.s32 $0x0;
	s20 =	sshll.u32 s5, $0x1;
	s5 =	sadd.s32 s21, s3  }
0xa3: {  	[timem:s7], [sflag:s22] =	dma.local [hbm:s5], s20  }
0xa4: {  	_ =	swait.ge [sflag:s22], s20  }
0xa5: {  	s4 =	ssub.s32 $0x0, s20;
	[sflag:s22] =	ssyncset.done $0x0  }
0xa6: {  	[sflag:s22] =	ssyncadd.s32 s4;
	_ =	sdelay $0x1  }
0xa7: {  	s23 =	simm.s32 $0x1B8B  }
0xa8: {  	_ =	swait.ge [sflag:s23], $0x1  }
0xa9: {  	[sflag:s23] =	ssyncset.done $0x0  }
0xaa: {  	s25 =	simm.s32 $0x1B8E;
	s24 =	sld [smem:$0x3FFE];
	[sflag:s23] =	ssyncadd.s32 $0xFFFFFFFF  }
0xab: {  	s26 =	simm.s32 $execute0_lowered;
	[smem:$0x3FD2] =	sst s25  }
0xac: {  	s5 =	sshll.u32 s26, $0x1;
	_ =	strace $0x80000046;
	[dreg:$0x1] =	wrdreg $0xFFFFFFFF  }
0xad: {  	s28 =	simm.s32 $_size_execute0_lowered;
	s3 =	sadd.s32 s3, s5;
	[dreg:$0x0] =	wrdreg $0x0  }
0xae: {  	s5 =	sshll.u32 s28, $0x1;
	[dreg:$0x2] =	wrdreg s3  }
0xaf: {  	[dreg:$0x3] =	wrdreg s5  }
0xb0: {  	[dreg:$0x4] =	wrdreg $0xC0  }
0xb1: {  	_ =	task [dreg:s7], $0x5FFFF  }
0xb2: {  	[dreg:$0x1] =	wrdreg $0xFFFFFFFF  }
0xb3: {  	[dreg:$0x0] =	wrdreg $0x60  }
0xb4: {  	[dreg:$0x2] =	wrdreg s24  }
0xb5: {  	[dreg:$0x3] =	wrdreg s16  }
0xb6: {  	[dreg:$0x4] =	wrdreg $0x9  }
0xb7: {  	_ =	task.clear_ibuf [dreg:s7], $0x5FFFF;
	_ =	strace $0x90000046  }
0xb8: {  	s29 =	simm.s32 $0x9;
	_ =	strace $0x80000048  }
0xb9: {  	_ =	swait.ge [sflag:s29], $0x1  }
0xba: {  	[sflag:s29] =	ssyncadd.s32 $0xFFFFFFFF  }
0xbb: {  	_ =	strace $0x90000048  }
0xbc: {  	_ =	sfence  }
0xbd: {  	s30 =	sld [smem:$0x0];
	_ =	sdelay $0x2  }
0xbe: {  	s31 =	sshll.u32 s1, $0xD;
	s1 =	sshrl.u32 s1, $0x2  }
0xbf: {  	s3 =	sand.u32 $0x4000, s31;
	s1 =	sadd.s32 s1, s30  }
0xc0: {  	s0 =	sor.u32 s3, s0;
	s1 =	sshll.u32 s1, $0x11  }
0xc1: {  	s0 =	sor.u32 s1, s0  }
0xc2: {  	s0 =	sadd.s32 $0x8F2B, s0  }
0xc3: {  	[sflag:s0] =	ssyncadd.remote.s32 $0x1  }
0xc4: {  	_ =	sfence.sel $0xFFFF  }
0xc5: {  	[dreg:$0x0] =	wrdreg $0xFFFFFFFF;
	(pc) =	sbr.abs _section_cstart, $3  }
0xc6: {  	[dreg:$0x1] =	wrdreg $0xFFFFFFFF  }
0xc7: {  	_ =	task.clear_ibuf [dreg:s7], $0x2FFFF;
	_ =	strace $0x9FFFFFFF  }
0xc8: {  	(tm) =	ssettm $0x7FFFFFFF  }
0xc9: {  	_ =	shalt  }
tec
execute0_lowered:
.L_overlay_start_1:
0x0: {  	(tag) =	ssettag $0x1  }
0x1: {  	s0 =	rddreg [dreg:$0x0]  }
0x2: {  	s1 =	rddreg [dreg:$0x1];
	s13 =	stileid.u32  }
0x3: {  	s2 =	simm.s32 $0x0;
	s6 =	srdreg.scid;
	s5 =	smul.u32 $0x9C4, s13  }
0x4: {  	s30 =	simm.s32 $0x13;
	s31 =	simm.s32 $0xF;
	s7 =	smul.u32 $0x27100, s13  }
0x5: {  	[smem:$0x7FF] =	sst s2;
	s6 =	sand.u32 $0x1, s6;
	s13 =	smul.u32 $0x138800, s13  }
0x6: {  	s3 =	sadd.s32 $0xF400, s0;
	s4 =	sadd.s32 $0x22E00, s0;
	s10 =	smul.u32 $0x13880, s6  }
0x7: {  	s11 =	sadd.s32 $0x36800, s0;
	_ =	strace $0x80000047;
	s14 =	smul.u32 $0x9C400, s6  }
0x8: {  	s9 =	ssub.s32 $0x2, s6;
	s20 =	smul.u32 $0x4E2, s6;
	s8 =	sadd.s32 s5, s0  }
0x9: {  	s12 =	sshrl.u32 s9, $0x1;
	s18 =	sadd.s32 s7, s11;
	s0 =	sadd.s32 $0x2A7800, s0  }
0xa: {  	s1 =	sadd.s32 s5, s1;
	s9 =	ssub.s32 s9, s12;
	s19 =	sadd.s32 s10, s18  }
0xb: {  	s7 =	sadd.s32 s7, s0;
	s13 =	sadd.s32 s14, s13;
	s23 =	sadd.s32 s20, s8  }
0xc: {  	s18 =	simm.s32 $0x190;
	s12 =	simm.s32 $0x1;
	s9 =	smax.u32 s9, $0x1  }
0xd: {  	[dreg:$0x3] =	wrdreg s19;
	s21 =	sadd.s32 s10, s7;
	s22 =	sadd.s32 $0x5000, s13  }
0xe: {  	s6 =	sadd.s32 $0x5600, s23;
	s25 =	sadd.s32 $0x3C00, s13;
	[dreg:$0xd] =	wrdreg s18  }
0xf: {  	s29 =	sadd.s32 $0x2800, s13;
	s14 =	sadd.s32 $0x1400, s13;
	[dreg:$0x18] =	wrdreg s9  }
0x10: {  	s19 =	simm.s32 $0x140;
	s13 =	simm.s32 $0x6;
	[dreg:$0x4] =	wrdreg s21  }
0x11: {  	s23 =	simm.s32 $0x1720;
	s18 =	simm.s32 $0x4;
	[dreg:$0xe] =	wrdreg s19  }
0x12: {  	s7 =	sshrl.u32 s22, $0x3;
	s21 =	simm.s32 $0x320;
	[dreg:$0x12] =	wrdreg s23  }
0x13: {  	s26 =	sshrl.u32 s25, $0x3;
	s22 =	simm.s32 $0x6720;
	[dreg:$0x10] =	wrdreg s21  }
0x14: {  	s9 =	sshrl.u32 s29, $0x3;
	s25 =	simm.s32 $0x2B20;
	[dreg:$0x11] =	wrdreg s22  }
0x15: {  	s16 =	sshrl.u32 s14, $0x3;
	s29 =	simm.s32 $0xA320;
	[dreg:$0x14] =	wrdreg s25  }
0x16: {  	s14 =	simm.s32 $0x2;
	s24 =	sadd.s32 s7, s0;
	[dreg:$0x17] =	wrdreg s29  }
0x17: {  	s19 =	simm.s32 $0x9;
	s7 =	sadd.s32 s7, s11;
	[dreg:$0x5] =	wrdreg s24  }
0x18: {  	s28 =	sadd.s32 s26, s0;
	s8 =	sadd.s32 s26, s11;
	[dreg:$0x6] =	wrdreg s7  }
0x19: {  	s10 =	sadd.s32 s9, s0;
	s15 =	sadd.s32 s9, s11;
	[dreg:$0x7] =	wrdreg s28  }
0x1a: {  	s0 =	sadd.s32 s16, s0;
	s17 =	sadd.s32 s16, s11;
	[dreg:$0x8] =	wrdreg s8  }
0x1b: {  	s9 =	simm.s32 $0x50;
	s11 =	simm.s32 $0xB720;
	[dreg:$0x9] =	wrdreg s10  }
0x1c: {  	s16 =	simm.s32 $0x3;
	s26 =	simm.s32 $0x8F20;
	[dreg:$0xa] =	wrdreg s15  }
0x1d: {  	s21 =	simm.s32 $0xA;
	s7 =	sadd.s32 s20, s1;
	[dreg:$0xb] =	wrdreg s0  }
0x1e: {  	[dreg:$0xc] =	wrdreg s17;
	s8 =	simm.s32 $0x15;
	s10 =	simm.s32 $0x5320  }
0x1f: {  	s20 =	simm.s32 $0x2D0;
	s24 =	simm.s32 $0x7B20;
	[dreg:$0x15] =	wrdreg s26  }
0x20: {  	s15 =	simm.s32 $0x7;
	s17 =	simm.s32 $0x8;
	[dreg:$0xf] =	wrdreg s20  }
0x21: {  	s28 =	simm.s32 $0x3F20;
	s0 =	simm.s32 $0x14;
	[dreg:$0x13] =	wrdreg s24  }
0x22: {  	s1 =	simm.s32 $0x0;
	[dreg:$0x16] =	wrdreg s28;
	s20 =	simm.s32 $0x5  }
.LBB2_1:
0x23: {  	[tilespmem:s2], [sflag:$0x15] =	stream.linear.gather [hbm4b:s6+s2], $0x190, $0x38;
	[tilespmem:$0xCB20] =	vst v63  }
0x24: {  	_ =	swait.ge [sflag:s8], $0x190  }
0x25: {  	[sflag:s8] =	ssyncset.done $0x0  }
0x26: {  	s5 =	rddreg [dreg:$0xd];
	[sflag:s8] =	ssyncadd.s32 $0xFFFFFE70  }
0x27: {  	[tilespmem:s5], [sflag:$0x15] =	stream.linear.gather [hbm4b:s7+s2], $0x190, $0x38;
	[tilespmem:$0xCB20] =	vst v63  }
0x28: {  	_ =	swait.ge [sflag:s8], $0x190  }
0x29: {  	p0 =	por $0x0, $0x0;
	[sflag:s8] =	ssyncset.done $0x0  }
0x2a: {  	s5 =	simm.s32 @p0 $0xB;
	[sflag:s8] =	ssyncadd.s32 $0xFFFFFE70  }
0x2b: {  	_ =	swait.ge @p0 [sflag:s5], $0x1400  }
0x2c: {  	[sflag:s5] =	ssyncset.done @p0 $0x0  }
0x2d: {  	[sflag:s5] =	ssyncadd.s32 @p0 $0xFFFFEC00;
	s5 =	simm.s32 @p0 $0x10  }
0x2e: {  	_ =	swait.ge @p0 [sflag:s5], $0x1400  }
0x2f: {  	s22 =	simm.s32 @p0 $0x320;
	[sflag:s5] =	ssyncset.done @p0 $0x0  }
0x30: {  	s23 =	simm.s32 @p0 $0x0;
	[sflag:s5] =	ssyncadd.s32 @p0 $0xFFFFEC00;
	s5 =	simm.s32 @p0 $0x50  }
0x31: {  	[tilespmem:s22], [sflag:$0x1] =	stream.indirect.gather @p0 [hbm4b:s3+s5], $0x40, s23, s5, $0xb8;
	[tilespmem:$0xCB20] =	vst v63  }
0x32: {  	s24 =	simm.s32 @p0 $0xC;
	s22 =	simm.s32 @p0 $0x190;
	s23 =	simm.s32 @p0 $0x6720  }
0x33: {  	[tilespmem:s23], [sflag:$0x6] =	stream.indirect.gather @p0 [hbm4b:s4+s5], $0x40, s22, s5, $0xb8;
	[tilespmem:$0xCB20] =	vst v63  }
0x34: {  	_ =	swait.ge @p0 [sflag:s24], $0x1400  }
0x35: {  	[sflag:s24] =	ssyncset.done @p0 $0x0  }
0x36: {  	s22 =	simm.s32 @p0 $0x11;
	[sflag:s24] =	ssyncadd.s32 @p0 $0xFFFFEC00  }
0x37: {  	_ =	swait.ge @p0 [sflag:s22], $0x1400  }
0x38: {  	[sflag:s22] =	ssyncset.done @p0 $0x0  }
0x39: {  	[sflag:s22] =	ssyncadd.s32 @p0 $0xFFFFEC00;
	s22 =	simm.s32 @p0 $0x1720  }
0x3a: {  	[tilespmem:s22], [sflag:$0x2] =	stream.indirect.gather @p0 [hbm4b:s3+s5], $0x40, s5, s5, $0xb8;
	[tilespmem:$0xCB20] =	vst v63  }
0x3b: {  	s23 =	simm.s32 @p0 $0x7B20;
	s24 =	simm.s32 @p0 $0xD;
	s22 =	simm.s32 @p0 $0x1E0  }
0x3c: {  	[tilespmem:s23], [sflag:$0x7] =	stream.indirect.gather @p0 [hbm4b:s4+s5], $0x40, s22, s5, $0xb8;
	[tilespmem:$0xCB20] =	vst v63  }
0x3d: {  	_ =	swait.ge @p0 [sflag:s24], $0x1400  }
0x3e: {  	[sflag:s24] =	ssyncset.done @p0 $0x0  }
0x3f: {  	s22 =	simm.s32 @p0 $0x12;
	[sflag:s24] =	ssyncadd.s32 @p0 $0xFFFFEC00  }
0x40: {  	_ =	swait.ge @p0 [sflag:s22], $0x1400  }
0x41: {  	[sflag:s22] =	ssyncset.done @p0 $0x0  }
0x42: {  	s23 =	simm.s32 @p0 $0x2B20;
	[sflag:s22] =	ssyncadd.s32 @p0 $0xFFFFEC00;
	s22 =	simm.s32 @p0 $0xA0  }
0x43: {  	[tilespmem:s23], [sflag:$0x3] =	stream.indirect.gather @p0 [hbm4b:s3+s5], $0x40, s22, s5, $0xb8;
	[tilespmem:$0xCB20] =	vst v63  }
0x44: {  	s24 =	simm.s32 @p0 $0xE;
	s22 =	simm.s32 @p0 $0x230;
	s23 =	simm.s32 @p0 $0x8F20  }
0x45: {  	[tilespmem:s23], [sflag:$0x8] =	stream.indirect.gather @p0 [hbm4b:s4+s5], $0x40, s22, s5, $0xb8;
	[tilespmem:$0xCB20] =	vst v63  }
0x46: {  	_ =	swait.ge @p0 [sflag:s24], $0x1400  }
0x47: {  	[sflag:s24] =	ssyncset.done @p0 $0x0  }
0x48: {  	s22 =	simm.s32 @p0 $0x13;
	[sflag:s24] =	ssyncadd.s32 @p0 $0xFFFFEC00  }
0x49: {  	_ =	swait.ge @p0 [sflag:s22], $0x1400  }
0x4a: {  	[sflag:s22] =	ssyncset.done @p0 $0x0  }
0x4b: {  	s23 =	simm.s32 @p0 $0x3F20;
	[sflag:s22] =	ssyncadd.s32 @p0 $0xFFFFEC00;
	s22 =	simm.s32 @p0 $0xF0  }
0x4c: {  	[tilespmem:s23], [sflag:$0x4] =	stream.indirect.gather @p0 [hbm4b:s3+s5], $0x40, s22, s5, $0xb8;
	[tilespmem:$0xCB20] =	vst v63  }
0x4d: {  	s24 =	simm.s32 @p0 $0xF;
	s22 =	simm.s32 @p0 $0x280;
	s23 =	simm.s32 @p0 $0xA320  }
0x4e: {  	[tilespmem:s23], [sflag:$0x9] =	stream.indirect.gather @p0 [hbm4b:s4+s5], $0x40, s22, s5, $0xb8;
	[tilespmem:$0xCB20] =	vst v63  }
0x4f: {  	_ =	swait.ge @p0 [sflag:s24], $0x1400  }
0x50: {  	[sflag:s24] =	ssyncset.done @p0 $0x0  }
0x51: {  	s5 =	simm.s32 @p0 $0x14;
	[sflag:s24] =	ssyncadd.s32 @p0 $0xFFFFEC00  }
0x52: {  	_ =	swait.ge @p0 [sflag:s5], $0x1400  }
0x53: {  	s22 =	simm.s32 @!p0 $0x320;
	[sflag:s5] =	ssyncset.done @p0 $0x0  }
0x54: {  	s23 =	simm.s32 @!p0 $0x0;
	[sflag:s5] =	ssyncadd.s32 @p0 $0xFFFFEC00;
	s5 =	simm.s32 @!p0 $0x50  }
0x55: {  	[tilespmem:s22], [sflag:$0x1] =	stream.indirect.gather @!p0 [hbm4b:s3+s5], $0x40, s23, s5, $0xb8;
	[tilespmem:$0xCB20] =	vst v63  }
0x56: {  	s22 =	simm.s32 @!p0 $0x190;
	s23 =	simm.s32 @!p0 $0x6720  }
0x57: {  	[tilespmem:s23], [sflag:$0x6] =	stream.indirect.gather @!p0 [hbm4b:s4+s5], $0x40, s22, s5, $0xb8;
	[tilespmem:$0xCB20] =	vst v63  }
0x58: {  	s22 =	simm.s32 @!p0 $0x1720  }
0x59: {  	[tilespmem:s22], [sflag:$0x2] =	stream.indirect.gather @!p0 [hbm4b:s3+s5], $0x40, s5, s5, $0xb8;
	[tilespmem:$0xCB20] =	vst v63  }
0x5a: {  	s23 =	simm.s32 @!p0 $0x7B20;
	s22 =	simm.s32 @!p0 $0x1E0  }
0x5b: {  	[tilespmem:s23], [sflag:$0x7] =	stream.indirect.gather @!p0 [hbm4b:s4+s5], $0x40, s22, s5, $0xb8;
	[tilespmem:$0xCB20] =	vst v63  }
0x5c: {  	s22 =	simm.s32 @!p0 $0xA0;
	s23 =	simm.s32 @!p0 $0x2B20  }
0x5d: {  	[tilespmem:s23], [sflag:$0x3] =	stream.indirect.gather @!p0 [hbm4b:s3+s5], $0x40, s22, s5, $0xb8;
	[tilespmem:$0xCB20] =	vst v63  }
0x5e: {  	s22 =	simm.s32 @!p0 $0x230;
	s23 =	simm.s32 @!p0 $0x8F20  }
0x5f: {  	[tilespmem:s23], [sflag:$0x8] =	stream.indirect.gather @!p0 [hbm4b:s4+s5], $0x40, s22, s5, $0xb8;
	[tilespmem:$0xCB20] =	vst v63  }
0x60: {  	s22 =	simm.s32 @!p0 $0xF0;
	s23 =	simm.s32 @!p0 $0x3F20  }
0x61: {  	[tilespmem:s23], [sflag:$0x4] =	stream.indirect.gather @!p0 [hbm4b:s3+s5], $0x40, s22, s5, $0xb8;
	[tilespmem:$0xCB20] =	vst v63  }
0x62: {  	s22 =	simm.s32 @!p0 $0x280;
	s23 =	simm.s32 @!p0 $0xA320  }
0x63: {  	[tilespmem:s23], [sflag:$0x9] =	stream.indirect.gather @!p0 [hbm4b:s4+s5], $0x40, s22, s5, $0xb8;
	[tilespmem:$0xCB20] =	vst v63  }
0x64: {  	s29 =	rddreg [dreg:$0xe]  }
0x65: {  	[tilespmem:s10], [sflag:$0x5] =	stream.indirect.gather [hbm4b:s3+s9], $0x40, s29, s9, $0xb8;
	[tilespmem:$0xCB20] =	vst v63  }
0x66: {  	s23 =	rddreg [dreg:$0xf]  }
0x67: {  	[tilespmem:s11], [sflag:$0xA] =	stream.indirect.gather [hbm4b:s4+s9], $0x40, s23, s9, $0xb8;
	[tilespmem:$0xCB20] =	vst v63  }
0x68: {  	_ =	swait.ge [sflag:s12], $0x1400  }
0x69: {  	[sflag:s12] =	ssyncset.done $0x0  }
0x6a: {  	[sflag:s12] =	ssyncadd.s32 $0xFFFFEC00  }
0x6b: {  	_ =	swait.ge [sflag:s13], $0x1400  }
0x6c: {  	s25 =	rddreg [dreg:$0x3]  }
0x6d: {  	s26 =	rddreg [dreg:$0x10];
	[sflag:s13] =	ssyncset.done $0x0  }
0x6e: {  	s28 =	rddreg [dreg:$0x4];
	[sflag:s13] =	ssyncadd.s32 $0xFFFFEC00;
	s5 =	sadd.s32 $0x0, s25  }
0x6f: {  	[hbm4b:s5+s2] =	stream.linear.scatter [tilespmem:s26], [sflag:$0xB], $0x1400, $0x38;
	[tilespmem:$0xCB20] =	vst v63  }
0x70: {  	s29 =	rddreg [dreg:$0x11];
	s23 =	sadd.s32 $0x0, s28  }
0x71: {  	[hbm4b:s23+s2] =	stream.linear.scatter [tilespmem:s29], [sflag:$0x10], $0x1400, $0x38;
	[tilespmem:$0xCB20] =	vst v63  }
0x72: {  	_ =	swait.ge [sflag:s14], $0x1400  }
0x73: {  	[sflag:s14] =	ssyncset.done $0x0  }
0x74: {  	[sflag:s14] =	ssyncadd.s32 $0xFFFFEC00  }
0x75: {  	_ =	swait.ge [sflag:s15], $0x1400  }
0x76: {  	s25 =	rddreg [dreg:$0xc]  }
0x77: {  	s26 =	rddreg [dreg:$0x12];
	[sflag:s15] =	ssyncset.done $0x0  }
0x78: {  	s28 =	rddreg [dreg:$0xb];
	[sflag:s15] =	ssyncadd.s32 $0xFFFFEC00;
	s5 =	sadd.s32 $0x0, s25  }
0x79: {  	[hbm4b:s5+s2] =	stream.linear.scatter [tilespmem:s26], [sflag:$0xC], $0x1400, $0x38;
	[tilespmem:$0xCB20] =	vst v63  }
0x7a: {  	s29 =	rddreg [dreg:$0x13];
	s23 =	sadd.s32 $0x0, s28  }
0x7b: {  	[hbm4b:s23+s2] =	stream.linear.scatter [tilespmem:s29], [sflag:$0x11], $0x1400, $0x38;
	[tilespmem:$0xCB20] =	vst v63  }
0x7c: {  	_ =	swait.ge [sflag:s16], $0x1400  }
0x7d: {  	[sflag:s16] =	ssyncset.done $0x0  }
0x7e: {  	[sflag:s16] =	ssyncadd.s32 $0xFFFFEC00  }
0x7f: {  	_ =	swait.ge [sflag:s17], $0x1400  }
0x80: {  	s24 =	rddreg [dreg:$0xa]  }
0x81: {  	s25 =	rddreg [dreg:$0x14];
	[sflag:s17] =	ssyncset.done $0x0  }
0x82: {  	s26 =	rddreg [dreg:$0x9];
	[sflag:s17] =	ssyncadd.s32 $0xFFFFEC00;
	s5 =	sadd.s32 $0x0, s24  }
0x83: {  	[hbm4b:s5+s2] =	stream.linear.scatter [tilespmem:s25], [sflag:$0xD], $0x1400, $0x38;
	[tilespmem:$0xCB20] =	vst v63  }
0x84: {  	s28 =	rddreg [dreg:$0x15];
	s29 =	sadd.s32 $0x0, s26  }
0x85: {  	[hbm4b:s29+s2] =	stream.linear.scatter [tilespmem:s28], [sflag:$0x12], $0x1400, $0x38;
	[tilespmem:$0xCB20] =	vst v63  }
0x86: {  	_ =	swait.ge [sflag:s18], $0x1400  }
0x87: {  	[sflag:s18] =	ssyncset.done $0x0  }
0x88: {  	[sflag:s18] =	ssyncadd.s32 $0xFFFFEC00  }
0x89: {  	_ =	swait.ge [sflag:s19], $0x1400  }
0x8a: {  	s22 =	rddreg [dreg:$0x8]  }
0x8b: {  	s23 =	rddreg [dreg:$0x16];
	[sflag:s19] =	ssyncset.done $0x0  }
0x8c: {  	s24 =	rddreg [dreg:$0x7];
	[sflag:s19] =	ssyncadd.s32 $0xFFFFEC00;
	s5 =	sadd.s32 $0x0, s22  }
0x8d: {  	[hbm4b:s5+s2] =	stream.linear.scatter [tilespmem:s23], [sflag:$0xE], $0x1400, $0x38;
	[tilespmem:$0xCB20] =	vst v63  }
0x8e: {  	s25 =	rddreg [dreg:$0x17];
	s26 =	sadd.s32 $0x0, s24  }
0x8f: {  	[hbm4b:s26+s2] =	stream.linear.scatter [tilespmem:s25], [sflag:$0x13], $0x1400, $0x38;
	[tilespmem:$0xCB20] =	vst v63  }
0x90: {  	_ =	swait.ge [sflag:s20], $0x1400  }
0x91: {  	[sflag:s20] =	ssyncset.done $0x0  }
0x92: {  	[sflag:s20] =	ssyncadd.s32 $0xFFFFEC00  }
0x93: {  	_ =	swait.ge [sflag:s21], $0x1400  }
0x94: {  	s22 =	sadd.s32 $0x32, s6;
	s28 =	rddreg [dreg:$0x6];
	[sflag:s21] =	ssyncset.done $0x0  }
0x95: {  	s29 =	rddreg [dreg:$0x5];
	[sflag:s21] =	ssyncadd.s32 $0xFFFFEC00;
	s5 =	sadd.s32 $0x0, s28  }
0x96: {  	[hbm4b:s5+s2] =	stream.linear.scatter [tilespmem:s10], [sflag:$0xF], $0x1400, $0x38;
	[tilespmem:$0xCB20] =	vst v63  }
0x97: {  	s23 =	sadd.s32 $0x32, s7;
	s24 =	sadd.s32 $0x0, s29;
	s5 =	simm.s32 $0xC80  }
.LBB2_2:
0x98: {  	[hbm4b:s24+s2] =	stream.linear.scatter [tilespmem:s11], [sflag:$0x14], $0x1400, $0x38;
	[tilespmem:$0xCB20] =	vst v63  }
0x99: {  	_ = 	snop  }
0x9a: {  	[tilespmem:s2], [sflag:$0x15] =	stream.linear.gather [hbm4b:s22+s2], $0x190, $0x38;
	[tilespmem:$0xCB20] =	vst v63  }
0x9b: {  	_ =	swait.ge [sflag:s8], $0x190  }
0x9c: {  	[sflag:s8] =	ssyncset.done $0x0  }
0x9d: {  	s25 =	rddreg [dreg:$0xd];
	[sflag:s8] =	ssyncadd.s32 $0xFFFFFE70  }
0x9e: {  	[tilespmem:s25], [sflag:$0x15] =	stream.linear.gather [hbm4b:s23+s2], $0x190, $0x38;
	[tilespmem:$0xCB20] =	vst v63  }
0x9f: {  	s24 =	smov.u32 s5;
	_ =	swait.ge [sflag:s8], $0x190  }
0xa0: {  	p1 =	sne.s32 s24, $0x0;
	[sflag:s8] =	ssyncset.done $0x0  }
0xa1: {  	s25 =	simm.s32 @p1 $0xB;
	[sflag:s8] =	ssyncadd.s32 $0xFFFFFE70  }
0xa2: {  	_ =	swait.ge @p1 [sflag:s25], $0x1400  }
0xa3: {  	[sflag:s25] =	ssyncset.done @p1 $0x0  }
0xa4: {  	[sflag:s25] =	ssyncadd.s32 @p1 $0xFFFFEC00;
	s25 =	simm.s32 @p1 $0x10  }
0xa5: {  	_ =	swait.ge @p1 [sflag:s25], $0x1400  }
0xa6: {  	s26 =	simm.s32 @p1 $0x320;
	[sflag:s25] =	ssyncset.done @p1 $0x0  }
0xa7: {  	s28 =	simm.s32 @p1 $0x0;
	[sflag:s25] =	ssyncadd.s32 @p1 $0xFFFFEC00;
	s25 =	simm.s32 @p1 $0x50  }
0xa8: {  	[tilespmem:s26], [sflag:$0x1] =	stream.indirect.gather @p1 [hbm4b:s3+s25], $0x40, s28, s25, $0xb8;
	[tilespmem:$0xCB20] =	vst v63  }
0xa9: {  	s29 =	simm.s32 @p1 $0xC;
	s26 =	simm.s32 @p1 $0x190;
	s28 =	simm.s32 @p1 $0x6720  }
0xaa: {  	[tilespmem:s28], [sflag:$0x6] =	stream.indirect.gather @p1 [hbm4b:s4+s25], $0x40, s26, s25, $0xb8;
	[tilespmem:$0xCB20] =	vst v63  }
0xab: {  	_ =	swait.ge @p1 [sflag:s29], $0x1400  }
0xac: {  	[sflag:s29] =	ssyncset.done @p1 $0x0  }
0xad: {  	s26 =	simm.s32 @p1 $0x11;
	[sflag:s29] =	ssyncadd.s32 @p1 $0xFFFFEC00  }
0xae: {  	_ =	swait.ge @p1 [sflag:s26], $0x1400  }
0xaf: {  	[sflag:s26] =	ssyncset.done @p1 $0x0  }
0xb0: {  	[sflag:s26] =	ssyncadd.s32 @p1 $0xFFFFEC00;
	s26 =	simm.s32 @p1 $0x1720  }
0xb1: {  	[tilespmem:s26], [sflag:$0x2] =	stream.indirect.gather @p1 [hbm4b:s3+s25], $0x40, s25, s25, $0xb8;
	[tilespmem:$0xCB20] =	vst v63  }
0xb2: {  	s28 =	simm.s32 @p1 $0x7B20;
	s29 =	simm.s32 @p1 $0xD;
	s26 =	simm.s32 @p1 $0x1E0  }
0xb3: {  	[tilespmem:s28], [sflag:$0x7] =	stream.indirect.gather @p1 [hbm4b:s4+s25], $0x40, s26, s25, $0xb8;
	[tilespmem:$0xCB20] =	vst v63  }
0xb4: {  	_ =	swait.ge @p1 [sflag:s29], $0x1400  }
0xb5: {  	[sflag:s29] =	ssyncset.done @p1 $0x0  }
0xb6: {  	s26 =	simm.s32 @p1 $0x12;
	[sflag:s29] =	ssyncadd.s32 @p1 $0xFFFFEC00  }
0xb7: {  	_ =	swait.ge @p1 [sflag:s26], $0x1400  }
0xb8: {  	[sflag:s26] =	ssyncset.done @p1 $0x0  }
0xb9: {  	s28 =	simm.s32 @p1 $0x2B20;
	[sflag:s26] =	ssyncadd.s32 @p1 $0xFFFFEC00;
	s26 =	simm.s32 @p1 $0xA0  }
0xba: {  	[tilespmem:s28], [sflag:$0x3] =	stream.indirect.gather @p1 [hbm4b:s3+s25], $0x40, s26, s25, $0xb8;
	[tilespmem:$0xCB20] =	vst v63  }
0xbb: {  	s29 =	simm.s32 @p1 $0xE;
	s26 =	simm.s32 @p1 $0x230;
	s28 =	simm.s32 @p1 $0x8F20  }
0xbc: {  	[tilespmem:s28], [sflag:$0x8] =	stream.indirect.gather @p1 [hbm4b:s4+s25], $0x40, s26, s25, $0xb8;
	[tilespmem:$0xCB20] =	vst v63  }
0xbd: {  	_ =	swait.ge @p1 [sflag:s29], $0x1400  }
0xbe: {  	[sflag:s29] =	ssyncset.done @p1 $0x0  }
0xbf: {  	s26 =	simm.s32 @p1 $0x13;
	[sflag:s29] =	ssyncadd.s32 @p1 $0xFFFFEC00  }
0xc0: {  	_ =	swait.ge @p1 [sflag:s26], $0x1400  }
0xc1: {  	[sflag:s26] =	ssyncset.done @p1 $0x0  }
0xc2: {  	s28 =	simm.s32 @p1 $0x3F20;
	[sflag:s26] =	ssyncadd.s32 @p1 $0xFFFFEC00;
	s26 =	simm.s32 @p1 $0xF0  }
0xc3: {  	[tilespmem:s28], [sflag:$0x4] =	stream.indirect.gather @p1 [hbm4b:s3+s25], $0x40, s26, s25, $0xb8;
	[tilespmem:$0xCB20] =	vst v63  }
0xc4: {  	s29 =	simm.s32 @p1 $0xF;
	s26 =	simm.s32 @p1 $0x280;
	s28 =	simm.s32 @p1 $0xA320  }
0xc5: {  	[tilespmem:s28], [sflag:$0x9] =	stream.indirect.gather @p1 [hbm4b:s4+s25], $0x40, s26, s25, $0xb8;
	[tilespmem:$0xCB20] =	vst v63  }
0xc6: {  	_ =	swait.ge @p1 [sflag:s29], $0x1400  }
0xc7: {  	[sflag:s29] =	ssyncset.done @p1 $0x0  }
0xc8: {  	s25 =	simm.s32 @p1 $0x14;
	[sflag:s29] =	ssyncadd.s32 @p1 $0xFFFFEC00  }
0xc9: {  	_ =	swait.ge @p1 [sflag:s25], $0x1400  }
0xca: {  	s26 =	simm.s32 @!p1 $0x320;
	[sflag:s25] =	ssyncset.done @p1 $0x0  }
0xcb: {  	s28 =	simm.s32 @!p1 $0x0;
	[sflag:s25] =	ssyncadd.s32 @p1 $0xFFFFEC00;
	s25 =	simm.s32 @!p1 $0x50  }
0xcc: {  	[tilespmem:s26], [sflag:$0x1] =	stream.indirect.gather @!p1 [hbm4b:s3+s25], $0x40, s28, s25, $0xb8;
	[tilespmem:$0xCB20] =	vst v63  }
0xcd: {  	s26 =	simm.s32 @!p1 $0x190;
	s28 =	simm.s32 @!p1 $0x6720  }
0xce: {  	[tilespmem:s28], [sflag:$0x6] =	stream.indirect.gather @!p1 [hbm4b:s4+s25], $0x40, s26, s25, $0xb8;
	[tilespmem:$0xCB20] =	vst v63  }
0xcf: {  	s26 =	simm.s32 @!p1 $0x1720  }
0xd0: {  	[tilespmem:s26], [sflag:$0x2] =	stream.indirect.gather @!p1 [hbm4b:s3+s25], $0x40, s25, s25, $0xb8;
	[tilespmem:$0xCB20] =	vst v63  }
0xd1: {  	s28 =	simm.s32 @!p1 $0x7B20;
	s26 =	simm.s32 @!p1 $0x1E0  }
0xd2: {  	[tilespmem:s28], [sflag:$0x7] =	stream.indirect.gather @!p1 [hbm4b:s4+s25], $0x40, s26, s25, $0xb8;
	[tilespmem:$0xCB20] =	vst v63  }
0xd3: {  	s26 =	simm.s32 @!p1 $0xA0;
	s28 =	simm.s32 @!p1 $0x2B20  }
0xd4: {  	[tilespmem:s28], [sflag:$0x3] =	stream.indirect.gather @!p1 [hbm4b:s3+s25], $0x40, s26, s25, $0xb8;
	[tilespmem:$0xCB20] =	vst v63  }
0xd5: {  	s26 =	simm.s32 @!p1 $0x230;
	s28 =	simm.s32 @!p1 $0x8F20  }
0xd6: {  	[tilespmem:s28], [sflag:$0x8] =	stream.indirect.gather @!p1 [hbm4b:s4+s25], $0x40, s26, s25, $0xb8;
	[tilespmem:$0xCB20] =	vst v63  }
0xd7: {  	s26 =	simm.s32 @!p1 $0xF0;
	s28 =	simm.s32 @!p1 $0x3F20  }
0xd8: {  	[tilespmem:s28], [sflag:$0x4] =	stream.indirect.gather @!p1 [hbm4b:s3+s25], $0x40, s26, s25, $0xb8;
	[tilespmem:$0xCB20] =	vst v63  }
0xd9: {  	s26 =	simm.s32 @!p1 $0x280;
	s28 =	simm.s32 @!p1 $0xA320  }
0xda: {  	[tilespmem:s28], [sflag:$0x9] =	stream.indirect.gather @!p1 [hbm4b:s4+s25], $0x40, s26, s25, $0xb8;
	[tilespmem:$0xCB20] =	vst v63  }
0xdb: {  	s29 =	rddreg [dreg:$0xe]  }
0xdc: {  	[tilespmem:s10], [sflag:$0x5] =	stream.indirect.gather [hbm4b:s3+s9], $0x40, s29, s9, $0xb8;
	[tilespmem:$0xCB20] =	vst v63  }
0xdd: {  	s28 =	rddreg [dreg:$0xf]  }
0xde: {  	[tilespmem:s11], [sflag:$0xA] =	stream.indirect.gather [hbm4b:s4+s9], $0x40, s28, s9, $0xb8;
	[tilespmem:$0xCB20] =	vst v63  }
0xdf: {  	_ =	swait.ge [sflag:s12], $0x1400  }
0xe0: {  	[sflag:s12] =	ssyncset.done $0x0  }
0xe1: {  	[sflag:s12] =	ssyncadd.s32 $0xFFFFEC00  }
0xe2: {  	_ =	swait.ge [sflag:s13], $0x1400  }
0xe3: {  	s29 =	rddreg [dreg:$0x3]  }
0xe4: {  	s26 =	rddreg [dreg:$0x10];
	[sflag:s13] =	ssyncset.done $0x0  }
0xe5: {  	s28 =	rddreg [dreg:$0x4];
	[sflag:s13] =	ssyncadd.s32 $0xFFFFEC00;
	s25 =	sadd.s32 s24, s29  }
0xe6: {  	[hbm4b:s25+s2] =	stream.linear.scatter [tilespmem:s26], [sflag:$0xB], $0x1400, $0x38;
	[tilespmem:$0xCB20] =	vst v63  }
0xe7: {  	s29 =	rddreg [dreg:$0x11];
	s28 =	sadd.s32 s24, s28  }
0xe8: {  	[hbm4b:s28+s2] =	stream.linear.scatter [tilespmem:s29], [sflag:$0x10], $0x1400, $0x38;
	[tilespmem:$0xCB20] =	vst v63  }
0xe9: {  	_ =	swait.ge [sflag:s14], $0x1400  }
0xea: {  	[sflag:s14] =	ssyncset.done $0x0  }
0xeb: {  	[sflag:s14] =	ssyncadd.s32 $0xFFFFEC00  }
0xec: {  	_ =	swait.ge [sflag:s15], $0x1400  }
0xed: {  	s29 =	rddreg [dreg:$0xc]  }
0xee: {  	s26 =	rddreg [dreg:$0x12];
	[sflag:s15] =	ssyncset.done $0x0  }
0xef: {  	s28 =	rddreg [dreg:$0xb];
	[sflag:s15] =	ssyncadd.s32 $0xFFFFEC00;
	s25 =	sadd.s32 s24, s29  }
0xf0: {  	[hbm4b:s25+s2] =	stream.linear.scatter [tilespmem:s26], [sflag:$0xC], $0x1400, $0x38;
	[tilespmem:$0xCB20] =	vst v63  }
0xf1: {  	s29 =	rddreg [dreg:$0x13];
	s28 =	sadd.s32 s24, s28  }
0xf2: {  	[hbm4b:s28+s2] =	stream.linear.scatter [tilespmem:s29], [sflag:$0x11], $0x1400, $0x38;
	[tilespmem:$0xCB20] =	vst v63  }
0xf3: {  	_ =	swait.ge [sflag:s16], $0x1400  }
0xf4: {  	[sflag:s16] =	ssyncset.done $0x0  }
0xf5: {  	[sflag:s16] =	ssyncadd.s32 $0xFFFFEC00  }
0xf6: {  	_ =	swait.ge [sflag:s17], $0x1400  }
0xf7: {  	s29 =	rddreg [dreg:$0xa]  }
0xf8: {  	s26 =	rddreg [dreg:$0x14];
	[sflag:s17] =	ssyncset.done $0x0  }
0xf9: {  	s28 =	rddreg [dreg:$0x9];
	[sflag:s17] =	ssyncadd.s32 $0xFFFFEC00;
	s25 =	sadd.s32 s24, s29  }
0xfa: {  	[hbm4b:s25+s2] =	stream.linear.scatter [tilespmem:s26], [sflag:$0xD], $0x1400, $0x38;
	[tilespmem:$0xCB20] =	vst v63  }
0xfb: {  	s29 =	rddreg [dreg:$0x15];
	s28 =	sadd.s32 s24, s28  }
0xfc: {  	[hbm4b:s28+s2] =	stream.linear.scatter [tilespmem:s29], [sflag:$0x12], $0x1400, $0x38;
	[tilespmem:$0xCB20] =	vst v63  }
0xfd: {  	_ =	swait.ge [sflag:s18], $0x1400  }
0xfe: {  	[sflag:s18] =	ssyncset.done $0x0  }
0xff: {  	[sflag:s18] =	ssyncadd.s32 $0xFFFFEC00  }
0x100: {  	_ =	swait.ge [sflag:s19], $0x1400  }
0x101: {  	s29 =	rddreg [dreg:$0x8]  }
0x102: {  	s26 =	rddreg [dreg:$0x16];
	[sflag:s19] =	ssyncset.done $0x0  }
0x103: {  	s28 =	rddreg [dreg:$0x7];
	[sflag:s19] =	ssyncadd.s32 $0xFFFFEC00;
	s25 =	sadd.s32 s24, s29  }
0x104: {  	[hbm4b:s25+s2] =	stream.linear.scatter [tilespmem:s26], [sflag:$0xE], $0x1400, $0x38;
	[tilespmem:$0xCB20] =	vst v63  }
0x105: {  	s29 =	rddreg [dreg:$0x17];
	s26 =	sadd.s32 s24, s28  }
0x106: {  	[hbm4b:s26+s2] =	stream.linear.scatter [tilespmem:s29], [sflag:$0x13], $0x1400, $0x38;
	[tilespmem:$0xCB20] =	vst v63  }
0x107: {  	_ =	swait.ge [sflag:s20], $0x1400  }
0x108: {  	s5 =	sadd.s32 $0xC80, s5;
	[sflag:s20] =	ssyncset.done $0x0  }
0x109: {  	p0 =	sne.s32 s5, $0x13880;
	[sflag:s20] =	ssyncadd.s32 $0xFFFFEC00  }
.Ltmp0:
0x10a: {  	_ =	swait.ge [sflag:s21], $0x1400;
	(pc) =	sbr.rel @p0 .LBB2_2-.Ltmp0, $4  }
0x10b: {  	s22 =	sadd.s32 $0x32, s22;
	s28 =	rddreg [dreg:$0x6]  }
0x10c: {  	s23 =	sadd.s32 $0x32, s23;
	s29 =	rddreg [dreg:$0x5];
	[sflag:s21] =	ssyncset.done $0x0  }
0x10d: {  	[sflag:s21] =	ssyncadd.s32 $0xFFFFEC00;
	s25 =	sadd.s32 s24, s28;
	s24 =	sadd.s32 s24, s29  }
0x10e: {  	[hbm4b:s25+s2] =	stream.linear.scatter [tilespmem:s10], [sflag:$0xF], $0x1400, $0x38;
	[tilespmem:$0xCB20] =	vst v63  }
0x10f: {  	[hbm4b:s24+s2] =	stream.linear.scatter [tilespmem:s11], [sflag:$0x14], $0x1400, $0x38;
	[tilespmem:$0xCB20] =	vst v63  }
0x110: {  	s5 =	simm.s32 $0xB  }
0x111: {  	_ =	swait.ge [sflag:s5], $0x1400  }
0x112: {  	[sflag:s5] =	ssyncset.done $0x0  }
0x113: {  	s22 =	simm.s32 $0x10;
	[sflag:s5] =	ssyncadd.s32 $0xFFFFEC00  }
0x114: {  	_ =	swait.ge [sflag:s22], $0x1400  }
0x115: {  	[sflag:s22] =	ssyncset.done $0x0  }
0x116: {  	s23 =	simm.s32 $0xC;
	[sflag:s22] =	ssyncadd.s32 $0xFFFFEC00  }
0x117: {  	_ =	swait.ge [sflag:s23], $0x1400  }
0x118: {  	[sflag:s23] =	ssyncset.done $0x0  }
0x119: {  	s24 =	simm.s32 $0x11;
	[sflag:s23] =	ssyncadd.s32 $0xFFFFEC00  }
0x11a: {  	_ =	swait.ge [sflag:s24], $0x1400  }
0x11b: {  	[sflag:s24] =	ssyncset.done $0x0  }
0x11c: {  	s25 =	simm.s32 $0xD;
	[sflag:s24] =	ssyncadd.s32 $0xFFFFEC00  }
0x11d: {  	_ =	swait.ge [sflag:s25], $0x1400  }
0x11e: {  	[sflag:s25] =	ssyncset.done $0x0  }
0x11f: {  	s26 =	simm.s32 $0x12;
	[sflag:s25] =	ssyncadd.s32 $0xFFFFEC00  }
0x120: {  	_ =	swait.ge [sflag:s26], $0x1400  }
0x121: {  	[sflag:s26] =	ssyncset.done $0x0  }
0x122: {  	s28 =	simm.s32 $0xE;
	[sflag:s26] =	ssyncadd.s32 $0xFFFFEC00  }
0x123: {  	_ =	swait.ge [sflag:s28], $0x1400  }
0x124: {  	[sflag:s28] =	ssyncset.done $0x0  }
0x125: {  	[sflag:s28] =	ssyncadd.s32 $0xFFFFEC00  }
0x126: {  	_ =	swait.ge [sflag:s30], $0x1400  }
0x127: {  	[sflag:s30] =	ssyncset.done $0x0  }
0x128: {  	[sflag:s30] =	ssyncadd.s32 $0xFFFFEC00  }
0x129: {  	_ =	swait.ge [sflag:s31], $0x1400  }
0x12a: {  	[sflag:s31] =	ssyncset.done $0x0  }
0x12b: {  	[sflag:s31] =	ssyncadd.s32 $0xFFFFEC00  }
0x12c: {  	_ =	swait.ge [sflag:s0], $0x1400  }
0x12d: {  	s1 =	sadd.s32 $0x1, s1;
	s29 =	rddreg [dreg:$0x18]  }
0x12e: {  	p0 =	sne.s32 s1, s29  }
.Ltmp1:
0x12f: {  	_ = 	snop;
	(pc) =	sbr.rel @p0 .LBB2_1-.Ltmp1, $3  }
0x130: {  	_ =	sdelay $0x1  }
0x131: {  	[sflag:s0] =	ssyncset.done $0x0  }
0x132: {  	[sflag:s0] =	ssyncadd.s32 $0xFFFFEC00  }
0x133: {  	_ =	sfence.sel $0x180000  }
0x134: {  	[bflag:$0x0] =	sbarrier.arrive $0xFFFF  }
0x135: {  	_ =	strace $0x90000047  }
0x136: {  	s0 =	stileid.u32;
	[bflag:$0x2] =	sbarrier.arrive $0xFFFF  }
0x137: {  	p0 =	sne.s32 s0, $0x0;
	s0 =	rddreg [dreg:$0x2]  }
0x138: {  	s0 =	sadd.s32 @!p0 $0x100000, s0  }
0x139: {  	[sflag:s0] =	ssyncadd.tile.s32 @!p0 $0x1;
	_ =	shalt  }
.Lfunc_end2:
_tile_overlayer_lowered:
.L_overlay_start_2:
0x13a: {  	(tag) =	ssettag $0x2  }
0x13b: {  	s0 =	rddreg [dreg:$0x0];
	s2 =	stileid.u32  }
0x13c: {  	s1 =	rddreg [dreg:$0x1];
	p0 =	sne.s32 s2, $0x0  }
0x13d: {  	s3 =	rddreg [dreg:$0x2];
	[bflag:$0x3] =	sbarrier.arrive $0xFFFF;
	s2 =	simm.s32 @!p0 $0x1C15  }
0x13e: {  	[timem:s3], [sflag:s2] =	dma.local @!p0 [hbm:s0], s1  }
0x13f: {  	s0 =	simm.s32 @!p0 $0x15  }
0x140: {  	_ =	swait.ge @!p0 [sflag:s0], s1  }
0x141: {  	s1 =	ssub.s32 @!p0 $0x0, s1;
	[sflag:s0] =	ssyncset.done @!p0 $0x0  }
0x142: {  	[sflag:s0] =	ssyncadd.s32 @!p0 s1  }
0x143: {  	[bflag:$0x3] =	sbarrier.arrive $0xFFFF  }
0x144: {  	_ =	shalt  }

// kernel: kernel.16.cloned.1.call-start
scs
__scs_entry_jumppad:
0x0: {  	(pc) =	sbr.rel $0x88, $3  }
0x1: {  	(tag) =	ssettag $0x0;
	lr =	simm.s32 $0x1  }
0x2: {  	[smem:$0x3F88] =	sst lr;
	_ =	strace $0xD0000000  }
0x3: {  	_ = 	snop  }
0x4: {  	_ = 	snop  }
0x5: {  	_ = 	snop  }
0x6: {  	_ = 	snop  }
0x7: {  	_ = 	snop  }
__scs_overlays_trampoline_lowered:
0x8: {  	[smem:$0x3F97] =	sst s0  }
0x9: {  	[smem:$0x3F98] =	sst s1  }
0xa: {  	[smem:$0x3F99] =	sst s2  }
0xb: {  	[smem:$0x3F9A] =	sst s3  }
0xc: {  	[smem:$0x3F9B] =	sst s4  }
0xd: {  	[smem:$0x3F9C] =	sst s5  }
0xe: {  	[smem:$0x3F9D] =	sst s6  }
0xf: {  	[smem:$0x3F9E] =	sst s7  }
0x10: {  	[smem:$0x3F9F] =	sst s8  }
0x11: {  	[smem:$0x3FA0] =	sst s9;
	s0 =	simm.s32 @!p0 $0x0  }
0x12: {  	s1 =	sld [smem:$0x3F86];
	s0 =	simm.s32 @p0 $0x1  }
0x13: {  	[smem:$0x3FA1] =	sst s0;
	s0 =	simm.s32 @!p1 $0x0  }
0x14: {  	s2 =	sld [smem:$0x3F85];
	s0 =	simm.s32 @p1 $0x1  }
0x15: {  	[smem:$0x3FA2] =	sst s0;
	s0 =	simm.s32 @!p2 $0x0  }
0x16: {  	s3 =	sld [smem:$0x3FDB];
	s0 =	simm.s32 @p2 $0x1  }
0x17: {  	s4 =	simm.s32 $0x1BF5;
	[smem:$0x3FA4] =	sst s0  }
0x18: {  	s0 =	sld [smem:$0x3F87];
	_ =	swait.ge [sflag:s4], $0x0  }
0x19: {  	s7 =	sld [smem:$0x3F88]  }
0x1a: {  	s8 =	sadd.s32 $0xFFFFE003, lr  }
0x1b: {  	s9 =	sadd.s32 $0xFFFFFEF7, lr;
	s5 =	simm.s32 $0xFFFFFFFF;
	p2 =	slt.u32 s8, $0xFFFFF086  }
0x1c: {  	p1 =	slt.u32 s9, $0xF7A;
	s5 =	simm.s32 @!p2 $0x0  }
0x1d: {  	s5 =	simm.s32 @p1 $0x1;
	p0 =	seq.s32 s7, s2  }
0x1e: {  	s7 =	smul.u32 @!p0 $0xF7A, s2;
	p2 =	seq.s32 @!p0 s5, $0x0  }
0x1f: {  	s9 =	smul.u32 $0xF7A, s1;
	s8 =	simm.s32 @!p0 $0x1BF5;
	p2 =	por !p2, p0  }
0x20: {  	[sflag:s8] =	ssyncset.s32 @!p0 $0xFFFFF086;
	s6 =	sadd.s32 @!p0 s3, s7;
	s7 =	simm.s32 @!p0 $0x108  }
0x21: {  	s3 =	sadd.s32 s3, s9;
	s6 =	sadd.s32 @!p0 $0x88, s6;
	s7 =	simm.s32 @p2 $0x1082  }
0x22: {  	[simem:s7], [sflag:s8] =	dma.local @!p0 [hbm:s6], $0xF7A  }
0x23: {  	s9 =	sor.u32 $0xD0000000, s2;
	s6 =	simm.s32 $0x108;
	_ =	swait.ge @!p0 [sflag:s8], $0x0  }
0x24: {  	s3 =	sadd.s32 $0x88, s3;
	s6 =	simm.s32 @!p1 $0x1082;
	[sflag:s4] =	ssyncset.s32 $0xFFFFF086  }
0x25: {  	[simem:s6], [sflag:s4] =	dma.local [hbm:s3], $0xF7A  }
0x26: {  	[smem:$0x3F88] =	sst s1;
	(tag) =	ssettag s2;
	_ =	strace s9  }
0x27: {  	s1 =	sld [smem:$0x3F98]  }
0x28: {  	s2 =	sld [smem:$0x3F99]  }
0x29: {  	s4 =	sld [smem:$0x3F9B]  }
0x2a: {  	p0 =	seq.s32 s5, $0x0;
	s5 =	sld [smem:$0x3F9C]  }
0x2b: {  	s6 =	sld [smem:$0x3F9D]  }
0x2c: {  	s7 =	sld [smem:$0x3F9E]  }
0x2d: {  	s3 =	simm.s32 $0x108;
	s8 =	sld [smem:$0x3F9F]  }
0x2e: {  	s3 =	simm.s32 @!p0 $0x1082;
	s9 =	sld [smem:$0x3FA0]  }
0x2f: {  	lr =	sadd.s32 s0, s3;
	s0 =	sld [smem:$0x3F97]  }
0x30: {  	s3 =	sld [smem:$0x3F9A]  }
0x31: {  	[smem:$0x3FA3] =	sst s10  }
0x32: {  	s10 =	sld [smem:$0x3FA1];
	_ =	sdelay $0x3  }
0x33: {  	p0 =	seq.s32 s10, $0x1;
	s10 =	sld [smem:$0x3FA3];
	_ =	sdelay $0x3  }
0x34: {  	[smem:$0x3FA3] =	sst s10  }
0x35: {  	s10 =	sld [smem:$0x3FA2];
	_ =	sdelay $0x3  }
0x36: {  	p1 =	seq.s32 s10, $0x1;
	s10 =	sld [smem:$0x3FA3];
	_ =	sdelay $0x3  }
0x37: {  	[smem:$0x3FA3] =	sst s10  }
0x38: {  	s10 =	sld [smem:$0x3FA4]  }
0x39: {  	_ = 	snop;
	(pc) =	sbr.ind lr, $3  }
0x3a: {  	_ = 	snop  }
0x3b: {  	_ = 	snop  }
0x3c: {  	p2 =	seq.s32 s10, $0x1;
	s10 =	sld [smem:$0x3FA3]  }
0x3d: {  	_ =	shalt  }
0x3e: {  	_ =	shalt  }
0x3f: {  	_ =	shalt  }
0x40: {  	_ =	shalt  }
0x41: {  	_ =	shalt  }
0x42: {  	_ =	shalt  }
0x43: {  	_ =	shalt  }
0x44: {  	_ =	shalt  }
0x45: {  	_ =	shalt  }
0x46: {  	_ =	shalt  }
0x47: {  	_ =	shalt  }
0x48: {  	_ =	shalt  }
0x49: {  	_ =	shalt  }
0x4a: {  	_ =	shalt  }
0x4b: {  	_ =	shalt  }
0x4c: {  	_ =	shalt  }
0x4d: {  	_ =	shalt  }
0x4e: {  	_ =	shalt  }
0x4f: {  	_ =	shalt  }
0x50: {  	_ =	shalt  }
0x51: {  	_ =	shalt  }
0x52: {  	_ =	shalt  }
0x53: {  	_ =	shalt  }
0x54: {  	_ =	shalt  }
0x55: {  	_ =	shalt  }
0x56: {  	_ =	shalt  }
0x57: {  	_ =	shalt  }
0x58: {  	_ =	shalt  }
0x59: {  	_ =	shalt  }
0x5a: {  	_ =	shalt  }
0x5b: {  	_ =	shalt  }
0x5c: {  	_ =	shalt  }
0x5d: {  	_ =	shalt  }
0x5e: {  	_ =	shalt  }
0x5f: {  	_ =	shalt  }
0x60: {  	_ =	shalt  }
0x61: {  	_ =	shalt  }
0x62: {  	_ =	shalt  }
0x63: {  	_ =	shalt  }
0x64: {  	_ =	shalt  }
0x65: {  	_ =	shalt  }
0x66: {  	_ =	shalt  }
0x67: {  	_ =	shalt  }
0x68: {  	_ =	shalt  }
0x69: {  	_ =	shalt  }
0x6a: {  	_ =	shalt  }
0x6b: {  	_ =	shalt  }
0x6c: {  	_ =	shalt  }
0x6d: {  	_ =	shalt  }
0x6e: {  	_ =	shalt  }
0x6f: {  	_ =	shalt  }
0x70: {  	_ =	shalt  }
0x71: {  	_ =	shalt  }
0x72: {  	_ =	shalt  }
0x73: {  	_ =	shalt  }
0x74: {  	_ =	shalt  }
0x75: {  	_ =	shalt  }
0x76: {  	_ =	shalt  }
0x77: {  	_ =	shalt  }
0x78: {  	_ =	shalt  }
0x79: {  	_ =	shalt  }
0x7a: {  	_ =	shalt  }
0x7b: {  	_ =	shalt  }
0x7c: {  	_ =	shalt  }
0x7d: {  	_ =	shalt  }
0x7e: {  	_ =	shalt  }
0x7f: {  	_ =	shalt  }
0x80: {  	_ =	shalt  }
0x81: {  	_ =	shalt  }
0x82: {  	_ =	shalt  }
0x83: {  	_ =	shalt  }
0x84: {  	_ =	shalt  }
0x85: {  	_ =	shalt  }
0x86: {  	_ =	shalt  }
0x87: {  	_ =	shalt  }
.Lfunc_end0:
.L_simem_size_0:
called_computation.1_lowered:
.L_overlay_start_0:
0x88: {  	s2 =	sld [smem:$0x3FD9]  }
0x89: {  	s3 =	sld [smem:$0x3FFE];
	_ =	sdelay $0x1  }
0x8a: {  	s1 =	srdreg.scid  }
0x8b: {  	s0 =	sand.u32 $0x1, s1  }
0x8c: {  	s16 =	sshll.u32 s0, $0xA;
	s2 =	sadd.s32 s3, s2  }
0x8d: {  	s2 =	sadd.s32 s2, s16  }
0x8e: {  	[smem:$0x3FAF] =	sst s2  }
0x8f: {  	_ = 	snop  }
0x90: {  	(tm) =	ssettm $0x1  }
0x91: {  	s17 =	sld [smem:$0x3FFB];
	_ =	sdelay $0x3  }
0x92: {  	_ =	strace s17  }
0x93: {  	s2 =	sld [smem:$0x3FFC];
	_ =	sdelay $0x3  }
0x94: {  	_ =	strace s2  }
0x95: {  	s2 =	sld [smem:$0x3FFD];
	_ =	sdelay $0x3  }
0x96: {  	_ =	strace s2  }
0x97: {  	_ =	strace $0x8FFFFFFF  }
0x98: {  	s18 =	sld [smem:$0x3FDB];
	_ =	sdelay $0x1  }
0x99: {  	s19 =	simm.s32 $_scs_section_size  }
0x9a: {  	s4 =	simm.s32 $_size__tile_overlayer_lowered;
	s5 =	simm.s32 $_tile_overlayer_lowered  }
0x9b: {  	s22 =	simm.s32 $0x1BFF;
	s21 =	sshll.u32 s5, $0x1;
	s2 =	sadd.s32 s19, s18  }
0x9c: {  	s6 =	simm.s32 $0x0;
	s20 =	sshll.u32 s4, $0x1;
	s4 =	sadd.s32 s21, s2  }
0x9d: {  	[timem:s6], [sflag:s22] =	dma.local [hbm:s4], s20  }
0x9e: {  	_ =	swait.ge [sflag:s22], s20  }
0x9f: {  	s3 =	ssub.s32 $0x0, s20;
	[sflag:s22] =	ssyncset.done $0x0  }
0xa0: {  	[sflag:s22] =	ssyncadd.s32 s3;
	_ =	sdelay $0x1  }
0xa1: {  	s23 =	simm.s32 $0x1B8B  }
0xa2: {  	_ =	swait.ge [sflag:s23], $0x1  }
0xa3: {  	[sflag:s23] =	ssyncset.done $0x0  }
0xa4: {  	s25 =	simm.s32 $0x1B8E;
	s24 =	sld [smem:$0x3FFE];
	[sflag:s23] =	ssyncadd.s32 $0xFFFFFFFF  }
0xa5: {  	s26 =	simm.s32 $execute0_lowered;
	[smem:$0x3FD2] =	sst s25  }
0xa6: {  	s4 =	sshll.u32 s26, $0x1;
	_ =	strace $0x80000049;
	[dreg:$0x1] =	wrdreg $0xFFFFFFFF  }
0xa7: {  	s28 =	simm.s32 $_size_execute0_lowered;
	s2 =	sadd.s32 s2, s4;
	[dreg:$0x0] =	wrdreg $0x0  }
0xa8: {  	s4 =	sshll.u32 s28, $0x1;
	[dreg:$0x2] =	wrdreg s2  }
0xa9: {  	[dreg:$0x3] =	wrdreg s4  }
0xaa: {  	[dreg:$0x4] =	wrdreg $0xC0  }
0xab: {  	_ =	task [dreg:s6], $0x5FFFF  }
0xac: {  	[dreg:$0x1] =	wrdreg $0xFFFFFFFF  }
0xad: {  	[dreg:$0x0] =	wrdreg $0x60  }
0xae: {  	[dreg:$0x2] =	wrdreg s24  }
0xaf: {  	[dreg:$0x3] =	wrdreg $0x0  }
0xb0: {  	[dreg:$0x4] =	wrdreg $0x9  }
0xb1: {  	_ =	task.clear_ibuf [dreg:s6], $0x5FFFF;
	_ =	strace $0x90000049  }
0xb2: {  	s29 =	simm.s32 $0x9;
	_ =	strace $0x8000004B  }
0xb3: {  	_ =	swait.ge [sflag:s29], $0x1  }
0xb4: {  	[sflag:s29] =	ssyncadd.s32 $0xFFFFFFFF  }
0xb5: {  	_ =	strace $0x9000004B  }
0xb6: {  	_ =	sfence  }
0xb7: {  	s30 =	sld [smem:$0x0];
	_ =	sdelay $0x2  }
0xb8: {  	s31 =	sshll.u32 s1, $0xD;
	s1 =	sshrl.u32 s1, $0x2  }
0xb9: {  	s3 =	sand.u32 $0x4000, s31;
	s1 =	sadd.s32 s1, s30  }
0xba: {  	s0 =	sor.u32 s3, s0;
	s1 =	sshll.u32 s1, $0x11  }
0xbb: {  	s0 =	sor.u32 s1, s0  }
0xbc: {  	s0 =	sadd.s32 $0x8F2B, s0  }
0xbd: {  	[sflag:s0] =	ssyncadd.remote.s32 $0x1  }
0xbe: {  	_ =	sfence.sel $0xFFFF  }
0xbf: {  	[dreg:$0x0] =	wrdreg $0xFFFFFFFF;
	(pc) =	sbr.abs _section_cstart, $3  }
0xc0: {  	[dreg:$0x1] =	wrdreg $0xFFFFFFFF  }
0xc1: {  	_ =	task.clear_ibuf [dreg:s6], $0x2FFFF;
	_ =	strace $0x9FFFFFFF  }
0xc2: {  	(tm) =	ssettm $0x7FFFFFFF  }
0xc3: {  	_ =	shalt  }
tec
execute0_lowered:
.L_overlay_start_1:
0x0: {  	(tag) =	ssettag $0x1  }
0x1: {  	s0 =	rddreg [dreg:$0x0]  }
0x2: {  	s2 =	rddreg [dreg:$0x1];
	s13 =	stileid.u32;
	s3 =	simm.s32 $0x0  }
0x3: {  	s4 =	srdreg.scid;
	s14 =	simm.s32 $0xC5D0;
	s1 =	smul.u32 $0x9C4, s13  }
0x4: {  	s15 =	simm.s32 $0xD9D0;
	s16 =	simm.s32 $0xEDD0;
	s5 =	smul.u32 $0x9C40, s13  }
0x5: {  	s17 =	simm.s32 $0x1;
	[smem:$0x7FF] =	sst s3;
	s12 =	smul.u32 $0x27100, s13  }
0x6: {  	s4 =	sand.u32 $0x1, s4;
	s7 =	sadd.s32 $0x518800, s0;
	s19 =	smul.u32 $0x138800, s13  }
0x7: {  	s23 =	sshll.u32 s13, $0x6;
	s13 =	simm.s32 $0xB1D0;
	s6 =	smul.u32 $0x9C400, s4  }
0x8: {  	_ =	strace $0x8000004A;
	s10 =	ssub.s32 $0x2, s4;
	s22 =	smul.u32 $0x13880, s4  }
0x9: {  	s4 =	smul.u32 $0x4E2, s4;
	s1 =	sadd.s32 s1, s0;
	s8 =	sshrl.u32 s5, $0x3  }
0xa: {  	s11 =	sshrl.u32 s10, $0x1;
	s20 =	sadd.s32 s5, s2;
	s12 =	sadd.s32 s12, s7  }
0xb: {  	s8 =	sadd.s32 s8, s0;
	s9 =	sadd.s32 s5, s6;
	s18 =	ssub.s32 s10, s11  }
0xc: {  	s6 =	sadd.s32 s6, s19;
	s5 =	sor.u32 $0x1C0B, s23;
	s1 =	sadd.s32 s4, s1  }
0xd: {  	s11 =	simm.s32 $0x9C40;
	s19 =	simm.s32 $0x2;
	s23 =	simm.s32 $0x4  }
0xe: {  	s9 =	sshrl.u32 s9, $0x3;
	s21 =	sadd.s32 $0xF400, s8;
	s8 =	sadd.s32 s22, s12  }
0xf: {  	s10 =	sadd.s32 $0x5000, s6;
	s25 =	sadd.s32 $0x3C00, s6;
	s28 =	sadd.s32 $0x2800, s6  }
0x10: {  	s6 =	sadd.s32 $0x1400, s6;
	s31 =	smax.u32 s18, $0x1;
	s12 =	simm.s32 $0x9DD0  }
0x11: {  	s18 =	simm.s32 $0x50;
	s22 =	simm.s32 $0x9CE0;
	[dreg:$0x8] =	wrdreg s21  }
0x12: {  	s0 =	sadd.s32 s9, s0;
	[dreg:$0x3] =	wrdreg s8;
	s24 =	sshrl.u32 s10, $0x3  }
0x13: {  	s26 =	sshrl.u32 s25, $0x3;
	s8 =	sshrl.u32 s28, $0x3;
	s6 =	sshrl.u32 s6, $0x3  }
0x14: {  	[dreg:$0xa] =	wrdreg s31;
	s9 =	sshrl.u32 s20, $0x3;
	s10 =	simm.s32 $0xB  }
0x15: {  	s20 =	simm.s32 $0x9C90;
	s21 =	simm.s32 $0x3;
	s0 =	sadd.s32 $0x22E00, s0  }
0x16: {  	s25 =	simm.s32 $0x5;
	s29 =	sadd.s32 s8, s7;
	[dreg:$0x9] =	wrdreg s0  }
0x17: {  	s30 =	sadd.s32 s6, s7;
	s8 =	sadd.s32 $0x5600, s1;
	[dreg:$0x6] =	wrdreg s29  }
0x18: {  	s1 =	simm.s32 $0x0;
	s0 =	sadd.s32 s24, s7;
	[dreg:$0x7] =	wrdreg s30  }
0x19: {  	s24 =	simm.s32 $0x9D30;
	[dreg:$0x4] =	wrdreg s0;
	s0 =	sadd.s32 s26, s7  }
0x1a: {  	s26 =	simm.s32 $0x9D80;
	[dreg:$0x5] =	wrdreg s0;
	s0 =	simm.s32 $0xA  }
.LBB2_1:
0x1b: {  	s4 =	rddreg [dreg:$0x8]  }
0x1c: {  	[spmem:s9], [sflag:s5] =	dma.local [hbm:s4], $0x1388  }
0x1d: {  	_ =	swait.ge [sflag:s10], $0x1388  }
0x1e: {  	[sflag:s10] =	ssyncset.done $0x0  }
0x1f: {  	p0 =	por $0x1, $0x1;
	[sflag:s10] =	ssyncadd.s32 $0xFFFFEC78  }
0x20: {  	s4 =	simm.s32 @!p0 $0x6;
	[bflag:$0x0] =	sbarrier.arrive $0xFFFF  }
0x21: {  	_ =	swait.ge @!p0 [sflag:s4], $0x1400  }
0x22: {  	[sflag:s4] =	ssyncset.done @!p0 $0x0  }
0x23: {  	[sflag:s4] =	ssyncadd.s32 @!p0 $0xFFFFEC00;
	s4 =	simm.s32 @!p0 $0x7  }
0x24: {  	_ =	swait.ge @!p0 [sflag:s4], $0x1400  }
0x25: {  	[sflag:s4] =	ssyncset.done @!p0 $0x0  }
0x26: {  	[sflag:s4] =	ssyncadd.s32 @!p0 $0xFFFFEC00;
	s4 =	simm.s32 @!p0 $0x8  }
0x27: {  	_ =	swait.ge @!p0 [sflag:s4], $0x1400  }
0x28: {  	[sflag:s4] =	ssyncset.done @!p0 $0x0  }
0x29: {  	[sflag:s4] =	ssyncadd.s32 @!p0 $0xFFFFEC00;
	s4 =	simm.s32 @!p0 $0x9  }
0x2a: {  	_ =	swait.ge @!p0 [sflag:s4], $0x1400  }
0x2b: {  	[sflag:s4] =	ssyncset.done @!p0 $0x0  }
0x2c: {  	[sflag:s4] =	ssyncadd.s32 @!p0 $0xFFFFEC00;
	s4 =	simm.s32 @!p0 $0xA  }
0x2d: {  	_ =	swait.ge @!p0 [sflag:s4], $0x1400  }
0x2e: {  	[sflag:s4] =	ssyncset.done @!p0 $0x0  }
0x2f: {  	[sflag:s4] =	ssyncadd.s32 @!p0 $0xFFFFEC00  }
0x30: {  	[tilespmem:s11], [sflag:$0xB] =	stream.linear.gather [hbm4b:s8+s3], $0x190, $0x38;
	[tilespmem:$0x101D0] =	vst v63  }
0x31: {  	_ =	swait.ge [sflag:s10], $0x190  }
0x32: {  	s29 =	rddreg [dreg:$0x3];
	[sflag:s10] =	ssyncset.done $0x0  }
0x33: {  	s6 =	rddreg [dreg:$0x7];
	[sflag:s10] =	ssyncadd.s32 $0xFFFFFE70;
	s4 =	sadd.s32 $0x0, s29  }
0x34: {  	[tilespmem:s12], [sflag:$0x1] =	stream.linear.gather [hbm4b:s4+s3], $0x1400, $0x38;
	[tilespmem:$0x101D0] =	vst v63  }
0x35: {  	s7 =	rddreg [dreg:$0x6];
	s30 =	sadd.s32 $0x0, s6  }
0x36: {  	[tilespmem:s13], [sflag:$0x2] =	stream.linear.gather [hbm4b:s30+s3], $0x1400, $0x38;
	[tilespmem:$0x101D0] =	vst v63  }
0x37: {  	s31 =	rddreg [dreg:$0x5];
	s28 =	sadd.s32 $0x0, s7  }
0x38: {  	[tilespmem:s14], [sflag:$0x3] =	stream.linear.gather [hbm4b:s28+s3], $0x1400, $0x38;
	[tilespmem:$0x101D0] =	vst v63  }
0x39: {  	s29 =	rddreg [dreg:$0x4];
	s30 =	sadd.s32 $0x0, s31  }
0x3a: {  	[tilespmem:s15], [sflag:$0x4] =	stream.linear.gather [hbm4b:s30+s3], $0x1400, $0x38;
	[tilespmem:$0x101D0] =	vst v63  }
0x3b: {  	s31 =	sadd.s32 $0x0, s29  }
0x3c: {  	[tilespmem:s16], [sflag:$0x5] =	stream.linear.gather [hbm4b:s31+s3], $0x1400, $0x38;
	[tilespmem:$0x101D0] =	vst v63  }
0x3d: {  	_ =	swait.ge [sflag:s17], $0x1400  }
0x3e: {  	[sflag:s17] =	ssyncset.done $0x0  }
0x3f: {  	[sflag:s17] =	ssyncadd.s32 $0xFFFFEC00  }
0x40: {  	[spmem:s2] =	stream.indirect.scatter.add.f32 [tilespmem:s12], [sflag:$0x6], $0x40, s11, s18, $0xb8;
	[tilespmem:$0x101D0] =	vst v63  }
0x41: {  	_ =	swait.ge [sflag:s19], $0x1400  }
0x42: {  	[sflag:s19] =	ssyncset.done $0x0  }
0x43: {  	[sflag:s19] =	ssyncadd.s32 $0xFFFFEC00  }
0x44: {  	[spmem:s2] =	stream.indirect.scatter.add.f32 [tilespmem:s13], [sflag:$0x7], $0x40, s20, s18, $0xb8;
	[tilespmem:$0x101D0] =	vst v63  }
0x45: {  	_ =	swait.ge [sflag:s21], $0x1400  }
0x46: {  	[sflag:s21] =	ssyncset.done $0x0  }
0x47: {  	[sflag:s21] =	ssyncadd.s32 $0xFFFFEC00  }
0x48: {  	[spmem:s2] =	stream.indirect.scatter.add.f32 [tilespmem:s14], [sflag:$0x8], $0x40, s22, s18, $0xb8;
	[tilespmem:$0x101D0] =	vst v63  }
0x49: {  	_ =	swait.ge [sflag:s23], $0x1400  }
0x4a: {  	[sflag:s23] =	ssyncset.done $0x0  }
0x4b: {  	[sflag:s23] =	ssyncadd.s32 $0xFFFFEC00  }
0x4c: {  	[spmem:s2] =	stream.indirect.scatter.add.f32 [tilespmem:s15], [sflag:$0x9], $0x40, s24, s18, $0xb8;
	[tilespmem:$0x101D0] =	vst v63  }
0x4d: {  	p1 =	por $0x0, $0x0;
	s7 =	simm.s32 $0x1900;
	_ =	swait.ge [sflag:s25], $0x1400  }
0x4e: {  	s6 =	sadd.s32 $0x32, s8;
	s4 =	simm.s32 $0xC80;
	[sflag:s25] =	ssyncset.done $0x0  }
.LBB2_2:
0x4f: {  	s29 =	simm.s32 @!p1 $0x6;
	[sflag:s25] =	ssyncadd.s32 $0xFFFFEC00  }
0x50: {  	[spmem:s2] =	stream.indirect.scatter.add.f32 [tilespmem:s16], [sflag:$0xA], $0x40, s26, s18, $0xb8;
	[tilespmem:$0x101D0] =	vst v63  }
0x51: {  	_ =	swait.ge @!p1 [sflag:s29], $0x1400  }
0x52: {  	[sflag:s29] =	ssyncset.done @!p1 $0x0  }
0x53: {  	[sflag:s29] =	ssyncadd.s32 @!p1 $0xFFFFEC00;
	s29 =	simm.s32 @!p1 $0x7  }
0x54: {  	_ =	swait.ge @!p1 [sflag:s29], $0x1400  }
0x55: {  	[sflag:s29] =	ssyncset.done @!p1 $0x0  }
0x56: {  	[sflag:s29] =	ssyncadd.s32 @!p1 $0xFFFFEC00;
	s29 =	simm.s32 @!p1 $0x8  }
0x57: {  	_ =	swait.ge @!p1 [sflag:s29], $0x1400  }
0x58: {  	[sflag:s29] =	ssyncset.done @!p1 $0x0  }
0x59: {  	[sflag:s29] =	ssyncadd.s32 @!p1 $0xFFFFEC00;
	s29 =	simm.s32 @!p1 $0x9  }
0x5a: {  	_ =	swait.ge @!p1 [sflag:s29], $0x1400  }
0x5b: {  	[sflag:s29] =	ssyncset.done @!p1 $0x0  }
0x5c: {  	[sflag:s29] =	ssyncadd.s32 @!p1 $0xFFFFEC00;
	s29 =	simm.s32 @!p1 $0xA  }
0x5d: {  	_ =	swait.ge @!p1 [sflag:s29], $0x1400  }
0x5e: {  	[sflag:s29] =	ssyncset.done @!p1 $0x0  }
0x5f: {  	[sflag:s29] =	ssyncadd.s32 @!p1 $0xFFFFEC00  }
0x60: {  	[tilespmem:s11], [sflag:$0xB] =	stream.linear.gather [hbm4b:s6+s3], $0x190, $0x38;
	[tilespmem:$0x101D0] =	vst v63  }
0x61: {  	_ =	swait.ge [sflag:s10], $0x190  }
0x62: {  	s31 =	rddreg [dreg:$0x3];
	[sflag:s10] =	ssyncset.done $0x0  }
0x63: {  	s30 =	rddreg [dreg:$0x7];
	[sflag:s10] =	ssyncadd.s32 $0xFFFFFE70;
	s29 =	sadd.s32 s4, s31  }
0x64: {  	[tilespmem:s12], [sflag:$0x1] =	stream.linear.gather [hbm4b:s29+s3], $0x1400, $0x38;
	[tilespmem:$0x101D0] =	vst v63  }
0x65: {  	s31 =	rddreg [dreg:$0x6];
	s29 =	sadd.s32 s4, s30  }
0x66: {  	[tilespmem:s13], [sflag:$0x2] =	stream.linear.gather [hbm4b:s29+s3], $0x1400, $0x38;
	[tilespmem:$0x101D0] =	vst v63  }
0x67: {  	s30 =	rddreg [dreg:$0x5];
	s29 =	sadd.s32 s4, s31  }
0x68: {  	[tilespmem:s14], [sflag:$0x3] =	stream.linear.gather [hbm4b:s29+s3], $0x1400, $0x38;
	[tilespmem:$0x101D0] =	vst v63  }
0x69: {  	s30 =	sadd.s32 s4, s30;
	s31 =	rddreg [dreg:$0x4]  }
0x6a: {  	[tilespmem:s15], [sflag:$0x4] =	stream.linear.gather [hbm4b:s30+s3], $0x1400, $0x38;
	[tilespmem:$0x101D0] =	vst v63  }
0x6b: {  	s31 =	sadd.s32 s4, s31  }
0x6c: {  	[tilespmem:s16], [sflag:$0x5] =	stream.linear.gather [hbm4b:s31+s3], $0x1400, $0x38;
	[tilespmem:$0x101D0] =	vst v63  }
0x6d: {  	_ =	swait.ge [sflag:s17], $0x1400  }
0x6e: {  	[sflag:s17] =	ssyncset.done $0x0  }
0x6f: {  	[sflag:s17] =	ssyncadd.s32 $0xFFFFEC00  }
0x70: {  	[spmem:s2] =	stream.indirect.scatter.add.f32 [tilespmem:s12], [sflag:$0x6], $0x40, s11, s18, $0xb8;
	[tilespmem:$0x101D0] =	vst v63  }
0x71: {  	_ =	swait.ge [sflag:s19], $0x1400  }
0x72: {  	[sflag:s19] =	ssyncset.done $0x0  }
0x73: {  	[sflag:s19] =	ssyncadd.s32 $0xFFFFEC00  }
0x74: {  	[spmem:s2] =	stream.indirect.scatter.add.f32 [tilespmem:s13], [sflag:$0x7], $0x40, s20, s18, $0xb8;
	[tilespmem:$0x101D0] =	vst v63  }
0x75: {  	_ =	swait.ge [sflag:s21], $0x1400  }
0x76: {  	[sflag:s21] =	ssyncset.done $0x0  }
0x77: {  	s28 =	smov.u32 s7;
	s7 =	sadd.s32 $0xC80, s7;
	[sflag:s21] =	ssyncadd.s32 $0xFFFFEC00  }
0x78: {  	[spmem:s2] =	stream.indirect.scatter.add.f32 [tilespmem:s14], [sflag:$0x8], $0x40, s22, s18, $0xb8;
	[tilespmem:$0x101D0] =	vst v63  }
0x79: {  	p0 =	sne.s32 s7, $0x13880;
	_ =	swait.ge [sflag:s23], $0x1400  }
.Ltmp0:
0x7a: {  	[sflag:s23] =	ssyncset.done $0x0;
	(pc) =	sbr.rel @p0 .LBB2_2-.Ltmp0, $4  }
0x7b: {  	[sflag:s23] =	ssyncadd.s32 $0xFFFFEC00  }
0x7c: {  	[spmem:s2] =	stream.indirect.scatter.add.f32 [tilespmem:s15], [sflag:$0x9], $0x40, s24, s18, $0xb8;
	[tilespmem:$0x101D0] =	vst v63  }
0x7d: {  	s4 =	smov.u32 s28;
	_ =	swait.ge [sflag:s25], $0x1400  }
0x7e: {  	s6 =	sadd.s32 $0x32, s6;
	p1 =	seq.s32 s4, $0x0;
	[sflag:s25] =	ssyncset.done $0x0  }
0x7f: {  	s7 =	simm.s32 @!p1 $0x6;
	[sflag:s25] =	ssyncadd.s32 $0xFFFFEC00  }
0x80: {  	[spmem:s2] =	stream.indirect.scatter.add.f32 [tilespmem:s16], [sflag:$0xA], $0x40, s26, s18, $0xb8;
	[tilespmem:$0x101D0] =	vst v63  }
0x81: {  	_ =	swait.ge @!p1 [sflag:s7], $0x1400  }
0x82: {  	[sflag:s7] =	ssyncset.done @!p1 $0x0  }
0x83: {  	[sflag:s7] =	ssyncadd.s32 @!p1 $0xFFFFEC00;
	s7 =	simm.s32 @!p1 $0x7  }
0x84: {  	_ =	swait.ge @!p1 [sflag:s7], $0x1400  }
0x85: {  	[sflag:s7] =	ssyncset.done @!p1 $0x0  }
0x86: {  	[sflag:s7] =	ssyncadd.s32 @!p1 $0xFFFFEC00;
	s7 =	simm.s32 @!p1 $0x8  }
0x87: {  	_ =	swait.ge @!p1 [sflag:s7], $0x1400  }
0x88: {  	[sflag:s7] =	ssyncset.done @!p1 $0x0  }
0x89: {  	[sflag:s7] =	ssyncadd.s32 @!p1 $0xFFFFEC00;
	s7 =	simm.s32 @!p1 $0x9  }
0x8a: {  	_ =	swait.ge @!p1 [sflag:s7], $0x1400  }
0x8b: {  	[sflag:s7] =	ssyncset.done @!p1 $0x0  }
0x8c: {  	[sflag:s7] =	ssyncadd.s32 @!p1 $0xFFFFEC00;
	s7 =	simm.s32 @!p1 $0xA  }
0x8d: {  	_ =	swait.ge @!p1 [sflag:s7], $0x1400  }
0x8e: {  	[sflag:s7] =	ssyncset.done @!p1 $0x0  }
0x8f: {  	[sflag:s7] =	ssyncadd.s32 @!p1 $0xFFFFEC00  }
0x90: {  	[tilespmem:s11], [sflag:$0xB] =	stream.linear.gather [hbm4b:s6+s3], $0x190, $0x38;
	[tilespmem:$0x101D0] =	vst v63  }
0x91: {  	_ =	swait.ge [sflag:s10], $0x190  }
0x92: {  	s30 =	rddreg [dreg:$0x3];
	[sflag:s10] =	ssyncset.done $0x0  }
0x93: {  	s31 =	rddreg [dreg:$0x7];
	[sflag:s10] =	ssyncadd.s32 $0xFFFFFE70;
	s6 =	sadd.s32 s4, s30  }
0x94: {  	[tilespmem:s12], [sflag:$0x1] =	stream.linear.gather [hbm4b:s6+s3], $0x1400, $0x38;
	[tilespmem:$0x101D0] =	vst v63  }
0x95: {  	s28 =	rddreg [dreg:$0x6];
	s7 =	sadd.s32 s4, s31  }
0x96: {  	[tilespmem:s13], [sflag:$0x2] =	stream.linear.gather [hbm4b:s7+s3], $0x1400, $0x38;
	[tilespmem:$0x101D0] =	vst v63  }
0x97: {  	s29 =	rddreg [dreg:$0x5];
	s6 =	sadd.s32 s4, s28  }
0x98: {  	[tilespmem:s14], [sflag:$0x3] =	stream.linear.gather [hbm4b:s6+s3], $0x1400, $0x38;
	[tilespmem:$0x101D0] =	vst v63  }
0x99: {  	s30 =	rddreg [dreg:$0x4];
	s7 =	sadd.s32 s4, s29  }
0x9a: {  	[tilespmem:s15], [sflag:$0x4] =	stream.linear.gather [hbm4b:s7+s3], $0x1400, $0x38;
	[tilespmem:$0x101D0] =	vst v63  }
0x9b: {  	s31 =	sadd.s32 s4, s30  }
0x9c: {  	[tilespmem:s16], [sflag:$0x5] =	stream.linear.gather [hbm4b:s31+s3], $0x1400, $0x38;
	[tilespmem:$0x101D0] =	vst v63  }
0x9d: {  	_ =	swait.ge [sflag:s17], $0x1400  }
0x9e: {  	[sflag:s17] =	ssyncset.done $0x0  }
0x9f: {  	[sflag:s17] =	ssyncadd.s32 $0xFFFFEC00  }
0xa0: {  	[spmem:s2] =	stream.indirect.scatter.add.f32 [tilespmem:s12], [sflag:$0x6], $0x40, s11, s18, $0xb8;
	[tilespmem:$0x101D0] =	vst v63  }
0xa1: {  	_ =	swait.ge [sflag:s19], $0x1400  }
0xa2: {  	[sflag:s19] =	ssyncset.done $0x0  }
0xa3: {  	[sflag:s19] =	ssyncadd.s32 $0xFFFFEC00  }
0xa4: {  	[spmem:s2] =	stream.indirect.scatter.add.f32 [tilespmem:s13], [sflag:$0x7], $0x40, s20, s18, $0xb8;
	[tilespmem:$0x101D0] =	vst v63  }
0xa5: {  	_ =	swait.ge [sflag:s21], $0x1400  }
0xa6: {  	[sflag:s21] =	ssyncset.done $0x0  }
0xa7: {  	[sflag:s21] =	ssyncadd.s32 $0xFFFFEC00  }
0xa8: {  	[spmem:s2] =	stream.indirect.scatter.add.f32 [tilespmem:s14], [sflag:$0x8], $0x40, s22, s18, $0xb8;
	[tilespmem:$0x101D0] =	vst v63  }
0xa9: {  	_ =	swait.ge [sflag:s23], $0x1400  }
0xaa: {  	[sflag:s23] =	ssyncset.done $0x0  }
0xab: {  	[sflag:s23] =	ssyncadd.s32 $0xFFFFEC00  }
0xac: {  	[spmem:s2] =	stream.indirect.scatter.add.f32 [tilespmem:s15], [sflag:$0x9], $0x40, s24, s18, $0xb8;
	[tilespmem:$0x101D0] =	vst v63  }
0xad: {  	_ =	swait.ge [sflag:s25], $0x1400  }
0xae: {  	[sflag:s25] =	ssyncset.done $0x0  }
0xaf: {  	s6 =	simm.s32 $0x6;
	[sflag:s25] =	ssyncadd.s32 $0xFFFFEC00  }
0xb0: {  	[spmem:s2] =	stream.indirect.scatter.add.f32 [tilespmem:s16], [sflag:$0xA], $0x40, s26, s18, $0xb8;
	[tilespmem:$0x101D0] =	vst v63  }
0xb1: {  	_ =	swait.ge [sflag:s6], $0x1400  }
0xb2: {  	[sflag:s6] =	ssyncset.done $0x0  }
0xb3: {  	s7 =	simm.s32 $0x7;
	[sflag:s6] =	ssyncadd.s32 $0xFFFFEC00  }
0xb4: {  	_ =	swait.ge [sflag:s7], $0x1400  }
0xb5: {  	[sflag:s7] =	ssyncset.done $0x0  }
0xb6: {  	s28 =	simm.s32 $0x8;
	[sflag:s7] =	ssyncadd.s32 $0xFFFFEC00  }
0xb7: {  	_ =	swait.ge [sflag:s28], $0x1400  }
0xb8: {  	[sflag:s28] =	ssyncset.done $0x0  }
0xb9: {  	s29 =	simm.s32 $0x9;
	[sflag:s28] =	ssyncadd.s32 $0xFFFFEC00  }
0xba: {  	_ =	swait.ge [sflag:s29], $0x1400  }
0xbb: {  	[sflag:s29] =	ssyncset.done $0x0  }
0xbc: {  	[sflag:s29] =	ssyncadd.s32 $0xFFFFEC00  }
0xbd: {  	_ =	swait.ge [sflag:s0], $0x1400  }
0xbe: {  	[sflag:s0] =	ssyncset.done $0x0  }
0xbf: {  	[sflag:s0] =	ssyncadd.s32 $0xFFFFEC00  }
0xc0: {  	[bflag:$0x0] =	sbarrier.arrive $0xFFFF  }
0xc1: {  	s30 =	rddreg [dreg:$0x9]  }
0xc2: {  	[hbm:s30], [sflag:s5] =	dma.local [spmem:s9], $0x1388  }
0xc3: {  	_ =	swait.ge [sflag:s10], $0x1388  }
0xc4: {  	s1 =	sadd.s32 $0x1, s1;
	s31 =	rddreg [dreg:$0xa]  }
0xc5: {  	p0 =	sne.s32 s1, s31  }
.Ltmp1:
0xc6: {  	_ = 	snop;
	(pc) =	sbr.rel @p0 .LBB2_1-.Ltmp1, $3  }
0xc7: {  	_ =	sdelay $0x1  }
0xc8: {  	[sflag:s10] =	ssyncset.done $0x0  }
0xc9: {  	[sflag:s10] =	ssyncadd.s32 $0xFFFFEC78  }
0xca: {  	_ =	sfence.sel $0x180000  }
0xcb: {  	[bflag:$0x0] =	sbarrier.arrive $0xFFFF  }
0xcc: {  	_ =	strace $0x9000004A  }
0xcd: {  	s0 =	stileid.u32;
	[bflag:$0x2] =	sbarrier.arrive $0xFFFF  }
0xce: {  	p0 =	sne.s32 s0, $0x0;
	s0 =	rddreg [dreg:$0x2]  }
0xcf: {  	s0 =	sadd.s32 @!p0 $0x100000, s0  }
0xd0: {  	[sflag:s0] =	ssyncadd.tile.s32 @!p0 $0x1;
	_ =	shalt  }
.Lfunc_end2:
_tile_overlayer_lowered:
.L_overlay_start_2:
0xd1: {  	(tag) =	ssettag $0x2  }
0xd2: {  	s0 =	rddreg [dreg:$0x0];
	s2 =	stileid.u32  }
0xd3: {  	s1 =	rddreg [dreg:$0x1];
	p0 =	sne.s32 s2, $0x0  }
0xd4: {  	s3 =	rddreg [dreg:$0x2];
	[bflag:$0x3] =	sbarrier.arrive $0xFFFF;
	s2 =	simm.s32 @!p0 $0x1C0B  }
0xd5: {  	[timem:s3], [sflag:s2] =	dma.local @!p0 [hbm:s0], s1  }
0xd6: {  	s0 =	simm.s32 @!p0 $0xB  }
0xd7: {  	_ =	swait.ge @!p0 [sflag:s0], s1  }
0xd8: {  	s1 =	ssub.s32 @!p0 $0x0, s1;
	[sflag:s0] =	ssyncset.done @!p0 $0x0  }
0xd9: {  	[sflag:s0] =	ssyncadd.s32 @!p0 s1  }
0xda: {  	[bflag:$0x3] =	sbarrier.arrive $0xFFFF  }
0xdb: {  	_ =	shalt  }

// kernel: kernel.19.cloned.1.call-start
scs
__scs_entry_jumppad:
0x0: {  	(pc) =	sbr.rel $0x88, $3  }
0x1: {  	(tag) =	ssettag $0x0;
	lr =	simm.s32 $0x1  }
0x2: {  	[smem:$0x3F88] =	sst lr;
	_ =	strace $0xD0000000  }
0x3: {  	_ = 	snop  }
0x4: {  	_ = 	snop  }
0x5: {  	_ = 	snop  }
0x6: {  	_ = 	snop  }
0x7: {  	_ = 	snop  }
__scs_overlays_trampoline_lowered:
0x8: {  	[smem:$0x3F97] =	sst s0  }
0x9: {  	[smem:$0x3F98] =	sst s1  }
0xa: {  	[smem:$0x3F99] =	sst s2  }
0xb: {  	[smem:$0x3F9A] =	sst s3  }
0xc: {  	[smem:$0x3F9B] =	sst s4  }
0xd: {  	[smem:$0x3F9C] =	sst s5  }
0xe: {  	[smem:$0x3F9D] =	sst s6  }
0xf: {  	[smem:$0x3F9E] =	sst s7  }
0x10: {  	[smem:$0x3F9F] =	sst s8  }
0x11: {  	[smem:$0x3FA0] =	sst s9;
	s0 =	simm.s32 @!p0 $0x0  }
0x12: {  	s1 =	sld [smem:$0x3F86];
	s0 =	simm.s32 @p0 $0x1  }
0x13: {  	[smem:$0x3FA1] =	sst s0;
	s0 =	simm.s32 @!p1 $0x0  }
0x14: {  	s2 =	sld [smem:$0x3F85];
	s0 =	simm.s32 @p1 $0x1  }
0x15: {  	[smem:$0x3FA2] =	sst s0;
	s0 =	simm.s32 @!p2 $0x0  }
0x16: {  	s3 =	sld [smem:$0x3FDB];
	s0 =	simm.s32 @p2 $0x1  }
0x17: {  	s4 =	simm.s32 $0x1BF5;
	[smem:$0x3FA4] =	sst s0  }
0x18: {  	s0 =	sld [smem:$0x3F87];
	_ =	swait.ge [sflag:s4], $0x0  }
0x19: {  	s7 =	sld [smem:$0x3F88]  }
0x1a: {  	s8 =	sadd.s32 $0xFFFFE003, lr  }
0x1b: {  	s9 =	sadd.s32 $0xFFFFFEF7, lr;
	s5 =	simm.s32 $0xFFFFFFFF;
	p2 =	slt.u32 s8, $0xFFFFF086  }
0x1c: {  	p1 =	slt.u32 s9, $0xF7A;
	s5 =	simm.s32 @!p2 $0x0  }
0x1d: {  	s5 =	simm.s32 @p1 $0x1;
	p0 =	seq.s32 s7, s2  }
0x1e: {  	s7 =	smul.u32 @!p0 $0xF7A, s2;
	p2 =	seq.s32 @!p0 s5, $0x0  }
0x1f: {  	s9 =	smul.u32 $0xF7A, s1;
	s8 =	simm.s32 @!p0 $0x1BF5;
	p2 =	por !p2, p0  }
0x20: {  	[sflag:s8] =	ssyncset.s32 @!p0 $0xFFFFF086;
	s6 =	sadd.s32 @!p0 s3, s7;
	s7 =	simm.s32 @!p0 $0x108  }
0x21: {  	s3 =	sadd.s32 s3, s9;
	s6 =	sadd.s32 @!p0 $0x88, s6;
	s7 =	simm.s32 @p2 $0x1082  }
0x22: {  	[simem:s7], [sflag:s8] =	dma.local @!p0 [hbm:s6], $0xF7A  }
0x23: {  	s9 =	sor.u32 $0xD0000000, s2;
	s6 =	simm.s32 $0x108;
	_ =	swait.ge @!p0 [sflag:s8], $0x0  }
0x24: {  	s3 =	sadd.s32 $0x88, s3;
	s6 =	simm.s32 @!p1 $0x1082;
	[sflag:s4] =	ssyncset.s32 $0xFFFFF086  }
0x25: {  	[simem:s6], [sflag:s4] =	dma.local [hbm:s3], $0xF7A  }
0x26: {  	[smem:$0x3F88] =	sst s1;
	(tag) =	ssettag s2;
	_ =	strace s9  }
0x27: {  	s1 =	sld [smem:$0x3F98]  }
0x28: {  	s2 =	sld [smem:$0x3F99]  }
0x29: {  	s4 =	sld [smem:$0x3F9B]  }
0x2a: {  	p0 =	seq.s32 s5, $0x0;
	s5 =	sld [smem:$0x3F9C]  }
0x2b: {  	s6 =	sld [smem:$0x3F9D]  }
0x2c: {  	s7 =	sld [smem:$0x3F9E]  }
0x2d: {  	s3 =	simm.s32 $0x108;
	s8 =	sld [smem:$0x3F9F]  }
0x2e: {  	s3 =	simm.s32 @!p0 $0x1082;
	s9 =	sld [smem:$0x3FA0]  }
0x2f: {  	lr =	sadd.s32 s0, s3;
	s0 =	sld [smem:$0x3F97]  }
0x30: {  	s3 =	sld [smem:$0x3F9A]  }
0x31: {  	[smem:$0x3FA3] =	sst s10  }
0x32: {  	s10 =	sld [smem:$0x3FA1];
	_ =	sdelay $0x3  }
0x33: {  	p0 =	seq.s32 s10, $0x1;
	s10 =	sld [smem:$0x3FA3];
	_ =	sdelay $0x3  }
0x34: {  	[smem:$0x3FA3] =	sst s10  }
0x35: {  	s10 =	sld [smem:$0x3FA2];
	_ =	sdelay $0x3  }
0x36: {  	p1 =	seq.s32 s10, $0x1;
	s10 =	sld [smem:$0x3FA3];
	_ =	sdelay $0x3  }
0x37: {  	[smem:$0x3FA3] =	sst s10  }
0x38: {  	s10 =	sld [smem:$0x3FA4]  }
0x39: {  	_ = 	snop;
	(pc) =	sbr.ind lr, $3  }
0x3a: {  	_ = 	snop  }
0x3b: {  	_ = 	snop  }
0x3c: {  	p2 =	seq.s32 s10, $0x1;
	s10 =	sld [smem:$0x3FA3]  }
0x3d: {  	_ =	shalt  }
0x3e: {  	_ =	shalt  }
0x3f: {  	_ =	shalt  }
0x40: {  	_ =	shalt  }
0x41: {  	_ =	shalt  }
0x42: {  	_ =	shalt  }
0x43: {  	_ =	shalt  }
0x44: {  	_ =	shalt  }
0x45: {  	_ =	shalt  }
0x46: {  	_ =	shalt  }
0x47: {  	_ =	shalt  }
0x48: {  	_ =	shalt  }
0x49: {  	_ =	shalt  }
0x4a: {  	_ =	shalt  }
0x4b: {  	_ =	shalt  }
0x4c: {  	_ =	shalt  }
0x4d: {  	_ =	shalt  }
0x4e: {  	_ =	shalt  }
0x4f: {  	_ =	shalt  }
0x50: {  	_ =	shalt  }
0x51: {  	_ =	shalt  }
0x52: {  	_ =	shalt  }
0x53: {  	_ =	shalt  }
0x54: {  	_ =	shalt  }
0x55: {  	_ =	shalt  }
0x56: {  	_ =	shalt  }
0x57: {  	_ =	shalt  }
0x58: {  	_ =	shalt  }
0x59: {  	_ =	shalt  }
0x5a: {  	_ =	shalt  }
0x5b: {  	_ =	shalt  }
0x5c: {  	_ =	shalt  }
0x5d: {  	_ =	shalt  }
0x5e: {  	_ =	shalt  }
0x5f: {  	_ =	shalt  }
0x60: {  	_ =	shalt  }
0x61: {  	_ =	shalt  }
0x62: {  	_ =	shalt  }
0x63: {  	_ =	shalt  }
0x64: {  	_ =	shalt  }
0x65: {  	_ =	shalt  }
0x66: {  	_ =	shalt  }
0x67: {  	_ =	shalt  }
0x68: {  	_ =	shalt  }
0x69: {  	_ =	shalt  }
0x6a: {  	_ =	shalt  }
0x6b: {  	_ =	shalt  }
0x6c: {  	_ =	shalt  }
0x6d: {  	_ =	shalt  }
0x6e: {  	_ =	shalt  }
0x6f: {  	_ =	shalt  }
0x70: {  	_ =	shalt  }
0x71: {  	_ =	shalt  }
0x72: {  	_ =	shalt  }
0x73: {  	_ =	shalt  }
0x74: {  	_ =	shalt  }
0x75: {  	_ =	shalt  }
0x76: {  	_ =	shalt  }
0x77: {  	_ =	shalt  }
0x78: {  	_ =	shalt  }
0x79: {  	_ =	shalt  }
0x7a: {  	_ =	shalt  }
0x7b: {  	_ =	shalt  }
0x7c: {  	_ =	shalt  }
0x7d: {  	_ =	shalt  }
0x7e: {  	_ =	shalt  }
0x7f: {  	_ =	shalt  }
0x80: {  	_ =	shalt  }
0x81: {  	_ =	shalt  }
0x82: {  	_ =	shalt  }
0x83: {  	_ =	shalt  }
0x84: {  	_ =	shalt  }
0x85: {  	_ =	shalt  }
0x86: {  	_ =	shalt  }
0x87: {  	_ =	shalt  }
.Lfunc_end0:
.L_simem_size_0:
called_computation.2_lowered:
.L_overlay_start_0:
0x88: {  	s2 =	sld [smem:$0x3FD9]  }
0x89: {  	s3 =	sld [smem:$0x3FFE];
	_ =	sdelay $0x1  }
0x8a: {  	s1 =	srdreg.scid  }
0x8b: {  	s0 =	sand.u32 $0x1, s1  }
0x8c: {  	s14 =	sshll.u32 s0, $0xA;
	s2 =	sadd.s32 s3, s2  }
0x8d: {  	s2 =	sadd.s32 s2, s14  }
0x8e: {  	[smem:$0x3FAF] =	sst s2  }
0x8f: {  	_ = 	snop  }
0x90: {  	s2 =	sld [smem:$0x3FD0];
	_ =	sdelay $0x2  }
0x91: {  	s15 =	simm.s32 $0xA;
	s4 =	simm.s32 $0x10  }
0x92: {  	[smem:s4], [sflag:s15] =	dma.local [hbm:s2], $0x1  }
0x93: {  	_ =	swait.eq [sflag:s15], $0x1  }
0x94: {  	[sflag:s15] =	ssyncset.done $0x0  }
0x95: {  	[sflag:s15] =	ssyncadd.s32 $0xFFFFFFFF  }
0x96: {  	s16 =	sld [smem:$0x11];
	(tm) =	ssettm $0x1  }
0x97: {  	s17 =	sld [smem:$0x3FFB];
	_ =	sdelay $0x3  }
0x98: {  	_ =	strace s17  }
0x99: {  	s3 =	sld [smem:$0x3FFC];
	_ =	sdelay $0x3  }
0x9a: {  	_ =	strace s3  }
0x9b: {  	s3 =	sld [smem:$0x3FFD];
	_ =	sdelay $0x3  }
0x9c: {  	_ =	strace s3  }
0x9d: {  	_ =	strace $0x8FFFFFFF  }
0x9e: {  	s18 =	sld [smem:$0x3FDB];
	_ =	sdelay $0x1  }
0x9f: {  	s19 =	simm.s32 $_scs_section_size  }
0xa0: {  	s5 =	simm.s32 $_size__tile_overlayer_lowered;
	s6 =	simm.s32 $_tile_overlayer_lowered  }
0xa1: {  	s22 =	simm.s32 $0x1BFF;
	s21 =	sshll.u32 s6, $0x1;
	s3 =	sadd.s32 s19, s18  }
0xa2: {  	s7 =	simm.s32 $0x0;
	s20 =	sshll.u32 s5, $0x1;
	s5 =	sadd.s32 s21, s3  }
0xa3: {  	[timem:s7], [sflag:s22] =	dma.local [hbm:s5], s20  }
0xa4: {  	_ =	swait.ge [sflag:s22], s20  }
0xa5: {  	s4 =	ssub.s32 $0x0, s20;
	[sflag:s22] =	ssyncset.done $0x0  }
0xa6: {  	[sflag:s22] =	ssyncadd.s32 s4;
	_ =	sdelay $0x1  }
0xa7: {  	s23 =	simm.s32 $0x1B8B  }
0xa8: {  	_ =	swait.ge [sflag:s23], $0x1  }
0xa9: {  	[sflag:s23] =	ssyncset.done $0x0  }
0xaa: {  	s25 =	simm.s32 $0x1B8E;
	s24 =	sld [smem:$0x3FFE];
	[sflag:s23] =	ssyncadd.s32 $0xFFFFFFFF  }
0xab: {  	s26 =	simm.s32 $execute0_lowered;
	[smem:$0x3FD2] =	sst s25  }
0xac: {  	s5 =	sshll.u32 s26, $0x1;
	_ =	strace $0x8000004C;
	[dreg:$0x1] =	wrdreg $0xFFFFFFFF  }
0xad: {  	s28 =	simm.s32 $_size_execute0_lowered;
	s3 =	sadd.s32 s3, s5;
	[dreg:$0x0] =	wrdreg $0x0  }
0xae: {  	s5 =	sshll.u32 s28, $0x1;
	[dreg:$0x2] =	wrdreg s3  }
0xaf: {  	[dreg:$0x3] =	wrdreg s5  }
0xb0: {  	[dreg:$0x4] =	wrdreg $0xC0  }
0xb1: {  	_ =	task [dreg:s7], $0x5FFFF  }
0xb2: {  	[dreg:$0x1] =	wrdreg $0xFFFFFFFF  }
0xb3: {  	[dreg:$0x0] =	wrdreg $0x60  }
0xb4: {  	[dreg:$0x2] =	wrdreg s24  }
0xb5: {  	[dreg:$0x3] =	wrdreg s16  }
0xb6: {  	[dreg:$0x4] =	wrdreg $0x9  }
0xb7: {  	_ =	task.clear_ibuf [dreg:s7], $0x5FFFF;
	_ =	strace $0x9000004C  }
0xb8: {  	s29 =	simm.s32 $0x9;
	_ =	strace $0x8000004E  }
0xb9: {  	_ =	swait.ge [sflag:s29], $0x1  }
0xba: {  	[sflag:s29] =	ssyncadd.s32 $0xFFFFFFFF  }
0xbb: {  	_ =	strace $0x9000004E  }
0xbc: {  	_ =	sfence  }
0xbd: {  	s30 =	sld [smem:$0x0];
	_ =	sdelay $0x2  }
0xbe: {  	s31 =	sshll.u32 s1, $0xD;
	s1 =	sshrl.u32 s1, $0x2  }
0xbf: {  	s3 =	sand.u32 $0x4000, s31;
	s1 =	sadd.s32 s1, s30  }
0xc0: {  	s0 =	sor.u32 s3, s0;
	s1 =	sshll.u32 s1, $0x11  }
0xc1: {  	s0 =	sor.u32 s1, s0  }
0xc2: {  	s0 =	sadd.s32 $0x8F2B, s0  }
0xc3: {  	[sflag:s0] =	ssyncadd.remote.s32 $0x1  }
0xc4: {  	_ =	sfence.sel $0xFFFF  }
0xc5: {  	[dreg:$0x0] =	wrdreg $0xFFFFFFFF;
	(pc) =	sbr.abs _section_cstart, $3  }
0xc6: {  	[dreg:$0x1] =	wrdreg $0xFFFFFFFF  }
0xc7: {  	_ =	task.clear_ibuf [dreg:s7], $0x2FFFF;
	_ =	strace $0x9FFFFFFF  }
0xc8: {  	(tm) =	ssettm $0x7FFFFFFF  }
0xc9: {  	_ =	shalt  }
tec
execute0_lowered:
.L_overlay_start_1:
0x0: {  	(tag) =	ssettag $0x1  }
0x1: {  	s0 =	rddreg [dreg:$0x0]  }
0x2: {  	s1 =	rddreg [dreg:$0x1];
	s13 =	stileid.u32  }
0x3: {  	s2 =	simm.s32 $0x0;
	s6 =	srdreg.scid;
	s5 =	smul.u32 $0x9C4, s13  }
0x4: {  	s30 =	simm.s32 $0x13;
	s31 =	simm.s32 $0xF;
	s7 =	smul.u32 $0x27100, s13  }
0x5: {  	[smem:$0x7FF] =	sst s2;
	s6 =	sand.u32 $0x1, s6;
	s13 =	smul.u32 $0x138800, s13  }
0x6: {  	s3 =	sadd.s32 $0x22E00, s0;
	s4 =	sadd.s32 $0x36800, s0;
	s10 =	smul.u32 $0x13880, s6  }
0x7: {  	s11 =	sadd.s32 $0x4A200, s0;
	_ =	strace $0x8000004D;
	s14 =	smul.u32 $0x9C400, s6  }
0x8: {  	s9 =	ssub.s32 $0x2, s6;
	s20 =	smul.u32 $0x4E2, s6;
	s8 =	sadd.s32 s5, s0  }
0x9: {  	s12 =	sshrl.u32 s9, $0x1;
	s18 =	sadd.s32 s7, s11;
	s0 =	sadd.s32 $0x2BB200, s0  }
0xa: {  	s1 =	sadd.s32 s5, s1;
	s9 =	ssub.s32 s9, s12;
	s19 =	sadd.s32 s10, s18  }
0xb: {  	s7 =	sadd.s32 s7, s0;
	s13 =	sadd.s32 s14, s13;
	s23 =	sadd.s32 s20, s8  }
0xc: {  	s18 =	simm.s32 $0x190;
	s12 =	simm.s32 $0x1;
	s9 =	smax.u32 s9, $0x1  }
0xd: {  	[dreg:$0x3] =	wrdreg s19;
	s21 =	sadd.s32 s10, s7;
	s22 =	sadd.s32 $0x5000, s13  }
0xe: {  	s6 =	sadd.s32 $0x5600, s23;
	s25 =	sadd.s32 $0x3C00, s13;
	[dreg:$0xd] =	wrdreg s18  }
0xf: {  	s29 =	sadd.s32 $0x2800, s13;
	s14 =	sadd.s32 $0x1400, s13;
	[dreg:$0x18] =	wrdreg s9  }
0x10: {  	s19 =	simm.s32 $0x140;
	s13 =	simm.s32 $0x6;
	[dreg:$0x4] =	wrdreg s21  }
0x11: {  	s23 =	simm.s32 $0x1720;
	s18 =	simm.s32 $0x4;
	[dreg:$0xe] =	wrdreg s19  }
0x12: {  	s7 =	sshrl.u32 s22, $0x3;
	s21 =	simm.s32 $0x320;
	[dreg:$0x12] =	wrdreg s23  }
0x13: {  	s26 =	sshrl.u32 s25, $0x3;
	s22 =	simm.s32 $0x6720;
	[dreg:$0x10] =	wrdreg s21  }
0x14: {  	s9 =	sshrl.u32 s29, $0x3;
	s25 =	simm.s32 $0x2B20;
	[dreg:$0x11] =	wrdreg s22  }
0x15: {  	s16 =	sshrl.u32 s14, $0x3;
	s29 =	simm.s32 $0xA320;
	[dreg:$0x14] =	wrdreg s25  }
0x16: {  	s14 =	simm.s32 $0x2;
	s24 =	sadd.s32 s7, s0;
	[dreg:$0x17] =	wrdreg s29  }
0x17: {  	s19 =	simm.s32 $0x9;
	s7 =	sadd.s32 s7, s11;
	[dreg:$0x5] =	wrdreg s24  }
0x18: {  	s28 =	sadd.s32 s26, s0;
	s8 =	sadd.s32 s26, s11;
	[dreg:$0x6] =	wrdreg s7  }
0x19: {  	s10 =	sadd.s32 s9, s0;
	s15 =	sadd.s32 s9, s11;
	[dreg:$0x7] =	wrdreg s28  }
0x1a: {  	s0 =	sadd.s32 s16, s0;
	s17 =	sadd.s32 s16, s11;
	[dreg:$0x8] =	wrdreg s8  }
0x1b: {  	s9 =	simm.s32 $0x50;
	s11 =	simm.s32 $0xB720;
	[dreg:$0x9] =	wrdreg s10  }
0x1c: {  	s16 =	simm.s32 $0x3;
	s26 =	simm.s32 $0x8F20;
	[dreg:$0xa] =	wrdreg s15  }
0x1d: {  	s21 =	simm.s32 $0xA;
	s7 =	sadd.s32 s20, s1;
	[dreg:$0xb] =	wrdreg s0  }
0x1e: {  	[dreg:$0xc] =	wrdreg s17;
	s8 =	simm.s32 $0x15;
	s10 =	simm.s32 $0x5320  }
0x1f: {  	s20 =	simm.s32 $0x2D0;
	s24 =	simm.s32 $0x7B20;
	[dreg:$0x15] =	wrdreg s26  }
0x20: {  	s15 =	simm.s32 $0x7;
	s17 =	simm.s32 $0x8;
	[dreg:$0xf] =	wrdreg s20  }
0x21: {  	s28 =	simm.s32 $0x3F20;
	s0 =	simm.s32 $0x14;
	[dreg:$0x13] =	wrdreg s24  }
0x22: {  	s1 =	simm.s32 $0x0;
	[dreg:$0x16] =	wrdreg s28;
	s20 =	simm.s32 $0x5  }
.LBB2_1:
0x23: {  	[tilespmem:s2], [sflag:$0x15] =	stream.linear.gather [hbm4b:s6+s2], $0x190, $0x38;
	[tilespmem:$0xCB20] =	vst v63  }
0x24: {  	_ =	swait.ge [sflag:s8], $0x190  }
0x25: {  	[sflag:s8] =	ssyncset.done $0x0  }
0x26: {  	s5 =	rddreg [dreg:$0xd];
	[sflag:s8] =	ssyncadd.s32 $0xFFFFFE70  }
0x27: {  	[tilespmem:s5], [sflag:$0x15] =	stream.linear.gather [hbm4b:s7+s2], $0x190, $0x38;
	[tilespmem:$0xCB20] =	vst v63  }
0x28: {  	_ =	swait.ge [sflag:s8], $0x190  }
0x29: {  	p0 =	por $0x0, $0x0;
	[sflag:s8] =	ssyncset.done $0x0  }
0x2a: {  	s5 =	simm.s32 @p0 $0xB;
	[sflag:s8] =	ssyncadd.s32 $0xFFFFFE70  }
0x2b: {  	_ =	swait.ge @p0 [sflag:s5], $0x1400  }
0x2c: {  	[sflag:s5] =	ssyncset.done @p0 $0x0  }
0x2d: {  	[sflag:s5] =	ssyncadd.s32 @p0 $0xFFFFEC00;
	s5 =	simm.s32 @p0 $0x10  }
0x2e: {  	_ =	swait.ge @p0 [sflag:s5], $0x1400  }
0x2f: {  	s22 =	simm.s32 @p0 $0x320;
	[sflag:s5] =	ssyncset.done @p0 $0x0  }
0x30: {  	s23 =	simm.s32 @p0 $0x0;
	[sflag:s5] =	ssyncadd.s32 @p0 $0xFFFFEC00;
	s5 =	simm.s32 @p0 $0x50  }
0x31: {  	[tilespmem:s22], [sflag:$0x1] =	stream.indirect.gather @p0 [hbm4b:s3+s5], $0x40, s23, s5, $0xb8;
	[tilespmem:$0xCB20] =	vst v63  }
0x32: {  	s24 =	simm.s32 @p0 $0xC;
	s22 =	simm.s32 @p0 $0x190;
	s23 =	simm.s32 @p0 $0x6720  }
0x33: {  	[tilespmem:s23], [sflag:$0x6] =	stream.indirect.gather @p0 [hbm4b:s4+s5], $0x40, s22, s5, $0xb8;
	[tilespmem:$0xCB20] =	vst v63  }
0x34: {  	_ =	swait.ge @p0 [sflag:s24], $0x1400  }
0x35: {  	[sflag:s24] =	ssyncset.done @p0 $0x0  }
0x36: {  	s22 =	simm.s32 @p0 $0x11;
	[sflag:s24] =	ssyncadd.s32 @p0 $0xFFFFEC00  }
0x37: {  	_ =	swait.ge @p0 [sflag:s22], $0x1400  }
0x38: {  	[sflag:s22] =	ssyncset.done @p0 $0x0  }
0x39: {  	[sflag:s22] =	ssyncadd.s32 @p0 $0xFFFFEC00;
	s22 =	simm.s32 @p0 $0x1720  }
0x3a: {  	[tilespmem:s22], [sflag:$0x2] =	stream.indirect.gather @p0 [hbm4b:s3+s5], $0x40, s5, s5, $0xb8;
	[tilespmem:$0xCB20] =	vst v63  }
0x3b: {  	s23 =	simm.s32 @p0 $0x7B20;
	s24 =	simm.s32 @p0 $0xD;
	s22 =	simm.s32 @p0 $0x1E0  }
0x3c: {  	[tilespmem:s23], [sflag:$0x7] =	stream.indirect.gather @p0 [hbm4b:s4+s5], $0x40, s22, s5, $0xb8;
	[tilespmem:$0xCB20] =	vst v63  }
0x3d: {  	_ =	swait.ge @p0 [sflag:s24], $0x1400  }
0x3e: {  	[sflag:s24] =	ssyncset.done @p0 $0x0  }
0x3f: {  	s22 =	simm.s32 @p0 $0x12;
	[sflag:s24] =	ssyncadd.s32 @p0 $0xFFFFEC00  }
0x40: {  	_ =	swait.ge @p0 [sflag:s22], $0x1400  }
0x41: {  	[sflag:s22] =	ssyncset.done @p0 $0x0  }
0x42: {  	s23 =	simm.s32 @p0 $0x2B20;
	[sflag:s22] =	ssyncadd.s32 @p0 $0xFFFFEC00;
	s22 =	simm.s32 @p0 $0xA0  }
0x43: {  	[tilespmem:s23], [sflag:$0x3] =	stream.indirect.gather @p0 [hbm4b:s3+s5], $0x40, s22, s5, $0xb8;
	[tilespmem:$0xCB20] =	vst v63  }
0x44: {  	s24 =	simm.s32 @p0 $0xE;
	s22 =	simm.s32 @p0 $0x230;
	s23 =	simm.s32 @p0 $0x8F20  }
0x45: {  	[tilespmem:s23], [sflag:$0x8] =	stream.indirect.gather @p0 [hbm4b:s4+s5], $0x40, s22, s5, $0xb8;
	[tilespmem:$0xCB20] =	vst v63  }
0x46: {  	_ =	swait.ge @p0 [sflag:s24], $0x1400  }
0x47: {  	[sflag:s24] =	ssyncset.done @p0 $0x0  }
0x48: {  	s22 =	simm.s32 @p0 $0x13;
	[sflag:s24] =	ssyncadd.s32 @p0 $0xFFFFEC00  }
0x49: {  	_ =	swait.ge @p0 [sflag:s22], $0x1400  }
0x4a: {  	[sflag:s22] =	ssyncset.done @p0 $0x0  }
0x4b: {  	s23 =	simm.s32 @p0 $0x3F20;
	[sflag:s22] =	ssyncadd.s32 @p0 $0xFFFFEC00;
	s22 =	simm.s32 @p0 $0xF0  }
0x4c: {  	[tilespmem:s23], [sflag:$0x4] =	stream.indirect.gather @p0 [hbm4b:s3+s5], $0x40, s22, s5, $0xb8;
	[tilespmem:$0xCB20] =	vst v63  }
0x4d: {  	s24 =	simm.s32 @p0 $0xF;
	s22 =	simm.s32 @p0 $0x280;
	s23 =	simm.s32 @p0 $0xA320  }
0x4e: {  	[tilespmem:s23], [sflag:$0x9] =	stream.indirect.gather @p0 [hbm4b:s4+s5], $0x40, s22, s5, $0xb8;
	[tilespmem:$0xCB20] =	vst v63  }
0x4f: {  	_ =	swait.ge @p0 [sflag:s24], $0x1400  }
0x50: {  	[sflag:s24] =	ssyncset.done @p0 $0x0  }
0x51: {  	s5 =	simm.s32 @p0 $0x14;
	[sflag:s24] =	ssyncadd.s32 @p0 $0xFFFFEC00  }
0x52: {  	_ =	swait.ge @p0 [sflag:s5], $0x1400  }
0x53: {  	s22 =	simm.s32 @!p0 $0x320;
	[sflag:s5] =	ssyncset.done @p0 $0x0  }
0x54: {  	s23 =	simm.s32 @!p0 $0x0;
	[sflag:s5] =	ssyncadd.s32 @p0 $0xFFFFEC00;
	s5 =	simm.s32 @!p0 $0x50  }
0x55: {  	[tilespmem:s22], [sflag:$0x1] =	stream.indirect.gather @!p0 [hbm4b:s3+s5], $0x40, s23, s5, $0xb8;
	[tilespmem:$0xCB20] =	vst v63  }
0x56: {  	s22 =	simm.s32 @!p0 $0x190;
	s23 =	simm.s32 @!p0 $0x6720  }
0x57: {  	[tilespmem:s23], [sflag:$0x6] =	stream.indirect.gather @!p0 [hbm4b:s4+s5], $0x40, s22, s5, $0xb8;
	[tilespmem:$0xCB20] =	vst v63  }
0x58: {  	s22 =	simm.s32 @!p0 $0x1720  }
0x59: {  	[tilespmem:s22], [sflag:$0x2] =	stream.indirect.gather @!p0 [hbm4b:s3+s5], $0x40, s5, s5, $0xb8;
	[tilespmem:$0xCB20] =	vst v63  }
0x5a: {  	s23 =	simm.s32 @!p0 $0x7B20;
	s22 =	simm.s32 @!p0 $0x1E0  }
0x5b: {  	[tilespmem:s23], [sflag:$0x7] =	stream.indirect.gather @!p0 [hbm4b:s4+s5], $0x40, s22, s5, $0xb8;
	[tilespmem:$0xCB20] =	vst v63  }
0x5c: {  	s22 =	simm.s32 @!p0 $0xA0;
	s23 =	simm.s32 @!p0 $0x2B20  }
0x5d: {  	[tilespmem:s23], [sflag:$0x3] =	stream.indirect.gather @!p0 [hbm4b:s3+s5], $0x40, s22, s5, $0xb8;
	[tilespmem:$0xCB20] =	vst v63  }
0x5e: {  	s22 =	simm.s32 @!p0 $0x230;
	s23 =	simm.s32 @!p0 $0x8F20  }
0x5f: {  	[tilespmem:s23], [sflag:$0x8] =	stream.indirect.gather @!p0 [hbm4b:s4+s5], $0x40, s22, s5, $0xb8;
	[tilespmem:$0xCB20] =	vst v63  }
0x60: {  	s22 =	simm.s32 @!p0 $0xF0;
	s23 =	simm.s32 @!p0 $0x3F20  }
0x61: {  	[tilespmem:s23], [sflag:$0x4] =	stream.indirect.gather @!p0 [hbm4b:s3+s5], $0x40, s22, s5, $0xb8;
	[tilespmem:$0xCB20] =	vst v63  }
0x62: {  	s22 =	simm.s32 @!p0 $0x280;
	s23 =	simm.s32 @!p0 $0xA320  }
0x63: {  	[tilespmem:s23], [sflag:$0x9] =	stream.indirect.gather @!p0 [hbm4b:s4+s5], $0x40, s22, s5, $0xb8;
	[tilespmem:$0xCB20] =	vst v63  }
0x64: {  	s29 =	rddreg [dreg:$0xe]  }
0x65: {  	[tilespmem:s10], [sflag:$0x5] =	stream.indirect.gather [hbm4b:s3+s9], $0x40, s29, s9, $0xb8;
	[tilespmem:$0xCB20] =	vst v63  }
0x66: {  	s23 =	rddreg [dreg:$0xf]  }
0x67: {  	[tilespmem:s11], [sflag:$0xA] =	stream.indirect.gather [hbm4b:s4+s9], $0x40, s23, s9, $0xb8;
	[tilespmem:$0xCB20] =	vst v63  }
0x68: {  	_ =	swait.ge [sflag:s12], $0x1400  }
0x69: {  	[sflag:s12] =	ssyncset.done $0x0  }
0x6a: {  	[sflag:s12] =	ssyncadd.s32 $0xFFFFEC00  }
0x6b: {  	_ =	swait.ge [sflag:s13], $0x1400  }
0x6c: {  	s25 =	rddreg [dreg:$0x3]  }
0x6d: {  	s26 =	rddreg [dreg:$0x10];
	[sflag:s13] =	ssyncset.done $0x0  }
0x6e: {  	s28 =	rddreg [dreg:$0x4];
	[sflag:s13] =	ssyncadd.s32 $0xFFFFEC00;
	s5 =	sadd.s32 $0x0, s25  }
0x6f: {  	[hbm4b:s5+s2] =	stream.linear.scatter [tilespmem:s26], [sflag:$0xB], $0x1400, $0x38;
	[tilespmem:$0xCB20] =	vst v63  }
0x70: {  	s29 =	rddreg [dreg:$0x11];
	s23 =	sadd.s32 $0x0, s28  }
0x71: {  	[hbm4b:s23+s2] =	stream.linear.scatter [tilespmem:s29], [sflag:$0x10], $0x1400, $0x38;
	[tilespmem:$0xCB20] =	vst v63  }
0x72: {  	_ =	swait.ge [sflag:s14], $0x1400  }
0x73: {  	[sflag:s14] =	ssyncset.done $0x0  }
0x74: {  	[sflag:s14] =	ssyncadd.s32 $0xFFFFEC00  }
0x75: {  	_ =	swait.ge [sflag:s15], $0x1400  }
0x76: {  	s25 =	rddreg [dreg:$0xc]  }
0x77: {  	s26 =	rddreg [dreg:$0x12];
	[sflag:s15] =	ssyncset.done $0x0  }
0x78: {  	s28 =	rddreg [dreg:$0xb];
	[sflag:s15] =	ssyncadd.s32 $0xFFFFEC00;
	s5 =	sadd.s32 $0x0, s25  }
0x79: {  	[hbm4b:s5+s2] =	stream.linear.scatter [tilespmem:s26], [sflag:$0xC], $0x1400, $0x38;
	[tilespmem:$0xCB20] =	vst v63  }
0x7a: {  	s29 =	rddreg [dreg:$0x13];
	s23 =	sadd.s32 $0x0, s28  }
0x7b: {  	[hbm4b:s23+s2] =	stream.linear.scatter [tilespmem:s29], [sflag:$0x11], $0x1400, $0x38;
	[tilespmem:$0xCB20] =	vst v63  }
0x7c: {  	_ =	swait.ge [sflag:s16], $0x1400  }
0x7d: {  	[sflag:s16] =	ssyncset.done $0x0  }
0x7e: {  	[sflag:s16] =	ssyncadd.s32 $0xFFFFEC00  }
0x7f: {  	_ =	swait.ge [sflag:s17], $0x1400  }
0x80: {  	s24 =	rddreg [dreg:$0xa]  }
0x81: {  	s25 =	rddreg [dreg:$0x14];
	[sflag:s17] =	ssyncset.done $0x0  }
0x82: {  	s26 =	rddreg [dreg:$0x9];
	[sflag:s17] =	ssyncadd.s32 $0xFFFFEC00;
	s5 =	sadd.s32 $0x0, s24  }
0x83: {  	[hbm4b:s5+s2] =	stream.linear.scatter [tilespmem:s25], [sflag:$0xD], $0x1400, $0x38;
	[tilespmem:$0xCB20] =	vst v63  }
0x84: {  	s28 =	rddreg [dreg:$0x15];
	s29 =	sadd.s32 $0x0, s26  }
0x85: {  	[hbm4b:s29+s2] =	stream.linear.scatter [tilespmem:s28], [sflag:$0x12], $0x1400, $0x38;
	[tilespmem:$0xCB20] =	vst v63  }
0x86: {  	_ =	swait.ge [sflag:s18], $0x1400  }
0x87: {  	[sflag:s18] =	ssyncset.done $0x0  }
0x88: {  	[sflag:s18] =	ssyncadd.s32 $0xFFFFEC00  }
0x89: {  	_ =	swait.ge [sflag:s19], $0x1400  }
0x8a: {  	s22 =	rddreg [dreg:$0x8]  }
0x8b: {  	s23 =	rddreg [dreg:$0x16];
	[sflag:s19] =	ssyncset.done $0x0  }
0x8c: {  	s24 =	rddreg [dreg:$0x7];
	[sflag:s19] =	ssyncadd.s32 $0xFFFFEC00;
	s5 =	sadd.s32 $0x0, s22  }
0x8d: {  	[hbm4b:s5+s2] =	stream.linear.scatter [tilespmem:s23], [sflag:$0xE], $0x1400, $0x38;
	[tilespmem:$0xCB20] =	vst v63  }
0x8e: {  	s25 =	rddreg [dreg:$0x17];
	s26 =	sadd.s32 $0x0, s24  }
0x8f: {  	[hbm4b:s26+s2] =	stream.linear.scatter [tilespmem:s25], [sflag:$0x13], $0x1400, $0x38;
	[tilespmem:$0xCB20] =	vst v63  }
0x90: {  	_ =	swait.ge [sflag:s20], $0x1400  }
0x91: {  	[sflag:s20] =	ssyncset.done $0x0  }
0x92: {  	[sflag:s20] =	ssyncadd.s32 $0xFFFFEC00  }
0x93: {  	_ =	swait.ge [sflag:s21], $0x1400  }
0x94: {  	s22 =	sadd.s32 $0x32, s6;
	s28 =	rddreg [dreg:$0x6];
	[sflag:s21] =	ssyncset.done $0x0  }
0x95: {  	s29 =	rddreg [dreg:$0x5];
	[sflag:s21] =	ssyncadd.s32 $0xFFFFEC00;
	s5 =	sadd.s32 $0x0, s28  }
0x96: {  	[hbm4b:s5+s2] =	stream.linear.scatter [tilespmem:s10], [sflag:$0xF], $0x1400, $0x38;
	[tilespmem:$0xCB20] =	vst v63  }
0x97: {  	s23 =	sadd.s32 $0x32, s7;
	s24 =	sadd.s32 $0x0, s29;
	s5 =	simm.s32 $0xC80  }
.LBB2_2:
0x98: {  	[hbm4b:s24+s2] =	stream.linear.scatter [tilespmem:s11], [sflag:$0x14], $0x1400, $0x38;
	[tilespmem:$0xCB20] =	vst v63  }
0x99: {  	_ = 	snop  }
0x9a: {  	[tilespmem:s2], [sflag:$0x15] =	stream.linear.gather [hbm4b:s22+s2], $0x190, $0x38;
	[tilespmem:$0xCB20] =	vst v63  }
0x9b: {  	_ =	swait.ge [sflag:s8], $0x190  }
0x9c: {  	[sflag:s8] =	ssyncset.done $0x0  }
0x9d: {  	s25 =	rddreg [dreg:$0xd];
	[sflag:s8] =	ssyncadd.s32 $0xFFFFFE70  }
0x9e: {  	[tilespmem:s25], [sflag:$0x15] =	stream.linear.gather [hbm4b:s23+s2], $0x190, $0x38;
	[tilespmem:$0xCB20] =	vst v63  }
0x9f: {  	s24 =	smov.u32 s5;
	_ =	swait.ge [sflag:s8], $0x190  }
0xa0: {  	p1 =	sne.s32 s24, $0x0;
	[sflag:s8] =	ssyncset.done $0x0  }
0xa1: {  	s25 =	simm.s32 @p1 $0xB;
	[sflag:s8] =	ssyncadd.s32 $0xFFFFFE70  }
0xa2: {  	_ =	swait.ge @p1 [sflag:s25], $0x1400  }
0xa3: {  	[sflag:s25] =	ssyncset.done @p1 $0x0  }
0xa4: {  	[sflag:s25] =	ssyncadd.s32 @p1 $0xFFFFEC00;
	s25 =	simm.s32 @p1 $0x10  }
0xa5: {  	_ =	swait.ge @p1 [sflag:s25], $0x1400  }
0xa6: {  	s26 =	simm.s32 @p1 $0x320;
	[sflag:s25] =	ssyncset.done @p1 $0x0  }
0xa7: {  	s28 =	simm.s32 @p1 $0x0;
	[sflag:s25] =	ssyncadd.s32 @p1 $0xFFFFEC00;
	s25 =	simm.s32 @p1 $0x50  }
0xa8: {  	[tilespmem:s26], [sflag:$0x1] =	stream.indirect.gather @p1 [hbm4b:s3+s25], $0x40, s28, s25, $0xb8;
	[tilespmem:$0xCB20] =	vst v63  }
0xa9: {  	s29 =	simm.s32 @p1 $0xC;
	s26 =	simm.s32 @p1 $0x190;
	s28 =	simm.s32 @p1 $0x6720  }
0xaa: {  	[tilespmem:s28], [sflag:$0x6] =	stream.indirect.gather @p1 [hbm4b:s4+s25], $0x40, s26, s25, $0xb8;
	[tilespmem:$0xCB20] =	vst v63  }
0xab: {  	_ =	swait.ge @p1 [sflag:s29], $0x1400  }
0xac: {  	[sflag:s29] =	ssyncset.done @p1 $0x0  }
0xad: {  	s26 =	simm.s32 @p1 $0x11;
	[sflag:s29] =	ssyncadd.s32 @p1 $0xFFFFEC00  }
0xae: {  	_ =	swait.ge @p1 [sflag:s26], $0x1400  }
0xaf: {  	[sflag:s26] =	ssyncset.done @p1 $0x0  }
0xb0: {  	[sflag:s26] =	ssyncadd.s32 @p1 $0xFFFFEC00;
	s26 =	simm.s32 @p1 $0x1720  }
0xb1: {  	[tilespmem:s26], [sflag:$0x2] =	stream.indirect.gather @p1 [hbm4b:s3+s25], $0x40, s25, s25, $0xb8;
	[tilespmem:$0xCB20] =	vst v63  }
0xb2: {  	s28 =	simm.s32 @p1 $0x7B20;
	s29 =	simm.s32 @p1 $0xD;
	s26 =	simm.s32 @p1 $0x1E0  }
0xb3: {  	[tilespmem:s28], [sflag:$0x7] =	stream.indirect.gather @p1 [hbm4b:s4+s25], $0x40, s26, s25, $0xb8;
	[tilespmem:$0xCB20] =	vst v63  }
0xb4: {  	_ =	swait.ge @p1 [sflag:s29], $0x1400  }
0xb5: {  	[sflag:s29] =	ssyncset.done @p1 $0x0  }
0xb6: {  	s26 =	simm.s32 @p1 $0x12;
	[sflag:s29] =	ssyncadd.s32 @p1 $0xFFFFEC00  }
0xb7: {  	_ =	swait.ge @p1 [sflag:s26], $0x1400  }
0xb8: {  	[sflag:s26] =	ssyncset.done @p1 $0x0  }
0xb9: {  	s28 =	simm.s32 @p1 $0x2B20;
	[sflag:s26] =	ssyncadd.s32 @p1 $0xFFFFEC00;
	s26 =	simm.s32 @p1 $0xA0  }
0xba: {  	[tilespmem:s28], [sflag:$0x3] =	stream.indirect.gather @p1 [hbm4b:s3+s25], $0x40, s26, s25, $0xb8;
	[tilespmem:$0xCB20] =	vst v63  }
0xbb: {  	s29 =	simm.s32 @p1 $0xE;
	s26 =	simm.s32 @p1 $0x230;
	s28 =	simm.s32 @p1 $0x8F20  }
0xbc: {  	[tilespmem:s28], [sflag:$0x8] =	stream.indirect.gather @p1 [hbm4b:s4+s25], $0x40, s26, s25, $0xb8;
	[tilespmem:$0xCB20] =	vst v63  }
0xbd: {  	_ =	swait.ge @p1 [sflag:s29], $0x1400  }
0xbe: {  	[sflag:s29] =	ssyncset.done @p1 $0x0  }
0xbf: {  	s26 =	simm.s32 @p1 $0x13;
	[sflag:s29] =	ssyncadd.s32 @p1 $0xFFFFEC00  }
0xc0: {  	_ =	swait.ge @p1 [sflag:s26], $0x1400  }
0xc1: {  	[sflag:s26] =	ssyncset.done @p1 $0x0  }
0xc2: {  	s28 =	simm.s32 @p1 $0x3F20;
	[sflag:s26] =	ssyncadd.s32 @p1 $0xFFFFEC00;
	s26 =	simm.s32 @p1 $0xF0  }
0xc3: {  	[tilespmem:s28], [sflag:$0x4] =	stream.indirect.gather @p1 [hbm4b:s3+s25], $0x40, s26, s25, $0xb8;
	[tilespmem:$0xCB20] =	vst v63  }
0xc4: {  	s29 =	simm.s32 @p1 $0xF;
	s26 =	simm.s32 @p1 $0x280;
	s28 =	simm.s32 @p1 $0xA320  }
0xc5: {  	[tilespmem:s28], [sflag:$0x9] =	stream.indirect.gather @p1 [hbm4b:s4+s25], $0x40, s26, s25, $0xb8;
	[tilespmem:$0xCB20] =	vst v63  }
0xc6: {  	_ =	swait.ge @p1 [sflag:s29], $0x1400  }
0xc7: {  	[sflag:s29] =	ssyncset.done @p1 $0x0  }
0xc8: {  	s25 =	simm.s32 @p1 $0x14;
	[sflag:s29] =	ssyncadd.s32 @p1 $0xFFFFEC00  }
0xc9: {  	_ =	swait.ge @p1 [sflag:s25], $0x1400  }
0xca: {  	s26 =	simm.s32 @!p1 $0x320;
	[sflag:s25] =	ssyncset.done @p1 $0x0  }
0xcb: {  	s28 =	simm.s32 @!p1 $0x0;
	[sflag:s25] =	ssyncadd.s32 @p1 $0xFFFFEC00;
	s25 =	simm.s32 @!p1 $0x50  }
0xcc: {  	[tilespmem:s26], [sflag:$0x1] =	stream.indirect.gather @!p1 [hbm4b:s3+s25], $0x40, s28, s25, $0xb8;
	[tilespmem:$0xCB20] =	vst v63  }
0xcd: {  	s26 =	simm.s32 @!p1 $0x190;
	s28 =	simm.s32 @!p1 $0x6720  }
0xce: {  	[tilespmem:s28], [sflag:$0x6] =	stream.indirect.gather @!p1 [hbm4b:s4+s25], $0x40, s26, s25, $0xb8;
	[tilespmem:$0xCB20] =	vst v63  }
0xcf: {  	s26 =	simm.s32 @!p1 $0x1720  }
0xd0: {  	[tilespmem:s26], [sflag:$0x2] =	stream.indirect.gather @!p1 [hbm4b:s3+s25], $0x40, s25, s25, $0xb8;
	[tilespmem:$0xCB20] =	vst v63  }
0xd1: {  	s28 =	simm.s32 @!p1 $0x7B20;
	s26 =	simm.s32 @!p1 $0x1E0  }
0xd2: {  	[tilespmem:s28], [sflag:$0x7] =	stream.indirect.gather @!p1 [hbm4b:s4+s25], $0x40, s26, s25, $0xb8;
	[tilespmem:$0xCB20] =	vst v63  }
0xd3: {  	s26 =	simm.s32 @!p1 $0xA0;
	s28 =	simm.s32 @!p1 $0x2B20  }
0xd4: {  	[tilespmem:s28], [sflag:$0x3] =	stream.indirect.gather @!p1 [hbm4b:s3+s25], $0x40, s26, s25, $0xb8;
	[tilespmem:$0xCB20] =	vst v63  }
0xd5: {  	s26 =	simm.s32 @!p1 $0x230;
	s28 =	simm.s32 @!p1 $0x8F20  }
0xd6: {  	[tilespmem:s28], [sflag:$0x8] =	stream.indirect.gather @!p1 [hbm4b:s4+s25], $0x40, s26, s25, $0xb8;
	[tilespmem:$0xCB20] =	vst v63  }
0xd7: {  	s26 =	simm.s32 @!p1 $0xF0;
	s28 =	simm.s32 @!p1 $0x3F20  }
0xd8: {  	[tilespmem:s28], [sflag:$0x4] =	stream.indirect.gather @!p1 [hbm4b:s3+s25], $0x40, s26, s25, $0xb8;
	[tilespmem:$0xCB20] =	vst v63  }
0xd9: {  	s26 =	simm.s32 @!p1 $0x280;
	s28 =	simm.s32 @!p1 $0xA320  }
0xda: {  	[tilespmem:s28], [sflag:$0x9] =	stream.indirect.gather @!p1 [hbm4b:s4+s25], $0x40, s26, s25, $0xb8;
	[tilespmem:$0xCB20] =	vst v63  }
0xdb: {  	s29 =	rddreg [dreg:$0xe]  }
0xdc: {  	[tilespmem:s10], [sflag:$0x5] =	stream.indirect.gather [hbm4b:s3+s9], $0x40, s29, s9, $0xb8;
	[tilespmem:$0xCB20] =	vst v63  }
0xdd: {  	s28 =	rddreg [dreg:$0xf]  }
0xde: {  	[tilespmem:s11], [sflag:$0xA] =	stream.indirect.gather [hbm4b:s4+s9], $0x40, s28, s9, $0xb8;
	[tilespmem:$0xCB20] =	vst v63  }
0xdf: {  	_ =	swait.ge [sflag:s12], $0x1400  }
0xe0: {  	[sflag:s12] =	ssyncset.done $0x0  }
0xe1: {  	[sflag:s12] =	ssyncadd.s32 $0xFFFFEC00  }
0xe2: {  	_ =	swait.ge [sflag:s13], $0x1400  }
0xe3: {  	s29 =	rddreg [dreg:$0x3]  }
0xe4: {  	s26 =	rddreg [dreg:$0x10];
	[sflag:s13] =	ssyncset.done $0x0  }
0xe5: {  	s28 =	rddreg [dreg:$0x4];
	[sflag:s13] =	ssyncadd.s32 $0xFFFFEC00;
	s25 =	sadd.s32 s24, s29  }
0xe6: {  	[hbm4b:s25+s2] =	stream.linear.scatter [tilespmem:s26], [sflag:$0xB], $0x1400, $0x38;
	[tilespmem:$0xCB20] =	vst v63  }
0xe7: {  	s29 =	rddreg [dreg:$0x11];
	s28 =	sadd.s32 s24, s28  }
0xe8: {  	[hbm4b:s28+s2] =	stream.linear.scatter [tilespmem:s29], [sflag:$0x10], $0x1400, $0x38;
	[tilespmem:$0xCB20] =	vst v63  }
0xe9: {  	_ =	swait.ge [sflag:s14], $0x1400  }
0xea: {  	[sflag:s14] =	ssyncset.done $0x0  }
0xeb: {  	[sflag:s14] =	ssyncadd.s32 $0xFFFFEC00  }
0xec: {  	_ =	swait.ge [sflag:s15], $0x1400  }
0xed: {  	s29 =	rddreg [dreg:$0xc]  }
0xee: {  	s26 =	rddreg [dreg:$0x12];
	[sflag:s15] =	ssyncset.done $0x0  }
0xef: {  	s28 =	rddreg [dreg:$0xb];
	[sflag:s15] =	ssyncadd.s32 $0xFFFFEC00;
	s25 =	sadd.s32 s24, s29  }
0xf0: {  	[hbm4b:s25+s2] =	stream.linear.scatter [tilespmem:s26], [sflag:$0xC], $0x1400, $0x38;
	[tilespmem:$0xCB20] =	vst v63  }
0xf1: {  	s29 =	rddreg [dreg:$0x13];
	s28 =	sadd.s32 s24, s28  }
0xf2: {  	[hbm4b:s28+s2] =	stream.linear.scatter [tilespmem:s29], [sflag:$0x11], $0x1400, $0x38;
	[tilespmem:$0xCB20] =	vst v63  }
0xf3: {  	_ =	swait.ge [sflag:s16], $0x1400  }
0xf4: {  	[sflag:s16] =	ssyncset.done $0x0  }
0xf5: {  	[sflag:s16] =	ssyncadd.s32 $0xFFFFEC00  }
0xf6: {  	_ =	swait.ge [sflag:s17], $0x1400  }
0xf7: {  	s29 =	rddreg [dreg:$0xa]  }
0xf8: {  	s26 =	rddreg [dreg:$0x14];
	[sflag:s17] =	ssyncset.done $0x0  }
0xf9: {  	s28 =	rddreg [dreg:$0x9];
	[sflag:s17] =	ssyncadd.s32 $0xFFFFEC00;
	s25 =	sadd.s32 s24, s29  }
0xfa: {  	[hbm4b:s25+s2] =	stream.linear.scatter [tilespmem:s26], [sflag:$0xD], $0x1400, $0x38;
	[tilespmem:$0xCB20] =	vst v63  }
0xfb: {  	s29 =	rddreg [dreg:$0x15];
	s28 =	sadd.s32 s24, s28  }
0xfc: {  	[hbm4b:s28+s2] =	stream.linear.scatter [tilespmem:s29], [sflag:$0x12], $0x1400, $0x38;
	[tilespmem:$0xCB20] =	vst v63  }
0xfd: {  	_ =	swait.ge [sflag:s18], $0x1400  }
0xfe: {  	[sflag:s18] =	ssyncset.done $0x0  }
0xff: {  	[sflag:s18] =	ssyncadd.s32 $0xFFFFEC00  }
0x100: {  	_ =	swait.ge [sflag:s19], $0x1400  }
0x101: {  	s29 =	rddreg [dreg:$0x8]  }
0x102: {  	s26 =	rddreg [dreg:$0x16];
	[sflag:s19] =	ssyncset.done $0x0  }
0x103: {  	s28 =	rddreg [dreg:$0x7];
	[sflag:s19] =	ssyncadd.s32 $0xFFFFEC00;
	s25 =	sadd.s32 s24, s29  }
0x104: {  	[hbm4b:s25+s2] =	stream.linear.scatter [tilespmem:s26], [sflag:$0xE], $0x1400, $0x38;
	[tilespmem:$0xCB20] =	vst v63  }
0x105: {  	s29 =	rddreg [dreg:$0x17];
	s26 =	sadd.s32 s24, s28  }
0x106: {  	[hbm4b:s26+s2] =	stream.linear.scatter [tilespmem:s29], [sflag:$0x13], $0x1400, $0x38;
	[tilespmem:$0xCB20] =	vst v63  }
0x107: {  	_ =	swait.ge [sflag:s20], $0x1400  }
0x108: {  	s5 =	sadd.s32 $0xC80, s5;
	[sflag:s20] =	ssyncset.done $0x0  }
0x109: {  	p0 =	sne.s32 s5, $0x13880;
	[sflag:s20] =	ssyncadd.s32 $0xFFFFEC00  }
.Ltmp0:
0x10a: {  	_ =	swait.ge [sflag:s21], $0x1400;
	(pc) =	sbr.rel @p0 .LBB2_2-.Ltmp0, $4  }
0x10b: {  	s22 =	sadd.s32 $0x32, s22;
	s28 =	rddreg [dreg:$0x6]  }
0x10c: {  	s23 =	sadd.s32 $0x32, s23;
	s29 =	rddreg [dreg:$0x5];
	[sflag:s21] =	ssyncset.done $0x0  }
0x10d: {  	[sflag:s21] =	ssyncadd.s32 $0xFFFFEC00;
	s25 =	sadd.s32 s24, s28;
	s24 =	sadd.s32 s24, s29  }
0x10e: {  	[hbm4b:s25+s2] =	stream.linear.scatter [tilespmem:s10], [sflag:$0xF], $0x1400, $0x38;
	[tilespmem:$0xCB20] =	vst v63  }
0x10f: {  	[hbm4b:s24+s2] =	stream.linear.scatter [tilespmem:s11], [sflag:$0x14], $0x1400, $0x38;
	[tilespmem:$0xCB20] =	vst v63  }
0x110: {  	s5 =	simm.s32 $0xB  }
0x111: {  	_ =	swait.ge [sflag:s5], $0x1400  }
0x112: {  	[sflag:s5] =	ssyncset.done $0x0  }
0x113: {  	s22 =	simm.s32 $0x10;
	[sflag:s5] =	ssyncadd.s32 $0xFFFFEC00  }
0x114: {  	_ =	swait.ge [sflag:s22], $0x1400  }
0x115: {  	[sflag:s22] =	ssyncset.done $0x0  }
0x116: {  	s23 =	simm.s32 $0xC;
	[sflag:s22] =	ssyncadd.s32 $0xFFFFEC00  }
0x117: {  	_ =	swait.ge [sflag:s23], $0x1400  }
0x118: {  	[sflag:s23] =	ssyncset.done $0x0  }
0x119: {  	s24 =	simm.s32 $0x11;
	[sflag:s23] =	ssyncadd.s32 $0xFFFFEC00  }
0x11a: {  	_ =	swait.ge [sflag:s24], $0x1400  }
0x11b: {  	[sflag:s24] =	ssyncset.done $0x0  }
0x11c: {  	s25 =	simm.s32 $0xD;
	[sflag:s24] =	ssyncadd.s32 $0xFFFFEC00  }
0x11d: {  	_ =	swait.ge [sflag:s25], $0x1400  }
0x11e: {  	[sflag:s25] =	ssyncset.done $0x0  }
0x11f: {  	s26 =	simm.s32 $0x12;
	[sflag:s25] =	ssyncadd.s32 $0xFFFFEC00  }
0x120: {  	_ =	swait.ge [sflag:s26], $0x1400  }
0x121: {  	[sflag:s26] =	ssyncset.done $0x0  }
0x122: {  	s28 =	simm.s32 $0xE;
	[sflag:s26] =	ssyncadd.s32 $0xFFFFEC00  }
0x123: {  	_ =	swait.ge [sflag:s28], $0x1400  }
0x124: {  	[sflag:s28] =	ssyncset.done $0x0  }
0x125: {  	[sflag:s28] =	ssyncadd.s32 $0xFFFFEC00  }
0x126: {  	_ =	swait.ge [sflag:s30], $0x1400  }
0x127: {  	[sflag:s30] =	ssyncset.done $0x0  }
0x128: {  	[sflag:s30] =	ssyncadd.s32 $0xFFFFEC00  }
0x129: {  	_ =	swait.ge [sflag:s31], $0x1400  }
0x12a: {  	[sflag:s31] =	ssyncset.done $0x0  }
0x12b: {  	[sflag:s31] =	ssyncadd.s32 $0xFFFFEC00  }
0x12c: {  	_ =	swait.ge [sflag:s0], $0x1400  }
0x12d: {  	s1 =	sadd.s32 $0x1, s1;
	s29 =	rddreg [dreg:$0x18]  }
0x12e: {  	p0 =	sne.s32 s1, s29  }
.Ltmp1:
0x12f: {  	_ = 	snop;
	(pc) =	sbr.rel @p0 .LBB2_1-.Ltmp1, $3  }
0x130: {  	_ =	sdelay $0x1  }
0x131: {  	[sflag:s0] =	ssyncset.done $0x0  }
0x132: {  	[sflag:s0] =	ssyncadd.s32 $0xFFFFEC00  }
0x133: {  	_ =	sfence.sel $0x180000  }
0x134: {  	[bflag:$0x0] =	sbarrier.arrive $0xFFFF  }
0x135: {  	_ =	strace $0x9000004D  }
0x136: {  	s0 =	stileid.u32;
	[bflag:$0x2] =	sbarrier.arrive $0xFFFF  }
0x137: {  	p0 =	sne.s32 s0, $0x0;
	s0 =	rddreg [dreg:$0x2]  }
0x138: {  	s0 =	sadd.s32 @!p0 $0x100000, s0  }
0x139: {  	[sflag:s0] =	ssyncadd.tile.s32 @!p0 $0x1;
	_ =	shalt  }
.Lfunc_end2:
_tile_overlayer_lowered:
.L_overlay_start_2:
0x13a: {  	(tag) =	ssettag $0x2  }
0x13b: {  	s0 =	rddreg [dreg:$0x0];
	s2 =	stileid.u32  }
0x13c: {  	s1 =	rddreg [dreg:$0x1];
	p0 =	sne.s32 s2, $0x0  }
0x13d: {  	s3 =	rddreg [dreg:$0x2];
	[bflag:$0x3] =	sbarrier.arrive $0xFFFF;
	s2 =	simm.s32 @!p0 $0x1C15  }
0x13e: {  	[timem:s3], [sflag:s2] =	dma.local @!p0 [hbm:s0], s1  }
0x13f: {  	s0 =	simm.s32 @!p0 $0x15  }
0x140: {  	_ =	swait.ge @!p0 [sflag:s0], s1  }
0x141: {  	s1 =	ssub.s32 @!p0 $0x0, s1;
	[sflag:s0] =	ssyncset.done @!p0 $0x0  }
0x142: {  	[sflag:s0] =	ssyncadd.s32 @!p0 s1  }
0x143: {  	[bflag:$0x3] =	sbarrier.arrive $0xFFFF  }
0x144: {  	_ =	shalt  }

// kernel: kernel.22.cloned.1.call-start
scs
__scs_entry_jumppad:
0x0: {  	(pc) =	sbr.rel $0x88, $3  }
0x1: {  	(tag) =	ssettag $0x0;
	lr =	simm.s32 $0x1  }
0x2: {  	[smem:$0x3F88] =	sst lr;
	_ =	strace $0xD0000000  }
0x3: {  	_ = 	snop  }
0x4: {  	_ = 	snop  }
0x5: {  	_ = 	snop  }
0x6: {  	_ = 	snop  }
0x7: {  	_ = 	snop  }
__scs_overlays_trampoline_lowered:
0x8: {  	[smem:$0x3F97] =	sst s0  }
0x9: {  	[smem:$0x3F98] =	sst s1  }
0xa: {  	[smem:$0x3F99] =	sst s2  }
0xb: {  	[smem:$0x3F9A] =	sst s3  }
0xc: {  	[smem:$0x3F9B] =	sst s4  }
0xd: {  	[smem:$0x3F9C] =	sst s5  }
0xe: {  	[smem:$0x3F9D] =	sst s6  }
0xf: {  	[smem:$0x3F9E] =	sst s7  }
0x10: {  	[smem:$0x3F9F] =	sst s8  }
0x11: {  	[smem:$0x3FA0] =	sst s9;
	s0 =	simm.s32 @!p0 $0x0  }
0x12: {  	s1 =	sld [smem:$0x3F86];
	s0 =	simm.s32 @p0 $0x1  }
0x13: {  	[smem:$0x3FA1] =	sst s0;
	s0 =	simm.s32 @!p1 $0x0  }
0x14: {  	s2 =	sld [smem:$0x3F85];
	s0 =	simm.s32 @p1 $0x1  }
0x15: {  	[smem:$0x3FA2] =	sst s0;
	s0 =	simm.s32 @!p2 $0x0  }
0x16: {  	s3 =	sld [smem:$0x3FDB];
	s0 =	simm.s32 @p2 $0x1  }
0x17: {  	s4 =	simm.s32 $0x1BF5;
	[smem:$0x3FA4] =	sst s0  }
0x18: {  	s0 =	sld [smem:$0x3F87];
	_ =	swait.ge [sflag:s4], $0x0  }
0x19: {  	s7 =	sld [smem:$0x3F88]  }
0x1a: {  	s8 =	sadd.s32 $0xFFFFE003, lr  }
0x1b: {  	s9 =	sadd.s32 $0xFFFFFEF7, lr;
	s5 =	simm.s32 $0xFFFFFFFF;
	p2 =	slt.u32 s8, $0xFFFFF086  }
0x1c: {  	p1 =	slt.u32 s9, $0xF7A;
	s5 =	simm.s32 @!p2 $0x0  }
0x1d: {  	s5 =	simm.s32 @p1 $0x1;
	p0 =	seq.s32 s7, s2  }
0x1e: {  	s7 =	smul.u32 @!p0 $0xF7A, s2;
	p2 =	seq.s32 @!p0 s5, $0x0  }
0x1f: {  	s9 =	smul.u32 $0xF7A, s1;
	s8 =	simm.s32 @!p0 $0x1BF5;
	p2 =	por !p2, p0  }
0x20: {  	[sflag:s8] =	ssyncset.s32 @!p0 $0xFFFFF086;
	s6 =	sadd.s32 @!p0 s3, s7;
	s7 =	simm.s32 @!p0 $0x108  }
0x21: {  	s3 =	sadd.s32 s3, s9;
	s6 =	sadd.s32 @!p0 $0x88, s6;
	s7 =	simm.s32 @p2 $0x1082  }
0x22: {  	[simem:s7], [sflag:s8] =	dma.local @!p0 [hbm:s6], $0xF7A  }
0x23: {  	s9 =	sor.u32 $0xD0000000, s2;
	s6 =	simm.s32 $0x108;
	_ =	swait.ge @!p0 [sflag:s8], $0x0  }
0x24: {  	s3 =	sadd.s32 $0x88, s3;
	s6 =	simm.s32 @!p1 $0x1082;
	[sflag:s4] =	ssyncset.s32 $0xFFFFF086  }
0x25: {  	[simem:s6], [sflag:s4] =	dma.local [hbm:s3], $0xF7A  }
0x26: {  	[smem:$0x3F88] =	sst s1;
	(tag) =	ssettag s2;
	_ =	strace s9  }
0x27: {  	s1 =	sld [smem:$0x3F98]  }
0x28: {  	s2 =	sld [smem:$0x3F99]  }
0x29: {  	s4 =	sld [smem:$0x3F9B]  }
0x2a: {  	p0 =	seq.s32 s5, $0x0;
	s5 =	sld [smem:$0x3F9C]  }
0x2b: {  	s6 =	sld [smem:$0x3F9D]  }
0x2c: {  	s7 =	sld [smem:$0x3F9E]  }
0x2d: {  	s3 =	simm.s32 $0x108;
	s8 =	sld [smem:$0x3F9F]  }
0x2e: {  	s3 =	simm.s32 @!p0 $0x1082;
	s9 =	sld [smem:$0x3FA0]  }
0x2f: {  	lr =	sadd.s32 s0, s3;
	s0 =	sld [smem:$0x3F97]  }
0x30: {  	s3 =	sld [smem:$0x3F9A]  }
0x31: {  	[smem:$0x3FA3] =	sst s10  }
0x32: {  	s10 =	sld [smem:$0x3FA1];
	_ =	sdelay $0x3  }
0x33: {  	p0 =	seq.s32 s10, $0x1;
	s10 =	sld [smem:$0x3FA3];
	_ =	sdelay $0x3  }
0x34: {  	[smem:$0x3FA3] =	sst s10  }
0x35: {  	s10 =	sld [smem:$0x3FA2];
	_ =	sdelay $0x3  }
0x36: {  	p1 =	seq.s32 s10, $0x1;
	s10 =	sld [smem:$0x3FA3];
	_ =	sdelay $0x3  }
0x37: {  	[smem:$0x3FA3] =	sst s10  }
0x38: {  	s10 =	sld [smem:$0x3FA4]  }
0x39: {  	_ = 	snop;
	(pc) =	sbr.ind lr, $3  }
0x3a: {  	_ = 	snop  }
0x3b: {  	_ = 	snop  }
0x3c: {  	p2 =	seq.s32 s10, $0x1;
	s10 =	sld [smem:$0x3FA3]  }
0x3d: {  	_ =	shalt  }
0x3e: {  	_ =	shalt  }
0x3f: {  	_ =	shalt  }
0x40: {  	_ =	shalt  }
0x41: {  	_ =	shalt  }
0x42: {  	_ =	shalt  }
0x43: {  	_ =	shalt  }
0x44: {  	_ =	shalt  }
0x45: {  	_ =	shalt  }
0x46: {  	_ =	shalt  }
0x47: {  	_ =	shalt  }
0x48: {  	_ =	shalt  }
0x49: {  	_ =	shalt  }
0x4a: {  	_ =	shalt  }
0x4b: {  	_ =	shalt  }
0x4c: {  	_ =	shalt  }
0x4d: {  	_ =	shalt  }
0x4e: {  	_ =	shalt  }
0x4f: {  	_ =	shalt  }
0x50: {  	_ =	shalt  }
0x51: {  	_ =	shalt  }
0x52: {  	_ =	shalt  }
0x53: {  	_ =	shalt  }
0x54: {  	_ =	shalt  }
0x55: {  	_ =	shalt  }
0x56: {  	_ =	shalt  }
0x57: {  	_ =	shalt  }
0x58: {  	_ =	shalt  }
0x59: {  	_ =	shalt  }
0x5a: {  	_ =	shalt  }
0x5b: {  	_ =	shalt  }
0x5c: {  	_ =	shalt  }
0x5d: {  	_ =	shalt  }
0x5e: {  	_ =	shalt  }
0x5f: {  	_ =	shalt  }
0x60: {  	_ =	shalt  }
0x61: {  	_ =	shalt  }
0x62: {  	_ =	shalt  }
0x63: {  	_ =	shalt  }
0x64: {  	_ =	shalt  }
0x65: {  	_ =	shalt  }
0x66: {  	_ =	shalt  }
0x67: {  	_ =	shalt  }
0x68: {  	_ =	shalt  }
0x69: {  	_ =	shalt  }
0x6a: {  	_ =	shalt  }
0x6b: {  	_ =	shalt  }
0x6c: {  	_ =	shalt  }
0x6d: {  	_ =	shalt  }
0x6e: {  	_ =	shalt  }
0x6f: {  	_ =	shalt  }
0x70: {  	_ =	shalt  }
0x71: {  	_ =	shalt  }
0x72: {  	_ =	shalt  }
0x73: {  	_ =	shalt  }
0x74: {  	_ =	shalt  }
0x75: {  	_ =	shalt  }
0x76: {  	_ =	shalt  }
0x77: {  	_ =	shalt  }
0x78: {  	_ =	shalt  }
0x79: {  	_ =	shalt  }
0x7a: {  	_ =	shalt  }
0x7b: {  	_ =	shalt  }
0x7c: {  	_ =	shalt  }
0x7d: {  	_ =	shalt  }
0x7e: {  	_ =	shalt  }
0x7f: {  	_ =	shalt  }
0x80: {  	_ =	shalt  }
0x81: {  	_ =	shalt  }
0x82: {  	_ =	shalt  }
0x83: {  	_ =	shalt  }
0x84: {  	_ =	shalt  }
0x85: {  	_ =	shalt  }
0x86: {  	_ =	shalt  }
0x87: {  	_ =	shalt  }
.Lfunc_end0:
.L_simem_size_0:
called_computation.3_lowered:
.L_overlay_start_0:
0x88: {  	s2 =	sld [smem:$0x3FD9]  }
0x89: {  	s3 =	sld [smem:$0x3FFE];
	_ =	sdelay $0x1  }
0x8a: {  	s1 =	srdreg.scid  }
0x8b: {  	s0 =	sand.u32 $0x1, s1  }
0x8c: {  	s16 =	sshll.u32 s0, $0xA;
	s2 =	sadd.s32 s3, s2  }
0x8d: {  	s2 =	sadd.s32 s2, s16  }
0x8e: {  	[smem:$0x3FAF] =	sst s2  }
0x8f: {  	_ = 	snop  }
0x90: {  	(tm) =	ssettm $0x1  }
0x91: {  	s17 =	sld [smem:$0x3FFB];
	_ =	sdelay $0x3  }
0x92: {  	_ =	strace s17  }
0x93: {  	s2 =	sld [smem:$0x3FFC];
	_ =	sdelay $0x3  }
0x94: {  	_ =	strace s2  }
0x95: {  	s2 =	sld [smem:$0x3FFD];
	_ =	sdelay $0x3  }
0x96: {  	_ =	strace s2  }
0x97: {  	_ =	strace $0x8FFFFFFF  }
0x98: {  	s18 =	sld [smem:$0x3FDB];
	_ =	sdelay $0x1  }
0x99: {  	s19 =	simm.s32 $_scs_section_size  }
0x9a: {  	s4 =	simm.s32 $_size__tile_overlayer_lowered;
	s5 =	simm.s32 $_tile_overlayer_lowered  }
0x9b: {  	s22 =	simm.s32 $0x1BFF;
	s21 =	sshll.u32 s5, $0x1;
	s2 =	sadd.s32 s19, s18  }
0x9c: {  	s6 =	simm.s32 $0x0;
	s20 =	sshll.u32 s4, $0x1;
	s4 =	sadd.s32 s21, s2  }
0x9d: {  	[timem:s6], [sflag:s22] =	dma.local [hbm:s4], s20  }
0x9e: {  	_ =	swait.ge [sflag:s22], s20  }
0x9f: {  	s3 =	ssub.s32 $0x0, s20;
	[sflag:s22] =	ssyncset.done $0x0  }
0xa0: {  	[sflag:s22] =	ssyncadd.s32 s3;
	_ =	sdelay $0x1  }
0xa1: {  	s23 =	simm.s32 $0x1B8B  }
0xa2: {  	_ =	swait.ge [sflag:s23], $0x1  }
0xa3: {  	[sflag:s23] =	ssyncset.done $0x0  }
0xa4: {  	s25 =	simm.s32 $0x1B8E;
	s24 =	sld [smem:$0x3FFE];
	[sflag:s23] =	ssyncadd.s32 $0xFFFFFFFF  }
0xa5: {  	s26 =	simm.s32 $execute0_lowered;
	[smem:$0x3FD2] =	sst s25  }
0xa6: {  	s4 =	sshll.u32 s26, $0x1;
	_ =	strace $0x8000004F;
	[dreg:$0x1] =	wrdreg $0xFFFFFFFF  }
0xa7: {  	s28 =	simm.s32 $_size_execute0_lowered;
	s2 =	sadd.s32 s2, s4;
	[dreg:$0x0] =	wrdreg $0x0  }
0xa8: {  	s4 =	sshll.u32 s28, $0x1;
	[dreg:$0x2] =	wrdreg s2  }
0xa9: {  	[dreg:$0x3] =	wrdreg s4  }
0xaa: {  	[dreg:$0x4] =	wrdreg $0xC0  }
0xab: {  	_ =	task [dreg:s6], $0x5FFFF  }
0xac: {  	[dreg:$0x1] =	wrdreg $0xFFFFFFFF  }
0xad: {  	[dreg:$0x0] =	wrdreg $0x60  }
0xae: {  	[dreg:$0x2] =	wrdreg s24  }
0xaf: {  	[dreg:$0x3] =	wrdreg $0x0  }
0xb0: {  	[dreg:$0x4] =	wrdreg $0x9  }
0xb1: {  	_ =	task.clear_ibuf [dreg:s6], $0x5FFFF;
	_ =	strace $0x9000004F  }
0xb2: {  	s29 =	simm.s32 $0x9;
	_ =	strace $0x80000051  }
0xb3: {  	_ =	swait.ge [sflag:s29], $0x1  }
0xb4: {  	[sflag:s29] =	ssyncadd.s32 $0xFFFFFFFF  }
0xb5: {  	_ =	strace $0x90000051  }
0xb6: {  	_ =	sfence  }
0xb7: {  	s30 =	sld [smem:$0x0];
	_ =	sdelay $0x2  }
0xb8: {  	s31 =	sshll.u32 s1, $0xD;
	s1 =	sshrl.u32 s1, $0x2  }
0xb9: {  	s3 =	sand.u32 $0x4000, s31;
	s1 =	sadd.s32 s1, s30  }
0xba: {  	s0 =	sor.u32 s3, s0;
	s1 =	sshll.u32 s1, $0x11  }
0xbb: {  	s0 =	sor.u32 s1, s0  }
0xbc: {  	s0 =	sadd.s32 $0x8F2B, s0  }
0xbd: {  	[sflag:s0] =	ssyncadd.remote.s32 $0x1  }
0xbe: {  	_ =	sfence.sel $0xFFFF  }
0xbf: {  	[dreg:$0x0] =	wrdreg $0xFFFFFFFF;
	(pc) =	sbr.abs _section_cstart, $3  }
0xc0: {  	[dreg:$0x1] =	wrdreg $0xFFFFFFFF  }
0xc1: {  	_ =	task.clear_ibuf [dreg:s6], $0x2FFFF;
	_ =	strace $0x9FFFFFFF  }
0xc2: {  	(tm) =	ssettm $0x7FFFFFFF  }
0xc3: {  	_ =	shalt  }
tec
execute0_lowered:
.L_overlay_start_1:
0x0: {  	(tag) =	ssettag $0x1  }
0x1: {  	s0 =	rddreg [dreg:$0x0]  }
0x2: {  	s2 =	rddreg [dreg:$0x1];
	s13 =	stileid.u32;
	s3 =	simm.s32 $0x0  }
0x3: {  	s4 =	srdreg.scid;
	s14 =	simm.s32 $0xC5D0;
	s1 =	smul.u32 $0x9C4, s13  }
0x4: {  	s15 =	simm.s32 $0xD9D0;
	s16 =	simm.s32 $0xEDD0;
	s5 =	smul.u32 $0x9C40, s13  }
0x5: {  	s17 =	simm.s32 $0x1;
	[smem:$0x7FF] =	sst s3;
	s12 =	smul.u32 $0x27100, s13  }
0x6: {  	s4 =	sand.u32 $0x1, s4;
	s7 =	sadd.s32 $0x52C200, s0;
	s19 =	smul.u32 $0x138800, s13  }
0x7: {  	s23 =	sshll.u32 s13, $0x6;
	s13 =	simm.s32 $0xB1D0;
	s6 =	smul.u32 $0x9C400, s4  }
0x8: {  	_ =	strace $0x80000050;
	s10 =	ssub.s32 $0x2, s4;
	s22 =	smul.u32 $0x13880, s4  }
0x9: {  	s4 =	smul.u32 $0x4E2, s4;
	s1 =	sadd.s32 s1, s0;
	s8 =	sshrl.u32 s5, $0x3  }
0xa: {  	s11 =	sshrl.u32 s10, $0x1;
	s20 =	sadd.s32 s5, s2;
	s12 =	sadd.s32 s12, s7  }
0xb: {  	s8 =	sadd.s32 s8, s0;
	s9 =	sadd.s32 s5, s6;
	s18 =	ssub.s32 s10, s11  }
0xc: {  	s6 =	sadd.s32 s6, s19;
	s5 =	sor.u32 $0x1C0B, s23;
	s1 =	sadd.s32 s4, s1  }
0xd: {  	s11 =	simm.s32 $0x9C40;
	s19 =	simm.s32 $0x2;
	s23 =	simm.s32 $0x4  }
0xe: {  	s9 =	sshrl.u32 s9, $0x3;
	s21 =	sadd.s32 $0xF400, s8;
	s8 =	sadd.s32 s22, s12  }
0xf: {  	s10 =	sadd.s32 $0x5000, s6;
	s25 =	sadd.s32 $0x3C00, s6;
	s28 =	sadd.s32 $0x2800, s6  }
0x10: {  	s6 =	sadd.s32 $0x1400, s6;
	s31 =	smax.u32 s18, $0x1;
	s12 =	simm.s32 $0x9DD0  }
0x11: {  	s18 =	simm.s32 $0x50;
	s22 =	simm.s32 $0x9CE0;
	[dreg:$0x8] =	wrdreg s21  }
0x12: {  	s0 =	sadd.s32 s9, s0;
	[dreg:$0x3] =	wrdreg s8;
	s24 =	sshrl.u32 s10, $0x3  }
0x13: {  	s26 =	sshrl.u32 s25, $0x3;
	s8 =	sshrl.u32 s28, $0x3;
	s6 =	sshrl.u32 s6, $0x3  }
0x14: {  	[dreg:$0xa] =	wrdreg s31;
	s9 =	sshrl.u32 s20, $0x3;
	s10 =	simm.s32 $0xB  }
0x15: {  	s20 =	simm.s32 $0x9C90;
	s21 =	simm.s32 $0x3;
	s0 =	sadd.s32 $0x22E00, s0  }
0x16: {  	s25 =	simm.s32 $0x5;
	s29 =	sadd.s32 s8, s7;
	[dreg:$0x9] =	wrdreg s0  }
0x17: {  	s30 =	sadd.s32 s6, s7;
	s8 =	sadd.s32 $0x5600, s1;
	[dreg:$0x6] =	wrdreg s29  }
0x18: {  	s1 =	simm.s32 $0x0;
	s0 =	sadd.s32 s24, s7;
	[dreg:$0x7] =	wrdreg s30  }
0x19: {  	s24 =	simm.s32 $0x9D30;
	[dreg:$0x4] =	wrdreg s0;
	s0 =	sadd.s32 s26, s7  }
0x1a: {  	s26 =	simm.s32 $0x9D80;
	[dreg:$0x5] =	wrdreg s0;
	s0 =	simm.s32 $0xA  }
.LBB2_1:
0x1b: {  	s4 =	rddreg [dreg:$0x8]  }
0x1c: {  	[spmem:s9], [sflag:s5] =	dma.local [hbm:s4], $0x1388  }
0x1d: {  	_ =	swait.ge [sflag:s10], $0x1388  }
0x1e: {  	[sflag:s10] =	ssyncset.done $0x0  }
0x1f: {  	p0 =	por $0x1, $0x1;
	[sflag:s10] =	ssyncadd.s32 $0xFFFFEC78  }
0x20: {  	s4 =	simm.s32 @!p0 $0x6;
	[bflag:$0x0] =	sbarrier.arrive $0xFFFF  }
0x21: {  	_ =	swait.ge @!p0 [sflag:s4], $0x1400  }
0x22: {  	[sflag:s4] =	ssyncset.done @!p0 $0x0  }
0x23: {  	[sflag:s4] =	ssyncadd.s32 @!p0 $0xFFFFEC00;
	s4 =	simm.s32 @!p0 $0x7  }
0x24: {  	_ =	swait.ge @!p0 [sflag:s4], $0x1400  }
0x25: {  	[sflag:s4] =	ssyncset.done @!p0 $0x0  }
0x26: {  	[sflag:s4] =	ssyncadd.s32 @!p0 $0xFFFFEC00;
	s4 =	simm.s32 @!p0 $0x8  }
0x27: {  	_ =	swait.ge @!p0 [sflag:s4], $0x1400  }
0x28: {  	[sflag:s4] =	ssyncset.done @!p0 $0x0  }
0x29: {  	[sflag:s4] =	ssyncadd.s32 @!p0 $0xFFFFEC00;
	s4 =	simm.s32 @!p0 $0x9  }
0x2a: {  	_ =	swait.ge @!p0 [sflag:s4], $0x1400  }
0x2b: {  	[sflag:s4] =	ssyncset.done @!p0 $0x0  }
0x2c: {  	[sflag:s4] =	ssyncadd.s32 @!p0 $0xFFFFEC00;
	s4 =	simm.s32 @!p0 $0xA  }
0x2d: {  	_ =	swait.ge @!p0 [sflag:s4], $0x1400  }
0x2e: {  	[sflag:s4] =	ssyncset.done @!p0 $0x0  }
0x2f: {  	[sflag:s4] =	ssyncadd.s32 @!p0 $0xFFFFEC00  }
0x30: {  	[tilespmem:s11], [sflag:$0xB] =	stream.linear.gather [hbm4b:s8+s3], $0x190, $0x38;
	[tilespmem:$0x101D0] =	vst v63  }
0x31: {  	_ =	swait.ge [sflag:s10], $0x190  }
0x32: {  	s29 =	rddreg [dreg:$0x3];
	[sflag:s10] =	ssyncset.done $0x0  }
0x33: {  	s6 =	rddreg [dreg:$0x7];
	[sflag:s10] =	ssyncadd.s32 $0xFFFFFE70;
	s4 =	sadd.s32 $0x0, s29  }
0x34: {  	[tilespmem:s12], [sflag:$0x1] =	stream.linear.gather [hbm4b:s4+s3], $0x1400, $0x38;
	[tilespmem:$0x101D0] =	vst v63  }
0x35: {  	s7 =	rddreg [dreg:$0x6];
	s30 =	sadd.s32 $0x0, s6  }
0x36: {  	[tilespmem:s13], [sflag:$0x2] =	stream.linear.gather [hbm4b:s30+s3], $0x1400, $0x38;
	[tilespmem:$0x101D0] =	vst v63  }
0x37: {  	s31 =	rddreg [dreg:$0x5];
	s28 =	sadd.s32 $0x0, s7  }
0x38: {  	[tilespmem:s14], [sflag:$0x3] =	stream.linear.gather [hbm4b:s28+s3], $0x1400, $0x38;
	[tilespmem:$0x101D0] =	vst v63  }
0x39: {  	s29 =	rddreg [dreg:$0x4];
	s30 =	sadd.s32 $0x0, s31  }
0x3a: {  	[tilespmem:s15], [sflag:$0x4] =	stream.linear.gather [hbm4b:s30+s3], $0x1400, $0x38;
	[tilespmem:$0x101D0] =	vst v63  }
0x3b: {  	s31 =	sadd.s32 $0x0, s29  }
0x3c: {  	[tilespmem:s16], [sflag:$0x5] =	stream.linear.gather [hbm4b:s31+s3], $0x1400, $0x38;
	[tilespmem:$0x101D0] =	vst v63  }
0x3d: {  	_ =	swait.ge [sflag:s17], $0x1400  }
0x3e: {  	[sflag:s17] =	ssyncset.done $0x0  }
0x3f: {  	[sflag:s17] =	ssyncadd.s32 $0xFFFFEC00  }
0x40: {  	[spmem:s2] =	stream.indirect.scatter.add.f32 [tilespmem:s12], [sflag:$0x6], $0x40, s11, s18, $0xb8;
	[tilespmem:$0x101D0] =	vst v63  }
0x41: {  	_ =	swait.ge [sflag:s19], $0x1400  }
0x42: {  	[sflag:s19] =	ssyncset.done $0x0  }
0x43: {  	[sflag:s19] =	ssyncadd.s32 $0xFFFFEC00  }
0x44: {  	[spmem:s2] =	stream.indirect.scatter.add.f32 [tilespmem:s13], [sflag:$0x7], $0x40, s20, s18, $0xb8;
	[tilespmem:$0x101D0] =	vst v63  }
0x45: {  	_ =	swait.ge [sflag:s21], $0x1400  }
0x46: {  	[sflag:s21] =	ssyncset.done $0x0  }
0x47: {  	[sflag:s21] =	ssyncadd.s32 $0xFFFFEC00  }
0x48: {  	[spmem:s2] =	stream.indirect.scatter.add.f32 [tilespmem:s14], [sflag:$0x8], $0x40, s22, s18, $0xb8;
	[tilespmem:$0x101D0] =	vst v63  }
0x49: {  	_ =	swait.ge [sflag:s23], $0x1400  }
0x4a: {  	[sflag:s23] =	ssyncset.done $0x0  }
0x4b: {  	[sflag:s23] =	ssyncadd.s32 $0xFFFFEC00  }
0x4c: {  	[spmem:s2] =	stream.indirect.scatter.add.f32 [tilespmem:s15], [sflag:$0x9], $0x40, s24, s18, $0xb8;
	[tilespmem:$0x101D0] =	vst v63  }
0x4d: {  	p1 =	por $0x0, $0x0;
	s7 =	simm.s32 $0x1900;
	_ =	swait.ge [sflag:s25], $0x1400  }
0x4e: {  	s6 =	sadd.s32 $0x32, s8;
	s4 =	simm.s32 $0xC80;
	[sflag:s25] =	ssyncset.done $0x0  }
.LBB2_2:
0x4f: {  	s29 =	simm.s32 @!p1 $0x6;
	[sflag:s25] =	ssyncadd.s32 $0xFFFFEC00  }
0x50: {  	[spmem:s2] =	stream.indirect.scatter.add.f32 [tilespmem:s16], [sflag:$0xA], $0x40, s26, s18, $0xb8;
	[tilespmem:$0x101D0] =	vst v63  }
0x51: {  	_ =	swait.ge @!p1 [sflag:s29], $0x1400  }
0x52: {  	[sflag:s29] =	ssyncset.done @!p1 $0x0  }
0x53: {  	[sflag:s29] =	ssyncadd.s32 @!p1 $0xFFFFEC00;
	s29 =	simm.s32 @!p1 $0x7  }
0x54: {  	_ =	swait.ge @!p1 [sflag:s29], $0x1400  }
0x55: {  	[sflag:s29] =	ssyncset.done @!p1 $0x0  }
0x56: {  	[sflag:s29] =	ssyncadd.s32 @!p1 $0xFFFFEC00;
	s29 =	simm.s32 @!p1 $0x8  }
0x57: {  	_ =	swait.ge @!p1 [sflag:s29], $0x1400  }
0x58: {  	[sflag:s29] =	ssyncset.done @!p1 $0x0  }
0x59: {  	[sflag:s29] =	ssyncadd.s32 @!p1 $0xFFFFEC00;
	s29 =	simm.s32 @!p1 $0x9  }
0x5a: {  	_ =	swait.ge @!p1 [sflag:s29], $0x1400  }
0x5b: {  	[sflag:s29] =	ssyncset.done @!p1 $0x0  }
0x5c: {  	[sflag:s29] =	ssyncadd.s32 @!p1 $0xFFFFEC00;
	s29 =	simm.s32 @!p1 $0xA  }
0x5d: {  	_ =	swait.ge @!p1 [sflag:s29], $0x1400  }
0x5e: {  	[sflag:s29] =	ssyncset.done @!p1 $0x0  }
0x5f: {  	[sflag:s29] =	ssyncadd.s32 @!p1 $0xFFFFEC00  }
0x60: {  	[tilespmem:s11], [sflag:$0xB] =	stream.linear.gather [hbm4b:s6+s3], $0x190, $0x38;
	[tilespmem:$0x101D0] =	vst v63  }
0x61: {  	_ =	swait.ge [sflag:s10], $0x190  }
0x62: {  	s31 =	rddreg [dreg:$0x3];
	[sflag:s10] =	ssyncset.done $0x0  }
0x63: {  	s30 =	rddreg [dreg:$0x7];
	[sflag:s10] =	ssyncadd.s32 $0xFFFFFE70;
	s29 =	sadd.s32 s4, s31  }
0x64: {  	[tilespmem:s12], [sflag:$0x1] =	stream.linear.gather [hbm4b:s29+s3], $0x1400, $0x38;
	[tilespmem:$0x101D0] =	vst v63  }
0x65: {  	s31 =	rddreg [dreg:$0x6];
	s29 =	sadd.s32 s4, s30  }
0x66: {  	[tilespmem:s13], [sflag:$0x2] =	stream.linear.gather [hbm4b:s29+s3], $0x1400, $0x38;
	[tilespmem:$0x101D0] =	vst v63  }
0x67: {  	s30 =	rddreg [dreg:$0x5];
	s29 =	sadd.s32 s4, s31  }
0x68: {  	[tilespmem:s14], [sflag:$0x3] =	stream.linear.gather [hbm4b:s29+s3], $0x1400, $0x38;
	[tilespmem:$0x101D0] =	vst v63  }
0x69: {  	s30 =	sadd.s32 s4, s30;
	s31 =	rddreg [dreg:$0x4]  }
0x6a: {  	[tilespmem:s15], [sflag:$0x4] =	stream.linear.gather [hbm4b:s30+s3], $0x1400, $0x38;
	[tilespmem:$0x101D0] =	vst v63  }
0x6b: {  	s31 =	sadd.s32 s4, s31  }
0x6c: {  	[tilespmem:s16], [sflag:$0x5] =	stream.linear.gather [hbm4b:s31+s3], $0x1400, $0x38;
	[tilespmem:$0x101D0] =	vst v63  }
0x6d: {  	_ =	swait.ge [sflag:s17], $0x1400  }
0x6e: {  	[sflag:s17] =	ssyncset.done $0x0  }
0x6f: {  	[sflag:s17] =	ssyncadd.s32 $0xFFFFEC00  }
0x70: {  	[spmem:s2] =	stream.indirect.scatter.add.f32 [tilespmem:s12], [sflag:$0x6], $0x40, s11, s18, $0xb8;
	[tilespmem:$0x101D0] =	vst v63  }
0x71: {  	_ =	swait.ge [sflag:s19], $0x1400  }
0x72: {  	[sflag:s19] =	ssyncset.done $0x0  }
0x73: {  	[sflag:s19] =	ssyncadd.s32 $0xFFFFEC00  }
0x74: {  	[spmem:s2] =	stream.indirect.scatter.add.f32 [tilespmem:s13], [sflag:$0x7], $0x40, s20, s18, $0xb8;
	[tilespmem:$0x101D0] =	vst v63  }
0x75: {  	_ =	swait.ge [sflag:s21], $0x1400  }
0x76: {  	[sflag:s21] =	ssyncset.done $0x0  }
0x77: {  	s28 =	smov.u32 s7;
	s7 =	sadd.s32 $0xC80, s7;
	[sflag:s21] =	ssyncadd.s32 $0xFFFFEC00  }
0x78: {  	[spmem:s2] =	stream.indirect.scatter.add.f32 [tilespmem:s14], [sflag:$0x8], $0x40, s22, s18, $0xb8;
	[tilespmem:$0x101D0] =	vst v63  }
0x79: {  	p0 =	sne.s32 s7, $0x13880;
	_ =	swait.ge [sflag:s23], $0x1400  }
.Ltmp0:
0x7a: {  	[sflag:s23] =	ssyncset.done $0x0;
	(pc) =	sbr.rel @p0 .LBB2_2-.Ltmp0, $4  }
0x7b: {  	[sflag:s23] =	ssyncadd.s32 $0xFFFFEC00  }
0x7c: {  	[spmem:s2] =	stream.indirect.scatter.add.f32 [tilespmem:s15], [sflag:$0x9], $0x40, s24, s18, $0xb8;
	[tilespmem:$0x101D0] =	vst v63  }
0x7d: {  	s4 =	smov.u32 s28;
	_ =	swait.ge [sflag:s25], $0x1400  }
0x7e: {  	s6 =	sadd.s32 $0x32, s6;
	p1 =	seq.s32 s4, $0x0;
	[sflag:s25] =	ssyncset.done $0x0  }
0x7f: {  	s7 =	simm.s32 @!p1 $0x6;
	[sflag:s25] =	ssyncadd.s32 $0xFFFFEC00  }
0x80: {  	[spmem:s2] =	stream.indirect.scatter.add.f32 [tilespmem:s16], [sflag:$0xA], $0x40, s26, s18, $0xb8;
	[tilespmem:$0x101D0] =	vst v63  }
0x81: {  	_ =	swait.ge @!p1 [sflag:s7], $0x1400  }
0x82: {  	[sflag:s7] =	ssyncset.done @!p1 $0x0  }
0x83: {  	[sflag:s7] =	ssyncadd.s32 @!p1 $0xFFFFEC00;
	s7 =	simm.s32 @!p1 $0x7  }
0x84: {  	_ =	swait.ge @!p1 [sflag:s7], $0x1400  }
0x85: {  	[sflag:s7] =	ssyncset.done @!p1 $0x0  }
0x86: {  	[sflag:s7] =	ssyncadd.s32 @!p1 $0xFFFFEC00;
	s7 =	simm.s32 @!p1 $0x8  }
0x87: {  	_ =	swait.ge @!p1 [sflag:s7], $0x1400  }
0x88: {  	[sflag:s7] =	ssyncset.done @!p1 $0x0  }
0x89: {  	[sflag:s7] =	ssyncadd.s32 @!p1 $0xFFFFEC00;
	s7 =	simm.s32 @!p1 $0x9  }
0x8a: {  	_ =	swait.ge @!p1 [sflag:s7], $0x1400  }
0x8b: {  	[sflag:s7] =	ssyncset.done @!p1 $0x0  }
0x8c: {  	[sflag:s7] =	ssyncadd.s32 @!p1 $0xFFFFEC00;
	s7 =	simm.s32 @!p1 $0xA  }
0x8d: {  	_ =	swait.ge @!p1 [sflag:s7], $0x1400  }
0x8e: {  	[sflag:s7] =	ssyncset.done @!p1 $0x0  }
0x8f: {  	[sflag:s7] =	ssyncadd.s32 @!p1 $0xFFFFEC00  }
0x90: {  	[tilespmem:s11], [sflag:$0xB] =	stream.linear.gather [hbm4b:s6+s3], $0x190, $0x38;
	[tilespmem:$0x101D0] =	vst v63  }
0x91: {  	_ =	swait.ge [sflag:s10], $0x190  }
0x92: {  	s30 =	rddreg [dreg:$0x3];
	[sflag:s10] =	ssyncset.done $0x0  }
0x93: {  	s31 =	rddreg [dreg:$0x7];
	[sflag:s10] =	ssyncadd.s32 $0xFFFFFE70;
	s6 =	sadd.s32 s4, s30  }
0x94: {  	[tilespmem:s12], [sflag:$0x1] =	stream.linear.gather [hbm4b:s6+s3], $0x1400, $0x38;
	[tilespmem:$0x101D0] =	vst v63  }
0x95: {  	s28 =	rddreg [dreg:$0x6];
	s7 =	sadd.s32 s4, s31  }
0x96: {  	[tilespmem:s13], [sflag:$0x2] =	stream.linear.gather [hbm4b:s7+s3], $0x1400, $0x38;
	[tilespmem:$0x101D0] =	vst v63  }
0x97: {  	s29 =	rddreg [dreg:$0x5];
	s6 =	sadd.s32 s4, s28  }
0x98: {  	[tilespmem:s14], [sflag:$0x3] =	stream.linear.gather [hbm4b:s6+s3], $0x1400, $0x38;
	[tilespmem:$0x101D0] =	vst v63  }
0x99: {  	s30 =	rddreg [dreg:$0x4];
	s7 =	sadd.s32 s4, s29  }
0x9a: {  	[tilespmem:s15], [sflag:$0x4] =	stream.linear.gather [hbm4b:s7+s3], $0x1400, $0x38;
	[tilespmem:$0x101D0] =	vst v63  }
0x9b: {  	s31 =	sadd.s32 s4, s30  }
0x9c: {  	[tilespmem:s16], [sflag:$0x5] =	stream.linear.gather [hbm4b:s31+s3], $0x1400, $0x38;
	[tilespmem:$0x101D0] =	vst v63  }
0x9d: {  	_ =	swait.ge [sflag:s17], $0x1400  }
0x9e: {  	[sflag:s17] =	ssyncset.done $0x0  }
0x9f: {  	[sflag:s17] =	ssyncadd.s32 $0xFFFFEC00  }
0xa0: {  	[spmem:s2] =	stream.indirect.scatter.add.f32 [tilespmem:s12], [sflag:$0x6], $0x40, s11, s18, $0xb8;
	[tilespmem:$0x101D0] =	vst v63  }
0xa1: {  	_ =	swait.ge [sflag:s19], $0x1400  }
0xa2: {  	[sflag:s19] =	ssyncset.done $0x0  }
0xa3: {  	[sflag:s19] =	ssyncadd.s32 $0xFFFFEC00  }
0xa4: {  	[spmem:s2] =	stream.indirect.scatter.add.f32 [tilespmem:s13], [sflag:$0x7], $0x40, s20, s18, $0xb8;
	[tilespmem:$0x101D0] =	vst v63  }
0xa5: {  	_ =	swait.ge [sflag:s21], $0x1400  }
0xa6: {  	[sflag:s21] =	ssyncset.done $0x0  }
0xa7: {  	[sflag:s21] =	ssyncadd.s32 $0xFFFFEC00  }
0xa8: {  	[spmem:s2] =	stream.indirect.scatter.add.f32 [tilespmem:s14], [sflag:$0x8], $0x40, s22, s18, $0xb8;
	[tilespmem:$0x101D0] =	vst v63  }
0xa9: {  	_ =	swait.ge [sflag:s23], $0x1400  }
0xaa: {  	[sflag:s23] =	ssyncset.done $0x0  }
0xab: {  	[sflag:s23] =	ssyncadd.s32 $0xFFFFEC00  }
0xac: {  	[spmem:s2] =	stream.indirect.scatter.add.f32 [tilespmem:s15], [sflag:$0x9], $0x40, s24, s18, $0xb8;
	[tilespmem:$0x101D0] =	vst v63  }
0xad: {  	_ =	swait.ge [sflag:s25], $0x1400  }
0xae: {  	[sflag:s25] =	ssyncset.done $0x0  }
0xaf: {  	s6 =	simm.s32 $0x6;
	[sflag:s25] =	ssyncadd.s32 $0xFFFFEC00  }
0xb0: {  	[spmem:s2] =	stream.indirect.scatter.add.f32 [tilespmem:s16], [sflag:$0xA], $0x40, s26, s18, $0xb8;
	[tilespmem:$0x101D0] =	vst v63  }
0xb1: {  	_ =	swait.ge [sflag:s6], $0x1400  }
0xb2: {  	[sflag:s6] =	ssyncset.done $0x0  }
0xb3: {  	s7 =	simm.s32 $0x7;
	[sflag:s6] =	ssyncadd.s32 $0xFFFFEC00  }
0xb4: {  	_ =	swait.ge [sflag:s7], $0x1400  }
0xb5: {  	[sflag:s7] =	ssyncset.done $0x0  }
0xb6: {  	s28 =	simm.s32 $0x8;
	[sflag:s7] =	ssyncadd.s32 $0xFFFFEC00  }
0xb7: {  	_ =	swait.ge [sflag:s28], $0x1400  }
0xb8: {  	[sflag:s28] =	ssyncset.done $0x0  }
0xb9: {  	s29 =	simm.s32 $0x9;
	[sflag:s28] =	ssyncadd.s32 $0xFFFFEC00  }
0xba: {  	_ =	swait.ge [sflag:s29], $0x1400  }
0xbb: {  	[sflag:s29] =	ssyncset.done $0x0  }
0xbc: {  	[sflag:s29] =	ssyncadd.s32 $0xFFFFEC00  }
0xbd: {  	_ =	swait.ge [sflag:s0], $0x1400  }
0xbe: {  	[sflag:s0] =	ssyncset.done $0x0  }
0xbf: {  	[sflag:s0] =	ssyncadd.s32 $0xFFFFEC00  }
0xc0: {  	[bflag:$0x0] =	sbarrier.arrive $0xFFFF  }
0xc1: {  	s30 =	rddreg [dreg:$0x9]  }
0xc2: {  	[hbm:s30], [sflag:s5] =	dma.local [spmem:s9], $0x1388  }
0xc3: {  	_ =	swait.ge [sflag:s10], $0x1388  }
0xc4: {  	s1 =	sadd.s32 $0x1, s1;
	s31 =	rddreg [dreg:$0xa]  }
0xc5: {  	p0 =	sne.s32 s1, s31  }
.Ltmp1:
0xc6: {  	_ = 	snop;
	(pc) =	sbr.rel @p0 .LBB2_1-.Ltmp1, $3  }
0xc7: {  	_ =	sdelay $0x1  }
0xc8: {  	[sflag:s10] =	ssyncset.done $0x0  }
0xc9: {  	[sflag:s10] =	ssyncadd.s32 $0xFFFFEC78  }
0xca: {  	_ =	sfence.sel $0x180000  }
0xcb: {  	[bflag:$0x0] =	sbarrier.arrive $0xFFFF  }
0xcc: {  	_ =	strace $0x90000050  }
0xcd: {  	s0 =	stileid.u32;
	[bflag:$0x2] =	sbarrier.arrive $0xFFFF  }
0xce: {  	p0 =	sne.s32 s0, $0x0;
	s0 =	rddreg [dreg:$0x2]  }
0xcf: {  	s0 =	sadd.s32 @!p0 $0x100000, s0  }
0xd0: {  	[sflag:s0] =	ssyncadd.tile.s32 @!p0 $0x1;
	_ =	shalt  }
.Lfunc_end2:
_tile_overlayer_lowered:
.L_overlay_start_2:
0xd1: {  	(tag) =	ssettag $0x2  }
0xd2: {  	s0 =	rddreg [dreg:$0x0];
	s2 =	stileid.u32  }
0xd3: {  	s1 =	rddreg [dreg:$0x1];
	p0 =	sne.s32 s2, $0x0  }
0xd4: {  	s3 =	rddreg [dreg:$0x2];
	[bflag:$0x3] =	sbarrier.arrive $0xFFFF;
	s2 =	simm.s32 @!p0 $0x1C0B  }
0xd5: {  	[timem:s3], [sflag:s2] =	dma.local @!p0 [hbm:s0], s1  }
0xd6: {  	s0 =	simm.s32 @!p0 $0xB  }
0xd7: {  	_ =	swait.ge @!p0 [sflag:s0], s1  }
0xd8: {  	s1 =	ssub.s32 @!p0 $0x0, s1;
	[sflag:s0] =	ssyncset.done @!p0 $0x0  }
0xd9: {  	[sflag:s0] =	ssyncadd.s32 @!p0 s1  }
0xda: {  	[bflag:$0x3] =	sbarrier.arrive $0xFFFF  }
0xdb: {  	_ =	shalt  }

</sc_bundles>
